<compile_context>
chip_gen: v7x
topology: tpu7x:2x2x1
jax: 0.10.2.dev20260603
libtpu: 0.0.44.dev20260713+nightly
codegen_flags: <defaults>
</compile_context>

<pallas_src>
import functools

import jax
import jax.numpy as jnp
from jax import lax
from jax.experimental import pallas as pl
from jax.experimental.pallas import tpu as pltpu
from jax.experimental.pallas import tpu_sc as plsc

N = 10000
E = 320000
D_IN = 128
H = 128
A_OUT = 8

NC = 2
NS = 16
NW = NC * NS
BB = 128
NB = 80
EPW = NB * BB
EPAD = NW * EPW
NP = 10240
NACC = N + 128
ROWCH = 16

_mesh = plsc.VectorSubcoreMesh(core_axis_name="c", subcore_axis_name="s")


@functools.partial(
    pl.kernel,
    out_type=jax.ShapeDtypeStruct((NC * NP,), jnp.float32),
    mesh=_mesh,
    scratch_types=[
        pltpu.VMEM_SHARED((NP,), jnp.float32),
        pltpu.VMEM((NB, BB), jnp.int32),
        pltpu.VMEM((128,), jnp.float32),
        pltpu.VMEM((16,), jnp.float32),
        pltpu.VMEM((640,), jnp.float32),
    ],
)
def _sc_degree(ei_hbm, out_hbm, acc, idx_v, ones_v, z16, tmp_v):
    c = lax.axis_index("c")
    s = lax.axis_index("s")
    w = c * NS + s

    @pl.loop(0, 128, step=16)
    def _(i):
        ones_v[pl.ds(i, 16)] = jnp.ones((16,), jnp.float32)

    z16[...] = jnp.zeros((16,), jnp.float32)

    @pl.loop(s * 16, NP, step=NS * 16)
    def _(off):
        pltpu.sync_copy(z16, acc.at[pl.ds(off, 16)])

    pltpu.sync_copy(ei_hbm.at[1, w], idx_v)
    plsc.subcore_barrier()

    @pl.loop(0, NB)
    def _(j):
        pltpu.sync_copy(ones_v, acc.at[idx_v.at[j]], add=True)

    plsc.subcore_barrier()

    pltpu.sync_copy(acc.at[pl.ds(s * 640, 640)], tmp_v)
    pltpu.sync_copy(tmp_v, out_hbm.at[pl.ds(c * NP + s * 640, 640)])


@functools.partial(
    pl.kernel,
    out_type=jax.ShapeDtypeStruct((NC, N, H), jnp.float32),
    mesh=_mesh,
    scratch_types=[
        pltpu.VMEM_SHARED((NACC, H), jnp.float32),
        pltpu.VMEM((NB // 2, BB), jnp.int32),
        pltpu.VMEM((NB // 2, BB), jnp.int32),
        pltpu.VMEM((BB, H), jnp.float32),
        pltpu.VMEM((BB, H), jnp.float32),
        pltpu.SemaphoreType.DMA,
        pltpu.SemaphoreType.DMA,
        pltpu.SemaphoreType.DMA,
        pltpu.SemaphoreType.DMA,
    ],
)
def _sc_aggregate(hs_hbm, ei_hbm, out_hbm,
                  acc, sidx, didx, bufa, bufb, sema, semb, ssema, ssemb):
    c = lax.axis_index("c")
    s = lax.axis_index("s")
    w = c * NS + s
    NBH = NB // 2
    ZR = 80

    @pl.loop(0, ZR)
    def _(r):
        @pl.loop(0, H, step=16)
        def _(cc):
            bufa[r, pl.ds(cc, 16)] = jnp.zeros((16,), jnp.float32)

    @pl.loop(s * ZR, N, step=NS * ZR)
    def _(r0):
        pltpu.async_copy(bufa.at[pl.ds(0, ZR)], acc.at[pl.ds(r0, ZR)], sema)

    @pl.loop(s * ZR, N, step=NS * ZR)
    def _(r0):
        pltpu.make_async_copy(bufa.at[pl.ds(0, ZR)], acc.at[pl.ds(r0, ZR)],
                              sema).wait()

    plsc.subcore_barrier()

    for half in range(2):
        pltpu.sync_copy(ei_hbm.at[0, w, pl.ds(half * NBH, NBH)], sidx)
        pltpu.sync_copy(ei_hbm.at[1, w, pl.ds(half * NBH, NBH)], didx)

        pltpu.async_copy(hs_hbm.at[sidx.at[0]], bufa, sema)
        pltpu.async_copy(hs_hbm.at[sidx.at[1]], bufb, semb)

        @pl.loop(0, NBH // 2)
        def _(t):
            j0 = 2 * t
            pltpu.make_async_copy(hs_hbm.at[sidx.at[j0]], bufa, sema).wait()
            d0 = pltpu.async_copy(bufa, acc.at[didx.at[j0]], ssema, add=True)
            pltpu.make_async_copy(hs_hbm.at[sidx.at[j0 + 1]], bufb, semb).wait()
            d0.wait()
            d1 = pltpu.async_copy(bufb, acc.at[didx.at[j0 + 1]], ssemb,
                                  add=True)

            @pl.when(j0 + 2 < NBH)
            def _():
                pltpu.async_copy(hs_hbm.at[sidx.at[j0 + 2]], bufa, sema)

            d1.wait()

            @pl.when(j0 + 3 < NBH)
            def _():
                pltpu.async_copy(hs_hbm.at[sidx.at[j0 + 3]], bufb, semb)

    plsc.subcore_barrier()

    NCH = (N + NS * ZR - 1) // (NS * ZR)
    for t in range(NCH):
        r0 = s * ZR + t * (NS * ZR)
        buf, sem = (bufa, sema) if t % 2 == 0 else (bufb, semb)

        @pl.when(r0 < N)
        def _(t=t, r0=r0, buf=buf, sem=sem):
            if t >= 2:
                rp = r0 - 2 * NS * ZR
                pltpu.make_async_copy(buf.at[pl.ds(0, ZR)],
                                      out_hbm.at[c, pl.ds(rp, ZR)], sem).wait()
            pltpu.sync_copy(acc.at[pl.ds(r0, ZR)], buf.at[pl.ds(0, ZR)])
            pltpu.async_copy(buf.at[pl.ds(0, ZR)],
                             out_hbm.at[c, pl.ds(r0, ZR)], sem)

    for t in (NCH - 2, NCH - 1):
        r0 = s * ZR + t * (NS * ZR)
        buf, sem = (bufa, sema) if t % 2 == 0 else (bufb, semb)

        @pl.when(r0 < N)
        def _(r0=r0, buf=buf, sem=sem):
            pltpu.make_async_copy(buf.at[pl.ds(0, ZR)],
                                  out_hbm.at[c, pl.ds(r0, ZR)], sem).wait()


_BLK = 2000


def _dis_expand_body(cnt_ref, out_ref):
    nr = NP // 128
    d2 = cnt_ref[pl.ds(0, nr), :] + cnt_ref[pl.ds(nr, nr), :] + 1.0
    eye = jnp.eye(128, dtype=jnp.float32)
    ones = jnp.ones((128, 128), jnp.float32)
    for i in range(nr):
        diag = eye * d2[i, :][None, :]
        deg_b = jnp.dot(diag, ones, preferred_element_type=jnp.float32,
                        precision=lax.Precision.HIGHEST)
        out_ref[pl.ds(i * 128, 128), :] = lax.rsqrt(deg_b)


def _dis_expand(cnt2):
    return pl.pallas_call(
        _dis_expand_body,
        in_specs=[pl.BlockSpec((2 * NP // 128, 128), lambda: (0, 0))],
        out_specs=pl.BlockSpec((NP, H), lambda: (0, 0)),
        out_shape=jax.ShapeDtypeStruct((NP, H), jnp.float32),
    )(cnt2)


def _tc_pre_body(x_ref, w_ref, dis_ref, hs_ref):
    hs_ref[...] = jnp.dot(x_ref[...], w_ref[...],
                          preferred_element_type=jnp.float32) * dis_ref[...]


def _tc_pre(x, W1, dis_b):
    return pl.pallas_call(
        _tc_pre_body,
        grid=(N // _BLK,),
        in_specs=[
            pl.BlockSpec((_BLK, D_IN), lambda i: (i, 0)),
            pl.BlockSpec((D_IN, H), lambda i: (0, 0)),
            pl.BlockSpec((_BLK, H), lambda i: (i, 0)),
        ],
        out_specs=pl.BlockSpec((_BLK, H), lambda i: (i, 0)),
        out_shape=jax.ShapeDtypeStruct((N, H), jnp.float32),
    )(x, W1, dis_b)


def _tc_mid_body(acc_ref, hs_ref, dis_ref, b_ref, w_ref, out_ref):
    dis = dis_ref[...]
    t = dis * (acc_ref[0] + acc_ref[1] + hs_ref[...]) + b_ref[...]
    t = jnp.maximum(t, 0.0)
    out_ref[...] = jnp.dot(t, w_ref[...],
                           preferred_element_type=jnp.float32) * dis


def _tc_mid(acc, hs, dis, b, W):
    return pl.pallas_call(
        _tc_mid_body,
        grid=(N // _BLK,),
        in_specs=[
            pl.BlockSpec((2, _BLK, H), lambda i: (0, i, 0)),
            pl.BlockSpec((_BLK, H), lambda i: (i, 0)),
            pl.BlockSpec((_BLK, H), lambda i: (i, 0)),
            pl.BlockSpec((1, H), lambda i: (0, 0)),
            pl.BlockSpec((H, H), lambda i: (0, 0)),
        ],
        out_specs=pl.BlockSpec((_BLK, H), lambda i: (i, 0)),
        out_shape=jax.ShapeDtypeStruct((N, H), jnp.float32),
    )(acc, hs, dis, b, W)


def _tc_head_body(acc_ref, hs_ref, dis_ref, b2_ref, wa1_ref, ba1_ref,
                  wa2_ref, ba2_ref, q_ref):
    h2 = dis_ref[...] * (acc_ref[0] + acc_ref[1] + hs_ref[...]) + b2_ref[...]
    h2 = jnp.maximum(h2, 0.0)
    t = jnp.maximum(
        jnp.dot(h2, wa1_ref[...], preferred_element_type=jnp.float32)
        + ba1_ref[...], 0.0)
    q_ref[...] = jnp.dot(t, wa2_ref[...],
                         preferred_element_type=jnp.float32) + ba2_ref[...]


def _tc_head(acc, hs, dis, b2, Wa1, ba1, Wa2, ba2):
    return pl.pallas_call(
        _tc_head_body,
        grid=(N // _BLK,),
        in_specs=[
            pl.BlockSpec((2, _BLK, H), lambda i: (0, i, 0)),
            pl.BlockSpec((_BLK, H), lambda i: (i, 0)),
            pl.BlockSpec((_BLK, H), lambda i: (i, 0)),
            pl.BlockSpec((1, H), lambda i: (0, 0)),
            pl.BlockSpec((H, H), lambda i: (0, 0)),
            pl.BlockSpec((1, H), lambda i: (0, 0)),
            pl.BlockSpec((H, A_OUT), lambda i: (0, 0)),
            pl.BlockSpec((1, A_OUT), lambda i: (0, 0)),
        ],
        out_specs=pl.BlockSpec((_BLK, A_OUT), lambda i: (i, 0)),
        out_shape=jax.ShapeDtypeStruct((N, A_OUT), jnp.float32),
    )(acc, hs, dis, b2, Wa1, ba1, Wa2, ba2)


def kernel(x, edge_index, W1, b1, W2, b2, Wa1, ba1, Wa2, ba2):
    padw = EPW - E // NW
    it = edge_index.dtype
    seq = jnp.arange(padw, dtype=it) % 128
    srcpad = jnp.broadcast_to(seq, (1, NW, padw))
    dstpad = jnp.broadcast_to(N + seq, (1, NW, padw))
    ei = jnp.concatenate(
        [edge_index.reshape(2, NW, E // NW),
         jnp.concatenate([srcpad, dstpad], axis=0)], axis=2,
    ).reshape(2, NW, NB, BB)

    cnt = _sc_degree(ei)
    dis_b = _dis_expand(cnt.reshape(2 * NP // 128, 128))
    hs1 = _tc_pre(x, W1, dis_b)
    acc1 = _sc_aggregate(hs1, ei)
    hs2 = _tc_mid(acc1, hs1, dis_b, b1.reshape(1, H), W2)
    acc2 = _sc_aggregate(hs2, ei)
    q = _tc_head(acc2, hs2, dis_b, b2.reshape(1, H), Wa1,
                 ba1.reshape(1, H), Wa2, ba2.reshape(1, A_OUT))
    return q

# --- scband reference (transcript-rebuilt; emitter-appended) ---
"""Pipeline reference for scband-gnn-dqn-83966610637551 (READ-ONLY COPY).

The authoritative reference and input builder live on the scoring server;
editing this copy changes nothing except your own understanding.
"""

import jax, jax.numpy as jnp
import numpy as np

N = 10000
E = 320000
D_IN = 128
H = 128
A = 8


def _gcn_conv(x, edge_index, W, b):
    # PyG GCNConv: add self-loops, symmetric normalization D^-1/2 (A+I) D^-1/2 X W + b
    n = x.shape[0]
    loop = jnp.arange(n, dtype=edge_index.dtype)
    src = jnp.concatenate([edge_index[0], loop])
    dst = jnp.concatenate([edge_index[1], loop])
    deg = jnp.zeros((n,), x.dtype).at[dst].add(1.0)
    dis = jnp.where(deg > 0, jax.lax.rsqrt(deg), 0.0)
    norm = dis[src] * dis[dst]
    h = x @ W
    msg = h[src] * norm[:, None]
    out = jnp.zeros((n, W.shape[1]), h.dtype).at[dst].add(msg)
    return out + b


def setup_inputs(seed: int = 0):
    key = jax.random.key(seed)
    ks = jax.random.split(key, 10)
    x = jax.random.normal(ks[0], (N, D_IN), dtype=jnp.float32)
    edge_index = jax.random.randint(ks[1], (2, E), 0, N, dtype=jnp.int32)
    s1 = 1.0 / np.sqrt(D_IN)
    s2 = 1.0 / np.sqrt(H)
    W1 = jax.random.uniform(ks[2], (D_IN, H), jnp.float32, -s1, s1)
    b1 = jnp.zeros((H,), jnp.float32)
    W2 = jax.random.uniform(ks[3], (H, H), jnp.float32, -s2, s2)
    b2 = jnp.zeros((H,), jnp.float32)
    Wa1 = jax.random.uniform(ks[4], (H, H), jnp.float32, -s2, s2)
    ba1 = jax.random.uniform(ks[5], (H,), jnp.float32, -s2, s2)
    Wa2 = jax.random.uniform(ks[6], (H, A), jnp.float32, -s2, s2)
    ba2 = jax.random.uniform(ks[7], (A,), jnp.float32, -s2, s2)
    return {"x": x, "edge_index": edge_index, "W1": W1, "b1": b1, "W2": W2, "b2": b2, "Wa1": Wa1, "ba1": ba1, "Wa2": Wa2, "ba2": ba2}


def reference(x, edge_index, W1, b1, W2, b2, Wa1, ba1, Wa2, ba2):
    h = jax.nn.relu(_gcn_conv(x, edge_index, W1, b1))
    h = jax.nn.relu(_gcn_conv(h, edge_index, W2, b2))
    q = jax.nn.relu(h @ Wa1 + ba1) @ Wa2 + ba2
    return q

if __name__ == "__main__":
    import jax
    _d = setup_inputs()
    print(jax.jit(kernel)(*tuple(_d.values())))

</pallas_src>

<mosaic_0001>
#map = affine_map<(d0, d1) -> (0, 0, 0, 0)>
#map1 = affine_map<(d0, d1) -> (0)>
module attributes {stable_mosaic.version = 14 : i64} {
  func.func @_sc_degree(%arg0: i32, %arg1: i32, %arg2: memref<2x32x80x128xi32, #tpu.memory_space<hbm>>, %arg3: memref<20480xf32, #tpu.memory_space<hbm>>, %arg4: memref<10240xf32, #tpu.memory_space<vmem_shared>>, %arg5: memref<80x128xi32, #tpu.memory_space<vmem>>, %arg6: memref<128xf32, #tpu.memory_space<vmem>>, %arg7: memref<16xf32, #tpu.memory_space<vmem>>, %arg8: memref<640xf32, #tpu.memory_space<vmem>>) attributes {dimension_semantics = [#tpu.dimension_semantics<core_parallel>, #tpu.dimension_semantics<subcore_parallel>], iteration_bounds = array<i64: 2, 16>, scalar_prefetch = 0 : i64, scratch_operands = 5 : i64, tpu.core_type = #tpu.core_type<sc_vector_subcore>, window_params = [{transform_indices = #map}, {transform_indices = #map1}]} {
    %mul3A = arith.constant 16 : i32
    %mul3A_0 = arith.muli %arg0, %mul3A : i32
    %add3A = arith.addi %mul3A_0, %arg1 : i32
    %scan3A = arith.constant 0 : i32
    %scan3A_1 = arith.constant 8 : i32
    %scan3A_2 = arith.addi %scan3A, %scan3A_1 : i32
    %scan3A_3 = arith.constant 1 : i32
    scf.for %scan3A_39 = %scan3A to %scan3A_2 step %scan3A_3  : i32 {
      %mul3A_40 = arith.constant 16 : i32
      %mul3A_41 = arith.muli %scan3A_39, %mul3A_40 : i32
      %add3A_42 = arith.constant 0 : i32
      %add3A_43 = arith.addi %add3A_42, %mul3A_41 : i32
      %broadcast_in_dim3A_44 = arith.constant 1.000000e+00 : f32
      %broadcast_in_dim3A_45 = vector.broadcast %broadcast_in_dim3A_44 : f32 to vector<16xf32>
      %swap3A_46 = arith.index_cast %add3A_43 : i32 to index
      %swap3A_47 = tpu.vector_load %arg6[%swap3A_46] {strides = array<i32>} : memref<128xf32, #tpu.memory_space<vmem>>, vector<16xf32>,
      %swap3A_48 = vector.shape_cast %swap3A_47 : vector<16xf32> to vector<16xf32>
      %swap3A_49 = vector.shape_cast %broadcast_in_dim3A_45 : vector<16xf32> to vector<16xf32>
      tpu.vector_store %arg6[%swap3A_46], %swap3A_49 {strides = array<i32>} : memref<128xf32, #tpu.memory_space<vmem>>, vector<16xf32>,
    }
    %scan3A_4 = arith.constant 8 : i32
    %broadcast_in_dim3A = arith.constant 0.000000e+00 : f32
    %broadcast_in_dim3A_5 = vector.broadcast %broadcast_in_dim3A : f32 to vector<16xf32>
    %swap3A = arith.constant 0 : index
    %swap3A_6 = tpu.vector_load %arg7[%swap3A] {strides = array<i32>} : memref<16xf32, #tpu.memory_space<vmem>>, vector<16xf32>,
    %swap3A_7 = vector.shape_cast %swap3A_6 : vector<16xf32> to vector<16xf32>
    %swap3A_8 = vector.shape_cast %broadcast_in_dim3A_5 : vector<16xf32> to vector<16xf32>
    tpu.vector_store %arg7[%swap3A], %swap3A_8 {strides = array<i32>} : memref<16xf32, #tpu.memory_space<vmem>>, vector<16xf32>,
    %mul3A_9 = arith.constant 16 : i32
    %mul3A_10 = arith.muli %arg1, %mul3A_9 : i32
    %sub3A = arith.constant 10240 : i32
    %sub3A_11 = arith.subi %sub3A, %mul3A_10 : i32
    %sub3A_12 = arith.constant 256 : i32
    %sub3A_13 = arith.constant 1 : i32
    %sub3A_14 = arith.subi %sub3A_12, %sub3A_13 : i32
    %add3A_15 = arith.addi %sub3A_11, %sub3A_14 : i32
    %div3A = arith.constant 256 : i32
    %div3A_16 = arith.divsi %add3A_15, %div3A : i32
    %while3A = arith.constant 256 : i32
    %while3A_17 = arith.constant 0 : i32
    %while3A_18 = arith.subi %div3A_16, %while3A_17 : i32
    %while3A_19 = arith.addi %while3A_17, %while3A_18 : i32
    %while3A_20 = arith.constant 1 : i32
    %while3A_21 = arith.divsi %while3A_18, %while3A_20 : i32
    %while3A_22 = arith.muli %while3A_21, %while3A_20 : i32
    %while3A_23 = arith.addi %while3A_17, %while3A_22 : i32
    %while3A_24 = arith.constant 1 : i32
    scf.for %while3A_39 = %while3A_17 to %while3A_23 step %while3A_24  : i32 {
      %mul3A_40 = arith.muli %while3A_39, %while3A : i32
      %add3A_41 = arith.addi %mul3A_10, %mul3A_40 : i32
      "tpu.region"() ({
        %run_scoped3A_42 = tpu.sem_alloc : memref<!tpu.dma_semaphore, #tpu.memory_space<semaphore_mem>>
        %dma_start3A = tpu.memref_slice %arg4[%add3A_41] : memref<10240xf32, #tpu.memory_space<vmem_shared>> -> memref<16xf32, #tpu.memory_space<vmem_shared>>
        %dma_start3A_43 = tpu.memref_slice %arg4[%add3A_41] : memref<10240xf32, #tpu.memory_space<vmem_shared>> -> memref<16xf32, #tpu.memory_space<vmem_shared>>
        tpu.enqueue_dma source(%arg7 : memref<16xf32, #tpu.memory_space<vmem>>) target(%dma_start3A_43 : memref<16xf32, #tpu.memory_space<vmem_shared>>) target_semaphore(%run_scoped3A_42 : memref<!tpu.dma_semaphore, #tpu.memory_space<semaphore_mem>>)
        %dma_wait3A = tpu.memref_slice %arg4[%add3A_41] : memref<10240xf32, #tpu.memory_space<vmem_shared>> -> memref<16xf32, #tpu.memory_space<vmem_shared>>
        %dma_wait3A_44 = tpu.memref_slice %arg4[%add3A_41] : memref<10240xf32, #tpu.memory_space<vmem_shared>> -> memref<16xf32, #tpu.memory_space<vmem_shared>>
        tpu.wait_dma2 semaphore(%run_scoped3A_42 : memref<!tpu.dma_semaphore, #tpu.memory_space<semaphore_mem>>) src(%arg7 : memref<16xf32, #tpu.memory_space<vmem>>) dst(%dma_wait3A_44 : memref<16xf32, #tpu.memory_space<vmem_shared>>)
        tpu.yield
      }) : () -> ()
    }
    %while3A_25 = arith.constant 1 : i32
    scf.for %while3A_39 = %while3A_23 to %while3A_19 step %while3A_25  : i32 {
      %mul3A_40 = arith.muli %while3A_39, %while3A : i32
      %add3A_41 = arith.addi %mul3A_10, %mul3A_40 : i32
      "tpu.region"() ({
        %run_scoped3A_42 = tpu.sem_alloc : memref<!tpu.dma_semaphore, #tpu.memory_space<semaphore_mem>>
        %dma_start3A = tpu.memref_slice %arg4[%add3A_41] : memref<10240xf32, #tpu.memory_space<vmem_shared>> -> memref<16xf32, #tpu.memory_space<vmem_shared>>
        %dma_start3A_43 = tpu.memref_slice %arg4[%add3A_41] : memref<10240xf32, #tpu.memory_space<vmem_shared>> -> memref<16xf32, #tpu.memory_space<vmem_shared>>
        tpu.enqueue_dma source(%arg7 : memref<16xf32, #tpu.memory_space<vmem>>) target(%dma_start3A_43 : memref<16xf32, #tpu.memory_space<vmem_shared>>) target_semaphore(%run_scoped3A_42 : memref<!tpu.dma_semaphore, #tpu.memory_space<semaphore_mem>>)
        %dma_wait3A = tpu.memref_slice %arg4[%add3A_41] : memref<10240xf32, #tpu.memory_space<vmem_shared>> -> memref<16xf32, #tpu.memory_space<vmem_shared>>
        %dma_wait3A_44 = tpu.memref_slice %arg4[%add3A_41] : memref<10240xf32, #tpu.memory_space<vmem_shared>> -> memref<16xf32, #tpu.memory_space<vmem_shared>>
        tpu.wait_dma2 semaphore(%run_scoped3A_42 : memref<!tpu.dma_semaphore, #tpu.memory_space<semaphore_mem>>) src(%arg7 : memref<16xf32, #tpu.memory_space<vmem>>) dst(%dma_wait3A_44 : memref<16xf32, #tpu.memory_space<vmem_shared>>)
        tpu.yield
      }) : () -> ()
    }
    %run_scoped3A = arith.constant 1 : i32
    "tpu.region"() ({
      %run_scoped3A_39 = tpu.sem_alloc : memref<!tpu.dma_semaphore, #tpu.memory_space<semaphore_mem>>
      %dma_start3A = arith.constant 0 : i32
      %dma_start3A_40 = arith.constant 0 : i32
      %dma_start3A_41 = tpu.memref_slice %arg2[%run_scoped3A, %add3A, %dma_start3A, %dma_start3A_40] : memref<2x32x80x128xi32, #tpu.memory_space<hbm>> -> memref<1x1x80x128xi32, #tpu.memory_space<hbm>>
      %dma_start3A_42 = tpu.memref_squeeze %dma_start3A_41 : memref<1x1x80x128xi32, #tpu.memory_space<hbm>> -> memref<80x128xi32, #tpu.memory_space<hbm>>
      %dma_start3A_43 = arith.constant 0 : i32
      %dma_start3A_44 = arith.constant 0 : i32
      %dma_start3A_45 = tpu.memref_slice %arg2[%run_scoped3A, %add3A, %dma_start3A_43, %dma_start3A_44] : memref<2x32x80x128xi32, #tpu.memory_space<hbm>> -> memref<1x1x80x128xi32, #tpu.memory_space<hbm>>
      %dma_start3A_46 = tpu.memref_squeeze %dma_start3A_45 : memref<1x1x80x128xi32, #tpu.memory_space<hbm>> -> memref<80x128xi32, #tpu.memory_space<hbm>>
      tpu.enqueue_dma source(%dma_start3A_46 : memref<80x128xi32, #tpu.memory_space<hbm>>) target(%arg5 : memref<80x128xi32, #tpu.memory_space<vmem>>) target_semaphore(%run_scoped3A_39 : memref<!tpu.dma_semaphore, #tpu.memory_space<semaphore_mem>>)
      %dma_wait3A = arith.constant 0 : i32
      %dma_wait3A_47 = arith.constant 0 : i32
      %dma_wait3A_48 = tpu.memref_slice %arg2[%run_scoped3A, %add3A, %dma_wait3A, %dma_wait3A_47] : memref<2x32x80x128xi32, #tpu.memory_space<hbm>> -> memref<1x1x80x128xi32, #tpu.memory_space<hbm>>
      %dma_wait3A_49 = tpu.memref_squeeze %dma_wait3A_48 : memref<1x1x80x128xi32, #tpu.memory_space<hbm>> -> memref<80x128xi32, #tpu.memory_space<hbm>>
      %dma_wait3A_50 = arith.constant 0 : i32
      %dma_wait3A_51 = arith.constant 0 : i32
      %dma_wait3A_52 = tpu.memref_slice %arg2[%run_scoped3A, %add3A, %dma_wait3A_50, %dma_wait3A_51] : memref<2x32x80x128xi32, #tpu.memory_space<hbm>> -> memref<1x1x80x128xi32, #tpu.memory_space<hbm>>
      %dma_wait3A_53 = tpu.memref_squeeze %dma_wait3A_52 : memref<1x1x80x128xi32, #tpu.memory_space<hbm>> -> memref<80x128xi32, #tpu.memory_space<hbm>>
      tpu.wait_dma2 semaphore(%run_scoped3A_39 : memref<!tpu.dma_semaphore, #tpu.memory_space<semaphore_mem>>) src(%dma_wait3A_53 : memref<80x128xi32, #tpu.memory_space<hbm>>) dst(%arg5 : memref<80x128xi32, #tpu.memory_space<vmem>>)
      tpu.yield
    }) : () -> ()
    %barrier3A = arith.constant 0 : index
    tpu.barrier barrier_id(%barrier3A)
    %scan3A_26 = arith.constant 0 : i32
    %scan3A_27 = arith.constant 80 : i32
    %scan3A_28 = arith.addi %scan3A_26, %scan3A_27 : i32
    %scan3A_29 = arith.constant 1 : i32
    scf.for %scan3A_39 = %scan3A_26 to %scan3A_28 step %scan3A_29  : i32 {
      %mul3A_40 = arith.constant 1 : i32
      %mul3A_41 = arith.muli %scan3A_39, %mul3A_40 : i32
      %add3A_42 = arith.constant 0 : i32
      %add3A_43 = arith.addi %add3A_42, %mul3A_41 : i32
      "tpu.region"() ({
        %run_scoped3A_44 = tpu.sem_alloc : memref<!tpu.dma_semaphore, #tpu.memory_space<semaphore_mem>>
        %dma_start3A = arith.constant 0 : i32
        %dma_start3A_45 = tpu.memref_slice %arg5[%add3A_43, %dma_start3A] : memref<80x128xi32, #tpu.memory_space<vmem>> -> memref<1x128xi32, #tpu.memory_space<vmem>>
        %dma_start3A_46 = tpu.memref_squeeze %dma_start3A_45 : memref<1x128xi32, #tpu.memory_space<vmem>> -> memref<128xi32, #tpu.memory_space<vmem>>
        %dma_start3A_47 = arith.constant 0 : i32
        %dma_start3A_48 = tpu.memref_slice %arg4[%dma_start3A_47] : memref<10240xf32, #tpu.memory_space<vmem_shared>> -> memref<10240xf32, #tpu.memory_space<vmem_shared>>
        tpu.enqueue_indirect_dma source(%arg6 : memref<128xf32, #tpu.memory_space<vmem>>) target(%dma_start3A_48 : memref<10240xf32, #tpu.memory_space<vmem_shared>>) offsets(%dma_start3A_46 : memref<128xi32, #tpu.memory_space<vmem>>) semaphore(%run_scoped3A_44 : memref<!tpu.dma_semaphore, #tpu.memory_space<semaphore_mem>>) {add = true}
        %dma_wait3A = arith.constant 0 : i32
        %dma_wait3A_49 = tpu.memref_slice %arg5[%add3A_43, %dma_wait3A] : memref<80x128xi32, #tpu.memory_space<vmem>> -> memref<1x128xi32, #tpu.memory_space<vmem>>
        %dma_wait3A_50 = tpu.memref_squeeze %dma_wait3A_49 : memref<1x128xi32, #tpu.memory_space<vmem>> -> memref<128xi32, #tpu.memory_space<vmem>>
        %dma_wait3A_51 = arith.constant 0 : i32
        %dma_wait3A_52 = tpu.memref_slice %arg4[%dma_wait3A_51] : memref<10240xf32, #tpu.memory_space<vmem_shared>> -> memref<10240xf32, #tpu.memory_space<vmem_shared>>
        tpu.wait_indirect_dma semaphore(%run_scoped3A_44 : memref<!tpu.dma_semaphore, #tpu.memory_space<semaphore_mem>>) src(%arg6 : memref<128xf32, #tpu.memory_space<vmem>>) dst(%dma_wait3A_52 : memref<10240xf32, #tpu.memory_space<vmem_shared>>)
        tpu.yield
      }) : () -> ()
    }
    %scan3A_30 = arith.constant 80 : i32
    %barrier3A_31 = arith.constant 0 : index
    tpu.barrier barrier_id(%barrier3A_31)
    %mul3A_32 = arith.constant 640 : i32
    %mul3A_33 = arith.muli %arg1, %mul3A_32 : i32
    "tpu.region"() ({
      %run_scoped3A_39 = tpu.sem_alloc : memref<!tpu.dma_semaphore, #tpu.memory_space<semaphore_mem>>
      %dma_start3A = tpu.memref_slice %arg4[%mul3A_33] : memref<10240xf32, #tpu.memory_space<vmem_shared>> -> memref<640xf32, #tpu.memory_space<vmem_shared>>
      %dma_start3A_40 = tpu.memref_slice %arg4[%mul3A_33] : memref<10240xf32, #tpu.memory_space<vmem_shared>> -> memref<640xf32, #tpu.memory_space<vmem_shared>>
      tpu.enqueue_dma source(%dma_start3A_40 : memref<640xf32, #tpu.memory_space<vmem_shared>>) target(%arg8 : memref<640xf32, #tpu.memory_space<vmem>>) target_semaphore(%run_scoped3A_39 : memref<!tpu.dma_semaphore, #tpu.memory_space<semaphore_mem>>)
      %dma_wait3A = tpu.memref_slice %arg4[%mul3A_33] : memref<10240xf32, #tpu.memory_space<vmem_shared>> -> memref<640xf32, #tpu.memory_space<vmem_shared>>
      %dma_wait3A_41 = tpu.memref_slice %arg4[%mul3A_33] : memref<10240xf32, #tpu.memory_space<vmem_shared>> -> memref<640xf32, #tpu.memory_space<vmem_shared>>
      tpu.wait_dma2 semaphore(%run_scoped3A_39 : memref<!tpu.dma_semaphore, #tpu.memory_space<semaphore_mem>>) src(%dma_wait3A_41 : memref<640xf32, #tpu.memory_space<vmem_shared>>) dst(%arg8 : memref<640xf32, #tpu.memory_space<vmem>>)
      tpu.yield
    }) : () -> ()
    %mul3A_34 = arith.constant 10240 : i32
    %mul3A_35 = arith.muli %arg0, %mul3A_34 : i32
    %mul3A_36 = arith.constant 640 : i32
    %mul3A_37 = arith.muli %arg1, %mul3A_36 : i32
    %add3A_38 = arith.addi %mul3A_35, %mul3A_37 : i32
    "tpu.region"() ({
      %run_scoped3A_39 = tpu.sem_alloc : memref<!tpu.dma_semaphore, #tpu.memory_space<semaphore_mem>>
      %dma_start3A = tpu.memref_slice %arg3[%add3A_38] : memref<20480xf32, #tpu.memory_space<hbm>> -> memref<640xf32, #tpu.memory_space<hbm>>
      %dma_start3A_40 = tpu.memref_slice %arg3[%add3A_38] : memref<20480xf32, #tpu.memory_space<hbm>> -> memref<640xf32, #tpu.memory_space<hbm>>
      tpu.enqueue_dma source(%arg8 : memref<640xf32, #tpu.memory_space<vmem>>) target(%dma_start3A_40 : memref<640xf32, #tpu.memory_space<hbm>>) target_semaphore(%run_scoped3A_39 : memref<!tpu.dma_semaphore, #tpu.memory_space<semaphore_mem>>)
      %dma_wait3A = tpu.memref_slice %arg3[%add3A_38] : memref<20480xf32, #tpu.memory_space<hbm>> -> memref<640xf32, #tpu.memory_space<hbm>>
      %dma_wait3A_41 = tpu.memref_slice %arg3[%add3A_38] : memref<20480xf32, #tpu.memory_space<hbm>> -> memref<640xf32, #tpu.memory_space<hbm>>
      tpu.wait_dma2 semaphore(%run_scoped3A_39 : memref<!tpu.dma_semaphore, #tpu.memory_space<semaphore_mem>>) src(%arg8 : memref<640xf32, #tpu.memory_space<vmem>>) dst(%dma_wait3A_41 : memref<640xf32, #tpu.memory_space<hbm>>)
      tpu.yield
    }) : () -> ()
    return
  }
}

#map = affine_map<(d0, d1) -> (0, 0)>
#map1 = affine_map<(d0, d1) -> (0, 0, 0, 0)>
#map2 = affine_map<(d0, d1) -> (0, 0, 0)>
module attributes {stable_mosaic.version = 14 : i64} {
  func.func @_sc_aggregate(%arg0: i32, %arg1: i32, %arg2: memref<10000x128xf32, #tpu.memory_space<hbm>>, %arg3: memref<2x32x80x128xi32, #tpu.memory_space<hbm>>, %arg4: memref<2x10000x128xf32, #tpu.memory_space<hbm>>, %arg5: memref<10128x128xf32, #tpu.memory_space<vmem_shared>>, %arg6: memref<40x128xi32, #tpu.memory_space<vmem>>, %arg7: memref<40x128xi32, #tpu.memory_space<vmem>>, %arg8: memref<128x128xf32, #tpu.memory_space<vmem>>, %arg9: memref<128x128xf32, #tpu.memory_space<vmem>>, %arg10: memref<!tpu.dma_semaphore, #tpu.memory_space<semaphore_mem>>, %arg11: memref<!tpu.dma_semaphore, #tpu.memory_space<semaphore_mem>>, %arg12: memref<!tpu.dma_semaphore, #tpu.memory_space<semaphore_mem>>, %arg13: memref<!tpu.dma_semaphore, #tpu.memory_space<semaphore_mem>>) attributes {dimension_semantics = [#tpu.dimension_semantics<core_parallel>, #tpu.dimension_semantics<subcore_parallel>], iteration_bounds = array<i64: 2, 16>, scalar_prefetch = 0 : i64, scratch_operands = 9 : i64, tpu.core_type = #tpu.core_type<sc_vector_subcore>, window_params = [{transform_indices = #map}, {transform_indices = #map1}, {transform_indices = #map2}]} {
    %mul3A = arith.constant 16 : i32
    %mul3A_0 = arith.muli %arg0, %mul3A : i32
    %add3A = arith.addi %mul3A_0, %arg1 : i32
    %scan3A = arith.constant 0 : i32
    %scan3A_1 = arith.constant 80 : i32
    %scan3A_2 = arith.addi %scan3A, %scan3A_1 : i32
    %scan3A_3 = arith.constant 1 : i32
    scf.for %scan3A_170 = %scan3A to %scan3A_2 step %scan3A_3  : i32 {
      %mul3A_171 = arith.constant 1 : i32
      %mul3A_172 = arith.muli %scan3A_170, %mul3A_171 : i32
      %add3A_173 = arith.constant 0 : i32
      %add3A_174 = arith.addi %add3A_173, %mul3A_172 : i32
      %scan3A_175 = arith.constant 0 : i32
      %scan3A_176 = arith.constant 8 : i32
      %scan3A_177 = arith.addi %scan3A_175, %scan3A_176 : i32
      %scan3A_178 = arith.constant 1 : i32
      scf.for %scan3A_180 = %scan3A_175 to %scan3A_177 step %scan3A_178  : i32 {
        %mul3A_181 = arith.constant 16 : i32
        %mul3A_182 = arith.muli %scan3A_180, %mul3A_181 : i32
        %add3A_183 = arith.constant 0 : i32
        %add3A_184 = arith.addi %add3A_183, %mul3A_182 : i32
        %broadcast_in_dim3A = arith.constant 0.000000e+00 : f32
        %broadcast_in_dim3A_185 = vector.broadcast %broadcast_in_dim3A : f32 to vector<16xf32>
        %swap3A = arith.index_cast %add3A_174 : i32 to index
        %swap3A_186 = arith.index_cast %add3A_184 : i32 to index
        %swap3A_187 = tpu.vector_load %arg8[%swap3A, %swap3A_186] {strides = array<i32>} : memref<128x128xf32, #tpu.memory_space<vmem>>, vector<1x16xf32>,
        %swap3A_188 = vector.shape_cast %swap3A_187 : vector<1x16xf32> to vector<16xf32>
        %swap3A_189 = vector.shape_cast %broadcast_in_dim3A_185 : vector<16xf32> to vector<1x16xf32>
        tpu.vector_store %arg8[%swap3A, %swap3A_186], %swap3A_189 {strides = array<i32>} : memref<128x128xf32, #tpu.memory_space<vmem>>, vector<1x16xf32>,
      }
      %scan3A_179 = arith.constant 8 : i32
    }
    %scan3A_4 = arith.constant 80 : i32
    %mul3A_5 = arith.constant 80 : i32
    %mul3A_6 = arith.muli %arg1, %mul3A_5 : i32
    %sub3A = arith.constant 10000 : i32
    %sub3A_7 = arith.subi %sub3A, %mul3A_6 : i32
    %sub3A_8 = arith.constant 1280 : i32
    %sub3A_9 = arith.constant 1 : i32
    %sub3A_10 = arith.subi %sub3A_8, %sub3A_9 : i32
    %add3A_11 = arith.addi %sub3A_7, %sub3A_10 : i32
    %div3A = arith.constant 1280 : i32
    %div3A_12 = arith.divsi %add3A_11, %div3A : i32
    %while3A = arith.constant 1280 : i32
    %while3A_13 = arith.constant 0 : i32
    %while3A_14 = arith.subi %div3A_12, %while3A_13 : i32
    %while3A_15 = arith.addi %while3A_13, %while3A_14 : i32
    %while3A_16 = arith.constant 1 : i32
    %while3A_17 = arith.divsi %while3A_14, %while3A_16 : i32
    %while3A_18 = arith.muli %while3A_17, %while3A_16 : i32
    %while3A_19 = arith.addi %while3A_13, %while3A_18 : i32
    %while3A_20 = arith.constant 1 : i32
    scf.for %while3A_170 = %while3A_13 to %while3A_19 step %while3A_20  : i32 {
      %mul3A_171 = arith.muli %while3A_170, %while3A : i32
      %add3A_172 = arith.addi %mul3A_6, %mul3A_171 : i32
      %dma_start3A_173 = arith.constant 0 : i32
      %dma_start3A_174 = arith.constant 0 : i32
      %dma_start3A_175 = tpu.memref_slice %arg8[%dma_start3A_173, %dma_start3A_174] : memref<128x128xf32, #tpu.memory_space<vmem>> -> memref<80x128xf32, #tpu.memory_space<vmem>>
      %dma_start3A_176 = arith.constant 0 : i32
      %dma_start3A_177 = tpu.memref_slice %arg5[%add3A_172, %dma_start3A_176] : memref<10128x128xf32, #tpu.memory_space<vmem_shared>> -> memref<80x128xf32, #tpu.memory_space<vmem_shared>>
      %dma_start3A_178 = arith.constant 0 : i32
      %dma_start3A_179 = tpu.memref_slice %arg5[%add3A_172, %dma_start3A_178] : memref<10128x128xf32, #tpu.memory_space<vmem_shared>> -> memref<80x128xf32, #tpu.memory_space<vmem_shared>>
      %dma_start3A_180 = arith.constant 0 : i32
      %dma_start3A_181 = arith.constant 0 : i32
      %dma_start3A_182 = tpu.memref_slice %arg8[%dma_start3A_180, %dma_start3A_181] : memref<128x128xf32, #tpu.memory_space<vmem>> -> memref<80x128xf32, #tpu.memory_space<vmem>>
      tpu.enqueue_dma source(%dma_start3A_182 : memref<80x128xf32, #tpu.memory_space<vmem>>) target(%dma_start3A_179 : memref<80x128xf32, #tpu.memory_space<vmem_shared>>) target_semaphore(%arg10 : memref<!tpu.dma_semaphore, #tpu.memory_space<semaphore_mem>>)
    }
    %while3A_21 = arith.constant 1 : i32
    scf.for %while3A_170 = %while3A_19 to %while3A_15 step %while3A_21  : i32 {
      %mul3A_171 = arith.muli %while3A_170, %while3A : i32
      %add3A_172 = arith.addi %mul3A_6, %mul3A_171 : i32
      %dma_start3A_173 = arith.constant 0 : i32
      %dma_start3A_174 = arith.constant 0 : i32
      %dma_start3A_175 = tpu.memref_slice %arg8[%dma_start3A_173, %dma_start3A_174] : memref<128x128xf32, #tpu.memory_space<vmem>> -> memref<80x128xf32, #tpu.memory_space<vmem>>
      %dma_start3A_176 = arith.constant 0 : i32
      %dma_start3A_177 = tpu.memref_slice %arg5[%add3A_172, %dma_start3A_176] : memref<10128x128xf32, #tpu.memory_space<vmem_shared>> -> memref<80x128xf32, #tpu.memory_space<vmem_shared>>
      %dma_start3A_178 = arith.constant 0 : i32
      %dma_start3A_179 = tpu.memref_slice %arg5[%add3A_172, %dma_start3A_178] : memref<10128x128xf32, #tpu.memory_space<vmem_shared>> -> memref<80x128xf32, #tpu.memory_space<vmem_shared>>
      %dma_start3A_180 = arith.constant 0 : i32
      %dma_start3A_181 = arith.constant 0 : i32
      %dma_start3A_182 = tpu.memref_slice %arg8[%dma_start3A_180, %dma_start3A_181] : memref<128x128xf32, #tpu.memory_space<vmem>> -> memref<80x128xf32, #tpu.memory_space<vmem>>
      tpu.enqueue_dma source(%dma_start3A_182 : memref<80x128xf32, #tpu.memory_space<vmem>>) target(%dma_start3A_179 : memref<80x128xf32, #tpu.memory_space<vmem_shared>>) target_semaphore(%arg10 : memref<!tpu.dma_semaphore, #tpu.memory_space<semaphore_mem>>)
    }
    %mul3A_22 = arith.constant 80 : i32
    %mul3A_23 = arith.muli %arg1, %mul3A_22 : i32
    %sub3A_24 = arith.constant 10000 : i32
    %sub3A_25 = arith.subi %sub3A_24, %mul3A_23 : i32
    %sub3A_26 = arith.constant 1280 : i32
    %sub3A_27 = arith.constant 1 : i32
    %sub3A_28 = arith.subi %sub3A_26, %sub3A_27 : i32
    %add3A_29 = arith.addi %sub3A_25, %sub3A_28 : i32
    %div3A_30 = arith.constant 1280 : i32
    %div3A_31 = arith.divsi %add3A_29, %div3A_30 : i32
    %while3A_32 = arith.constant 1280 : i32
    %while3A_33 = arith.constant 0 : i32
    %while3A_34 = arith.subi %div3A_31, %while3A_33 : i32
    %while3A_35 = arith.addi %while3A_33, %while3A_34 : i32
    %while3A_36 = arith.constant 1 : i32
    %while3A_37 = arith.divsi %while3A_34, %while3A_36 : i32
    %while3A_38 = arith.muli %while3A_37, %while3A_36 : i32
    %while3A_39 = arith.addi %while3A_33, %while3A_38 : i32
    %while3A_40 = arith.constant 1 : i32
    scf.for %while3A_170 = %while3A_33 to %while3A_39 step %while3A_40  : i32 {
      %mul3A_171 = arith.muli %while3A_170, %while3A_32 : i32
      %add3A_172 = arith.addi %mul3A_23, %mul3A_171 : i32
      %dma_wait3A = arith.constant 0 : i32
      %dma_wait3A_173 = arith.constant 0 : i32
      %dma_wait3A_174 = tpu.memref_slice %arg8[%dma_wait3A, %dma_wait3A_173] : memref<128x128xf32, #tpu.memory_space<vmem>> -> memref<80x128xf32, #tpu.memory_space<vmem>>
      %dma_wait3A_175 = arith.constant 0 : i32
      %dma_wait3A_176 = tpu.memref_slice %arg5[%add3A_172, %dma_wait3A_175] : memref<10128x128xf32, #tpu.memory_space<vmem_shared>> -> memref<80x128xf32, #tpu.memory_space<vmem_shared>>
      %dma_wait3A_177 = arith.constant 0 : i32
      %dma_wait3A_178 = tpu.memref_slice %arg5[%add3A_172, %dma_wait3A_177] : memref<10128x128xf32, #tpu.memory_space<vmem_shared>> -> memref<80x128xf32, #tpu.memory_space<vmem_shared>>
      %dma_wait3A_179 = arith.constant 0 : i32
      %dma_wait3A_180 = arith.constant 0 : i32
      %dma_wait3A_181 = tpu.memref_slice %arg8[%dma_wait3A_179, %dma_wait3A_180] : memref<128x128xf32, #tpu.memory_space<vmem>> -> memref<80x128xf32, #tpu.memory_space<vmem>>
      tpu.wait_dma2 semaphore(%arg10 : memref<!tpu.dma_semaphore, #tpu.memory_space<semaphore_mem>>) src(%dma_wait3A_181 : memref<80x128xf32, #tpu.memory_space<vmem>>) dst(%dma_wait3A_178 : memref<80x128xf32, #tpu.memory_space<vmem_shared>>)
    }
    %while3A_41 = arith.constant 1 : i32
    scf.for %while3A_170 = %while3A_39 to %while3A_35 step %while3A_41  : i32 {
      %mul3A_171 = arith.muli %while3A_170, %while3A_32 : i32
      %add3A_172 = arith.addi %mul3A_23, %mul3A_171 : i32
      %dma_wait3A = arith.constant 0 : i32
      %dma_wait3A_173 = arith.constant 0 : i32
      %dma_wait3A_174 = tpu.memref_slice %arg8[%dma_wait3A, %dma_wait3A_173] : memref<128x128xf32, #tpu.memory_space<vmem>> -> memref<80x128xf32, #tpu.memory_space<vmem>>
      %dma_wait3A_175 = arith.constant 0 : i32
      %dma_wait3A_176 = tpu.memref_slice %arg5[%add3A_172, %dma_wait3A_175] : memref<10128x128xf32, #tpu.memory_space<vmem_shared>> -> memref<80x128xf32, #tpu.memory_space<vmem_shared>>
      %dma_wait3A_177 = arith.constant 0 : i32
      %dma_wait3A_178 = tpu.memref_slice %arg5[%add3A_172, %dma_wait3A_177] : memref<10128x128xf32, #tpu.memory_space<vmem_shared>> -> memref<80x128xf32, #tpu.memory_space<vmem_shared>>
      %dma_wait3A_179 = arith.constant 0 : i32
      %dma_wait3A_180 = arith.constant 0 : i32
      %dma_wait3A_181 = tpu.memref_slice %arg8[%dma_wait3A_179, %dma_wait3A_180] : memref<128x128xf32, #tpu.memory_space<vmem>> -> memref<80x128xf32, #tpu.memory_space<vmem>>
      tpu.wait_dma2 semaphore(%arg10 : memref<!tpu.dma_semaphore, #tpu.memory_space<semaphore_mem>>) src(%dma_wait3A_181 : memref<80x128xf32, #tpu.memory_space<vmem>>) dst(%dma_wait3A_178 : memref<80x128xf32, #tpu.memory_space<vmem_shared>>)
    }
    %barrier3A = arith.constant 0 : index
    tpu.barrier barrier_id(%barrier3A)
    %run_scoped3A = arith.constant 0 : i32
    "tpu.region"() ({
      %run_scoped3A_170 = tpu.sem_alloc : memref<!tpu.dma_semaphore, #tpu.memory_space<semaphore_mem>>
      %dma_start3A_171 = arith.constant 0 : i32
      %dma_start3A_172 = arith.constant 0 : i32
      %dma_start3A_173 = tpu.memref_slice %arg3[%run_scoped3A, %add3A, %dma_start3A_171, %dma_start3A_172] : memref<2x32x80x128xi32, #tpu.memory_space<hbm>> -> memref<1x1x40x128xi32, #tpu.memory_space<hbm>>
      %dma_start3A_174 = tpu.memref_squeeze %dma_start3A_173 : memref<1x1x40x128xi32, #tpu.memory_space<hbm>> -> memref<40x128xi32, #tpu.memory_space<hbm>>
      %dma_start3A_175 = arith.constant 0 : i32
      %dma_start3A_176 = arith.constant 0 : i32
      %dma_start3A_177 = tpu.memref_slice %arg3[%run_scoped3A, %add3A, %dma_start3A_175, %dma_start3A_176] : memref<2x32x80x128xi32, #tpu.memory_space<hbm>> -> memref<1x1x40x128xi32, #tpu.memory_space<hbm>>
      %dma_start3A_178 = tpu.memref_squeeze %dma_start3A_177 : memref<1x1x40x128xi32, #tpu.memory_space<hbm>> -> memref<40x128xi32, #tpu.memory_space<hbm>>
      tpu.enqueue_dma source(%dma_start3A_178 : memref<40x128xi32, #tpu.memory_space<hbm>>) target(%arg6 : memref<40x128xi32, #tpu.memory_space<vmem>>) target_semaphore(%run_scoped3A_170 : memref<!tpu.dma_semaphore, #tpu.memory_space<semaphore_mem>>)
      %dma_wait3A = arith.constant 0 : i32
      %dma_wait3A_179 = arith.constant 0 : i32
      %dma_wait3A_180 = tpu.memref_slice %arg3[%run_scoped3A, %add3A, %dma_wait3A, %dma_wait3A_179] : memref<2x32x80x128xi32, #tpu.memory_space<hbm>> -> memref<1x1x40x128xi32, #tpu.memory_space<hbm>>
      %dma_wait3A_181 = tpu.memref_squeeze %dma_wait3A_180 : memref<1x1x40x128xi32, #tpu.memory_space<hbm>> -> memref<40x128xi32, #tpu.memory_space<hbm>>
      %dma_wait3A_182 = arith.constant 0 : i32
      %dma_wait3A_183 = arith.constant 0 : i32
      %dma_wait3A_184 = tpu.memref_slice %arg3[%run_scoped3A, %add3A, %dma_wait3A_182, %dma_wait3A_183] : memref<2x32x80x128xi32, #tpu.memory_space<hbm>> -> memref<1x1x40x128xi32, #tpu.memory_space<hbm>>
      %dma_wait3A_185 = tpu.memref_squeeze %dma_wait3A_184 : memref<1x1x40x128xi32, #tpu.memory_space<hbm>> -> memref<40x128xi32, #tpu.memory_space<hbm>>
      tpu.wait_dma2 semaphore(%run_scoped3A_170 : memref<!tpu.dma_semaphore, #tpu.memory_space<semaphore_mem>>) src(%dma_wait3A_185 : memref<40x128xi32, #tpu.memory_space<hbm>>) dst(%arg6 : memref<40x128xi32, #tpu.memory_space<vmem>>)
      tpu.yield
    }) : () -> ()
    %run_scoped3A_42 = arith.constant 1 : i32
    "tpu.region"() ({
      %run_scoped3A_170 = tpu.sem_alloc : memref<!tpu.dma_semaphore, #tpu.memory_space<semaphore_mem>>
      %dma_start3A_171 = arith.constant 0 : i32
      %dma_start3A_172 = arith.constant 0 : i32
      %dma_start3A_173 = tpu.memref_slice %arg3[%run_scoped3A_42, %add3A, %dma_start3A_171, %dma_start3A_172] : memref<2x32x80x128xi32, #tpu.memory_space<hbm>> -> memref<1x1x40x128xi32, #tpu.memory_space<hbm>>
      %dma_start3A_174 = tpu.memref_squeeze %dma_start3A_173 : memref<1x1x40x128xi32, #tpu.memory_space<hbm>> -> memref<40x128xi32, #tpu.memory_space<hbm>>
      %dma_start3A_175 = arith.constant 0 : i32
      %dma_start3A_176 = arith.constant 0 : i32
      %dma_start3A_177 = tpu.memref_slice %arg3[%run_scoped3A_42, %add3A, %dma_start3A_175, %dma_start3A_176] : memref<2x32x80x128xi32, #tpu.memory_space<hbm>> -> memref<1x1x40x128xi32, #tpu.memory_space<hbm>>
      %dma_start3A_178 = tpu.memref_squeeze %dma_start3A_177 : memref<1x1x40x128xi32, #tpu.memory_space<hbm>> -> memref<40x128xi32, #tpu.memory_space<hbm>>
      tpu.enqueue_dma source(%dma_start3A_178 : memref<40x128xi32, #tpu.memory_space<hbm>>) target(%arg7 : memref<40x128xi32, #tpu.memory_space<vmem>>) target_semaphore(%run_scoped3A_170 : memref<!tpu.dma_semaphore, #tpu.memory_space<semaphore_mem>>)
      %dma_wait3A = arith.constant 0 : i32
      %dma_wait3A_179 = arith.constant 0 : i32
      %dma_wait3A_180 = tpu.memref_slice %arg3[%run_scoped3A_42, %add3A, %dma_wait3A, %dma_wait3A_179] : memref<2x32x80x128xi32, #tpu.memory_space<hbm>> -> memref<1x1x40x128xi32, #tpu.memory_space<hbm>>
      %dma_wait3A_181 = tpu.memref_squeeze %dma_wait3A_180 : memref<1x1x40x128xi32, #tpu.memory_space<hbm>> -> memref<40x128xi32, #tpu.memory_space<hbm>>
      %dma_wait3A_182 = arith.constant 0 : i32
      %dma_wait3A_183 = arith.constant 0 : i32
      %dma_wait3A_184 = tpu.memref_slice %arg3[%run_scoped3A_42, %add3A, %dma_wait3A_182, %dma_wait3A_183] : memref<2x32x80x128xi32, #tpu.memory_space<hbm>> -> memref<1x1x40x128xi32, #tpu.memory_space<hbm>>
      %dma_wait3A_185 = tpu.memref_squeeze %dma_wait3A_184 : memref<1x1x40x128xi32, #tpu.memory_space<hbm>> -> memref<40x128xi32, #tpu.memory_space<hbm>>
      tpu.wait_dma2 semaphore(%run_scoped3A_170 : memref<!tpu.dma_semaphore, #tpu.memory_space<semaphore_mem>>) src(%dma_wait3A_185 : memref<40x128xi32, #tpu.memory_space<hbm>>) dst(%arg7 : memref<40x128xi32, #tpu.memory_space<vmem>>)
      tpu.yield
    }) : () -> ()
    %dma_start3A = arith.constant 0 : i32
    %dma_start3A_43 = arith.constant 0 : i32
    %dma_start3A_44 = tpu.memref_slice %arg6[%dma_start3A, %dma_start3A_43] : memref<40x128xi32, #tpu.memory_space<vmem>> -> memref<1x128xi32, #tpu.memory_space<vmem>>
    %dma_start3A_45 = tpu.memref_squeeze %dma_start3A_44 : memref<1x128xi32, #tpu.memory_space<vmem>> -> memref<128xi32, #tpu.memory_space<vmem>>
    %dma_start3A_46 = arith.constant 0 : i32
    %dma_start3A_47 = arith.constant 0 : i32
    %dma_start3A_48 = tpu.memref_slice %arg2[%dma_start3A_46, %dma_start3A_47] : memref<10000x128xf32, #tpu.memory_space<hbm>> -> memref<10000x128xf32, #tpu.memory_space<hbm>>
    tpu.enqueue_indirect_dma source(%dma_start3A_48 : memref<10000x128xf32, #tpu.memory_space<hbm>>) target(%arg8 : memref<128x128xf32, #tpu.memory_space<vmem>>) offsets(%dma_start3A_45 : memref<128xi32, #tpu.memory_space<vmem>>) semaphore(%arg10 : memref<!tpu.dma_semaphore, #tpu.memory_space<semaphore_mem>>)
    %dma_start3A_49 = arith.constant 1 : i32
    %dma_start3A_50 = arith.constant 0 : i32
    %dma_start3A_51 = tpu.memref_slice %arg6[%dma_start3A_49, %dma_start3A_50] : memref<40x128xi32, #tpu.memory_space<vmem>> -> memref<1x128xi32, #tpu.memory_space<vmem>>
    %dma_start3A_52 = tpu.memref_squeeze %dma_start3A_51 : memref<1x128xi32, #tpu.memory_space<vmem>> -> memref<128xi32, #tpu.memory_space<vmem>>
    %dma_start3A_53 = arith.constant 0 : i32
    %dma_start3A_54 = arith.constant 0 : i32
    %dma_start3A_55 = tpu.memref_slice %arg2[%dma_start3A_53, %dma_start3A_54] : memref<10000x128xf32, #tpu.memory_space<hbm>> -> memref<10000x128xf32, #tpu.memory_space<hbm>>
    tpu.enqueue_indirect_dma source(%dma_start3A_55 : memref<10000x128xf32, #tpu.memory_space<hbm>>) target(%arg9 : memref<128x128xf32, #tpu.memory_space<vmem>>) offsets(%dma_start3A_52 : memref<128xi32, #tpu.memory_space<vmem>>) semaphore(%arg11 : memref<!tpu.dma_semaphore, #tpu.memory_space<semaphore_mem>>)
    %scan3A_56 = arith.constant 0 : i32
    %scan3A_57 = arith.constant 20 : i32
    %scan3A_58 = arith.addi %scan3A_56, %scan3A_57 : i32
    %scan3A_59 = arith.constant 1 : i32
    scf.for %scan3A_170 = %scan3A_56 to %scan3A_58 step %scan3A_59  : i32 {
      %mul3A_171 = arith.constant 1 : i32
      %mul3A_172 = arith.muli %scan3A_170, %mul3A_171 : i32
      %add3A_173 = arith.constant 0 : i32
      %add3A_174 = arith.addi %add3A_173, %mul3A_172 : i32
      %mul3A_175 = arith.constant 2 : i32
      %mul3A_176 = arith.muli %mul3A_175, %add3A_174 : i32
      %dma_wait3A = arith.constant 0 : i32
      %dma_wait3A_177 = tpu.memref_slice %arg6[%mul3A_176, %dma_wait3A] : memref<40x128xi32, #tpu.memory_space<vmem>> -> memref<1x128xi32, #tpu.memory_space<vmem>>
      %dma_wait3A_178 = tpu.memref_squeeze %dma_wait3A_177 : memref<1x128xi32, #tpu.memory_space<vmem>> -> memref<128xi32, #tpu.memory_space<vmem>>
      %dma_wait3A_179 = arith.constant 0 : i32
      %dma_wait3A_180 = arith.constant 0 : i32
      %dma_wait3A_181 = tpu.memref_slice %arg2[%dma_wait3A_179, %dma_wait3A_180] : memref<10000x128xf32, #tpu.memory_space<hbm>> -> memref<10000x128xf32, #tpu.memory_space<hbm>>
      tpu.wait_indirect_dma semaphore(%arg10 : memref<!tpu.dma_semaphore, #tpu.memory_space<semaphore_mem>>) src(%dma_wait3A_181 : memref<10000x128xf32, #tpu.memory_space<hbm>>) dst(%arg8 : memref<128x128xf32, #tpu.memory_space<vmem>>)
      %dma_start3A_182 = arith.constant 0 : i32
      %dma_start3A_183 = tpu.memref_slice %arg7[%mul3A_176, %dma_start3A_182] : memref<40x128xi32, #tpu.memory_space<vmem>> -> memref<1x128xi32, #tpu.memory_space<vmem>>
      %dma_start3A_184 = tpu.memref_squeeze %dma_start3A_183 : memref<1x128xi32, #tpu.memory_space<vmem>> -> memref<128xi32, #tpu.memory_space<vmem>>
      %dma_start3A_185 = arith.constant 0 : i32
      %dma_start3A_186 = arith.constant 0 : i32
      %dma_start3A_187 = tpu.memref_slice %arg5[%dma_start3A_185, %dma_start3A_186] : memref<10128x128xf32, #tpu.memory_space<vmem_shared>> -> memref<10128x128xf32, #tpu.memory_space<vmem_shared>>
      tpu.enqueue_indirect_dma source(%arg8 : memref<128x128xf32, #tpu.memory_space<vmem>>) target(%dma_start3A_187 : memref<10128x128xf32, #tpu.memory_space<vmem_shared>>) offsets(%dma_start3A_184 : memref<128xi32, #tpu.memory_space<vmem>>) semaphore(%arg12 : memref<!tpu.dma_semaphore, #tpu.memory_space<semaphore_mem>>) {add = true}
      %add3A_188 = arith.constant 1 : i32
      %add3A_189 = arith.addi %mul3A_176, %add3A_188 : i32
      %dma_wait3A_190 = arith.constant 0 : i32
      %dma_wait3A_191 = tpu.memref_slice %arg6[%add3A_189, %dma_wait3A_190] : memref<40x128xi32, #tpu.memory_space<vmem>> -> memref<1x128xi32, #tpu.memory_space<vmem>>
      %dma_wait3A_192 = tpu.memref_squeeze %dma_wait3A_191 : memref<1x128xi32, #tpu.memory_space<vmem>> -> memref<128xi32, #tpu.memory_space<vmem>>
      %dma_wait3A_193 = arith.constant 0 : i32
      %dma_wait3A_194 = arith.constant 0 : i32
      %dma_wait3A_195 = tpu.memref_slice %arg2[%dma_wait3A_193, %dma_wait3A_194] : memref<10000x128xf32, #tpu.memory_space<hbm>> -> memref<10000x128xf32, #tpu.memory_space<hbm>>
      tpu.wait_indirect_dma semaphore(%arg11 : memref<!tpu.dma_semaphore, #tpu.memory_space<semaphore_mem>>) src(%dma_wait3A_195 : memref<10000x128xf32, #tpu.memory_space<hbm>>) dst(%arg9 : memref<128x128xf32, #tpu.memory_space<vmem>>)
      %dma_wait3A_196 = arith.constant 0 : i32
      %dma_wait3A_197 = tpu.memref_slice %arg7[%mul3A_176, %dma_wait3A_196] : memref<40x128xi32, #tpu.memory_space<vmem>> -> memref<1x128xi32, #tpu.memory_space<vmem>>
      %dma_wait3A_198 = tpu.memref_squeeze %dma_wait3A_197 : memref<1x128xi32, #tpu.memory_space<vmem>> -> memref<128xi32, #tpu.memory_space<vmem>>
      %dma_wait3A_199 = arith.constant 0 : i32
      %dma_wait3A_200 = arith.constant 0 : i32
      %dma_wait3A_201 = tpu.memref_slice %arg5[%dma_wait3A_199, %dma_wait3A_200] : memref<10128x128xf32, #tpu.memory_space<vmem_shared>> -> memref<10128x128xf32, #tpu.memory_space<vmem_shared>>
      tpu.wait_indirect_dma semaphore(%arg12 : memref<!tpu.dma_semaphore, #tpu.memory_space<semaphore_mem>>) src(%arg8 : memref<128x128xf32, #tpu.memory_space<vmem>>) dst(%dma_wait3A_201 : memref<10128x128xf32, #tpu.memory_space<vmem_shared>>)
      %add3A_202 = arith.constant 1 : i32
      %add3A_203 = arith.addi %mul3A_176, %add3A_202 : i32
      %dma_start3A_204 = arith.constant 0 : i32
      %dma_start3A_205 = tpu.memref_slice %arg7[%add3A_203, %dma_start3A_204] : memref<40x128xi32, #tpu.memory_space<vmem>> -> memref<1x128xi32, #tpu.memory_space<vmem>>
      %dma_start3A_206 = tpu.memref_squeeze %dma_start3A_205 : memref<1x128xi32, #tpu.memory_space<vmem>> -> memref<128xi32, #tpu.memory_space<vmem>>
      %dma_start3A_207 = arith.constant 0 : i32
      %dma_start3A_208 = arith.constant 0 : i32
      %dma_start3A_209 = tpu.memref_slice %arg5[%dma_start3A_207, %dma_start3A_208] : memref<10128x128xf32, #tpu.memory_space<vmem_shared>> -> memref<10128x128xf32, #tpu.memory_space<vmem_shared>>
      tpu.enqueue_indirect_dma source(%arg9 : memref<128x128xf32, #tpu.memory_space<vmem>>) target(%dma_start3A_209 : memref<10128x128xf32, #tpu.memory_space<vmem_shared>>) offsets(%dma_start3A_206 : memref<128xi32, #tpu.memory_space<vmem>>) semaphore(%arg13 : memref<!tpu.dma_semaphore, #tpu.memory_space<semaphore_mem>>) {add = true}
      %add3A_210 = arith.constant 2 : i32
      %add3A_211 = arith.addi %mul3A_176, %add3A_210 : i32
      %lt3A_212 = arith.constant 40 : i32
      %lt3A_213 = arith.cmpi slt, %add3A_211, %lt3A_212 : i32
      %convert_element_type3A_214 = arith.extui %lt3A_213 : i1 to i32
      %cond3A_215 = arith.constant 0 : i32
      %cond3A_216 = arith.cmpi ne, %convert_element_type3A_214, %cond3A_215 : i32
      scf.if %cond3A_216 {
        %add3A_230 = arith.constant 2 : i32
        %add3A_231 = arith.addi %mul3A_176, %add3A_230 : i32
        %dma_start3A_232 = arith.constant 0 : i32
        %dma_start3A_233 = tpu.memref_slice %arg6[%add3A_231, %dma_start3A_232] : memref<40x128xi32, #tpu.memory_space<vmem>> -> memref<1x128xi32, #tpu.memory_space<vmem>>
        %dma_start3A_234 = tpu.memref_squeeze %dma_start3A_233 : memref<1x128xi32, #tpu.memory_space<vmem>> -> memref<128xi32, #tpu.memory_space<vmem>>
        %dma_start3A_235 = arith.constant 0 : i32
        %dma_start3A_236 = arith.constant 0 : i32
        %dma_start3A_237 = tpu.memref_slice %arg2[%dma_start3A_235, %dma_start3A_236] : memref<10000x128xf32, #tpu.memory_space<hbm>> -> memref<10000x128xf32, #tpu.memory_space<hbm>>
        tpu.enqueue_indirect_dma source(%dma_start3A_237 : memref<10000x128xf32, #tpu.memory_space<hbm>>) target(%arg8 : memref<128x128xf32, #tpu.memory_space<vmem>>) offsets(%dma_start3A_234 : memref<128xi32, #tpu.memory_space<vmem>>) semaphore(%arg10 : memref<!tpu.dma_semaphore, #tpu.memory_space<semaphore_mem>>)
      } else {
      }
      %dma_wait3A_217 = arith.constant 0 : i32
      %dma_wait3A_218 = tpu.memref_slice %arg7[%add3A_203, %dma_wait3A_217] : memref<40x128xi32, #tpu.memory_space<vmem>> -> memref<1x128xi32, #tpu.memory_space<vmem>>
      %dma_wait3A_219 = tpu.memref_squeeze %dma_wait3A_218 : memref<1x128xi32, #tpu.memory_space<vmem>> -> memref<128xi32, #tpu.memory_space<vmem>>
      %dma_wait3A_220 = arith.constant 0 : i32
      %dma_wait3A_221 = arith.constant 0 : i32
      %dma_wait3A_222 = tpu.memref_slice %arg5[%dma_wait3A_220, %dma_wait3A_221] : memref<10128x128xf32, #tpu.memory_space<vmem_shared>> -> memref<10128x128xf32, #tpu.memory_space<vmem_shared>>
      tpu.wait_indirect_dma semaphore(%arg13 : memref<!tpu.dma_semaphore, #tpu.memory_space<semaphore_mem>>) src(%arg9 : memref<128x128xf32, #tpu.memory_space<vmem>>) dst(%dma_wait3A_222 : memref<10128x128xf32, #tpu.memory_space<vmem_shared>>)
      %add3A_223 = arith.constant 3 : i32
      %add3A_224 = arith.addi %mul3A_176, %add3A_223 : i32
      %lt3A_225 = arith.constant 40 : i32
      %lt3A_226 = arith.cmpi slt, %add3A_224, %lt3A_225 : i32
      %convert_element_type3A_227 = arith.extui %lt3A_226 : i1 to i32
      %cond3A_228 = arith.constant 0 : i32
      %cond3A_229 = arith.cmpi ne, %convert_element_type3A_227, %cond3A_228 : i32
      scf.if %cond3A_229 {
        %add3A_230 = arith.constant 3 : i32
        %add3A_231 = arith.addi %mul3A_176, %add3A_230 : i32
        %dma_start3A_232 = arith.constant 0 : i32
        %dma_start3A_233 = tpu.memref_slice %arg6[%add3A_231, %dma_start3A_232] : memref<40x128xi32, #tpu.memory_space<vmem>> -> memref<1x128xi32, #tpu.memory_space<vmem>>
        %dma_start3A_234 = tpu.memref_squeeze %dma_start3A_233 : memref<1x128xi32, #tpu.memory_space<vmem>> -> memref<128xi32, #tpu.memory_space<vmem>>
        %dma_start3A_235 = arith.constant 0 : i32
        %dma_start3A_236 = arith.constant 0 : i32
        %dma_start3A_237 = tpu.memref_slice %arg2[%dma_start3A_235, %dma_start3A_236] : memref<10000x128xf32, #tpu.memory_space<hbm>> -> memref<10000x128xf32, #tpu.memory_space<hbm>>
        tpu.enqueue_indirect_dma source(%dma_start3A_237 : memref<10000x128xf32, #tpu.memory_space<hbm>>) target(%arg9 : memref<128x128xf32, #tpu.memory_space<vmem>>) offsets(%dma_start3A_234 : memref<128xi32, #tpu.memory_space<vmem>>) semaphore(%arg11 : memref<!tpu.dma_semaphore, #tpu.memory_space<semaphore_mem>>)
      } else {
      }
    }
    %scan3A_60 = arith.constant 20 : i32
    %run_scoped3A_61 = arith.constant 0 : i32
    "tpu.region"() ({
      %run_scoped3A_170 = tpu.sem_alloc : memref<!tpu.dma_semaphore, #tpu.memory_space<semaphore_mem>>
      %dma_start3A_171 = arith.constant 40 : i32
      %dma_start3A_172 = arith.constant 0 : i32
      %dma_start3A_173 = tpu.memref_slice %arg3[%run_scoped3A_61, %add3A, %dma_start3A_171, %dma_start3A_172] : memref<2x32x80x128xi32, #tpu.memory_space<hbm>> -> memref<1x1x40x128xi32, #tpu.memory_space<hbm>>
      %dma_start3A_174 = tpu.memref_squeeze %dma_start3A_173 : memref<1x1x40x128xi32, #tpu.memory_space<hbm>> -> memref<40x128xi32, #tpu.memory_space<hbm>>
      %dma_start3A_175 = arith.constant 40 : i32
      %dma_start3A_176 = arith.constant 0 : i32
      %dma_start3A_177 = tpu.memref_slice %arg3[%run_scoped3A_61, %add3A, %dma_start3A_175, %dma_start3A_176] : memref<2x32x80x128xi32, #tpu.memory_space<hbm>> -> memref<1x1x40x128xi32, #tpu.memory_space<hbm>>
      %dma_start3A_178 = tpu.memref_squeeze %dma_start3A_177 : memref<1x1x40x128xi32, #tpu.memory_space<hbm>> -> memref<40x128xi32, #tpu.memory_space<hbm>>
      tpu.enqueue_dma source(%dma_start3A_178 : memref<40x128xi32, #tpu.memory_space<hbm>>) target(%arg6 : memref<40x128xi32, #tpu.memory_space<vmem>>) target_semaphore(%run_scoped3A_170 : memref<!tpu.dma_semaphore, #tpu.memory_space<semaphore_mem>>)
      %dma_wait3A = arith.constant 40 : i32
      %dma_wait3A_179 = arith.constant 0 : i32
      %dma_wait3A_180 = tpu.memref_slice %arg3[%run_scoped3A_61, %add3A, %dma_wait3A, %dma_wait3A_179] : memref<2x32x80x128xi32, #tpu.memory_space<hbm>> -> memref<1x1x40x128xi32, #tpu.memory_space<hbm>>
      %dma_wait3A_181 = tpu.memref_squeeze %dma_wait3A_180 : memref<1x1x40x128xi32, #tpu.memory_space<hbm>> -> memref<40x128xi32, #tpu.memory_space<hbm>>
      %dma_wait3A_182 = arith.constant 40 : i32
      %dma_wait3A_183 = arith.constant 0 : i32
      %dma_wait3A_184 = tpu.memref_slice %arg3[%run_scoped3A_61, %add3A, %dma_wait3A_182, %dma_wait3A_183] : memref<2x32x80x128xi32, #tpu.memory_space<hbm>> -> memref<1x1x40x128xi32, #tpu.memory_space<hbm>>
      %dma_wait3A_185 = tpu.memref_squeeze %dma_wait3A_184 : memref<1x1x40x128xi32, #tpu.memory_space<hbm>> -> memref<40x128xi32, #tpu.memory_space<hbm>>
      tpu.wait_dma2 semaphore(%run_scoped3A_170 : memref<!tpu.dma_semaphore, #tpu.memory_space<semaphore_mem>>) src(%dma_wait3A_185 : memref<40x128xi32, #tpu.memory_space<hbm>>) dst(%arg6 : memref<40x128xi32, #tpu.memory_space<vmem>>)
      tpu.yield
    }) : () -> ()
    %run_scoped3A_62 = arith.constant 1 : i32
    "tpu.region"() ({
      %run_scoped3A_170 = tpu.sem_alloc : memref<!tpu.dma_semaphore, #tpu.memory_space<semaphore_mem>>
      %dma_start3A_171 = arith.constant 40 : i32
      %dma_start3A_172 = arith.constant 0 : i32
      %dma_start3A_173 = tpu.memref_slice %arg3[%run_scoped3A_62, %add3A, %dma_start3A_171, %dma_start3A_172] : memref<2x32x80x128xi32, #tpu.memory_space<hbm>> -> memref<1x1x40x128xi32, #tpu.memory_space<hbm>>
      %dma_start3A_174 = tpu.memref_squeeze %dma_start3A_173 : memref<1x1x40x128xi32, #tpu.memory_space<hbm>> -> memref<40x128xi32, #tpu.memory_space<hbm>>
      %dma_start3A_175 = arith.constant 40 : i32
      %dma_start3A_176 = arith.constant 0 : i32
      %dma_start3A_177 = tpu.memref_slice %arg3[%run_scoped3A_62, %add3A, %dma_start3A_175, %dma_start3A_176] : memref<2x32x80x128xi32, #tpu.memory_space<hbm>> -> memref<1x1x40x128xi32, #tpu.memory_space<hbm>>
      %dma_start3A_178 = tpu.memref_squeeze %dma_start3A_177 : memref<1x1x40x128xi32, #tpu.memory_space<hbm>> -> memref<40x128xi32, #tpu.memory_space<hbm>>
      tpu.enqueue_dma source(%dma_start3A_178 : memref<40x128xi32, #tpu.memory_space<hbm>>) target(%arg7 : memref<40x128xi32, #tpu.memory_space<vmem>>) target_semaphore(%run_scoped3A_170 : memref<!tpu.dma_semaphore, #tpu.memory_space<semaphore_mem>>)
      %dma_wait3A = arith.constant 40 : i32
      %dma_wait3A_179 = arith.constant 0 : i32
      %dma_wait3A_180 = tpu.memref_slice %arg3[%run_scoped3A_62, %add3A, %dma_wait3A, %dma_wait3A_179] : memref<2x32x80x128xi32, #tpu.memory_space<hbm>> -> memref<1x1x40x128xi32, #tpu.memory_space<hbm>>
      %dma_wait3A_181 = tpu.memref_squeeze %dma_wait3A_180 : memref<1x1x40x128xi32, #tpu.memory_space<hbm>> -> memref<40x128xi32, #tpu.memory_space<hbm>>
      %dma_wait3A_182 = arith.constant 40 : i32
      %dma_wait3A_183 = arith.constant 0 : i32
      %dma_wait3A_184 = tpu.memref_slice %arg3[%run_scoped3A_62, %add3A, %dma_wait3A_182, %dma_wait3A_183] : memref<2x32x80x128xi32, #tpu.memory_space<hbm>> -> memref<1x1x40x128xi32, #tpu.memory_space<hbm>>
      %dma_wait3A_185 = tpu.memref_squeeze %dma_wait3A_184 : memref<1x1x40x128xi32, #tpu.memory_space<hbm>> -> memref<40x128xi32, #tpu.memory_space<hbm>>
      tpu.wait_dma2 semaphore(%run_scoped3A_170 : memref<!tpu.dma_semaphore, #tpu.memory_space<semaphore_mem>>) src(%dma_wait3A_185 : memref<40x128xi32, #tpu.memory_space<hbm>>) dst(%arg7 : memref<40x128xi32, #tpu.memory_space<vmem>>)
      tpu.yield
    }) : () -> ()
    %dma_start3A_63 = arith.constant 0 : i32
    %dma_start3A_64 = arith.constant 0 : i32
    %dma_start3A_65 = tpu.memref_slice %arg6[%dma_start3A_63, %dma_start3A_64] : memref<40x128xi32, #tpu.memory_space<vmem>> -> memref<1x128xi32, #tpu.memory_space<vmem>>
    %dma_start3A_66 = tpu.memref_squeeze %dma_start3A_65 : memref<1x128xi32, #tpu.memory_space<vmem>> -> memref<128xi32, #tpu.memory_space<vmem>>
    %dma_start3A_67 = arith.constant 0 : i32
    %dma_start3A_68 = arith.constant 0 : i32
    %dma_start3A_69 = tpu.memref_slice %arg2[%dma_start3A_67, %dma_start3A_68] : memref<10000x128xf32, #tpu.memory_space<hbm>> -> memref<10000x128xf32, #tpu.memory_space<hbm>>
    tpu.enqueue_indirect_dma source(%dma_start3A_69 : memref<10000x128xf32, #tpu.memory_space<hbm>>) target(%arg8 : memref<128x128xf32, #tpu.memory_space<vmem>>) offsets(%dma_start3A_66 : memref<128xi32, #tpu.memory_space<vmem>>) semaphore(%arg10 : memref<!tpu.dma_semaphore, #tpu.memory_space<semaphore_mem>>)
    %dma_start3A_70 = arith.constant 1 : i32
    %dma_start3A_71 = arith.constant 0 : i32
    %dma_start3A_72 = tpu.memref_slice %arg6[%dma_start3A_70, %dma_start3A_71] : memref<40x128xi32, #tpu.memory_space<vmem>> -> memref<1x128xi32, #tpu.memory_space<vmem>>
    %dma_start3A_73 = tpu.memref_squeeze %dma_start3A_72 : memref<1x128xi32, #tpu.memory_space<vmem>> -> memref<128xi32, #tpu.memory_space<vmem>>
    %dma_start3A_74 = arith.constant 0 : i32
    %dma_start3A_75 = arith.constant 0 : i32
    %dma_start3A_76 = tpu.memref_slice %arg2[%dma_start3A_74, %dma_start3A_75] : memref<10000x128xf32, #tpu.memory_space<hbm>> -> memref<10000x128xf32, #tpu.memory_space<hbm>>
    tpu.enqueue_indirect_dma source(%dma_start3A_76 : memref<10000x128xf32, #tpu.memory_space<hbm>>) target(%arg9 : memref<128x128xf32, #tpu.memory_space<vmem>>) offsets(%dma_start3A_73 : memref<128xi32, #tpu.memory_space<vmem>>) semaphore(%arg11 : memref<!tpu.dma_semaphore, #tpu.memory_space<semaphore_mem>>)
    %scan3A_77 = arith.constant 0 : i32
    %scan3A_78 = arith.constant 20 : i32
    %scan3A_79 = arith.addi %scan3A_77, %scan3A_78 : i32
    %scan3A_80 = arith.constant 1 : i32
    scf.for %scan3A_170 = %scan3A_77 to %scan3A_79 step %scan3A_80  : i32 {
      %mul3A_171 = arith.constant 1 : i32
      %mul3A_172 = arith.muli %scan3A_170, %mul3A_171 : i32
      %add3A_173 = arith.constant 0 : i32
      %add3A_174 = arith.addi %add3A_173, %mul3A_172 : i32
      %mul3A_175 = arith.constant 2 : i32
      %mul3A_176 = arith.muli %mul3A_175, %add3A_174 : i32
      %dma_wait3A = arith.constant 0 : i32
      %dma_wait3A_177 = tpu.memref_slice %arg6[%mul3A_176, %dma_wait3A] : memref<40x128xi32, #tpu.memory_space<vmem>> -> memref<1x128xi32, #tpu.memory_space<vmem>>
      %dma_wait3A_178 = tpu.memref_squeeze %dma_wait3A_177 : memref<1x128xi32, #tpu.memory_space<vmem>> -> memref<128xi32, #tpu.memory_space<vmem>>
      %dma_wait3A_179 = arith.constant 0 : i32
      %dma_wait3A_180 = arith.constant 0 : i32
      %dma_wait3A_181 = tpu.memref_slice %arg2[%dma_wait3A_179, %dma_wait3A_180] : memref<10000x128xf32, #tpu.memory_space<hbm>> -> memref<10000x128xf32, #tpu.memory_space<hbm>>
      tpu.wait_indirect_dma semaphore(%arg10 : memref<!tpu.dma_semaphore, #tpu.memory_space<semaphore_mem>>) src(%dma_wait3A_181 : memref<10000x128xf32, #tpu.memory_space<hbm>>) dst(%arg8 : memref<128x128xf32, #tpu.memory_space<vmem>>)
      %dma_start3A_182 = arith.constant 0 : i32
      %dma_start3A_183 = tpu.memref_slice %arg7[%mul3A_176, %dma_start3A_182] : memref<40x128xi32, #tpu.memory_space<vmem>> -> memref<1x128xi32, #tpu.memory_space<vmem>>
      %dma_start3A_184 = tpu.memref_squeeze %dma_start3A_183 : memref<1x128xi32, #tpu.memory_space<vmem>> -> memref<128xi32, #tpu.memory_space<vmem>>
      %dma_start3A_185 = arith.constant 0 : i32
      %dma_start3A_186 = arith.constant 0 : i32
      %dma_start3A_187 = tpu.memref_slice %arg5[%dma_start3A_185, %dma_start3A_186] : memref<10128x128xf32, #tpu.memory_space<vmem_shared>> -> memref<10128x128xf32, #tpu.memory_space<vmem_shared>>
      tpu.enqueue_indirect_dma source(%arg8 : memref<128x128xf32, #tpu.memory_space<vmem>>) target(%dma_start3A_187 : memref<10128x128xf32, #tpu.memory_space<vmem_shared>>) offsets(%dma_start3A_184 : memref<128xi32, #tpu.memory_space<vmem>>) semaphore(%arg12 : memref<!tpu.dma_semaphore, #tpu.memory_space<semaphore_mem>>) {add = true}
      %add3A_188 = arith.constant 1 : i32
      %add3A_189 = arith.addi %mul3A_176, %add3A_188 : i32
      %dma_wait3A_190 = arith.constant 0 : i32
      %dma_wait3A_191 = tpu.memref_slice %arg6[%add3A_189, %dma_wait3A_190] : memref<40x128xi32, #tpu.memory_space<vmem>> -> memref<1x128xi32, #tpu.memory_space<vmem>>
      %dma_wait3A_192 = tpu.memref_squeeze %dma_wait3A_191 : memref<1x128xi32, #tpu.memory_space<vmem>> -> memref<128xi32, #tpu.memory_space<vmem>>
      %dma_wait3A_193 = arith.constant 0 : i32
      %dma_wait3A_194 = arith.constant 0 : i32
      %dma_wait3A_195 = tpu.memref_slice %arg2[%dma_wait3A_193, %dma_wait3A_194] : memref<10000x128xf32, #tpu.memory_space<hbm>> -> memref<10000x128xf32, #tpu.memory_space<hbm>>
      tpu.wait_indirect_dma semaphore(%arg11 : memref<!tpu.dma_semaphore, #tpu.memory_space<semaphore_mem>>) src(%dma_wait3A_195 : memref<10000x128xf32, #tpu.memory_space<hbm>>) dst(%arg9 : memref<128x128xf32, #tpu.memory_space<vmem>>)
      %dma_wait3A_196 = arith.constant 0 : i32
      %dma_wait3A_197 = tpu.memref_slice %arg7[%mul3A_176, %dma_wait3A_196] : memref<40x128xi32, #tpu.memory_space<vmem>> -> memref<1x128xi32, #tpu.memory_space<vmem>>
      %dma_wait3A_198 = tpu.memref_squeeze %dma_wait3A_197 : memref<1x128xi32, #tpu.memory_space<vmem>> -> memref<128xi32, #tpu.memory_space<vmem>>
      %dma_wait3A_199 = arith.constant 0 : i32
      %dma_wait3A_200 = arith.constant 0 : i32
      %dma_wait3A_201 = tpu.memref_slice %arg5[%dma_wait3A_199, %dma_wait3A_200] : memref<10128x128xf32, #tpu.memory_space<vmem_shared>> -> memref<10128x128xf32, #tpu.memory_space<vmem_shared>>
      tpu.wait_indirect_dma semaphore(%arg12 : memref<!tpu.dma_semaphore, #tpu.memory_space<semaphore_mem>>) src(%arg8 : memref<128x128xf32, #tpu.memory_space<vmem>>) dst(%dma_wait3A_201 : memref<10128x128xf32, #tpu.memory_space<vmem_shared>>)
      %add3A_202 = arith.constant 1 : i32
      %add3A_203 = arith.addi %mul3A_176, %add3A_202 : i32
      %dma_start3A_204 = arith.constant 0 : i32
      %dma_start3A_205 = tpu.memref_slice %arg7[%add3A_203, %dma_start3A_204] : memref<40x128xi32, #tpu.memory_space<vmem>> -> memref<1x128xi32, #tpu.memory_space<vmem>>
      %dma_start3A_206 = tpu.memref_squeeze %dma_start3A_205 : memref<1x128xi32, #tpu.memory_space<vmem>> -> memref<128xi32, #tpu.memory_space<vmem>>
      %dma_start3A_207 = arith.constant 0 : i32
      %dma_start3A_208 = arith.constant 0 : i32
      %dma_start3A_209 = tpu.memref_slice %arg5[%dma_start3A_207, %dma_start3A_208] : memref<10128x128xf32, #tpu.memory_space<vmem_shared>> -> memref<10128x128xf32, #tpu.memory_space<vmem_shared>>
      tpu.enqueue_indirect_dma source(%arg9 : memref<128x128xf32, #tpu.memory_space<vmem>>) target(%dma_start3A_209 : memref<10128x128xf32, #tpu.memory_space<vmem_shared>>) offsets(%dma_start3A_206 : memref<128xi32, #tpu.memory_space<vmem>>) semaphore(%arg13 : memref<!tpu.dma_semaphore, #tpu.memory_space<semaphore_mem>>) {add = true}
      %add3A_210 = arith.constant 2 : i32
      %add3A_211 = arith.addi %mul3A_176, %add3A_210 : i32
      %lt3A_212 = arith.constant 40 : i32
      %lt3A_213 = arith.cmpi slt, %add3A_211, %lt3A_212 : i32
      %convert_element_type3A_214 = arith.extui %lt3A_213 : i1 to i32
      %cond3A_215 = arith.constant 0 : i32
      %cond3A_216 = arith.cmpi ne, %convert_element_type3A_214, %cond3A_215 : i32
      scf.if %cond3A_216 {
        %add3A_230 = arith.constant 2 : i32
        %add3A_231 = arith.addi %mul3A_176, %add3A_230 : i32
        %dma_start3A_232 = arith.constant 0 : i32
        %dma_start3A_233 = tpu.memref_slice %arg6[%add3A_231, %dma_start3A_232] : memref<40x128xi32, #tpu.memory_space<vmem>> -> memref<1x128xi32, #tpu.memory_space<vmem>>
        %dma_start3A_234 = tpu.memref_squeeze %dma_start3A_233 : memref<1x128xi32, #tpu.memory_space<vmem>> -> memref<128xi32, #tpu.memory_space<vmem>>
        %dma_start3A_235 = arith.constant 0 : i32
        %dma_start3A_236 = arith.constant 0 : i32
        %dma_start3A_237 = tpu.memref_slice %arg2[%dma_start3A_235, %dma_start3A_236] : memref<10000x128xf32, #tpu.memory_space<hbm>> -> memref<10000x128xf32, #tpu.memory_space<hbm>>
        tpu.enqueue_indirect_dma source(%dma_start3A_237 : memref<10000x128xf32, #tpu.memory_space<hbm>>) target(%arg8 : memref<128x128xf32, #tpu.memory_space<vmem>>) offsets(%dma_start3A_234 : memref<128xi32, #tpu.memory_space<vmem>>) semaphore(%arg10 : memref<!tpu.dma_semaphore, #tpu.memory_space<semaphore_mem>>)
      } else {
      }
      %dma_wait3A_217 = arith.constant 0 : i32
      %dma_wait3A_218 = tpu.memref_slice %arg7[%add3A_203, %dma_wait3A_217] : memref<40x128xi32, #tpu.memory_space<vmem>> -> memref<1x128xi32, #tpu.memory_space<vmem>>
      %dma_wait3A_219 = tpu.memref_squeeze %dma_wait3A_218 : memref<1x128xi32, #tpu.memory_space<vmem>> -> memref<128xi32, #tpu.memory_space<vmem>>
      %dma_wait3A_220 = arith.constant 0 : i32
      %dma_wait3A_221 = arith.constant 0 : i32
      %dma_wait3A_222 = tpu.memref_slice %arg5[%dma_wait3A_220, %dma_wait3A_221] : memref<10128x128xf32, #tpu.memory_space<vmem_shared>> -> memref<10128x128xf32, #tpu.memory_space<vmem_shared>>
      tpu.wait_indirect_dma semaphore(%arg13 : memref<!tpu.dma_semaphore, #tpu.memory_space<semaphore_mem>>) src(%arg9 : memref<128x128xf32, #tpu.memory_space<vmem>>) dst(%dma_wait3A_222 : memref<10128x128xf32, #tpu.memory_space<vmem_shared>>)
      %add3A_223 = arith.constant 3 : i32
      %add3A_224 = arith.addi %mul3A_176, %add3A_223 : i32
      %lt3A_225 = arith.constant 40 : i32
      %lt3A_226 = arith.cmpi slt, %add3A_224, %lt3A_225 : i32
      %convert_element_type3A_227 = arith.extui %lt3A_226 : i1 to i32
      %cond3A_228 = arith.constant 0 : i32
      %cond3A_229 = arith.cmpi ne, %convert_element_type3A_227, %cond3A_228 : i32
      scf.if %cond3A_229 {
        %add3A_230 = arith.constant 3 : i32
        %add3A_231 = arith.addi %mul3A_176, %add3A_230 : i32
        %dma_start3A_232 = arith.constant 0 : i32
        %dma_start3A_233 = tpu.memref_slice %arg6[%add3A_231, %dma_start3A_232] : memref<40x128xi32, #tpu.memory_space<vmem>> -> memref<1x128xi32, #tpu.memory_space<vmem>>
        %dma_start3A_234 = tpu.memref_squeeze %dma_start3A_233 : memref<1x128xi32, #tpu.memory_space<vmem>> -> memref<128xi32, #tpu.memory_space<vmem>>
        %dma_start3A_235 = arith.constant 0 : i32
        %dma_start3A_236 = arith.constant 0 : i32
        %dma_start3A_237 = tpu.memref_slice %arg2[%dma_start3A_235, %dma_start3A_236] : memref<10000x128xf32, #tpu.memory_space<hbm>> -> memref<10000x128xf32, #tpu.memory_space<hbm>>
        tpu.enqueue_indirect_dma source(%dma_start3A_237 : memref<10000x128xf32, #tpu.memory_space<hbm>>) target(%arg9 : memref<128x128xf32, #tpu.memory_space<vmem>>) offsets(%dma_start3A_234 : memref<128xi32, #tpu.memory_space<vmem>>) semaphore(%arg11 : memref<!tpu.dma_semaphore, #tpu.memory_space<semaphore_mem>>)
      } else {
      }
    }
    %scan3A_81 = arith.constant 20 : i32
    %barrier3A_82 = arith.constant 0 : index
    tpu.barrier barrier_id(%barrier3A_82)
    %mul3A_83 = arith.constant 80 : i32
    %mul3A_84 = arith.muli %arg1, %mul3A_83 : i32
    %add3A_85 = arith.constant 0 : i32
    %add3A_86 = arith.addi %mul3A_84, %add3A_85 : i32
    %lt3A = arith.constant 10000 : i32
    %lt3A_87 = arith.cmpi slt, %add3A_86, %lt3A : i32
    %convert_element_type3A = arith.extui %lt3A_87 : i1 to i32
    %cond3A = arith.constant 0 : i32
    %cond3A_88 = arith.cmpi ne, %convert_element_type3A, %cond3A : i32
    scf.if %cond3A_88 {
      "tpu.region"() ({
        %run_scoped3A_182 = tpu.sem_alloc : memref<!tpu.dma_semaphore, #tpu.memory_space<semaphore_mem>>
        %dma_start3A_183 = arith.constant 0 : i32
        %dma_start3A_184 = arith.constant 0 : i32
        %dma_start3A_185 = tpu.memref_slice %arg8[%dma_start3A_183, %dma_start3A_184] : memref<128x128xf32, #tpu.memory_space<vmem>> -> memref<80x128xf32, #tpu.memory_space<vmem>>
        %dma_start3A_186 = arith.constant 0 : i32
        %dma_start3A_187 = tpu.memref_slice %arg5[%add3A_86, %dma_start3A_186] : memref<10128x128xf32, #tpu.memory_space<vmem_shared>> -> memref<80x128xf32, #tpu.memory_space<vmem_shared>>
        %dma_start3A_188 = arith.constant 0 : i32
        %dma_start3A_189 = arith.constant 0 : i32
        %dma_start3A_190 = tpu.memref_slice %arg8[%dma_start3A_188, %dma_start3A_189] : memref<128x128xf32, #tpu.memory_space<vmem>> -> memref<80x128xf32, #tpu.memory_space<vmem>>
        %dma_start3A_191 = arith.constant 0 : i32
        %dma_start3A_192 = tpu.memref_slice %arg5[%add3A_86, %dma_start3A_191] : memref<10128x128xf32, #tpu.memory_space<vmem_shared>> -> memref<80x128xf32, #tpu.memory_space<vmem_shared>>
        tpu.enqueue_dma source(%dma_start3A_192 : memref<80x128xf32, #tpu.memory_space<vmem_shared>>) target(%dma_start3A_190 : memref<80x128xf32, #tpu.memory_space<vmem>>) target_semaphore(%run_scoped3A_182 : memref<!tpu.dma_semaphore, #tpu.memory_space<semaphore_mem>>)
        %dma_wait3A = arith.constant 0 : i32
        %dma_wait3A_193 = arith.constant 0 : i32
        %dma_wait3A_194 = tpu.memref_slice %arg8[%dma_wait3A, %dma_wait3A_193] : memref<128x128xf32, #tpu.memory_space<vmem>> -> memref<80x128xf32, #tpu.memory_space<vmem>>
        %dma_wait3A_195 = arith.constant 0 : i32
        %dma_wait3A_196 = tpu.memref_slice %arg5[%add3A_86, %dma_wait3A_195] : memref<10128x128xf32, #tpu.memory_space<vmem_shared>> -> memref<80x128xf32, #tpu.memory_space<vmem_shared>>
        %dma_wait3A_197 = arith.constant 0 : i32
        %dma_wait3A_198 = arith.constant 0 : i32
        %dma_wait3A_199 = tpu.memref_slice %arg8[%dma_wait3A_197, %dma_wait3A_198] : memref<128x128xf32, #tpu.memory_space<vmem>> -> memref<80x128xf32, #tpu.memory_space<vmem>>
        %dma_wait3A_200 = arith.constant 0 : i32
        %dma_wait3A_201 = tpu.memref_slice %arg5[%add3A_86, %dma_wait3A_200] : memref<10128x128xf32, #tpu.memory_space<vmem_shared>> -> memref<80x128xf32, #tpu.memory_space<vmem_shared>>
        tpu.wait_dma2 semaphore(%run_scoped3A_182 : memref<!tpu.dma_semaphore, #tpu.memory_space<semaphore_mem>>) src(%dma_wait3A_201 : memref<80x128xf32, #tpu.memory_space<vmem_shared>>) dst(%dma_wait3A_199 : memref<80x128xf32, #tpu.memory_space<vmem>>)
        tpu.yield
      }) : () -> ()
      %dma_start3A_170 = arith.constant 0 : i32
      %dma_start3A_171 = arith.constant 0 : i32
      %dma_start3A_172 = tpu.memref_slice %arg8[%dma_start3A_170, %dma_start3A_171] : memref<128x128xf32, #tpu.memory_space<vmem>> -> memref<80x128xf32, #tpu.memory_space<vmem>>
      %dma_start3A_173 = arith.constant 0 : i32
      %dma_start3A_174 = tpu.memref_slice %arg4[%arg0, %add3A_86, %dma_start3A_173] : memref<2x10000x128xf32, #tpu.memory_space<hbm>> -> memref<1x80x128xf32, #tpu.memory_space<hbm>>
      %dma_start3A_175 = tpu.memref_squeeze %dma_start3A_174 : memref<1x80x128xf32, #tpu.memory_space<hbm>> -> memref<80x128xf32, #tpu.memory_space<hbm>>
      %dma_start3A_176 = arith.constant 0 : i32
      %dma_start3A_177 = tpu.memref_slice %arg4[%arg0, %add3A_86, %dma_start3A_176] : memref<2x10000x128xf32, #tpu.memory_space<hbm>> -> memref<1x80x128xf32, #tpu.memory_space<hbm>>
      %dma_start3A_178 = tpu.memref_squeeze %dma_start3A_177 : memref<1x80x128xf32, #tpu.memory_space<hbm>> -> memref<80x128xf32, #tpu.memory_space<hbm>>
      %dma_start3A_179 = arith.constant 0 : i32
      %dma_start3A_180 = arith.constant 0 : i32
      %dma_start3A_181 = tpu.memref_slice %arg8[%dma_start3A_179, %dma_start3A_180] : memref<128x128xf32, #tpu.memory_space<vmem>> -> memref<80x128xf32, #tpu.memory_space<vmem>>
      tpu.enqueue_dma source(%dma_start3A_181 : memref<80x128xf32, #tpu.memory_space<vmem>>) target(%dma_start3A_178 : memref<80x128xf32, #tpu.memory_space<hbm>>) target_semaphore(%arg10 : memref<!tpu.dma_semaphore, #tpu.memory_space<semaphore_mem>>)
    } else {
    }
    %mul3A_89 = arith.constant 80 : i32
    %mul3A_90 = arith.muli %arg1, %mul3A_89 : i32
    %add3A_91 = arith.constant 1280 : i32
    %add3A_92 = arith.addi %mul3A_90, %add3A_91 : i32
    %lt3A_93 = arith.constant 10000 : i32
    %lt3A_94 = arith.cmpi slt, %add3A_92, %lt3A_93 : i32
    %convert_element_type3A_95 = arith.extui %lt3A_94 : i1 to i32
    %cond3A_96 = arith.constant 0 : i32
    %cond3A_97 = arith.cmpi ne, %convert_element_type3A_95, %cond3A_96 : i32
    scf.if %cond3A_97 {
      "tpu.region"() ({
        %run_scoped3A_182 = tpu.sem_alloc : memref<!tpu.dma_semaphore, #tpu.memory_space<semaphore_mem>>
        %dma_start3A_183 = arith.constant 0 : i32
        %dma_start3A_184 = arith.constant 0 : i32
        %dma_start3A_185 = tpu.memref_slice %arg9[%dma_start3A_183, %dma_start3A_184] : memref<128x128xf32, #tpu.memory_space<vmem>> -> memref<80x128xf32, #tpu.memory_space<vmem>>
        %dma_start3A_186 = arith.constant 0 : i32
        %dma_start3A_187 = tpu.memref_slice %arg5[%add3A_92, %dma_start3A_186] : memref<10128x128xf32, #tpu.memory_space<vmem_shared>> -> memref<80x128xf32, #tpu.memory_space<vmem_shared>>
        %dma_start3A_188 = arith.constant 0 : i32
        %dma_start3A_189 = arith.constant 0 : i32
        %dma_start3A_190 = tpu.memref_slice %arg9[%dma_start3A_188, %dma_start3A_189] : memref<128x128xf32, #tpu.memory_space<vmem>> -> memref<80x128xf32, #tpu.memory_space<vmem>>
        %dma_start3A_191 = arith.constant 0 : i32
        %dma_start3A_192 = tpu.memref_slice %arg5[%add3A_92, %dma_start3A_191] : memref<10128x128xf32, #tpu.memory_space<vmem_shared>> -> memref<80x128xf32, #tpu.memory_space<vmem_shared>>
        tpu.enqueue_dma source(%dma_start3A_192 : memref<80x128xf32, #tpu.memory_space<vmem_shared>>) target(%dma_start3A_190 : memref<80x128xf32, #tpu.memory_space<vmem>>) target_semaphore(%run_scoped3A_182 : memref<!tpu.dma_semaphore, #tpu.memory_space<semaphore_mem>>)
        %dma_wait3A = arith.constant 0 : i32
        %dma_wait3A_193 = arith.constant 0 : i32
        %dma_wait3A_194 = tpu.memref_slice %arg9[%dma_wait3A, %dma_wait3A_193] : memref<128x128xf32, #tpu.memory_space<vmem>> -> memref<80x128xf32, #tpu.memory_space<vmem>>
        %dma_wait3A_195 = arith.constant 0 : i32
        %dma_wait3A_196 = tpu.memref_slice %arg5[%add3A_92, %dma_wait3A_195] : memref<10128x128xf32, #tpu.memory_space<vmem_shared>> -> memref<80x128xf32, #tpu.memory_space<vmem_shared>>
        %dma_wait3A_197 = arith.constant 0 : i32
        %dma_wait3A_198 = arith.constant 0 : i32
        %dma_wait3A_199 = tpu.memref_slice %arg9[%dma_wait3A_197, %dma_wait3A_198] : memref<128x128xf32, #tpu.memory_space<vmem>> -> memref<80x128xf32, #tpu.memory_space<vmem>>
        %dma_wait3A_200 = arith.constant 0 : i32
        %dma_wait3A_201 = tpu.memref_slice %arg5[%add3A_92, %dma_wait3A_200] : memref<10128x128xf32, #tpu.memory_space<vmem_shared>> -> memref<80x128xf32, #tpu.memory_space<vmem_shared>>
        tpu.wait_dma2 semaphore(%run_scoped3A_182 : memref<!tpu.dma_semaphore, #tpu.memory_space<semaphore_mem>>) src(%dma_wait3A_201 : memref<80x128xf32, #tpu.memory_space<vmem_shared>>) dst(%dma_wait3A_199 : memref<80x128xf32, #tpu.memory_space<vmem>>)
        tpu.yield
      }) : () -> ()
      %dma_start3A_170 = arith.constant 0 : i32
      %dma_start3A_171 = arith.constant 0 : i32
      %dma_start3A_172 = tpu.memref_slice %arg9[%dma_start3A_170, %dma_start3A_171] : memref<128x128xf32, #tpu.memory_space<vmem>> -> memref<80x128xf32, #tpu.memory_space<vmem>>
      %dma_start3A_173 = arith.constant 0 : i32
      %dma_start3A_174 = tpu.memref_slice %arg4[%arg0, %add3A_92, %dma_start3A_173] : memref<2x10000x128xf32, #tpu.memory_space<hbm>> -> memref<1x80x128xf32, #tpu.memory_space<hbm>>
      %dma_start3A_175 = tpu.memref_squeeze %dma_start3A_174 : memref<1x80x128xf32, #tpu.memory_space<hbm>> -> memref<80x128xf32, #tpu.memory_space<hbm>>
      %dma_start3A_176 = arith.constant 0 : i32
      %dma_start3A_177 = tpu.memref_slice %arg4[%arg0, %add3A_92, %dma_start3A_176] : memref<2x10000x128xf32, #tpu.memory_space<hbm>> -> memref<1x80x128xf32, #tpu.memory_space<hbm>>
      %dma_start3A_178 = tpu.memref_squeeze %dma_start3A_177 : memref<1x80x128xf32, #tpu.memory_space<hbm>> -> memref<80x128xf32, #tpu.memory_space<hbm>>
      %dma_start3A_179 = arith.constant 0 : i32
      %dma_start3A_180 = arith.constant 0 : i32
      %dma_start3A_181 = tpu.memref_slice %arg9[%dma_start3A_179, %dma_start3A_180] : memref<128x128xf32, #tpu.memory_space<vmem>> -> memref<80x128xf32, #tpu.memory_space<vmem>>
      tpu.enqueue_dma source(%dma_start3A_181 : memref<80x128xf32, #tpu.memory_space<vmem>>) target(%dma_start3A_178 : memref<80x128xf32, #tpu.memory_space<hbm>>) target_semaphore(%arg11 : memref<!tpu.dma_semaphore, #tpu.memory_space<semaphore_mem>>)
    } else {
    }
    %mul3A_98 = arith.constant 80 : i32
    %mul3A_99 = arith.muli %arg1, %mul3A_98 : i32
    %add3A_100 = arith.constant 2560 : i32
    %add3A_101 = arith.addi %mul3A_99, %add3A_100 : i32
    %lt3A_102 = arith.constant 10000 : i32
    %lt3A_103 = arith.cmpi slt, %add3A_101, %lt3A_102 : i32
    %convert_element_type3A_104 = arith.extui %lt3A_103 : i1 to i32
    %cond3A_105 = arith.constant 0 : i32
    %cond3A_106 = arith.cmpi ne, %convert_element_type3A_104, %cond3A_105 : i32
    scf.if %cond3A_106 {
      %sub3A_170 = arith.constant 2560 : i32
      %sub3A_171 = arith.subi %add3A_101, %sub3A_170 : i32
      %dma_wait3A = arith.constant 0 : i32
      %dma_wait3A_172 = arith.constant 0 : i32
      %dma_wait3A_173 = tpu.memref_slice %arg8[%dma_wait3A, %dma_wait3A_172] : memref<128x128xf32, #tpu.memory_space<vmem>> -> memref<80x128xf32, #tpu.memory_space<vmem>>
      %dma_wait3A_174 = arith.constant 0 : i32
      %dma_wait3A_175 = tpu.memref_slice %arg4[%arg0, %sub3A_171, %dma_wait3A_174] : memref<2x10000x128xf32, #tpu.memory_space<hbm>> -> memref<1x80x128xf32, #tpu.memory_space<hbm>>
      %dma_wait3A_176 = tpu.memref_squeeze %dma_wait3A_175 : memref<1x80x128xf32, #tpu.memory_space<hbm>> -> memref<80x128xf32, #tpu.memory_space<hbm>>
      %dma_wait3A_177 = arith.constant 0 : i32
      %dma_wait3A_178 = tpu.memref_slice %arg4[%arg0, %sub3A_171, %dma_wait3A_177] : memref<2x10000x128xf32, #tpu.memory_space<hbm>> -> memref<1x80x128xf32, #tpu.memory_space<hbm>>
      %dma_wait3A_179 = tpu.memref_squeeze %dma_wait3A_178 : memref<1x80x128xf32, #tpu.memory_space<hbm>> -> memref<80x128xf32, #tpu.memory_space<hbm>>
      %dma_wait3A_180 = arith.constant 0 : i32
      %dma_wait3A_181 = arith.constant 0 : i32
      %dma_wait3A_182 = tpu.memref_slice %arg8[%dma_wait3A_180, %dma_wait3A_181] : memref<128x128xf32, #tpu.memory_space<vmem>> -> memref<80x128xf32, #tpu.memory_space<vmem>>
      tpu.wait_dma2 semaphore(%arg10 : memref<!tpu.dma_semaphore, #tpu.memory_space<semaphore_mem>>) src(%dma_wait3A_182 : memref<80x128xf32, #tpu.memory_space<vmem>>) dst(%dma_wait3A_179 : memref<80x128xf32, #tpu.memory_space<hbm>>)
      "tpu.region"() ({
        %run_scoped3A_195 = tpu.sem_alloc : memref<!tpu.dma_semaphore, #tpu.memory_space<semaphore_mem>>
        %dma_start3A_196 = arith.constant 0 : i32
        %dma_start3A_197 = arith.constant 0 : i32
        %dma_start3A_198 = tpu.memref_slice %arg8[%dma_start3A_196, %dma_start3A_197] : memref<128x128xf32, #tpu.memory_space<vmem>> -> memref<80x128xf32, #tpu.memory_space<vmem>>
        %dma_start3A_199 = arith.constant 0 : i32
        %dma_start3A_200 = tpu.memref_slice %arg5[%add3A_101, %dma_start3A_199] : memref<10128x128xf32, #tpu.memory_space<vmem_shared>> -> memref<80x128xf32, #tpu.memory_space<vmem_shared>>
        %dma_start3A_201 = arith.constant 0 : i32
        %dma_start3A_202 = arith.constant 0 : i32
        %dma_start3A_203 = tpu.memref_slice %arg8[%dma_start3A_201, %dma_start3A_202] : memref<128x128xf32, #tpu.memory_space<vmem>> -> memref<80x128xf32, #tpu.memory_space<vmem>>
        %dma_start3A_204 = arith.constant 0 : i32
        %dma_start3A_205 = tpu.memref_slice %arg5[%add3A_101, %dma_start3A_204] : memref<10128x128xf32, #tpu.memory_space<vmem_shared>> -> memref<80x128xf32, #tpu.memory_space<vmem_shared>>
        tpu.enqueue_dma source(%dma_start3A_205 : memref<80x128xf32, #tpu.memory_space<vmem_shared>>) target(%dma_start3A_203 : memref<80x128xf32, #tpu.memory_space<vmem>>) target_semaphore(%run_scoped3A_195 : memref<!tpu.dma_semaphore, #tpu.memory_space<semaphore_mem>>)
        %dma_wait3A_206 = arith.constant 0 : i32
        %dma_wait3A_207 = arith.constant 0 : i32
        %dma_wait3A_208 = tpu.memref_slice %arg8[%dma_wait3A_206, %dma_wait3A_207] : memref<128x128xf32, #tpu.memory_space<vmem>> -> memref<80x128xf32, #tpu.memory_space<vmem>>
        %dma_wait3A_209 = arith.constant 0 : i32
        %dma_wait3A_210 = tpu.memref_slice %arg5[%add3A_101, %dma_wait3A_209] : memref<10128x128xf32, #tpu.memory_space<vmem_shared>> -> memref<80x128xf32, #tpu.memory_space<vmem_shared>>
        %dma_wait3A_211 = arith.constant 0 : i32
        %dma_wait3A_212 = arith.constant 0 : i32
        %dma_wait3A_213 = tpu.memref_slice %arg8[%dma_wait3A_211, %dma_wait3A_212] : memref<128x128xf32, #tpu.memory_space<vmem>> -> memref<80x128xf32, #tpu.memory_space<vmem>>
        %dma_wait3A_214 = arith.constant 0 : i32
        %dma_wait3A_215 = tpu.memref_slice %arg5[%add3A_101, %dma_wait3A_214] : memref<10128x128xf32, #tpu.memory_space<vmem_shared>> -> memref<80x128xf32, #tpu.memory_space<vmem_shared>>
        tpu.wait_dma2 semaphore(%run_scoped3A_195 : memref<!tpu.dma_semaphore, #tpu.memory_space<semaphore_mem>>) src(%dma_wait3A_215 : memref<80x128xf32, #tpu.memory_space<vmem_shared>>) dst(%dma_wait3A_213 : memref<80x128xf32, #tpu.memory_space<vmem>>)
        tpu.yield
      }) : () -> ()
      %dma_start3A_183 = arith.constant 0 : i32
      %dma_start3A_184 = arith.constant 0 : i32
      %dma_start3A_185 = tpu.memref_slice %arg8[%dma_start3A_183, %dma_start3A_184] : memref<128x128xf32, #tpu.memory_space<vmem>> -> memref<80x128xf32, #tpu.memory_space<vmem>>
      %dma_start3A_186 = arith.constant 0 : i32
      %dma_start3A_187 = tpu.memref_slice %arg4[%arg0, %add3A_101, %dma_start3A_186] : memref<2x10000x128xf32, #tpu.memory_space<hbm>> -> memref<1x80x128xf32, #tpu.memory_space<hbm>>
      %dma_start3A_188 = tpu.memref_squeeze %dma_start3A_187 : memref<1x80x128xf32, #tpu.memory_space<hbm>> -> memref<80x128xf32, #tpu.memory_space<hbm>>
      %dma_start3A_189 = arith.constant 0 : i32
      %dma_start3A_190 = tpu.memref_slice %arg4[%arg0, %add3A_101, %dma_start3A_189] : memref<2x10000x128xf32, #tpu.memory_space<hbm>> -> memref<1x80x128xf32, #tpu.memory_space<hbm>>
      %dma_start3A_191 = tpu.memref_squeeze %dma_start3A_190 : memref<1x80x128xf32, #tpu.memory_space<hbm>> -> memref<80x128xf32, #tpu.memory_space<hbm>>
      %dma_start3A_192 = arith.constant 0 : i32
      %dma_start3A_193 = arith.constant 0 : i32
      %dma_start3A_194 = tpu.memref_slice %arg8[%dma_start3A_192, %dma_start3A_193] : memref<128x128xf32, #tpu.memory_space<vmem>> -> memref<80x128xf32, #tpu.memory_space<vmem>>
      tpu.enqueue_dma source(%dma_start3A_194 : memref<80x128xf32, #tpu.memory_space<vmem>>) target(%dma_start3A_191 : memref<80x128xf32, #tpu.memory_space<hbm>>) target_semaphore(%arg10 : memref<!tpu.dma_semaphore, #tpu.memory_space<semaphore_mem>>)
    } else {
    }
    %mul3A_107 = arith.constant 80 : i32
    %mul3A_108 = arith.muli %arg1, %mul3A_107 : i32
    %add3A_109 = arith.constant 3840 : i32
    %add3A_110 = arith.addi %mul3A_108, %add3A_109 : i32
    %lt3A_111 = arith.constant 10000 : i32
    %lt3A_112 = arith.cmpi slt, %add3A_110, %lt3A_111 : i32
    %convert_element_type3A_113 = arith.extui %lt3A_112 : i1 to i32
    %cond3A_114 = arith.constant 0 : i32
    %cond3A_115 = arith.cmpi ne, %convert_element_type3A_113, %cond3A_114 : i32
    scf.if %cond3A_115 {
      %sub3A_170 = arith.constant 2560 : i32
      %sub3A_171 = arith.subi %add3A_110, %sub3A_170 : i32
      %dma_wait3A = arith.constant 0 : i32
      %dma_wait3A_172 = arith.constant 0 : i32
      %dma_wait3A_173 = tpu.memref_slice %arg9[%dma_wait3A, %dma_wait3A_172] : memref<128x128xf32, #tpu.memory_space<vmem>> -> memref<80x128xf32, #tpu.memory_space<vmem>>
      %dma_wait3A_174 = arith.constant 0 : i32
      %dma_wait3A_175 = tpu.memref_slice %arg4[%arg0, %sub3A_171, %dma_wait3A_174] : memref<2x10000x128xf32, #tpu.memory_space<hbm>> -> memref<1x80x128xf32, #tpu.memory_space<hbm>>
      %dma_wait3A_176 = tpu.memref_squeeze %dma_wait3A_175 : memref<1x80x128xf32, #tpu.memory_space<hbm>> -> memref<80x128xf32, #tpu.memory_space<hbm>>
      %dma_wait3A_177 = arith.constant 0 : i32
      %dma_wait3A_178 = tpu.memref_slice %arg4[%arg0, %sub3A_171, %dma_wait3A_177] : memref<2x10000x128xf32, #tpu.memory_space<hbm>> -> memref<1x80x128xf32, #tpu.memory_space<hbm>>
      %dma_wait3A_179 = tpu.memref_squeeze %dma_wait3A_178 : memref<1x80x128xf32, #tpu.memory_space<hbm>> -> memref<80x128xf32, #tpu.memory_space<hbm>>
      %dma_wait3A_180 = arith.constant 0 : i32
      %dma_wait3A_181 = arith.constant 0 : i32
      %dma_wait3A_182 = tpu.memref_slice %arg9[%dma_wait3A_180, %dma_wait3A_181] : memref<128x128xf32, #tpu.memory_space<vmem>> -> memref<80x128xf32, #tpu.memory_space<vmem>>
      tpu.wait_dma2 semaphore(%arg11 : memref<!tpu.dma_semaphore, #tpu.memory_space<semaphore_mem>>) src(%dma_wait3A_182 : memref<80x128xf32, #tpu.memory_space<vmem>>) dst(%dma_wait3A_179 : memref<80x128xf32, #tpu.memory_space<hbm>>)
      "tpu.region"() ({
        %run_scoped3A_195 = tpu.sem_alloc : memref<!tpu.dma_semaphore, #tpu.memory_space<semaphore_mem>>
        %dma_start3A_196 = arith.constant 0 : i32
        %dma_start3A_197 = arith.constant 0 : i32
        %dma_start3A_198 = tpu.memref_slice %arg9[%dma_start3A_196, %dma_start3A_197] : memref<128x128xf32, #tpu.memory_space<vmem>> -> memref<80x128xf32, #tpu.memory_space<vmem>>
        %dma_start3A_199 = arith.constant 0 : i32
        %dma_start3A_200 = tpu.memref_slice %arg5[%add3A_110, %dma_start3A_199] : memref<10128x128xf32, #tpu.memory_space<vmem_shared>> -> memref<80x128xf32, #tpu.memory_space<vmem_shared>>
        %dma_start3A_201 = arith.constant 0 : i32
        %dma_start3A_202 = arith.constant 0 : i32
        %dma_start3A_203 = tpu.memref_slice %arg9[%dma_start3A_201, %dma_start3A_202] : memref<128x128xf32, #tpu.memory_space<vmem>> -> memref<80x128xf32, #tpu.memory_space<vmem>>
        %dma_start3A_204 = arith.constant 0 : i32
        %dma_start3A_205 = tpu.memref_slice %arg5[%add3A_110, %dma_start3A_204] : memref<10128x128xf32, #tpu.memory_space<vmem_shared>> -> memref<80x128xf32, #tpu.memory_space<vmem_shared>>
        tpu.enqueue_dma source(%dma_start3A_205 : memref<80x128xf32, #tpu.memory_space<vmem_shared>>) target(%dma_start3A_203 : memref<80x128xf32, #tpu.memory_space<vmem>>) target_semaphore(%run_scoped3A_195 : memref<!tpu.dma_semaphore, #tpu.memory_space<semaphore_mem>>)
        %dma_wait3A_206 = arith.constant 0 : i32
        %dma_wait3A_207 = arith.constant 0 : i32
        %dma_wait3A_208 = tpu.memref_slice %arg9[%dma_wait3A_206, %dma_wait3A_207] : memref<128x128xf32, #tpu.memory_space<vmem>> -> memref<80x128xf32, #tpu.memory_space<vmem>>
        %dma_wait3A_209 = arith.constant 0 : i32
        %dma_wait3A_210 = tpu.memref_slice %arg5[%add3A_110, %dma_wait3A_209] : memref<10128x128xf32, #tpu.memory_space<vmem_shared>> -> memref<80x128xf32, #tpu.memory_space<vmem_shared>>
        %dma_wait3A_211 = arith.constant 0 : i32
        %dma_wait3A_212 = arith.constant 0 : i32
        %dma_wait3A_213 = tpu.memref_slice %arg9[%dma_wait3A_211, %dma_wait3A_212] : memref<128x128xf32, #tpu.memory_space<vmem>> -> memref<80x128xf32, #tpu.memory_space<vmem>>
        %dma_wait3A_214 = arith.constant 0 : i32
        %dma_wait3A_215 = tpu.memref_slice %arg5[%add3A_110, %dma_wait3A_214] : memref<10128x128xf32, #tpu.memory_space<vmem_shared>> -> memref<80x128xf32, #tpu.memory_space<vmem_shared>>
        tpu.wait_dma2 semaphore(%run_scoped3A_195 : memref<!tpu.dma_semaphore, #tpu.memory_space<semaphore_mem>>) src(%dma_wait3A_215 : memref<80x128xf32, #tpu.memory_space<vmem_shared>>) dst(%dma_wait3A_213 : memref<80x128xf32, #tpu.memory_space<vmem>>)
        tpu.yield
      }) : () -> ()
      %dma_start3A_183 = arith.constant 0 : i32
      %dma_start3A_184 = arith.constant 0 : i32
      %dma_start3A_185 = tpu.memref_slice %arg9[%dma_start3A_183, %dma_start3A_184] : memref<128x128xf32, #tpu.memory_space<vmem>> -> memref<80x128xf32, #tpu.memory_space<vmem>>
      %dma_start3A_186 = arith.constant 0 : i32
      %dma_start3A_187 = tpu.memref_slice %arg4[%arg0, %add3A_110, %dma_start3A_186] : memref<2x10000x128xf32, #tpu.memory_space<hbm>> -> memref<1x80x128xf32, #tpu.memory_space<hbm>>
      %dma_start3A_188 = tpu.memref_squeeze %dma_start3A_187 : memref<1x80x128xf32, #tpu.memory_space<hbm>> -> memref<80x128xf32, #tpu.memory_space<hbm>>
      %dma_start3A_189 = arith.constant 0 : i32
      %dma_start3A_190 = tpu.memref_slice %arg4[%arg0, %add3A_110, %dma_start3A_189] : memref<2x10000x128xf32, #tpu.memory_space<hbm>> -> memref<1x80x128xf32, #tpu.memory_space<hbm>>
      %dma_start3A_191 = tpu.memref_squeeze %dma_start3A_190 : memref<1x80x128xf32, #tpu.memory_space<hbm>> -> memref<80x128xf32, #tpu.memory_space<hbm>>
      %dma_start3A_192 = arith.constant 0 : i32
      %dma_start3A_193 = arith.constant 0 : i32
      %dma_start3A_194 = tpu.memref_slice %arg9[%dma_start3A_192, %dma_start3A_193] : memref<128x128xf32, #tpu.memory_space<vmem>> -> memref<80x128xf32, #tpu.memory_space<vmem>>
      tpu.enqueue_dma source(%dma_start3A_194 : memref<80x128xf32, #tpu.memory_space<vmem>>) target(%dma_start3A_191 : memref<80x128xf32, #tpu.memory_space<hbm>>) target_semaphore(%arg11 : memref<!tpu.dma_semaphore, #tpu.memory_space<semaphore_mem>>)
    } else {
    }
    %mul3A_116 = arith.constant 80 : i32
    %mul3A_117 = arith.muli %arg1, %mul3A_116 : i32
    %add3A_118 = arith.constant 5120 : i32
    %add3A_119 = arith.addi %mul3A_117, %add3A_118 : i32
    %lt3A_120 = arith.constant 10000 : i32
    %lt3A_121 = arith.cmpi slt, %add3A_119, %lt3A_120 : i32
    %convert_element_type3A_122 = arith.extui %lt3A_121 : i1 to i32
    %cond3A_123 = arith.constant 0 : i32
    %cond3A_124 = arith.cmpi ne, %convert_element_type3A_122, %cond3A_123 : i32
    scf.if %cond3A_124 {
      %sub3A_170 = arith.constant 2560 : i32
      %sub3A_171 = arith.subi %add3A_119, %sub3A_170 : i32
      %dma_wait3A = arith.constant 0 : i32
      %dma_wait3A_172 = arith.constant 0 : i32
      %dma_wait3A_173 = tpu.memref_slice %arg8[%dma_wait3A, %dma_wait3A_172] : memref<128x128xf32, #tpu.memory_space<vmem>> -> memref<80x128xf32, #tpu.memory_space<vmem>>
      %dma_wait3A_174 = arith.constant 0 : i32
      %dma_wait3A_175 = tpu.memref_slice %arg4[%arg0, %sub3A_171, %dma_wait3A_174] : memref<2x10000x128xf32, #tpu.memory_space<hbm>> -> memref<1x80x128xf32, #tpu.memory_space<hbm>>
      %dma_wait3A_176 = tpu.memref_squeeze %dma_wait3A_175 : memref<1x80x128xf32, #tpu.memory_space<hbm>> -> memref<80x128xf32, #tpu.memory_space<hbm>>
      %dma_wait3A_177 = arith.constant 0 : i32
      %dma_wait3A_178 = tpu.memref_slice %arg4[%arg0, %sub3A_171, %dma_wait3A_177] : memref<2x10000x128xf32, #tpu.memory_space<hbm>> -> memref<1x80x128xf32, #tpu.memory_space<hbm>>
      %dma_wait3A_179 = tpu.memref_squeeze %dma_wait3A_178 : memref<1x80x128xf32, #tpu.memory_space<hbm>> -> memref<80x128xf32, #tpu.memory_space<hbm>>
      %dma_wait3A_180 = arith.constant 0 : i32
      %dma_wait3A_181 = arith.constant 0 : i32
      %dma_wait3A_182 = tpu.memref_slice %arg8[%dma_wait3A_180, %dma_wait3A_181] : memref<128x128xf32, #tpu.memory_space<vmem>> -> memref<80x128xf32, #tpu.memory_space<vmem>>
      tpu.wait_dma2 semaphore(%arg10 : memref<!tpu.dma_semaphore, #tpu.memory_space<semaphore_mem>>) src(%dma_wait3A_182 : memref<80x128xf32, #tpu.memory_space<vmem>>) dst(%dma_wait3A_179 : memref<80x128xf32, #tpu.memory_space<hbm>>)
      "tpu.region"() ({
        %run_scoped3A_195 = tpu.sem_alloc : memref<!tpu.dma_semaphore, #tpu.memory_space<semaphore_mem>>
        %dma_start3A_196 = arith.constant 0 : i32
        %dma_start3A_197 = arith.constant 0 : i32
        %dma_start3A_198 = tpu.memref_slice %arg8[%dma_start3A_196, %dma_start3A_197] : memref<128x128xf32, #tpu.memory_space<vmem>> -> memref<80x128xf32, #tpu.memory_space<vmem>>
        %dma_start3A_199 = arith.constant 0 : i32
        %dma_start3A_200 = tpu.memref_slice %arg5[%add3A_119, %dma_start3A_199] : memref<10128x128xf32, #tpu.memory_space<vmem_shared>> -> memref<80x128xf32, #tpu.memory_space<vmem_shared>>
        %dma_start3A_201 = arith.constant 0 : i32
        %dma_start3A_202 = arith.constant 0 : i32
        %dma_start3A_203 = tpu.memref_slice %arg8[%dma_start3A_201, %dma_start3A_202] : memref<128x128xf32, #tpu.memory_space<vmem>> -> memref<80x128xf32, #tpu.memory_space<vmem>>
        %dma_start3A_204 = arith.constant 0 : i32
        %dma_start3A_205 = tpu.memref_slice %arg5[%add3A_119, %dma_start3A_204] : memref<10128x128xf32, #tpu.memory_space<vmem_shared>> -> memref<80x128xf32, #tpu.memory_space<vmem_shared>>
        tpu.enqueue_dma source(%dma_start3A_205 : memref<80x128xf32, #tpu.memory_space<vmem_shared>>) target(%dma_start3A_203 : memref<80x128xf32, #tpu.memory_space<vmem>>) target_semaphore(%run_scoped3A_195 : memref<!tpu.dma_semaphore, #tpu.memory_space<semaphore_mem>>)
        %dma_wait3A_206 = arith.constant 0 : i32
        %dma_wait3A_207 = arith.constant 0 : i32
        %dma_wait3A_208 = tpu.memref_slice %arg8[%dma_wait3A_206, %dma_wait3A_207] : memref<128x128xf32, #tpu.memory_space<vmem>> -> memref<80x128xf32, #tpu.memory_space<vmem>>
        %dma_wait3A_209 = arith.constant 0 : i32
        %dma_wait3A_210 = tpu.memref_slice %arg5[%add3A_119, %dma_wait3A_209] : memref<10128x128xf32, #tpu.memory_space<vmem_shared>> -> memref<80x128xf32, #tpu.memory_space<vmem_shared>>
        %dma_wait3A_211 = arith.constant 0 : i32
        %dma_wait3A_212 = arith.constant 0 : i32
        %dma_wait3A_213 = tpu.memref_slice %arg8[%dma_wait3A_211, %dma_wait3A_212] : memref<128x128xf32, #tpu.memory_space<vmem>> -> memref<80x128xf32, #tpu.memory_space<vmem>>
        %dma_wait3A_214 = arith.constant 0 : i32
        %dma_wait3A_215 = tpu.memref_slice %arg5[%add3A_119, %dma_wait3A_214] : memref<10128x128xf32, #tpu.memory_space<vmem_shared>> -> memref<80x128xf32, #tpu.memory_space<vmem_shared>>
        tpu.wait_dma2 semaphore(%run_scoped3A_195 : memref<!tpu.dma_semaphore, #tpu.memory_space<semaphore_mem>>) src(%dma_wait3A_215 : memref<80x128xf32, #tpu.memory_space<vmem_shared>>) dst(%dma_wait3A_213 : memref<80x128xf32, #tpu.memory_space<vmem>>)
        tpu.yield
      }) : () -> ()
      %dma_start3A_183 = arith.constant 0 : i32
      %dma_start3A_184 = arith.constant 0 : i32
      %dma_start3A_185 = tpu.memref_slice %arg8[%dma_start3A_183, %dma_start3A_184] : memref<128x128xf32, #tpu.memory_space<vmem>> -> memref<80x128xf32, #tpu.memory_space<vmem>>
      %dma_start3A_186 = arith.constant 0 : i32
      %dma_start3A_187 = tpu.memref_slice %arg4[%arg0, %add3A_119, %dma_start3A_186] : memref<2x10000x128xf32, #tpu.memory_space<hbm>> -> memref<1x80x128xf32, #tpu.memory_space<hbm>>
      %dma_start3A_188 = tpu.memref_squeeze %dma_start3A_187 : memref<1x80x128xf32, #tpu.memory_space<hbm>> -> memref<80x128xf32, #tpu.memory_space<hbm>>
      %dma_start3A_189 = arith.constant 0 : i32
      %dma_start3A_190 = tpu.memref_slice %arg4[%arg0, %add3A_119, %dma_start3A_189] : memref<2x10000x128xf32, #tpu.memory_space<hbm>> -> memref<1x80x128xf32, #tpu.memory_space<hbm>>
      %dma_start3A_191 = tpu.memref_squeeze %dma_start3A_190 : memref<1x80x128xf32, #tpu.memory_space<hbm>> -> memref<80x128xf32, #tpu.memory_space<hbm>>
      %dma_start3A_192 = arith.constant 0 : i32
      %dma_start3A_193 = arith.constant 0 : i32
      %dma_start3A_194 = tpu.memref_slice %arg8[%dma_start3A_192, %dma_start3A_193] : memref<128x128xf32, #tpu.memory_space<vmem>> -> memref<80x128xf32, #tpu.memory_space<vmem>>
      tpu.enqueue_dma source(%dma_start3A_194 : memref<80x128xf32, #tpu.memory_space<vmem>>) target(%dma_start3A_191 : memref<80x128xf32, #tpu.memory_space<hbm>>) target_semaphore(%arg10 : memref<!tpu.dma_semaphore, #tpu.memory_space<semaphore_mem>>)
    } else {
    }
    %mul3A_125 = arith.constant 80 : i32
    %mul3A_126 = arith.muli %arg1, %mul3A_125 : i32
    %add3A_127 = arith.constant 6400 : i32
    %add3A_128 = arith.addi %mul3A_126, %add3A_127 : i32
    %lt3A_129 = arith.constant 10000 : i32
    %lt3A_130 = arith.cmpi slt, %add3A_128, %lt3A_129 : i32
    %convert_element_type3A_131 = arith.extui %lt3A_130 : i1 to i32
    %cond3A_132 = arith.constant 0 : i32
    %cond3A_133 = arith.cmpi ne, %convert_element_type3A_131, %cond3A_132 : i32
    scf.if %cond3A_133 {
      %sub3A_170 = arith.constant 2560 : i32
      %sub3A_171 = arith.subi %add3A_128, %sub3A_170 : i32
      %dma_wait3A = arith.constant 0 : i32
      %dma_wait3A_172 = arith.constant 0 : i32
      %dma_wait3A_173 = tpu.memref_slice %arg9[%dma_wait3A, %dma_wait3A_172] : memref<128x128xf32, #tpu.memory_space<vmem>> -> memref<80x128xf32, #tpu.memory_space<vmem>>
      %dma_wait3A_174 = arith.constant 0 : i32
      %dma_wait3A_175 = tpu.memref_slice %arg4[%arg0, %sub3A_171, %dma_wait3A_174] : memref<2x10000x128xf32, #tpu.memory_space<hbm>> -> memref<1x80x128xf32, #tpu.memory_space<hbm>>
      %dma_wait3A_176 = tpu.memref_squeeze %dma_wait3A_175 : memref<1x80x128xf32, #tpu.memory_space<hbm>> -> memref<80x128xf32, #tpu.memory_space<hbm>>
      %dma_wait3A_177 = arith.constant 0 : i32
      %dma_wait3A_178 = tpu.memref_slice %arg4[%arg0, %sub3A_171, %dma_wait3A_177] : memref<2x10000x128xf32, #tpu.memory_space<hbm>> -> memref<1x80x128xf32, #tpu.memory_space<hbm>>
      %dma_wait3A_179 = tpu.memref_squeeze %dma_wait3A_178 : memref<1x80x128xf32, #tpu.memory_space<hbm>> -> memref<80x128xf32, #tpu.memory_space<hbm>>
      %dma_wait3A_180 = arith.constant 0 : i32
      %dma_wait3A_181 = arith.constant 0 : i32
      %dma_wait3A_182 = tpu.memref_slice %arg9[%dma_wait3A_180, %dma_wait3A_181] : memref<128x128xf32, #tpu.memory_space<vmem>> -> memref<80x128xf32, #tpu.memory_space<vmem>>
      tpu.wait_dma2 semaphore(%arg11 : memref<!tpu.dma_semaphore, #tpu.memory_space<semaphore_mem>>) src(%dma_wait3A_182 : memref<80x128xf32, #tpu.memory_space<vmem>>) dst(%dma_wait3A_179 : memref<80x128xf32, #tpu.memory_space<hbm>>)
      "tpu.region"() ({
        %run_scoped3A_195 = tpu.sem_alloc : memref<!tpu.dma_semaphore, #tpu.memory_space<semaphore_mem>>
        %dma_start3A_196 = arith.constant 0 : i32
        %dma_start3A_197 = arith.constant 0 : i32
        %dma_start3A_198 = tpu.memref_slice %arg9[%dma_start3A_196, %dma_start3A_197] : memref<128x128xf32, #tpu.memory_space<vmem>> -> memref<80x128xf32, #tpu.memory_space<vmem>>
        %dma_start3A_199 = arith.constant 0 : i32
        %dma_start3A_200 = tpu.memref_slice %arg5[%add3A_128, %dma_start3A_199] : memref<10128x128xf32, #tpu.memory_space<vmem_shared>> -> memref<80x128xf32, #tpu.memory_space<vmem_shared>>
        %dma_start3A_201 = arith.constant 0 : i32
        %dma_start3A_202 = arith.constant 0 : i32
        %dma_start3A_203 = tpu.memref_slice %arg9[%dma_start3A_201, %dma_start3A_202] : memref<128x128xf32, #tpu.memory_space<vmem>> -> memref<80x128xf32, #tpu.memory_space<vmem>>
        %dma_start3A_204 = arith.constant 0 : i32
        %dma_start3A_205 = tpu.memref_slice %arg5[%add3A_128, %dma_start3A_204] : memref<10128x128xf32, #tpu.memory_space<vmem_shared>> -> memref<80x128xf32, #tpu.memory_space<vmem_shared>>
        tpu.enqueue_dma source(%dma_start3A_205 : memref<80x128xf32, #tpu.memory_space<vmem_shared>>) target(%dma_start3A_203 : memref<80x128xf32, #tpu.memory_space<vmem>>) target_semaphore(%run_scoped3A_195 : memref<!tpu.dma_semaphore, #tpu.memory_space<semaphore_mem>>)
        %dma_wait3A_206 = arith.constant 0 : i32
        %dma_wait3A_207 = arith.constant 0 : i32
        %dma_wait3A_208 = tpu.memref_slice %arg9[%dma_wait3A_206, %dma_wait3A_207] : memref<128x128xf32, #tpu.memory_space<vmem>> -> memref<80x128xf32, #tpu.memory_space<vmem>>
        %dma_wait3A_209 = arith.constant 0 : i32
        %dma_wait3A_210 = tpu.memref_slice %arg5[%add3A_128, %dma_wait3A_209] : memref<10128x128xf32, #tpu.memory_space<vmem_shared>> -> memref<80x128xf32, #tpu.memory_space<vmem_shared>>
        %dma_wait3A_211 = arith.constant 0 : i32
        %dma_wait3A_212 = arith.constant 0 : i32
        %dma_wait3A_213 = tpu.memref_slice %arg9[%dma_wait3A_211, %dma_wait3A_212] : memref<128x128xf32, #tpu.memory_space<vmem>> -> memref<80x128xf32, #tpu.memory_space<vmem>>
        %dma_wait3A_214 = arith.constant 0 : i32
        %dma_wait3A_215 = tpu.memref_slice %arg5[%add3A_128, %dma_wait3A_214] : memref<10128x128xf32, #tpu.memory_space<vmem_shared>> -> memref<80x128xf32, #tpu.memory_space<vmem_shared>>
        tpu.wait_dma2 semaphore(%run_scoped3A_195 : memref<!tpu.dma_semaphore, #tpu.memory_space<semaphore_mem>>) src(%dma_wait3A_215 : memref<80x128xf32, #tpu.memory_space<vmem_shared>>) dst(%dma_wait3A_213 : memref<80x128xf32, #tpu.memory_space<vmem>>)
        tpu.yield
      }) : () -> ()
      %dma_start3A_183 = arith.constant 0 : i32
      %dma_start3A_184 = arith.constant 0 : i32
      %dma_start3A_185 = tpu.memref_slice %arg9[%dma_start3A_183, %dma_start3A_184] : memref<128x128xf32, #tpu.memory_space<vmem>> -> memref<80x128xf32, #tpu.memory_space<vmem>>
      %dma_start3A_186 = arith.constant 0 : i32
      %dma_start3A_187 = tpu.memref_slice %arg4[%arg0, %add3A_128, %dma_start3A_186] : memref<2x10000x128xf32, #tpu.memory_space<hbm>> -> memref<1x80x128xf32, #tpu.memory_space<hbm>>
      %dma_start3A_188 = tpu.memref_squeeze %dma_start3A_187 : memref<1x80x128xf32, #tpu.memory_space<hbm>> -> memref<80x128xf32, #tpu.memory_space<hbm>>
      %dma_start3A_189 = arith.constant 0 : i32
      %dma_start3A_190 = tpu.memref_slice %arg4[%arg0, %add3A_128, %dma_start3A_189] : memref<2x10000x128xf32, #tpu.memory_space<hbm>> -> memref<1x80x128xf32, #tpu.memory_space<hbm>>
      %dma_start3A_191 = tpu.memref_squeeze %dma_start3A_190 : memref<1x80x128xf32, #tpu.memory_space<hbm>> -> memref<80x128xf32, #tpu.memory_space<hbm>>
      %dma_start3A_192 = arith.constant 0 : i32
      %dma_start3A_193 = arith.constant 0 : i32
      %dma_start3A_194 = tpu.memref_slice %arg9[%dma_start3A_192, %dma_start3A_193] : memref<128x128xf32, #tpu.memory_space<vmem>> -> memref<80x128xf32, #tpu.memory_space<vmem>>
      tpu.enqueue_dma source(%dma_start3A_194 : memref<80x128xf32, #tpu.memory_space<vmem>>) target(%dma_start3A_191 : memref<80x128xf32, #tpu.memory_space<hbm>>) target_semaphore(%arg11 : memref<!tpu.dma_semaphore, #tpu.memory_space<semaphore_mem>>)
    } else {
    }
    %mul3A_134 = arith.constant 80 : i32
    %mul3A_135 = arith.muli %arg1, %mul3A_134 : i32
    %add3A_136 = arith.constant 7680 : i32
    %add3A_137 = arith.addi %mul3A_135, %add3A_136 : i32
    %lt3A_138 = arith.constant 10000 : i32
    %lt3A_139 = arith.cmpi slt, %add3A_137, %lt3A_138 : i32
    %convert_element_type3A_140 = arith.extui %lt3A_139 : i1 to i32
    %cond3A_141 = arith.constant 0 : i32
    %cond3A_142 = arith.cmpi ne, %convert_element_type3A_140, %cond3A_141 : i32
    scf.if %cond3A_142 {
      %sub3A_170 = arith.constant 2560 : i32
      %sub3A_171 = arith.subi %add3A_137, %sub3A_170 : i32
      %dma_wait3A = arith.constant 0 : i32
      %dma_wait3A_172 = arith.constant 0 : i32
      %dma_wait3A_173 = tpu.memref_slice %arg8[%dma_wait3A, %dma_wait3A_172] : memref<128x128xf32, #tpu.memory_space<vmem>> -> memref<80x128xf32, #tpu.memory_space<vmem>>
      %dma_wait3A_174 = arith.constant 0 : i32
      %dma_wait3A_175 = tpu.memref_slice %arg4[%arg0, %sub3A_171, %dma_wait3A_174] : memref<2x10000x128xf32, #tpu.memory_space<hbm>> -> memref<1x80x128xf32, #tpu.memory_space<hbm>>
      %dma_wait3A_176 = tpu.memref_squeeze %dma_wait3A_175 : memref<1x80x128xf32, #tpu.memory_space<hbm>> -> memref<80x128xf32, #tpu.memory_space<hbm>>
      %dma_wait3A_177 = arith.constant 0 : i32
      %dma_wait3A_178 = tpu.memref_slice %arg4[%arg0, %sub3A_171, %dma_wait3A_177] : memref<2x10000x128xf32, #tpu.memory_space<hbm>> -> memref<1x80x128xf32, #tpu.memory_space<hbm>>
      %dma_wait3A_179 = tpu.memref_squeeze %dma_wait3A_178 : memref<1x80x128xf32, #tpu.memory_space<hbm>> -> memref<80x128xf32, #tpu.memory_space<hbm>>
      %dma_wait3A_180 = arith.constant 0 : i32
      %dma_wait3A_181 = arith.constant 0 : i32
      %dma_wait3A_182 = tpu.memref_slice %arg8[%dma_wait3A_180, %dma_wait3A_181] : memref<128x128xf32, #tpu.memory_space<vmem>> -> memref<80x128xf32, #tpu.memory_space<vmem>>
      tpu.wait_dma2 semaphore(%arg10 : memref<!tpu.dma_semaphore, #tpu.memory_space<semaphore_mem>>) src(%dma_wait3A_182 : memref<80x128xf32, #tpu.memory_space<vmem>>) dst(%dma_wait3A_179 : memref<80x128xf32, #tpu.memory_space<hbm>>)
      "tpu.region"() ({
        %run_scoped3A_195 = tpu.sem_alloc : memref<!tpu.dma_semaphore, #tpu.memory_space<semaphore_mem>>
        %dma_start3A_196 = arith.constant 0 : i32
        %dma_start3A_197 = arith.constant 0 : i32
        %dma_start3A_198 = tpu.memref_slice %arg8[%dma_start3A_196, %dma_start3A_197] : memref<128x128xf32, #tpu.memory_space<vmem>> -> memref<80x128xf32, #tpu.memory_space<vmem>>
        %dma_start3A_199 = arith.constant 0 : i32
        %dma_start3A_200 = tpu.memref_slice %arg5[%add3A_137, %dma_start3A_199] : memref<10128x128xf32, #tpu.memory_space<vmem_shared>> -> memref<80x128xf32, #tpu.memory_space<vmem_shared>>
        %dma_start3A_201 = arith.constant 0 : i32
        %dma_start3A_202 = arith.constant 0 : i32
        %dma_start3A_203 = tpu.memref_slice %arg8[%dma_start3A_201, %dma_start3A_202] : memref<128x128xf32, #tpu.memory_space<vmem>> -> memref<80x128xf32, #tpu.memory_space<vmem>>
        %dma_start3A_204 = arith.constant 0 : i32
        %dma_start3A_205 = tpu.memref_slice %arg5[%add3A_137, %dma_start3A_204] : memref<10128x128xf32, #tpu.memory_space<vmem_shared>> -> memref<80x128xf32, #tpu.memory_space<vmem_shared>>
        tpu.enqueue_dma source(%dma_start3A_205 : memref<80x128xf32, #tpu.memory_space<vmem_shared>>) target(%dma_start3A_203 : memref<80x128xf32, #tpu.memory_space<vmem>>) target_semaphore(%run_scoped3A_195 : memref<!tpu.dma_semaphore, #tpu.memory_space<semaphore_mem>>)
        %dma_wait3A_206 = arith.constant 0 : i32
        %dma_wait3A_207 = arith.constant 0 : i32
        %dma_wait3A_208 = tpu.memref_slice %arg8[%dma_wait3A_206, %dma_wait3A_207] : memref<128x128xf32, #tpu.memory_space<vmem>> -> memref<80x128xf32, #tpu.memory_space<vmem>>
        %dma_wait3A_209 = arith.constant 0 : i32
        %dma_wait3A_210 = tpu.memref_slice %arg5[%add3A_137, %dma_wait3A_209] : memref<10128x128xf32, #tpu.memory_space<vmem_shared>> -> memref<80x128xf32, #tpu.memory_space<vmem_shared>>
        %dma_wait3A_211 = arith.constant 0 : i32
        %dma_wait3A_212 = arith.constant 0 : i32
        %dma_wait3A_213 = tpu.memref_slice %arg8[%dma_wait3A_211, %dma_wait3A_212] : memref<128x128xf32, #tpu.memory_space<vmem>> -> memref<80x128xf32, #tpu.memory_space<vmem>>
        %dma_wait3A_214 = arith.constant 0 : i32
        %dma_wait3A_215 = tpu.memref_slice %arg5[%add3A_137, %dma_wait3A_214] : memref<10128x128xf32, #tpu.memory_space<vmem_shared>> -> memref<80x128xf32, #tpu.memory_space<vmem_shared>>
        tpu.wait_dma2 semaphore(%run_scoped3A_195 : memref<!tpu.dma_semaphore, #tpu.memory_space<semaphore_mem>>) src(%dma_wait3A_215 : memref<80x128xf32, #tpu.memory_space<vmem_shared>>) dst(%dma_wait3A_213 : memref<80x128xf32, #tpu.memory_space<vmem>>)
        tpu.yield
      }) : () -> ()
      %dma_start3A_183 = arith.constant 0 : i32
      %dma_start3A_184 = arith.constant 0 : i32
      %dma_start3A_185 = tpu.memref_slice %arg8[%dma_start3A_183, %dma_start3A_184] : memref<128x128xf32, #tpu.memory_space<vmem>> -> memref<80x128xf32, #tpu.memory_space<vmem>>
      %dma_start3A_186 = arith.constant 0 : i32
      %dma_start3A_187 = tpu.memref_slice %arg4[%arg0, %add3A_137, %dma_start3A_186] : memref<2x10000x128xf32, #tpu.memory_space<hbm>> -> memref<1x80x128xf32, #tpu.memory_space<hbm>>
      %dma_start3A_188 = tpu.memref_squeeze %dma_start3A_187 : memref<1x80x128xf32, #tpu.memory_space<hbm>> -> memref<80x128xf32, #tpu.memory_space<hbm>>
      %dma_start3A_189 = arith.constant 0 : i32
      %dma_start3A_190 = tpu.memref_slice %arg4[%arg0, %add3A_137, %dma_start3A_189] : memref<2x10000x128xf32, #tpu.memory_space<hbm>> -> memref<1x80x128xf32, #tpu.memory_space<hbm>>
      %dma_start3A_191 = tpu.memref_squeeze %dma_start3A_190 : memref<1x80x128xf32, #tpu.memory_space<hbm>> -> memref<80x128xf32, #tpu.memory_space<hbm>>
      %dma_start3A_192 = arith.constant 0 : i32
      %dma_start3A_193 = arith.constant 0 : i32
      %dma_start3A_194 = tpu.memref_slice %arg8[%dma_start3A_192, %dma_start3A_193] : memref<128x128xf32, #tpu.memory_space<vmem>> -> memref<80x128xf32, #tpu.memory_space<vmem>>
      tpu.enqueue_dma source(%dma_start3A_194 : memref<80x128xf32, #tpu.memory_space<vmem>>) target(%dma_start3A_191 : memref<80x128xf32, #tpu.memory_space<hbm>>) target_semaphore(%arg10 : memref<!tpu.dma_semaphore, #tpu.memory_space<semaphore_mem>>)
    } else {
    }
    %mul3A_143 = arith.constant 80 : i32
    %mul3A_144 = arith.muli %arg1, %mul3A_143 : i32
    %add3A_145 = arith.constant 8960 : i32
    %add3A_146 = arith.addi %mul3A_144, %add3A_145 : i32
    %lt3A_147 = arith.constant 10000 : i32
    %lt3A_148 = arith.cmpi slt, %add3A_146, %lt3A_147 : i32
    %convert_element_type3A_149 = arith.extui %lt3A_148 : i1 to i32
    %cond3A_150 = arith.constant 0 : i32
    %cond3A_151 = arith.cmpi ne, %convert_element_type3A_149, %cond3A_150 : i32
    scf.if %cond3A_151 {
      %sub3A_170 = arith.constant 2560 : i32
      %sub3A_171 = arith.subi %add3A_146, %sub3A_170 : i32
      %dma_wait3A = arith.constant 0 : i32
      %dma_wait3A_172 = arith.constant 0 : i32
      %dma_wait3A_173 = tpu.memref_slice %arg9[%dma_wait3A, %dma_wait3A_172] : memref<128x128xf32, #tpu.memory_space<vmem>> -> memref<80x128xf32, #tpu.memory_space<vmem>>
      %dma_wait3A_174 = arith.constant 0 : i32
      %dma_wait3A_175 = tpu.memref_slice %arg4[%arg0, %sub3A_171, %dma_wait3A_174] : memref<2x10000x128xf32, #tpu.memory_space<hbm>> -> memref<1x80x128xf32, #tpu.memory_space<hbm>>
      %dma_wait3A_176 = tpu.memref_squeeze %dma_wait3A_175 : memref<1x80x128xf32, #tpu.memory_space<hbm>> -> memref<80x128xf32, #tpu.memory_space<hbm>>
      %dma_wait3A_177 = arith.constant 0 : i32
      %dma_wait3A_178 = tpu.memref_slice %arg4[%arg0, %sub3A_171, %dma_wait3A_177] : memref<2x10000x128xf32, #tpu.memory_space<hbm>> -> memref<1x80x128xf32, #tpu.memory_space<hbm>>
      %dma_wait3A_179 = tpu.memref_squeeze %dma_wait3A_178 : memref<1x80x128xf32, #tpu.memory_space<hbm>> -> memref<80x128xf32, #tpu.memory_space<hbm>>
      %dma_wait3A_180 = arith.constant 0 : i32
      %dma_wait3A_181 = arith.constant 0 : i32
      %dma_wait3A_182 = tpu.memref_slice %arg9[%dma_wait3A_180, %dma_wait3A_181] : memref<128x128xf32, #tpu.memory_space<vmem>> -> memref<80x128xf32, #tpu.memory_space<vmem>>
      tpu.wait_dma2 semaphore(%arg11 : memref<!tpu.dma_semaphore, #tpu.memory_space<semaphore_mem>>) src(%dma_wait3A_182 : memref<80x128xf32, #tpu.memory_space<vmem>>) dst(%dma_wait3A_179 : memref<80x128xf32, #tpu.memory_space<hbm>>)
      "tpu.region"() ({
        %run_scoped3A_195 = tpu.sem_alloc : memref<!tpu.dma_semaphore, #tpu.memory_space<semaphore_mem>>
        %dma_start3A_196 = arith.constant 0 : i32
        %dma_start3A_197 = arith.constant 0 : i32
        %dma_start3A_198 = tpu.memref_slice %arg9[%dma_start3A_196, %dma_start3A_197] : memref<128x128xf32, #tpu.memory_space<vmem>> -> memref<80x128xf32, #tpu.memory_space<vmem>>
        %dma_start3A_199 = arith.constant 0 : i32
        %dma_start3A_200 = tpu.memref_slice %arg5[%add3A_146, %dma_start3A_199] : memref<10128x128xf32, #tpu.memory_space<vmem_shared>> -> memref<80x128xf32, #tpu.memory_space<vmem_shared>>
        %dma_start3A_201 = arith.constant 0 : i32
        %dma_start3A_202 = arith.constant 0 : i32
        %dma_start3A_203 = tpu.memref_slice %arg9[%dma_start3A_201, %dma_start3A_202] : memref<128x128xf32, #tpu.memory_space<vmem>> -> memref<80x128xf32, #tpu.memory_space<vmem>>
        %dma_start3A_204 = arith.constant 0 : i32
        %dma_start3A_205 = tpu.memref_slice %arg5[%add3A_146, %dma_start3A_204] : memref<10128x128xf32, #tpu.memory_space<vmem_shared>> -> memref<80x128xf32, #tpu.memory_space<vmem_shared>>
        tpu.enqueue_dma source(%dma_start3A_205 : memref<80x128xf32, #tpu.memory_space<vmem_shared>>) target(%dma_start3A_203 : memref<80x128xf32, #tpu.memory_space<vmem>>) target_semaphore(%run_scoped3A_195 : memref<!tpu.dma_semaphore, #tpu.memory_space<semaphore_mem>>)
        %dma_wait3A_206 = arith.constant 0 : i32
        %dma_wait3A_207 = arith.constant 0 : i32
        %dma_wait3A_208 = tpu.memref_slice %arg9[%dma_wait3A_206, %dma_wait3A_207] : memref<128x128xf32, #tpu.memory_space<vmem>> -> memref<80x128xf32, #tpu.memory_space<vmem>>
        %dma_wait3A_209 = arith.constant 0 : i32
        %dma_wait3A_210 = tpu.memref_slice %arg5[%add3A_146, %dma_wait3A_209] : memref<10128x128xf32, #tpu.memory_space<vmem_shared>> -> memref<80x128xf32, #tpu.memory_space<vmem_shared>>
        %dma_wait3A_211 = arith.constant 0 : i32
        %dma_wait3A_212 = arith.constant 0 : i32
        %dma_wait3A_213 = tpu.memref_slice %arg9[%dma_wait3A_211, %dma_wait3A_212] : memref<128x128xf32, #tpu.memory_space<vmem>> -> memref<80x128xf32, #tpu.memory_space<vmem>>
        %dma_wait3A_214 = arith.constant 0 : i32
        %dma_wait3A_215 = tpu.memref_slice %arg5[%add3A_146, %dma_wait3A_214] : memref<10128x128xf32, #tpu.memory_space<vmem_shared>> -> memref<80x128xf32, #tpu.memory_space<vmem_shared>>
        tpu.wait_dma2 semaphore(%run_scoped3A_195 : memref<!tpu.dma_semaphore, #tpu.memory_space<semaphore_mem>>) src(%dma_wait3A_215 : memref<80x128xf32, #tpu.memory_space<vmem_shared>>) dst(%dma_wait3A_213 : memref<80x128xf32, #tpu.memory_space<vmem>>)
        tpu.yield
      }) : () -> ()
      %dma_start3A_183 = arith.constant 0 : i32
      %dma_start3A_184 = arith.constant 0 : i32
      %dma_start3A_185 = tpu.memref_slice %arg9[%dma_start3A_183, %dma_start3A_184] : memref<128x128xf32, #tpu.memory_space<vmem>> -> memref<80x128xf32, #tpu.memory_space<vmem>>
      %dma_start3A_186 = arith.constant 0 : i32
      %dma_start3A_187 = tpu.memref_slice %arg4[%arg0, %add3A_146, %dma_start3A_186] : memref<2x10000x128xf32, #tpu.memory_space<hbm>> -> memref<1x80x128xf32, #tpu.memory_space<hbm>>
      %dma_start3A_188 = tpu.memref_squeeze %dma_start3A_187 : memref<1x80x128xf32, #tpu.memory_space<hbm>> -> memref<80x128xf32, #tpu.memory_space<hbm>>
      %dma_start3A_189 = arith.constant 0 : i32
      %dma_start3A_190 = tpu.memref_slice %arg4[%arg0, %add3A_146, %dma_start3A_189] : memref<2x10000x128xf32, #tpu.memory_space<hbm>> -> memref<1x80x128xf32, #tpu.memory_space<hbm>>
      %dma_start3A_191 = tpu.memref_squeeze %dma_start3A_190 : memref<1x80x128xf32, #tpu.memory_space<hbm>> -> memref<80x128xf32, #tpu.memory_space<hbm>>
      %dma_start3A_192 = arith.constant 0 : i32
      %dma_start3A_193 = arith.constant 0 : i32
      %dma_start3A_194 = tpu.memref_slice %arg9[%dma_start3A_192, %dma_start3A_193] : memref<128x128xf32, #tpu.memory_space<vmem>> -> memref<80x128xf32, #tpu.memory_space<vmem>>
      tpu.enqueue_dma source(%dma_start3A_194 : memref<80x128xf32, #tpu.memory_space<vmem>>) target(%dma_start3A_191 : memref<80x128xf32, #tpu.memory_space<hbm>>) target_semaphore(%arg11 : memref<!tpu.dma_semaphore, #tpu.memory_space<semaphore_mem>>)
    } else {
    }
    %mul3A_152 = arith.constant 80 : i32
    %mul3A_153 = arith.muli %arg1, %mul3A_152 : i32
    %add3A_154 = arith.constant 7680 : i32
    %add3A_155 = arith.addi %mul3A_153, %add3A_154 : i32
    %lt3A_156 = arith.constant 10000 : i32
    %lt3A_157 = arith.cmpi slt, %add3A_155, %lt3A_156 : i32
    %convert_element_type3A_158 = arith.extui %lt3A_157 : i1 to i32
    %cond3A_159 = arith.constant 0 : i32
    %cond3A_160 = arith.cmpi ne, %convert_element_type3A_158, %cond3A_159 : i32
    scf.if %cond3A_160 {
      %dma_wait3A = arith.constant 0 : i32
      %dma_wait3A_170 = arith.constant 0 : i32
      %dma_wait3A_171 = tpu.memref_slice %arg8[%dma_wait3A, %dma_wait3A_170] : memref<128x128xf32, #tpu.memory_space<vmem>> -> memref<80x128xf32, #tpu.memory_space<vmem>>
      %dma_wait3A_172 = arith.constant 0 : i32
      %dma_wait3A_173 = tpu.memref_slice %arg4[%arg0, %add3A_155, %dma_wait3A_172] : memref<2x10000x128xf32, #tpu.memory_space<hbm>> -> memref<1x80x128xf32, #tpu.memory_space<hbm>>
      %dma_wait3A_174 = tpu.memref_squeeze %dma_wait3A_173 : memref<1x80x128xf32, #tpu.memory_space<hbm>> -> memref<80x128xf32, #tpu.memory_space<hbm>>
      %dma_wait3A_175 = arith.constant 0 : i32
      %dma_wait3A_176 = tpu.memref_slice %arg4[%arg0, %add3A_155, %dma_wait3A_175] : memref<2x10000x128xf32, #tpu.memory_space<hbm>> -> memref<1x80x128xf32, #tpu.memory_space<hbm>>
      %dma_wait3A_177 = tpu.memref_squeeze %dma_wait3A_176 : memref<1x80x128xf32, #tpu.memory_space<hbm>> -> memref<80x128xf32, #tpu.memory_space<hbm>>
      %dma_wait3A_178 = arith.constant 0 : i32
      %dma_wait3A_179 = arith.constant 0 : i32
      %dma_wait3A_180 = tpu.memref_slice %arg8[%dma_wait3A_178, %dma_wait3A_179] : memref<128x128xf32, #tpu.memory_space<vmem>> -> memref<80x128xf32, #tpu.memory_space<vmem>>
      tpu.wait_dma2 semaphore(%arg10 : memref<!tpu.dma_semaphore, #tpu.memory_space<semaphore_mem>>) src(%dma_wait3A_180 : memref<80x128xf32, #tpu.memory_space<vmem>>) dst(%dma_wait3A_177 : memref<80x128xf32, #tpu.memory_space<hbm>>)
    } else {
    }
    %mul3A_161 = arith.constant 80 : i32
    %mul3A_162 = arith.muli %arg1, %mul3A_161 : i32
    %add3A_163 = arith.constant 8960 : i32
    %add3A_164 = arith.addi %mul3A_162, %add3A_163 : i32
    %lt3A_165 = arith.constant 10000 : i32
    %lt3A_166 = arith.cmpi slt, %add3A_164, %lt3A_165 : i32
    %convert_element_type3A_167 = arith.extui %lt3A_166 : i1 to i32
    %cond3A_168 = arith.constant 0 : i32
    %cond3A_169 = arith.cmpi ne, %convert_element_type3A_167, %cond3A_168 : i32
    scf.if %cond3A_169 {
      %dma_wait3A = arith.constant 0 : i32
      %dma_wait3A_170 = arith.constant 0 : i32
      %dma_wait3A_171 = tpu.memref_slice %arg9[%dma_wait3A, %dma_wait3A_170] : memref<128x128xf32, #tpu.memory_space<vmem>> -> memref<80x128xf32, #tpu.memory_space<vmem>>
      %dma_wait3A_172 = arith.constant 0 : i32
      %dma_wait3A_173 = tpu.memref_slice %arg4[%arg0, %add3A_164, %dma_wait3A_172] : memref<2x10000x128xf32, #tpu.memory_space<hbm>> -> memref<1x80x128xf32, #tpu.memory_space<hbm>>
      %dma_wait3A_174 = tpu.memref_squeeze %dma_wait3A_173 : memref<1x80x128xf32, #tpu.memory_space<hbm>> -> memref<80x128xf32, #tpu.memory_space<hbm>>
      %dma_wait3A_175 = arith.constant 0 : i32
      %dma_wait3A_176 = tpu.memref_slice %arg4[%arg0, %add3A_164, %dma_wait3A_175] : memref<2x10000x128xf32, #tpu.memory_space<hbm>> -> memref<1x80x128xf32, #tpu.memory_space<hbm>>
      %dma_wait3A_177 = tpu.memref_squeeze %dma_wait3A_176 : memref<1x80x128xf32, #tpu.memory_space<hbm>> -> memref<80x128xf32, #tpu.memory_space<hbm>>
      %dma_wait3A_178 = arith.constant 0 : i32
      %dma_wait3A_179 = arith.constant 0 : i32
      %dma_wait3A_180 = tpu.memref_slice %arg9[%dma_wait3A_178, %dma_wait3A_179] : memref<128x128xf32, #tpu.memory_space<vmem>> -> memref<80x128xf32, #tpu.memory_space<vmem>>
      tpu.wait_dma2 semaphore(%arg11 : memref<!tpu.dma_semaphore, #tpu.memory_space<semaphore_mem>>) src(%dma_wait3A_180 : memref<80x128xf32, #tpu.memory_space<vmem>>) dst(%dma_wait3A_177 : memref<80x128xf32, #tpu.memory_space<hbm>>)
    } else {
    }
    return
  }
}

#map = affine_map<(d0, d1) -> (0, 0)>
#map1 = affine_map<(d0, d1) -> (0, 0, 0, 0)>
#map2 = affine_map<(d0, d1) -> (0, 0, 0)>
module attributes {stable_mosaic.version = 14 : i64} {
  func.func @_sc_aggregate(%arg0: i32, %arg1: i32, %arg2: memref<10000x128xf32, #tpu.memory_space<hbm>>, %arg3: memref<2x32x80x128xi32, #tpu.memory_space<hbm>>, %arg4: memref<2x10000x128xf32, #tpu.memory_space<hbm>>, %arg5: memref<10128x128xf32, #tpu.memory_space<vmem_shared>>, %arg6: memref<40x128xi32, #tpu.memory_space<vmem>>, %arg7: memref<40x128xi32, #tpu.memory_space<vmem>>, %arg8: memref<128x128xf32, #tpu.memory_space<vmem>>, %arg9: memref<128x128xf32, #tpu.memory_space<vmem>>, %arg10: memref<!tpu.dma_semaphore, #tpu.memory_space<semaphore_mem>>, %arg11: memref<!tpu.dma_semaphore, #tpu.memory_space<semaphore_mem>>, %arg12: memref<!tpu.dma_semaphore, #tpu.memory_space<semaphore_mem>>, %arg13: memref<!tpu.dma_semaphore, #tpu.memory_space<semaphore_mem>>) attributes {dimension_semantics = [#tpu.dimension_semantics<core_parallel>, #tpu.dimension_semantics<subcore_parallel>], iteration_bounds = array<i64: 2, 16>, scalar_prefetch = 0 : i64, scratch_operands = 9 : i64, tpu.core_type = #tpu.core_type<sc_vector_subcore>, window_params = [{transform_indices = #map}, {transform_indices = #map1}, {transform_indices = #map2}]} {
    %mul3A = arith.constant 16 : i32
    %mul3A_0 = arith.muli %arg0, %mul3A : i32
    %add3A = arith.addi %mul3A_0, %arg1 : i32
    %scan3A = arith.constant 0 : i32
    %scan3A_1 = arith.constant 80 : i32
    %scan3A_2 = arith.addi %scan3A, %scan3A_1 : i32
    %scan3A_3 = arith.constant 1 : i32
    scf.for %scan3A_170 = %scan3A to %scan3A_2 step %scan3A_3  : i32 {
      %mul3A_171 = arith.constant 1 : i32
      %mul3A_172 = arith.muli %scan3A_170, %mul3A_171 : i32
      %add3A_173 = arith.constant 0 : i32
      %add3A_174 = arith.addi %add3A_173, %mul3A_172 : i32
      %scan3A_175 = arith.constant 0 : i32
      %scan3A_176 = arith.constant 8 : i32
      %scan3A_177 = arith.addi %scan3A_175, %scan3A_176 : i32
      %scan3A_178 = arith.constant 1 : i32
      scf.for %scan3A_180 = %scan3A_175 to %scan3A_177 step %scan3A_178  : i32 {
        %mul3A_181 = arith.constant 16 : i32
        %mul3A_182 = arith.muli %scan3A_180, %mul3A_181 : i32
        %add3A_183 = arith.constant 0 : i32
        %add3A_184 = arith.addi %add3A_183, %mul3A_182 : i32
        %broadcast_in_dim3A = arith.constant 0.000000e+00 : f32
        %broadcast_in_dim3A_185 = vector.broadcast %broadcast_in_dim3A : f32 to vector<16xf32>
        %swap3A = arith.index_cast %add3A_174 : i32 to index
        %swap3A_186 = arith.index_cast %add3A_184 : i32 to index
        %swap3A_187 = tpu.vector_load %arg8[%swap3A, %swap3A_186] {strides = array<i32>} : memref<128x128xf32, #tpu.memory_space<vmem>>, vector<1x16xf32>,
        %swap3A_188 = vector.shape_cast %swap3A_187 : vector<1x16xf32> to vector<16xf32>
        %swap3A_189 = vector.shape_cast %broadcast_in_dim3A_185 : vector<16xf32> to vector<1x16xf32>
        tpu.vector_store %arg8[%swap3A, %swap3A_186], %swap3A_189 {strides = array<i32>} : memref<128x128xf32, #tpu.memory_space<vmem>>, vector<1x16xf32>,
      }
      %scan3A_179 = arith.constant 8 : i32
    }
    %scan3A_4 = arith.constant 80 : i32
    %mul3A_5 = arith.constant 80 : i32
    %mul3A_6 = arith.muli %arg1, %mul3A_5 : i32
    %sub3A = arith.constant 10000 : i32
    %sub3A_7 = arith.subi %sub3A, %mul3A_6 : i32
    %sub3A_8 = arith.constant 1280 : i32
    %sub3A_9 = arith.constant 1 : i32
    %sub3A_10 = arith.subi %sub3A_8, %sub3A_9 : i32
    %add3A_11 = arith.addi %sub3A_7, %sub3A_10 : i32
    %div3A = arith.constant 1280 : i32
    %div3A_12 = arith.divsi %add3A_11, %div3A : i32
    %while3A = arith.constant 1280 : i32
    %while3A_13 = arith.constant 0 : i32
    %while3A_14 = arith.subi %div3A_12, %while3A_13 : i32
    %while3A_15 = arith.addi %while3A_13, %while3A_14 : i32
    %while3A_16 = arith.constant 1 : i32
    %while3A_17 = arith.divsi %while3A_14, %while3A_16 : i32
    %while3A_18 = arith.muli %while3A_17, %while3A_16 : i32
    %while3A_19 = arith.addi %while3A_13, %while3A_18 : i32
    %while3A_20 = arith.constant 1 : i32
    scf.for %while3A_170 = %while3A_13 to %while3A_19 step %while3A_20  : i32 {
      %mul3A_171 = arith.muli %while3A_170, %while3A : i32
      %add3A_172 = arith.addi %mul3A_6, %mul3A_171 : i32
      %dma_start3A_173 = arith.constant 0 : i32
      %dma_start3A_174 = arith.constant 0 : i32
      %dma_start3A_175 = tpu.memref_slice %arg8[%dma_start3A_173, %dma_start3A_174] : memref<128x128xf32, #tpu.memory_space<vmem>> -> memref<80x128xf32, #tpu.memory_space<vmem>>
      %dma_start3A_176 = arith.constant 0 : i32
      %dma_start3A_177 = tpu.memref_slice %arg5[%add3A_172, %dma_start3A_176] : memref<10128x128xf32, #tpu.memory_space<vmem_shared>> -> memref<80x128xf32, #tpu.memory_space<vmem_shared>>
      %dma_start3A_178 = arith.constant 0 : i32
      %dma_start3A_179 = tpu.memref_slice %arg5[%add3A_172, %dma_start3A_178] : memref<10128x128xf32, #tpu.memory_space<vmem_shared>> -> memref<80x128xf32, #tpu.memory_space<vmem_shared>>
      %dma_start3A_180 = arith.constant 0 : i32
      %dma_start3A_181 = arith.constant 0 : i32
      %dma_start3A_182 = tpu.memref_slice %arg8[%dma_start3A_180, %dma_start3A_181] : memref<128x128xf32, #tpu.memory_space<vmem>> -> memref<80x128xf32, #tpu.memory_space<vmem>>
      tpu.enqueue_dma source(%dma_start3A_182 : memref<80x128xf32, #tpu.memory_space<vmem>>) target(%dma_start3A_179 : memref<80x128xf32, #tpu.memory_space<vmem_shared>>) target_semaphore(%arg10 : memref<!tpu.dma_semaphore, #tpu.memory_space<semaphore_mem>>)
    }
    %while3A_21 = arith.constant 1 : i32
    scf.for %while3A_170 = %while3A_19 to %while3A_15 step %while3A_21  : i32 {
      %mul3A_171 = arith.muli %while3A_170, %while3A : i32
      %add3A_172 = arith.addi %mul3A_6, %mul3A_171 : i32
      %dma_start3A_173 = arith.constant 0 : i32
      %dma_start3A_174 = arith.constant 0 : i32
      %dma_start3A_175 = tpu.memref_slice %arg8[%dma_start3A_173, %dma_start3A_174] : memref<128x128xf32, #tpu.memory_space<vmem>> -> memref<80x128xf32, #tpu.memory_space<vmem>>
      %dma_start3A_176 = arith.constant 0 : i32
      %dma_start3A_177 = tpu.memref_slice %arg5[%add3A_172, %dma_start3A_176] : memref<10128x128xf32, #tpu.memory_space<vmem_shared>> -> memref<80x128xf32, #tpu.memory_space<vmem_shared>>
      %dma_start3A_178 = arith.constant 0 : i32
      %dma_start3A_179 = tpu.memref_slice %arg5[%add3A_172, %dma_start3A_178] : memref<10128x128xf32, #tpu.memory_space<vmem_shared>> -> memref<80x128xf32, #tpu.memory_space<vmem_shared>>
      %dma_start3A_180 = arith.constant 0 : i32
      %dma_start3A_181 = arith.constant 0 : i32
      %dma_start3A_182 = tpu.memref_slice %arg8[%dma_start3A_180, %dma_start3A_181] : memref<128x128xf32, #tpu.memory_space<vmem>> -> memref<80x128xf32, #tpu.memory_space<vmem>>
      tpu.enqueue_dma source(%dma_start3A_182 : memref<80x128xf32, #tpu.memory_space<vmem>>) target(%dma_start3A_179 : memref<80x128xf32, #tpu.memory_space<vmem_shared>>) target_semaphore(%arg10 : memref<!tpu.dma_semaphore, #tpu.memory_space<semaphore_mem>>)
    }
    %mul3A_22 = arith.constant 80 : i32
    %mul3A_23 = arith.muli %arg1, %mul3A_22 : i32
    %sub3A_24 = arith.constant 10000 : i32
    %sub3A_25 = arith.subi %sub3A_24, %mul3A_23 : i32
    %sub3A_26 = arith.constant 1280 : i32
    %sub3A_27 = arith.constant 1 : i32
    %sub3A_28 = arith.subi %sub3A_26, %sub3A_27 : i32
    %add3A_29 = arith.addi %sub3A_25, %sub3A_28 : i32
    %div3A_30 = arith.constant 1280 : i32
    %div3A_31 = arith.divsi %add3A_29, %div3A_30 : i32
    %while3A_32 = arith.constant 1280 : i32
    %while3A_33 = arith.constant 0 : i32
    %while3A_34 = arith.subi %div3A_31, %while3A_33 : i32
    %while3A_35 = arith.addi %while3A_33, %while3A_34 : i32
    %while3A_36 = arith.constant 1 : i32
    %while3A_37 = arith.divsi %while3A_34, %while3A_36 : i32
    %while3A_38 = arith.muli %while3A_37, %while3A_36 : i32
    %while3A_39 = arith.addi %while3A_33, %while3A_38 : i32
    %while3A_40 = arith.constant 1 : i32
    scf.for %while3A_170 = %while3A_33 to %while3A_39 step %while3A_40  : i32 {
      %mul3A_171 = arith.muli %while3A_170, %while3A_32 : i32
      %add3A_172 = arith.addi %mul3A_23, %mul3A_171 : i32
      %dma_wait3A = arith.constant 0 : i32
      %dma_wait3A_173 = arith.constant 0 : i32
      %dma_wait3A_174 = tpu.memref_slice %arg8[%dma_wait3A, %dma_wait3A_173] : memref<128x128xf32, #tpu.memory_space<vmem>> -> memref<80x128xf32, #tpu.memory_space<vmem>>
      %dma_wait3A_175 = arith.constant 0 : i32
      %dma_wait3A_176 = tpu.memref_slice %arg5[%add3A_172, %dma_wait3A_175] : memref<10128x128xf32, #tpu.memory_space<vmem_shared>> -> memref<80x128xf32, #tpu.memory_space<vmem_shared>>
      %dma_wait3A_177 = arith.constant 0 : i32
      %dma_wait3A_178 = tpu.memref_slice %arg5[%add3A_172, %dma_wait3A_177] : memref<10128x128xf32, #tpu.memory_space<vmem_shared>> -> memref<80x128xf32, #tpu.memory_space<vmem_shared>>
      %dma_wait3A_179 = arith.constant 0 : i32
      %dma_wait3A_180 = arith.constant 0 : i32
      %dma_wait3A_181 = tpu.memref_slice %arg8[%dma_wait3A_179, %dma_wait3A_180] : memref<128x128xf32, #tpu.memory_space<vmem>> -> memref<80x128xf32, #tpu.memory_space<vmem>>
      tpu.wait_dma2 semaphore(%arg10 : memref<!tpu.dma_semaphore, #tpu.memory_space<semaphore_mem>>) src(%dma_wait3A_181 : memref<80x128xf32, #tpu.memory_space<vmem>>) dst(%dma_wait3A_178 : memref<80x128xf32, #tpu.memory_space<vmem_shared>>)
    }
    %while3A_41 = arith.constant 1 : i32
    scf.for %while3A_170 = %while3A_39 to %while3A_35 step %while3A_41  : i32 {
      %mul3A_171 = arith.muli %while3A_170, %while3A_32 : i32
      %add3A_172 = arith.addi %mul3A_23, %mul3A_171 : i32
      %dma_wait3A = arith.constant 0 : i32
      %dma_wait3A_173 = arith.constant 0 : i32
      %dma_wait3A_174 = tpu.memref_slice %arg8[%dma_wait3A, %dma_wait3A_173] : memref<128x128xf32, #tpu.memory_space<vmem>> -> memref<80x128xf32, #tpu.memory_space<vmem>>
      %dma_wait3A_175 = arith.constant 0 : i32
      %dma_wait3A_176 = tpu.memref_slice %arg5[%add3A_172, %dma_wait3A_175] : memref<10128x128xf32, #tpu.memory_space<vmem_shared>> -> memref<80x128xf32, #tpu.memory_space<vmem_shared>>
      %dma_wait3A_177 = arith.constant 0 : i32
      %dma_wait3A_178 = tpu.memref_slice %arg5[%add3A_172, %dma_wait3A_177] : memref<10128x128xf32, #tpu.memory_space<vmem_shared>> -> memref<80x128xf32, #tpu.memory_space<vmem_shared>>
      %dma_wait3A_179 = arith.constant 0 : i32
      %dma_wait3A_180 = arith.constant 0 : i32
      %dma_wait3A_181 = tpu.memref_slice %arg8[%dma_wait3A_179, %dma_wait3A_180] : memref<128x128xf32, #tpu.memory_space<vmem>> -> memref<80x128xf32, #tpu.memory_space<vmem>>
      tpu.wait_dma2 semaphore(%arg10 : memref<!tpu.dma_semaphore, #tpu.memory_space<semaphore_mem>>) src(%dma_wait3A_181 : memref<80x128xf32, #tpu.memory_space<vmem>>) dst(%dma_wait3A_178 : memref<80x128xf32, #tpu.memory_space<vmem_shared>>)
    }
    %barrier3A = arith.constant 0 : index
    tpu.barrier barrier_id(%barrier3A)
    %run_scoped3A = arith.constant 0 : i32
    "tpu.region"() ({
      %run_scoped3A_170 = tpu.sem_alloc : memref<!tpu.dma_semaphore, #tpu.memory_space<semaphore_mem>>
      %dma_start3A_171 = arith.constant 0 : i32
      %dma_start3A_172 = arith.constant 0 : i32
      %dma_start3A_173 = tpu.memref_slice %arg3[%run_scoped3A, %add3A, %dma_start3A_171, %dma_start3A_172] : memref<2x32x80x128xi32, #tpu.memory_space<hbm>> -> memref<1x1x40x128xi32, #tpu.memory_space<hbm>>
      %dma_start3A_174 = tpu.memref_squeeze %dma_start3A_173 : memref<1x1x40x128xi32, #tpu.memory_space<hbm>> -> memref<40x128xi32, #tpu.memory_space<hbm>>
      %dma_start3A_175 = arith.constant 0 : i32
      %dma_start3A_176 = arith.constant 0 : i32
      %dma_start3A_177 = tpu.memref_slice %arg3[%run_scoped3A, %add3A, %dma_start3A_175, %dma_start3A_176] : memref<2x32x80x128xi32, #tpu.memory_space<hbm>> -> memref<1x1x40x128xi32, #tpu.memory_space<hbm>>
      %dma_start3A_178 = tpu.memref_squeeze %dma_start3A_177 : memref<1x1x40x128xi32, #tpu.memory_space<hbm>> -> memref<40x128xi32, #tpu.memory_space<hbm>>
      tpu.enqueue_dma source(%dma_start3A_178 : memref<40x128xi32, #tpu.memory_space<hbm>>) target(%arg6 : memref<40x128xi32, #tpu.memory_space<vmem>>) target_semaphore(%run_scoped3A_170 : memref<!tpu.dma_semaphore, #tpu.memory_space<semaphore_mem>>)
      %dma_wait3A = arith.constant 0 : i32
      %dma_wait3A_179 = arith.constant 0 : i32
      %dma_wait3A_180 = tpu.memref_slice %arg3[%run_scoped3A, %add3A, %dma_wait3A, %dma_wait3A_179] : memref<2x32x80x128xi32, #tpu.memory_space<hbm>> -> memref<1x1x40x128xi32, #tpu.memory_space<hbm>>
      %dma_wait3A_181 = tpu.memref_squeeze %dma_wait3A_180 : memref<1x1x40x128xi32, #tpu.memory_space<hbm>> -> memref<40x128xi32, #tpu.memory_space<hbm>>
      %dma_wait3A_182 = arith.constant 0 : i32
      %dma_wait3A_183 = arith.constant 0 : i32
      %dma_wait3A_184 = tpu.memref_slice %arg3[%run_scoped3A, %add3A, %dma_wait3A_182, %dma_wait3A_183] : memref<2x32x80x128xi32, #tpu.memory_space<hbm>> -> memref<1x1x40x128xi32, #tpu.memory_space<hbm>>
      %dma_wait3A_185 = tpu.memref_squeeze %dma_wait3A_184 : memref<1x1x40x128xi32, #tpu.memory_space<hbm>> -> memref<40x128xi32, #tpu.memory_space<hbm>>
      tpu.wait_dma2 semaphore(%run_scoped3A_170 : memref<!tpu.dma_semaphore, #tpu.memory_space<semaphore_mem>>) src(%dma_wait3A_185 : memref<40x128xi32, #tpu.memory_space<hbm>>) dst(%arg6 : memref<40x128xi32, #tpu.memory_space<vmem>>)
      tpu.yield
    }) : () -> ()
    %run_scoped3A_42 = arith.constant 1 : i32
    "tpu.region"() ({
      %run_scoped3A_170 = tpu.sem_alloc : memref<!tpu.dma_semaphore, #tpu.memory_space<semaphore_mem>>
      %dma_start3A_171 = arith.constant 0 : i32
      %dma_start3A_172 = arith.constant 0 : i32
      %dma_start3A_173 = tpu.memref_slice %arg3[%run_scoped3A_42, %add3A, %dma_start3A_171, %dma_start3A_172] : memref<2x32x80x128xi32, #tpu.memory_space<hbm>> -> memref<1x1x40x128xi32, #tpu.memory_space<hbm>>
      %dma_start3A_174 = tpu.memref_squeeze %dma_start3A_173 : memref<1x1x40x128xi32, #tpu.memory_space<hbm>> -> memref<40x128xi32, #tpu.memory_space<hbm>>
      %dma_start3A_175 = arith.constant 0 : i32
      %dma_start3A_176 = arith.constant 0 : i32
      %dma_start3A_177 = tpu.memref_slice %arg3[%run_scoped3A_42, %add3A, %dma_start3A_175, %dma_start3A_176] : memref<2x32x80x128xi32, #tpu.memory_space<hbm>> -> memref<1x1x40x128xi32, #tpu.memory_space<hbm>>
      %dma_start3A_178 = tpu.memref_squeeze %dma_start3A_177 : memref<1x1x40x128xi32, #tpu.memory_space<hbm>> -> memref<40x128xi32, #tpu.memory_space<hbm>>
      tpu.enqueue_dma source(%dma_start3A_178 : memref<40x128xi32, #tpu.memory_space<hbm>>) target(%arg7 : memref<40x128xi32, #tpu.memory_space<vmem>>) target_semaphore(%run_scoped3A_170 : memref<!tpu.dma_semaphore, #tpu.memory_space<semaphore_mem>>)
      %dma_wait3A = arith.constant 0 : i32
      %dma_wait3A_179 = arith.constant 0 : i32
      %dma_wait3A_180 = tpu.memref_slice %arg3[%run_scoped3A_42, %add3A, %dma_wait3A, %dma_wait3A_179] : memref<2x32x80x128xi32, #tpu.memory_space<hbm>> -> memref<1x1x40x128xi32, #tpu.memory_space<hbm>>
      %dma_wait3A_181 = tpu.memref_squeeze %dma_wait3A_180 : memref<1x1x40x128xi32, #tpu.memory_space<hbm>> -> memref<40x128xi32, #tpu.memory_space<hbm>>
      %dma_wait3A_182 = arith.constant 0 : i32
      %dma_wait3A_183 = arith.constant 0 : i32
      %dma_wait3A_184 = tpu.memref_slice %arg3[%run_scoped3A_42, %add3A, %dma_wait3A_182, %dma_wait3A_183] : memref<2x32x80x128xi32, #tpu.memory_space<hbm>> -> memref<1x1x40x128xi32, #tpu.memory_space<hbm>>
      %dma_wait3A_185 = tpu.memref_squeeze %dma_wait3A_184 : memref<1x1x40x128xi32, #tpu.memory_space<hbm>> -> memref<40x128xi32, #tpu.memory_space<hbm>>
      tpu.wait_dma2 semaphore(%run_scoped3A_170 : memref<!tpu.dma_semaphore, #tpu.memory_space<semaphore_mem>>) src(%dma_wait3A_185 : memref<40x128xi32, #tpu.memory_space<hbm>>) dst(%arg7 : memref<40x128xi32, #tpu.memory_space<vmem>>)
      tpu.yield
    }) : () -> ()
    %dma_start3A = arith.constant 0 : i32
    %dma_start3A_43 = arith.constant 0 : i32
    %dma_start3A_44 = tpu.memref_slice %arg6[%dma_start3A, %dma_start3A_43] : memref<40x128xi32, #tpu.memory_space<vmem>> -> memref<1x128xi32, #tpu.memory_space<vmem>>
    %dma_start3A_45 = tpu.memref_squeeze %dma_start3A_44 : memref<1x128xi32, #tpu.memory_space<vmem>> -> memref<128xi32, #tpu.memory_space<vmem>>
    %dma_start3A_46 = arith.constant 0 : i32
    %dma_start3A_47 = arith.constant 0 : i32
    %dma_start3A_48 = tpu.memref_slice %arg2[%dma_start3A_46, %dma_start3A_47] : memref<10000x128xf32, #tpu.memory_space<hbm>> -> memref<10000x128xf32, #tpu.memory_space<hbm>>
    tpu.enqueue_indirect_dma source(%dma_start3A_48 : memref<10000x128xf32, #tpu.memory_space<hbm>>) target(%arg8 : memref<128x128xf32, #tpu.memory_space<vmem>>) offsets(%dma_start3A_45 : memref<128xi32, #tpu.memory_space<vmem>>) semaphore(%arg10 : memref<!tpu.dma_semaphore, #tpu.memory_space<semaphore_mem>>)
    %dma_start3A_49 = arith.constant 1 : i32
    %dma_start3A_50 = arith.constant 0 : i32
    %dma_start3A_51 = tpu.memref_slice %arg6[%dma_start3A_49, %dma_start3A_50] : memref<40x128xi32, #tpu.memory_space<vmem>> -> memref<1x128xi32, #tpu.memory_space<vmem>>
    %dma_start3A_52 = tpu.memref_squeeze %dma_start3A_51 : memref<1x128xi32, #tpu.memory_space<vmem>> -> memref<128xi32, #tpu.memory_space<vmem>>
    %dma_start3A_53 = arith.constant 0 : i32
    %dma_start3A_54 = arith.constant 0 : i32
    %dma_start3A_55 = tpu.memref_slice %arg2[%dma_start3A_53, %dma_start3A_54] : memref<10000x128xf32, #tpu.memory_space<hbm>> -> memref<10000x128xf32, #tpu.memory_space<hbm>>
    tpu.enqueue_indirect_dma source(%dma_start3A_55 : memref<10000x128xf32, #tpu.memory_space<hbm>>) target(%arg9 : memref<128x128xf32, #tpu.memory_space<vmem>>) offsets(%dma_start3A_52 : memref<128xi32, #tpu.memory_space<vmem>>) semaphore(%arg11 : memref<!tpu.dma_semaphore, #tpu.memory_space<semaphore_mem>>)
    %scan3A_56 = arith.constant 0 : i32
    %scan3A_57 = arith.constant 20 : i32
    %scan3A_58 = arith.addi %scan3A_56, %scan3A_57 : i32
    %scan3A_59 = arith.constant 1 : i32
    scf.for %scan3A_170 = %scan3A_56 to %scan3A_58 step %scan3A_59  : i32 {
      %mul3A_171 = arith.constant 1 : i32
      %mul3A_172 = arith.muli %scan3A_170, %mul3A_171 : i32
      %add3A_173 = arith.constant 0 : i32
      %add3A_174 = arith.addi %add3A_173, %mul3A_172 : i32
      %mul3A_175 = arith.constant 2 : i32
      %mul3A_176 = arith.muli %mul3A_175, %add3A_174 : i32
      %dma_wait3A = arith.constant 0 : i32
      %dma_wait3A_177 = tpu.memref_slice %arg6[%mul3A_176, %dma_wait3A] : memref<40x128xi32, #tpu.memory_space<vmem>> -> memref<1x128xi32, #tpu.memory_space<vmem>>
      %dma_wait3A_178 = tpu.memref_squeeze %dma_wait3A_177 : memref<1x128xi32, #tpu.memory_space<vmem>> -> memref<128xi32, #tpu.memory_space<vmem>>
      %dma_wait3A_179 = arith.constant 0 : i32
      %dma_wait3A_180 = arith.constant 0 : i32
      %dma_wait3A_181 = tpu.memref_slice %arg2[%dma_wait3A_179, %dma_wait3A_180] : memref<10000x128xf32, #tpu.memory_space<hbm>> -> memref<10000x128xf32, #tpu.memory_space<hbm>>
      tpu.wait_indirect_dma semaphore(%arg10 : memref<!tpu.dma_semaphore, #tpu.memory_space<semaphore_mem>>) src(%dma_wait3A_181 : memref<10000x128xf32, #tpu.memory_space<hbm>>) dst(%arg8 : memref<128x128xf32, #tpu.memory_space<vmem>>)
      %dma_start3A_182 = arith.constant 0 : i32
      %dma_start3A_183 = tpu.memref_slice %arg7[%mul3A_176, %dma_start3A_182] : memref<40x128xi32, #tpu.memory_space<vmem>> -> memref<1x128xi32, #tpu.memory_space<vmem>>
      %dma_start3A_184 = tpu.memref_squeeze %dma_start3A_183 : memref<1x128xi32, #tpu.memory_space<vmem>> -> memref<128xi32, #tpu.memory_space<vmem>>
      %dma_start3A_185 = arith.constant 0 : i32
      %dma_start3A_186 = arith.constant 0 : i32
      %dma_start3A_187 = tpu.memref_slice %arg5[%dma_start3A_185, %dma_start3A_186] : memref<10128x128xf32, #tpu.memory_space<vmem_shared>> -> memref<10128x128xf32, #tpu.memory_space<vmem_shared>>
      tpu.enqueue_indirect_dma source(%arg8 : memref<128x128xf32, #tpu.memory_space<vmem>>) target(%dma_start3A_187 : memref<10128x128xf32, #tpu.memory_space<vmem_shared>>) offsets(%dma_start3A_184 : memref<128xi32, #tpu.memory_space<vmem>>) semaphore(%arg12 : memref<!tpu.dma_semaphore, #tpu.memory_space<semaphore_mem>>) {add = true}
      %add3A_188 = arith.constant 1 : i32
      %add3A_189 = arith.addi %mul3A_176, %add3A_188 : i32
      %dma_wait3A_190 = arith.constant 0 : i32
      %dma_wait3A_191 = tpu.memref_slice %arg6[%add3A_189, %dma_wait3A_190] : memref<40x128xi32, #tpu.memory_space<vmem>> -> memref<1x128xi32, #tpu.memory_space<vmem>>
      %dma_wait3A_192 = tpu.memref_squeeze %dma_wait3A_191 : memref<1x128xi32, #tpu.memory_space<vmem>> -> memref<128xi32, #tpu.memory_space<vmem>>
      %dma_wait3A_193 = arith.constant 0 : i32
      %dma_wait3A_194 = arith.constant 0 : i32
      %dma_wait3A_195 = tpu.memref_slice %arg2[%dma_wait3A_193, %dma_wait3A_194] : memref<10000x128xf32, #tpu.memory_space<hbm>> -> memref<10000x128xf32, #tpu.memory_space<hbm>>
      tpu.wait_indirect_dma semaphore(%arg11 : memref<!tpu.dma_semaphore, #tpu.memory_space<semaphore_mem>>) src(%dma_wait3A_195 : memref<10000x128xf32, #tpu.memory_space<hbm>>) dst(%arg9 : memref<128x128xf32, #tpu.memory_space<vmem>>)
      %dma_wait3A_196 = arith.constant 0 : i32
      %dma_wait3A_197 = tpu.memref_slice %arg7[%mul3A_176, %dma_wait3A_196] : memref<40x128xi32, #tpu.memory_space<vmem>> -> memref<1x128xi32, #tpu.memory_space<vmem>>
      %dma_wait3A_198 = tpu.memref_squeeze %dma_wait3A_197 : memref<1x128xi32, #tpu.memory_space<vmem>> -> memref<128xi32, #tpu.memory_space<vmem>>
      %dma_wait3A_199 = arith.constant 0 : i32
      %dma_wait3A_200 = arith.constant 0 : i32
      %dma_wait3A_201 = tpu.memref_slice %arg5[%dma_wait3A_199, %dma_wait3A_200] : memref<10128x128xf32, #tpu.memory_space<vmem_shared>> -> memref<10128x128xf32, #tpu.memory_space<vmem_shared>>
      tpu.wait_indirect_dma semaphore(%arg12 : memref<!tpu.dma_semaphore, #tpu.memory_space<semaphore_mem>>) src(%arg8 : memref<128x128xf32, #tpu.memory_space<vmem>>) dst(%dma_wait3A_201 : memref<10128x128xf32, #tpu.memory_space<vmem_shared>>)
      %add3A_202 = arith.constant 1 : i32
      %add3A_203 = arith.addi %mul3A_176, %add3A_202 : i32
      %dma_start3A_204 = arith.constant 0 : i32
      %dma_start3A_205 = tpu.memref_slice %arg7[%add3A_203, %dma_start3A_204] : memref<40x128xi32, #tpu.memory_space<vmem>> -> memref<1x128xi32, #tpu.memory_space<vmem>>
      %dma_start3A_206 = tpu.memref_squeeze %dma_start3A_205 : memref<1x128xi32, #tpu.memory_space<vmem>> -> memref<128xi32, #tpu.memory_space<vmem>>
      %dma_start3A_207 = arith.constant 0 : i32
      %dma_start3A_208 = arith.constant 0 : i32
      %dma_start3A_209 = tpu.memref_slice %arg5[%dma_start3A_207, %dma_start3A_208] : memref<10128x128xf32, #tpu.memory_space<vmem_shared>> -> memref<10128x128xf32, #tpu.memory_space<vmem_shared>>
      tpu.enqueue_indirect_dma source(%arg9 : memref<128x128xf32, #tpu.memory_space<vmem>>) target(%dma_start3A_209 : memref<10128x128xf32, #tpu.memory_space<vmem_shared>>) offsets(%dma_start3A_206 : memref<128xi32, #tpu.memory_space<vmem>>) semaphore(%arg13 : memref<!tpu.dma_semaphore, #tpu.memory_space<semaphore_mem>>) {add = true}
      %add3A_210 = arith.constant 2 : i32
      %add3A_211 = arith.addi %mul3A_176, %add3A_210 : i32
      %lt3A_212 = arith.constant 40 : i32
      %lt3A_213 = arith.cmpi slt, %add3A_211, %lt3A_212 : i32
      %convert_element_type3A_214 = arith.extui %lt3A_213 : i1 to i32
      %cond3A_215 = arith.constant 0 : i32
      %cond3A_216 = arith.cmpi ne, %convert_element_type3A_214, %cond3A_215 : i32
      scf.if %cond3A_216 {
        %add3A_230 = arith.constant 2 : i32
        %add3A_231 = arith.addi %mul3A_176, %add3A_230 : i32
        %dma_start3A_232 = arith.constant 0 : i32
        %dma_start3A_233 = tpu.memref_slice %arg6[%add3A_231, %dma_start3A_232] : memref<40x128xi32, #tpu.memory_space<vmem>> -> memref<1x128xi32, #tpu.memory_space<vmem>>
        %dma_start3A_234 = tpu.memref_squeeze %dma_start3A_233 : memref<1x128xi32, #tpu.memory_space<vmem>> -> memref<128xi32, #tpu.memory_space<vmem>>
        %dma_start3A_235 = arith.constant 0 : i32
        %dma_start3A_236 = arith.constant 0 : i32
        %dma_start3A_237 = tpu.memref_slice %arg2[%dma_start3A_235, %dma_start3A_236] : memref<10000x128xf32, #tpu.memory_space<hbm>> -> memref<10000x128xf32, #tpu.memory_space<hbm>>
        tpu.enqueue_indirect_dma source(%dma_start3A_237 : memref<10000x128xf32, #tpu.memory_space<hbm>>) target(%arg8 : memref<128x128xf32, #tpu.memory_space<vmem>>) offsets(%dma_start3A_234 : memref<128xi32, #tpu.memory_space<vmem>>) semaphore(%arg10 : memref<!tpu.dma_semaphore, #tpu.memory_space<semaphore_mem>>)
      } else {
      }
      %dma_wait3A_217 = arith.constant 0 : i32
      %dma_wait3A_218 = tpu.memref_slice %arg7[%add3A_203, %dma_wait3A_217] : memref<40x128xi32, #tpu.memory_space<vmem>> -> memref<1x128xi32, #tpu.memory_space<vmem>>
      %dma_wait3A_219 = tpu.memref_squeeze %dma_wait3A_218 : memref<1x128xi32, #tpu.memory_space<vmem>> -> memref<128xi32, #tpu.memory_space<vmem>>
      %dma_wait3A_220 = arith.constant 0 : i32
      %dma_wait3A_221 = arith.constant 0 : i32
      %dma_wait3A_222 = tpu.memref_slice %arg5[%dma_wait3A_220, %dma_wait3A_221] : memref<10128x128xf32, #tpu.memory_space<vmem_shared>> -> memref<10128x128xf32, #tpu.memory_space<vmem_shared>>
      tpu.wait_indirect_dma semaphore(%arg13 : memref<!tpu.dma_semaphore, #tpu.memory_space<semaphore_mem>>) src(%arg9 : memref<128x128xf32, #tpu.memory_space<vmem>>) dst(%dma_wait3A_222 : memref<10128x128xf32, #tpu.memory_space<vmem_shared>>)
      %add3A_223 = arith.constant 3 : i32
      %add3A_224 = arith.addi %mul3A_176, %add3A_223 : i32
      %lt3A_225 = arith.constant 40 : i32
      %lt3A_226 = arith.cmpi slt, %add3A_224, %lt3A_225 : i32
      %convert_element_type3A_227 = arith.extui %lt3A_226 : i1 to i32
      %cond3A_228 = arith.constant 0 : i32
      %cond3A_229 = arith.cmpi ne, %convert_element_type3A_227, %cond3A_228 : i32
      scf.if %cond3A_229 {
        %add3A_230 = arith.constant 3 : i32
        %add3A_231 = arith.addi %mul3A_176, %add3A_230 : i32
        %dma_start3A_232 = arith.constant 0 : i32
        %dma_start3A_233 = tpu.memref_slice %arg6[%add3A_231, %dma_start3A_232] : memref<40x128xi32, #tpu.memory_space<vmem>> -> memref<1x128xi32, #tpu.memory_space<vmem>>
        %dma_start3A_234 = tpu.memref_squeeze %dma_start3A_233 : memref<1x128xi32, #tpu.memory_space<vmem>> -> memref<128xi32, #tpu.memory_space<vmem>>
        %dma_start3A_235 = arith.constant 0 : i32
        %dma_start3A_236 = arith.constant 0 : i32
        %dma_start3A_237 = tpu.memref_slice %arg2[%dma_start3A_235, %dma_start3A_236] : memref<10000x128xf32, #tpu.memory_space<hbm>> -> memref<10000x128xf32, #tpu.memory_space<hbm>>
        tpu.enqueue_indirect_dma source(%dma_start3A_237 : memref<10000x128xf32, #tpu.memory_space<hbm>>) target(%arg9 : memref<128x128xf32, #tpu.memory_space<vmem>>) offsets(%dma_start3A_234 : memref<128xi32, #tpu.memory_space<vmem>>) semaphore(%arg11 : memref<!tpu.dma_semaphore, #tpu.memory_space<semaphore_mem>>)
      } else {
      }
    }
    %scan3A_60 = arith.constant 20 : i32
    %run_scoped3A_61 = arith.constant 0 : i32
    "tpu.region"() ({
      %run_scoped3A_170 = tpu.sem_alloc : memref<!tpu.dma_semaphore, #tpu.memory_space<semaphore_mem>>
      %dma_start3A_171 = arith.constant 40 : i32
      %dma_start3A_172 = arith.constant 0 : i32
      %dma_start3A_173 = tpu.memref_slice %arg3[%run_scoped3A_61, %add3A, %dma_start3A_171, %dma_start3A_172] : memref<2x32x80x128xi32, #tpu.memory_space<hbm>> -> memref<1x1x40x128xi32, #tpu.memory_space<hbm>>
      %dma_start3A_174 = tpu.memref_squeeze %dma_start3A_173 : memref<1x1x40x128xi32, #tpu.memory_space<hbm>> -> memref<40x128xi32, #tpu.memory_space<hbm>>
      %dma_start3A_175 = arith.constant 40 : i32
      %dma_start3A_176 = arith.constant 0 : i32
      %dma_start3A_177 = tpu.memref_slice %arg3[%run_scoped3A_61, %add3A, %dma_start3A_175, %dma_start3A_176] : memref<2x32x80x128xi32, #tpu.memory_space<hbm>> -> memref<1x1x40x128xi32, #tpu.memory_space<hbm>>
      %dma_start3A_178 = tpu.memref_squeeze %dma_start3A_177 : memref<1x1x40x128xi32, #tpu.memory_space<hbm>> -> memref<40x128xi32, #tpu.memory_space<hbm>>
      tpu.enqueue_dma source(%dma_start3A_178 : memref<40x128xi32, #tpu.memory_space<hbm>>) target(%arg6 : memref<40x128xi32, #tpu.memory_space<vmem>>) target_semaphore(%run_scoped3A_170 : memref<!tpu.dma_semaphore, #tpu.memory_space<semaphore_mem>>)
      %dma_wait3A = arith.constant 40 : i32
      %dma_wait3A_179 = arith.constant 0 : i32
      %dma_wait3A_180 = tpu.memref_slice %arg3[%run_scoped3A_61, %add3A, %dma_wait3A, %dma_wait3A_179] : memref<2x32x80x128xi32, #tpu.memory_space<hbm>> -> memref<1x1x40x128xi32, #tpu.memory_space<hbm>>
      %dma_wait3A_181 = tpu.memref_squeeze %dma_wait3A_180 : memref<1x1x40x128xi32, #tpu.memory_space<hbm>> -> memref<40x128xi32, #tpu.memory_space<hbm>>
      %dma_wait3A_182 = arith.constant 40 : i32
      %dma_wait3A_183 = arith.constant 0 : i32
      %dma_wait3A_184 = tpu.memref_slice %arg3[%run_scoped3A_61, %add3A, %dma_wait3A_182, %dma_wait3A_183] : memref<2x32x80x128xi32, #tpu.memory_space<hbm>> -> memref<1x1x40x128xi32, #tpu.memory_space<hbm>>
      %dma_wait3A_185 = tpu.memref_squeeze %dma_wait3A_184 : memref<1x1x40x128xi32, #tpu.memory_space<hbm>> -> memref<40x128xi32, #tpu.memory_space<hbm>>
      tpu.wait_dma2 semaphore(%run_scoped3A_170 : memref<!tpu.dma_semaphore, #tpu.memory_space<semaphore_mem>>) src(%dma_wait3A_185 : memref<40x128xi32, #tpu.memory_space<hbm>>) dst(%arg6 : memref<40x128xi32, #tpu.memory_space<vmem>>)
      tpu.yield
    }) : () -> ()
    %run_scoped3A_62 = arith.constant 1 : i32
    "tpu.region"() ({
      %run_scoped3A_170 = tpu.sem_alloc : memref<!tpu.dma_semaphore, #tpu.memory_space<semaphore_mem>>
      %dma_start3A_171 = arith.constant 40 : i32
      %dma_start3A_172 = arith.constant 0 : i32
      %dma_start3A_173 = tpu.memref_slice %arg3[%run_scoped3A_62, %add3A, %dma_start3A_171, %dma_start3A_172] : memref<2x32x80x128xi32, #tpu.memory_space<hbm>> -> memref<1x1x40x128xi32, #tpu.memory_space<hbm>>
      %dma_start3A_174 = tpu.memref_squeeze %dma_start3A_173 : memref<1x1x40x128xi32, #tpu.memory_space<hbm>> -> memref<40x128xi32, #tpu.memory_space<hbm>>
      %dma_start3A_175 = arith.constant 40 : i32
      %dma_start3A_176 = arith.constant 0 : i32
      %dma_start3A_177 = tpu.memref_slice %arg3[%run_scoped3A_62, %add3A, %dma_start3A_175, %dma_start3A_176] : memref<2x32x80x128xi32, #tpu.memory_space<hbm>> -> memref<1x1x40x128xi32, #tpu.memory_space<hbm>>
      %dma_start3A_178 = tpu.memref_squeeze %dma_start3A_177 : memref<1x1x40x128xi32, #tpu.memory_space<hbm>> -> memref<40x128xi32, #tpu.memory_space<hbm>>
      tpu.enqueue_dma source(%dma_start3A_178 : memref<40x128xi32, #tpu.memory_space<hbm>>) target(%arg7 : memref<40x128xi32, #tpu.memory_space<vmem>>) target_semaphore(%run_scoped3A_170 : memref<!tpu.dma_semaphore, #tpu.memory_space<semaphore_mem>>)
      %dma_wait3A = arith.constant 40 : i32
      %dma_wait3A_179 = arith.constant 0 : i32
      %dma_wait3A_180 = tpu.memref_slice %arg3[%run_scoped3A_62, %add3A, %dma_wait3A, %dma_wait3A_179] : memref<2x32x80x128xi32, #tpu.memory_space<hbm>> -> memref<1x1x40x128xi32, #tpu.memory_space<hbm>>
      %dma_wait3A_181 = tpu.memref_squeeze %dma_wait3A_180 : memref<1x1x40x128xi32, #tpu.memory_space<hbm>> -> memref<40x128xi32, #tpu.memory_space<hbm>>
      %dma_wait3A_182 = arith.constant 40 : i32
      %dma_wait3A_183 = arith.constant 0 : i32
      %dma_wait3A_184 = tpu.memref_slice %arg3[%run_scoped3A_62, %add3A, %dma_wait3A_182, %dma_wait3A_183] : memref<2x32x80x128xi32, #tpu.memory_space<hbm>> -> memref<1x1x40x128xi32, #tpu.memory_space<hbm>>
      %dma_wait3A_185 = tpu.memref_squeeze %dma_wait3A_184 : memref<1x1x40x128xi32, #tpu.memory_space<hbm>> -> memref<40x128xi32, #tpu.memory_space<hbm>>
      tpu.wait_dma2 semaphore(%run_scoped3A_170 : memref<!tpu.dma_semaphore, #tpu.memory_space<semaphore_mem>>) src(%dma_wait3A_185 : memref<40x128xi32, #tpu.memory_space<hbm>>) dst(%arg7 : memref<40x128xi32, #tpu.memory_space<vmem>>)
      tpu.yield
    }) : () -> ()
    %dma_start3A_63 = arith.constant 0 : i32
    %dma_start3A_64 = arith.constant 0 : i32
    %dma_start3A_65 = tpu.memref_slice %arg6[%dma_start3A_63, %dma_start3A_64] : memref<40x128xi32, #tpu.memory_space<vmem>> -> memref<1x128xi32, #tpu.memory_space<vmem>>
    %dma_start3A_66 = tpu.memref_squeeze %dma_start3A_65 : memref<1x128xi32, #tpu.memory_space<vmem>> -> memref<128xi32, #tpu.memory_space<vmem>>
    %dma_start3A_67 = arith.constant 0 : i32
    %dma_start3A_68 = arith.constant 0 : i32
    %dma_start3A_69 = tpu.memref_slice %arg2[%dma_start3A_67, %dma_start3A_68] : memref<10000x128xf32, #tpu.memory_space<hbm>> -> memref<10000x128xf32, #tpu.memory_space<hbm>>
    tpu.enqueue_indirect_dma source(%dma_start3A_69 : memref<10000x128xf32, #tpu.memory_space<hbm>>) target(%arg8 : memref<128x128xf32, #tpu.memory_space<vmem>>) offsets(%dma_start3A_66 : memref<128xi32, #tpu.memory_space<vmem>>) semaphore(%arg10 : memref<!tpu.dma_semaphore, #tpu.memory_space<semaphore_mem>>)
    %dma_start3A_70 = arith.constant 1 : i32
    %dma_start3A_71 = arith.constant 0 : i32
    %dma_start3A_72 = tpu.memref_slice %arg6[%dma_start3A_70, %dma_start3A_71] : memref<40x128xi32, #tpu.memory_space<vmem>> -> memref<1x128xi32, #tpu.memory_space<vmem>>
    %dma_start3A_73 = tpu.memref_squeeze %dma_start3A_72 : memref<1x128xi32, #tpu.memory_space<vmem>> -> memref<128xi32, #tpu.memory_space<vmem>>
    %dma_start3A_74 = arith.constant 0 : i32
    %dma_start3A_75 = arith.constant 0 : i32
    %dma_start3A_76 = tpu.memref_slice %arg2[%dma_start3A_74, %dma_start3A_75] : memref<10000x128xf32, #tpu.memory_space<hbm>> -> memref<10000x128xf32, #tpu.memory_space<hbm>>
    tpu.enqueue_indirect_dma source(%dma_start3A_76 : memref<10000x128xf32, #tpu.memory_space<hbm>>) target(%arg9 : memref<128x128xf32, #tpu.memory_space<vmem>>) offsets(%dma_start3A_73 : memref<128xi32, #tpu.memory_space<vmem>>) semaphore(%arg11 : memref<!tpu.dma_semaphore, #tpu.memory_space<semaphore_mem>>)
    %scan3A_77 = arith.constant 0 : i32
    %scan3A_78 = arith.constant 20 : i32
    %scan3A_79 = arith.addi %scan3A_77, %scan3A_78 : i32
    %scan3A_80 = arith.constant 1 : i32
    scf.for %scan3A_170 = %scan3A_77 to %scan3A_79 step %scan3A_80  : i32 {
      %mul3A_171 = arith.constant 1 : i32
      %mul3A_172 = arith.muli %scan3A_170, %mul3A_171 : i32
      %add3A_173 = arith.constant 0 : i32
      %add3A_174 = arith.addi %add3A_173, %mul3A_172 : i32
      %mul3A_175 = arith.constant 2 : i32
      %mul3A_176 = arith.muli %mul3A_175, %add3A_174 : i32
      %dma_wait3A = arith.constant 0 : i32
      %dma_wait3A_177 = tpu.memref_slice %arg6[%mul3A_176, %dma_wait3A] : memref<40x128xi32, #tpu.memory_space<vmem>> -> memref<1x128xi32, #tpu.memory_space<vmem>>
      %dma_wait3A_178 = tpu.memref_squeeze %dma_wait3A_177 : memref<1x128xi32, #tpu.memory_space<vmem>> -> memref<128xi32, #tpu.memory_space<vmem>>
      %dma_wait3A_179 = arith.constant 0 : i32
      %dma_wait3A_180 = arith.constant 0 : i32
      %dma_wait3A_181 = tpu.memref_slice %arg2[%dma_wait3A_179, %dma_wait3A_180] : memref<10000x128xf32, #tpu.memory_space<hbm>> -> memref<10000x128xf32, #tpu.memory_space<hbm>>
      tpu.wait_indirect_dma semaphore(%arg10 : memref<!tpu.dma_semaphore, #tpu.memory_space<semaphore_mem>>) src(%dma_wait3A_181 : memref<10000x128xf32, #tpu.memory_space<hbm>>) dst(%arg8 : memref<128x128xf32, #tpu.memory_space<vmem>>)
      %dma_start3A_182 = arith.constant 0 : i32
      %dma_start3A_183 = tpu.memref_slice %arg7[%mul3A_176, %dma_start3A_182] : memref<40x128xi32, #tpu.memory_space<vmem>> -> memref<1x128xi32, #tpu.memory_space<vmem>>
      %dma_start3A_184 = tpu.memref_squeeze %dma_start3A_183 : memref<1x128xi32, #tpu.memory_space<vmem>> -> memref<128xi32, #tpu.memory_space<vmem>>
      %dma_start3A_185 = arith.constant 0 : i32
      %dma_start3A_186 = arith.constant 0 : i32
      %dma_start3A_187 = tpu.memref_slice %arg5[%dma_start3A_185, %dma_start3A_186] : memref<10128x128xf32, #tpu.memory_space<vmem_shared>> -> memref<10128x128xf32, #tpu.memory_space<vmem_shared>>
      tpu.enqueue_indirect_dma source(%arg8 : memref<128x128xf32, #tpu.memory_space<vmem>>) target(%dma_start3A_187 : memref<10128x128xf32, #tpu.memory_space<vmem_shared>>) offsets(%dma_start3A_184 : memref<128xi32, #tpu.memory_space<vmem>>) semaphore(%arg12 : memref<!tpu.dma_semaphore, #tpu.memory_space<semaphore_mem>>) {add = true}
      %add3A_188 = arith.constant 1 : i32
      %add3A_189 = arith.addi %mul3A_176, %add3A_188 : i32
      %dma_wait3A_190 = arith.constant 0 : i32
      %dma_wait3A_191 = tpu.memref_slice %arg6[%add3A_189, %dma_wait3A_190] : memref<40x128xi32, #tpu.memory_space<vmem>> -> memref<1x128xi32, #tpu.memory_space<vmem>>
      %dma_wait3A_192 = tpu.memref_squeeze %dma_wait3A_191 : memref<1x128xi32, #tpu.memory_space<vmem>> -> memref<128xi32, #tpu.memory_space<vmem>>
      %dma_wait3A_193 = arith.constant 0 : i32
      %dma_wait3A_194 = arith.constant 0 : i32
      %dma_wait3A_195 = tpu.memref_slice %arg2[%dma_wait3A_193, %dma_wait3A_194] : memref<10000x128xf32, #tpu.memory_space<hbm>> -> memref<10000x128xf32, #tpu.memory_space<hbm>>
      tpu.wait_indirect_dma semaphore(%arg11 : memref<!tpu.dma_semaphore, #tpu.memory_space<semaphore_mem>>) src(%dma_wait3A_195 : memref<10000x128xf32, #tpu.memory_space<hbm>>) dst(%arg9 : memref<128x128xf32, #tpu.memory_space<vmem>>)
      %dma_wait3A_196 = arith.constant 0 : i32
      %dma_wait3A_197 = tpu.memref_slice %arg7[%mul3A_176, %dma_wait3A_196] : memref<40x128xi32, #tpu.memory_space<vmem>> -> memref<1x128xi32, #tpu.memory_space<vmem>>
      %dma_wait3A_198 = tpu.memref_squeeze %dma_wait3A_197 : memref<1x128xi32, #tpu.memory_space<vmem>> -> memref<128xi32, #tpu.memory_space<vmem>>
      %dma_wait3A_199 = arith.constant 0 : i32
      %dma_wait3A_200 = arith.constant 0 : i32
      %dma_wait3A_201 = tpu.memref_slice %arg5[%dma_wait3A_199, %dma_wait3A_200] : memref<10128x128xf32, #tpu.memory_space<vmem_shared>> -> memref<10128x128xf32, #tpu.memory_space<vmem_shared>>
      tpu.wait_indirect_dma semaphore(%arg12 : memref<!tpu.dma_semaphore, #tpu.memory_space<semaphore_mem>>) src(%arg8 : memref<128x128xf32, #tpu.memory_space<vmem>>) dst(%dma_wait3A_201 : memref<10128x128xf32, #tpu.memory_space<vmem_shared>>)
      %add3A_202 = arith.constant 1 : i32
      %add3A_203 = arith.addi %mul3A_176, %add3A_202 : i32
      %dma_start3A_204 = arith.constant 0 : i32
      %dma_start3A_205 = tpu.memref_slice %arg7[%add3A_203, %dma_start3A_204] : memref<40x128xi32, #tpu.memory_space<vmem>> -> memref<1x128xi32, #tpu.memory_space<vmem>>
      %dma_start3A_206 = tpu.memref_squeeze %dma_start3A_205 : memref<1x128xi32, #tpu.memory_space<vmem>> -> memref<128xi32, #tpu.memory_space<vmem>>
      %dma_start3A_207 = arith.constant 0 : i32
      %dma_start3A_208 = arith.constant 0 : i32
      %dma_start3A_209 = tpu.memref_slice %arg5[%dma_start3A_207, %dma_start3A_208] : memref<10128x128xf32, #tpu.memory_space<vmem_shared>> -> memref<10128x128xf32, #tpu.memory_space<vmem_shared>>
      tpu.enqueue_indirect_dma source(%arg9 : memref<128x128xf32, #tpu.memory_space<vmem>>) target(%dma_start3A_209 : memref<10128x128xf32, #tpu.memory_space<vmem_shared>>) offsets(%dma_start3A_206 : memref<128xi32, #tpu.memory_space<vmem>>) semaphore(%arg13 : memref<!tpu.dma_semaphore, #tpu.memory_space<semaphore_mem>>) {add = true}
      %add3A_210 = arith.constant 2 : i32
      %add3A_211 = arith.addi %mul3A_176, %add3A_210 : i32
      %lt3A_212 = arith.constant 40 : i32
      %lt3A_213 = arith.cmpi slt, %add3A_211, %lt3A_212 : i32
      %convert_element_type3A_214 = arith.extui %lt3A_213 : i1 to i32
      %cond3A_215 = arith.constant 0 : i32
      %cond3A_216 = arith.cmpi ne, %convert_element_type3A_214, %cond3A_215 : i32
      scf.if %cond3A_216 {
        %add3A_230 = arith.constant 2 : i32
        %add3A_231 = arith.addi %mul3A_176, %add3A_230 : i32
        %dma_start3A_232 = arith.constant 0 : i32
        %dma_start3A_233 = tpu.memref_slice %arg6[%add3A_231, %dma_start3A_232] : memref<40x128xi32, #tpu.memory_space<vmem>> -> memref<1x128xi32, #tpu.memory_space<vmem>>
        %dma_start3A_234 = tpu.memref_squeeze %dma_start3A_233 : memref<1x128xi32, #tpu.memory_space<vmem>> -> memref<128xi32, #tpu.memory_space<vmem>>
        %dma_start3A_235 = arith.constant 0 : i32
        %dma_start3A_236 = arith.constant 0 : i32
        %dma_start3A_237 = tpu.memref_slice %arg2[%dma_start3A_235, %dma_start3A_236] : memref<10000x128xf32, #tpu.memory_space<hbm>> -> memref<10000x128xf32, #tpu.memory_space<hbm>>
        tpu.enqueue_indirect_dma source(%dma_start3A_237 : memref<10000x128xf32, #tpu.memory_space<hbm>>) target(%arg8 : memref<128x128xf32, #tpu.memory_space<vmem>>) offsets(%dma_start3A_234 : memref<128xi32, #tpu.memory_space<vmem>>) semaphore(%arg10 : memref<!tpu.dma_semaphore, #tpu.memory_space<semaphore_mem>>)
      } else {
      }
      %dma_wait3A_217 = arith.constant 0 : i32
      %dma_wait3A_218 = tpu.memref_slice %arg7[%add3A_203, %dma_wait3A_217] : memref<40x128xi32, #tpu.memory_space<vmem>> -> memref<1x128xi32, #tpu.memory_space<vmem>>
      %dma_wait3A_219 = tpu.memref_squeeze %dma_wait3A_218 : memref<1x128xi32, #tpu.memory_space<vmem>> -> memref<128xi32, #tpu.memory_space<vmem>>
      %dma_wait3A_220 = arith.constant 0 : i32
      %dma_wait3A_221 = arith.constant 0 : i32
      %dma_wait3A_222 = tpu.memref_slice %arg5[%dma_wait3A_220, %dma_wait3A_221] : memref<10128x128xf32, #tpu.memory_space<vmem_shared>> -> memref<10128x128xf32, #tpu.memory_space<vmem_shared>>
      tpu.wait_indirect_dma semaphore(%arg13 : memref<!tpu.dma_semaphore, #tpu.memory_space<semaphore_mem>>) src(%arg9 : memref<128x128xf32, #tpu.memory_space<vmem>>) dst(%dma_wait3A_222 : memref<10128x128xf32, #tpu.memory_space<vmem_shared>>)
      %add3A_223 = arith.constant 3 : i32
      %add3A_224 = arith.addi %mul3A_176, %add3A_223 : i32
      %lt3A_225 = arith.constant 40 : i32
      %lt3A_226 = arith.cmpi slt, %add3A_224, %lt3A_225 : i32
      %convert_element_type3A_227 = arith.extui %lt3A_226 : i1 to i32
      %cond3A_228 = arith.constant 0 : i32
      %cond3A_229 = arith.cmpi ne, %convert_element_type3A_227, %cond3A_228 : i32
      scf.if %cond3A_229 {
        %add3A_230 = arith.constant 3 : i32
        %add3A_231 = arith.addi %mul3A_176, %add3A_230 : i32
        %dma_start3A_232 = arith.constant 0 : i32
        %dma_start3A_233 = tpu.memref_slice %arg6[%add3A_231, %dma_start3A_232] : memref<40x128xi32, #tpu.memory_space<vmem>> -> memref<1x128xi32, #tpu.memory_space<vmem>>
        %dma_start3A_234 = tpu.memref_squeeze %dma_start3A_233 : memref<1x128xi32, #tpu.memory_space<vmem>> -> memref<128xi32, #tpu.memory_space<vmem>>
        %dma_start3A_235 = arith.constant 0 : i32
        %dma_start3A_236 = arith.constant 0 : i32
        %dma_start3A_237 = tpu.memref_slice %arg2[%dma_start3A_235, %dma_start3A_236] : memref<10000x128xf32, #tpu.memory_space<hbm>> -> memref<10000x128xf32, #tpu.memory_space<hbm>>
        tpu.enqueue_indirect_dma source(%dma_start3A_237 : memref<10000x128xf32, #tpu.memory_space<hbm>>) target(%arg9 : memref<128x128xf32, #tpu.memory_space<vmem>>) offsets(%dma_start3A_234 : memref<128xi32, #tpu.memory_space<vmem>>) semaphore(%arg11 : memref<!tpu.dma_semaphore, #tpu.memory_space<semaphore_mem>>)
      } else {
      }
    }
    %scan3A_81 = arith.constant 20 : i32
    %barrier3A_82 = arith.constant 0 : index
    tpu.barrier barrier_id(%barrier3A_82)
    %mul3A_83 = arith.constant 80 : i32
    %mul3A_84 = arith.muli %arg1, %mul3A_83 : i32
    %add3A_85 = arith.constant 0 : i32
    %add3A_86 = arith.addi %mul3A_84, %add3A_85 : i32
    %lt3A = arith.constant 10000 : i32
    %lt3A_87 = arith.cmpi slt, %add3A_86, %lt3A : i32
    %convert_element_type3A = arith.extui %lt3A_87 : i1 to i32
    %cond3A = arith.constant 0 : i32
    %cond3A_88 = arith.cmpi ne, %convert_element_type3A, %cond3A : i32
    scf.if %cond3A_88 {
      "tpu.region"() ({
        %run_scoped3A_182 = tpu.sem_alloc : memref<!tpu.dma_semaphore, #tpu.memory_space<semaphore_mem>>
        %dma_start3A_183 = arith.constant 0 : i32
        %dma_start3A_184 = arith.constant 0 : i32
        %dma_start3A_185 = tpu.memref_slice %arg8[%dma_start3A_183, %dma_start3A_184] : memref<128x128xf32, #tpu.memory_space<vmem>> -> memref<80x128xf32, #tpu.memory_space<vmem>>
        %dma_start3A_186 = arith.constant 0 : i32
        %dma_start3A_187 = tpu.memref_slice %arg5[%add3A_86, %dma_start3A_186] : memref<10128x128xf32, #tpu.memory_space<vmem_shared>> -> memref<80x128xf32, #tpu.memory_space<vmem_shared>>
        %dma_start3A_188 = arith.constant 0 : i32
        %dma_start3A_189 = arith.constant 0 : i32
        %dma_start3A_190 = tpu.memref_slice %arg8[%dma_start3A_188, %dma_start3A_189] : memref<128x128xf32, #tpu.memory_space<vmem>> -> memref<80x128xf32, #tpu.memory_space<vmem>>
        %dma_start3A_191 = arith.constant 0 : i32
        %dma_start3A_192 = tpu.memref_slice %arg5[%add3A_86, %dma_start3A_191] : memref<10128x128xf32, #tpu.memory_space<vmem_shared>> -> memref<80x128xf32, #tpu.memory_space<vmem_shared>>
        tpu.enqueue_dma source(%dma_start3A_192 : memref<80x128xf32, #tpu.memory_space<vmem_shared>>) target(%dma_start3A_190 : memref<80x128xf32, #tpu.memory_space<vmem>>) target_semaphore(%run_scoped3A_182 : memref<!tpu.dma_semaphore, #tpu.memory_space<semaphore_mem>>)
        %dma_wait3A = arith.constant 0 : i32
        %dma_wait3A_193 = arith.constant 0 : i32
        %dma_wait3A_194 = tpu.memref_slice %arg8[%dma_wait3A, %dma_wait3A_193] : memref<128x128xf32, #tpu.memory_space<vmem>> -> memref<80x128xf32, #tpu.memory_space<vmem>>
        %dma_wait3A_195 = arith.constant 0 : i32
        %dma_wait3A_196 = tpu.memref_slice %arg5[%add3A_86, %dma_wait3A_195] : memref<10128x128xf32, #tpu.memory_space<vmem_shared>> -> memref<80x128xf32, #tpu.memory_space<vmem_shared>>
        %dma_wait3A_197 = arith.constant 0 : i32
        %dma_wait3A_198 = arith.constant 0 : i32
        %dma_wait3A_199 = tpu.memref_slice %arg8[%dma_wait3A_197, %dma_wait3A_198] : memref<128x128xf32, #tpu.memory_space<vmem>> -> memref<80x128xf32, #tpu.memory_space<vmem>>
        %dma_wait3A_200 = arith.constant 0 : i32
        %dma_wait3A_201 = tpu.memref_slice %arg5[%add3A_86, %dma_wait3A_200] : memref<10128x128xf32, #tpu.memory_space<vmem_shared>> -> memref<80x128xf32, #tpu.memory_space<vmem_shared>>
        tpu.wait_dma2 semaphore(%run_scoped3A_182 : memref<!tpu.dma_semaphore, #tpu.memory_space<semaphore_mem>>) src(%dma_wait3A_201 : memref<80x128xf32, #tpu.memory_space<vmem_shared>>) dst(%dma_wait3A_199 : memref<80x128xf32, #tpu.memory_space<vmem>>)
        tpu.yield
      }) : () -> ()
      %dma_start3A_170 = arith.constant 0 : i32
      %dma_start3A_171 = arith.constant 0 : i32
      %dma_start3A_172 = tpu.memref_slice %arg8[%dma_start3A_170, %dma_start3A_171] : memref<128x128xf32, #tpu.memory_space<vmem>> -> memref<80x128xf32, #tpu.memory_space<vmem>>
      %dma_start3A_173 = arith.constant 0 : i32
      %dma_start3A_174 = tpu.memref_slice %arg4[%arg0, %add3A_86, %dma_start3A_173] : memref<2x10000x128xf32, #tpu.memory_space<hbm>> -> memref<1x80x128xf32, #tpu.memory_space<hbm>>
      %dma_start3A_175 = tpu.memref_squeeze %dma_start3A_174 : memref<1x80x128xf32, #tpu.memory_space<hbm>> -> memref<80x128xf32, #tpu.memory_space<hbm>>
      %dma_start3A_176 = arith.constant 0 : i32
      %dma_start3A_177 = tpu.memref_slice %arg4[%arg0, %add3A_86, %dma_start3A_176] : memref<2x10000x128xf32, #tpu.memory_space<hbm>> -> memref<1x80x128xf32, #tpu.memory_space<hbm>>
      %dma_start3A_178 = tpu.memref_squeeze %dma_start3A_177 : memref<1x80x128xf32, #tpu.memory_space<hbm>> -> memref<80x128xf32, #tpu.memory_space<hbm>>
      %dma_start3A_179 = arith.constant 0 : i32
      %dma_start3A_180 = arith.constant 0 : i32
      %dma_start3A_181 = tpu.memref_slice %arg8[%dma_start3A_179, %dma_start3A_180] : memref<128x128xf32, #tpu.memory_space<vmem>> -> memref<80x128xf32, #tpu.memory_space<vmem>>
      tpu.enqueue_dma source(%dma_start3A_181 : memref<80x128xf32, #tpu.memory_space<vmem>>) target(%dma_start3A_178 : memref<80x128xf32, #tpu.memory_space<hbm>>) target_semaphore(%arg10 : memref<!tpu.dma_semaphore, #tpu.memory_space<semaphore_mem>>)
    } else {
    }
    %mul3A_89 = arith.constant 80 : i32
    %mul3A_90 = arith.muli %arg1, %mul3A_89 : i32
    %add3A_91 = arith.constant 1280 : i32
    %add3A_92 = arith.addi %mul3A_90, %add3A_91 : i32
    %lt3A_93 = arith.constant 10000 : i32
    %lt3A_94 = arith.cmpi slt, %add3A_92, %lt3A_93 : i32
    %convert_element_type3A_95 = arith.extui %lt3A_94 : i1 to i32
    %cond3A_96 = arith.constant 0 : i32
    %cond3A_97 = arith.cmpi ne, %convert_element_type3A_95, %cond3A_96 : i32
    scf.if %cond3A_97 {
      "tpu.region"() ({
        %run_scoped3A_182 = tpu.sem_alloc : memref<!tpu.dma_semaphore, #tpu.memory_space<semaphore_mem>>
        %dma_start3A_183 = arith.constant 0 : i32
        %dma_start3A_184 = arith.constant 0 : i32
        %dma_start3A_185 = tpu.memref_slice %arg9[%dma_start3A_183, %dma_start3A_184] : memref<128x128xf32, #tpu.memory_space<vmem>> -> memref<80x128xf32, #tpu.memory_space<vmem>>
        %dma_start3A_186 = arith.constant 0 : i32
        %dma_start3A_187 = tpu.memref_slice %arg5[%add3A_92, %dma_start3A_186] : memref<10128x128xf32, #tpu.memory_space<vmem_shared>> -> memref<80x128xf32, #tpu.memory_space<vmem_shared>>
        %dma_start3A_188 = arith.constant 0 : i32
        %dma_start3A_189 = arith.constant 0 : i32
        %dma_start3A_190 = tpu.memref_slice %arg9[%dma_start3A_188, %dma_start3A_189] : memref<128x128xf32, #tpu.memory_space<vmem>> -> memref<80x128xf32, #tpu.memory_space<vmem>>
        %dma_start3A_191 = arith.constant 0 : i32
        %dma_start3A_192 = tpu.memref_slice %arg5[%add3A_92, %dma_start3A_191] : memref<10128x128xf32, #tpu.memory_space<vmem_shared>> -> memref<80x128xf32, #tpu.memory_space<vmem_shared>>
        tpu.enqueue_dma source(%dma_start3A_192 : memref<80x128xf32, #tpu.memory_space<vmem_shared>>) target(%dma_start3A_190 : memref<80x128xf32, #tpu.memory_space<vmem>>) target_semaphore(%run_scoped3A_182 : memref<!tpu.dma_semaphore, #tpu.memory_space<semaphore_mem>>)
        %dma_wait3A = arith.constant 0 : i32
        %dma_wait3A_193 = arith.constant 0 : i32
        %dma_wait3A_194 = tpu.memref_slice %arg9[%dma_wait3A, %dma_wait3A_193] : memref<128x128xf32, #tpu.memory_space<vmem>> -> memref<80x128xf32, #tpu.memory_space<vmem>>
        %dma_wait3A_195 = arith.constant 0 : i32
        %dma_wait3A_196 = tpu.memref_slice %arg5[%add3A_92, %dma_wait3A_195] : memref<10128x128xf32, #tpu.memory_space<vmem_shared>> -> memref<80x128xf32, #tpu.memory_space<vmem_shared>>
        %dma_wait3A_197 = arith.constant 0 : i32
        %dma_wait3A_198 = arith.constant 0 : i32
        %dma_wait3A_199 = tpu.memref_slice %arg9[%dma_wait3A_197, %dma_wait3A_198] : memref<128x128xf32, #tpu.memory_space<vmem>> -> memref<80x128xf32, #tpu.memory_space<vmem>>
        %dma_wait3A_200 = arith.constant 0 : i32
        %dma_wait3A_201 = tpu.memref_slice %arg5[%add3A_92, %dma_wait3A_200] : memref<10128x128xf32, #tpu.memory_space<vmem_shared>> -> memref<80x128xf32, #tpu.memory_space<vmem_shared>>
        tpu.wait_dma2 semaphore(%run_scoped3A_182 : memref<!tpu.dma_semaphore, #tpu.memory_space<semaphore_mem>>) src(%dma_wait3A_201 : memref<80x128xf32, #tpu.memory_space<vmem_shared>>) dst(%dma_wait3A_199 : memref<80x128xf32, #tpu.memory_space<vmem>>)
        tpu.yield
      }) : () -> ()
      %dma_start3A_170 = arith.constant 0 : i32
      %dma_start3A_171 = arith.constant 0 : i32
      %dma_start3A_172 = tpu.memref_slice %arg9[%dma_start3A_170, %dma_start3A_171] : memref<128x128xf32, #tpu.memory_space<vmem>> -> memref<80x128xf32, #tpu.memory_space<vmem>>
      %dma_start3A_173 = arith.constant 0 : i32
      %dma_start3A_174 = tpu.memref_slice %arg4[%arg0, %add3A_92, %dma_start3A_173] : memref<2x10000x128xf32, #tpu.memory_space<hbm>> -> memref<1x80x128xf32, #tpu.memory_space<hbm>>
      %dma_start3A_175 = tpu.memref_squeeze %dma_start3A_174 : memref<1x80x128xf32, #tpu.memory_space<hbm>> -> memref<80x128xf32, #tpu.memory_space<hbm>>
      %dma_start3A_176 = arith.constant 0 : i32
      %dma_start3A_177 = tpu.memref_slice %arg4[%arg0, %add3A_92, %dma_start3A_176] : memref<2x10000x128xf32, #tpu.memory_space<hbm>> -> memref<1x80x128xf32, #tpu.memory_space<hbm>>
      %dma_start3A_178 = tpu.memref_squeeze %dma_start3A_177 : memref<1x80x128xf32, #tpu.memory_space<hbm>> -> memref<80x128xf32, #tpu.memory_space<hbm>>
      %dma_start3A_179 = arith.constant 0 : i32
      %dma_start3A_180 = arith.constant 0 : i32
      %dma_start3A_181 = tpu.memref_slice %arg9[%dma_start3A_179, %dma_start3A_180] : memref<128x128xf32, #tpu.memory_space<vmem>> -> memref<80x128xf32, #tpu.memory_space<vmem>>
      tpu.enqueue_dma source(%dma_start3A_181 : memref<80x128xf32, #tpu.memory_space<vmem>>) target(%dma_start3A_178 : memref<80x128xf32, #tpu.memory_space<hbm>>) target_semaphore(%arg11 : memref<!tpu.dma_semaphore, #tpu.memory_space<semaphore_mem>>)
    } else {
    }
    %mul3A_98 = arith.constant 80 : i32
    %mul3A_99 = arith.muli %arg1, %mul3A_98 : i32
    %add3A_100 = arith.constant 2560 : i32
    %add3A_101 = arith.addi %mul3A_99, %add3A_100 : i32
    %lt3A_102 = arith.constant 10000 : i32
    %lt3A_103 = arith.cmpi slt, %add3A_101, %lt3A_102 : i32
    %convert_element_type3A_104 = arith.extui %lt3A_103 : i1 to i32
    %cond3A_105 = arith.constant 0 : i32
    %cond3A_106 = arith.cmpi ne, %convert_element_type3A_104, %cond3A_105 : i32
    scf.if %cond3A_106 {
      %sub3A_170 = arith.constant 2560 : i32
      %sub3A_171 = arith.subi %add3A_101, %sub3A_170 : i32
      %dma_wait3A = arith.constant 0 : i32
      %dma_wait3A_172 = arith.constant 0 : i32
      %dma_wait3A_173 = tpu.memref_slice %arg8[%dma_wait3A, %dma_wait3A_172] : memref<128x128xf32, #tpu.memory_space<vmem>> -> memref<80x128xf32, #tpu.memory_space<vmem>>
      %dma_wait3A_174 = arith.constant 0 : i32
      %dma_wait3A_175 = tpu.memref_slice %arg4[%arg0, %sub3A_171, %dma_wait3A_174] : memref<2x10000x128xf32, #tpu.memory_space<hbm>> -> memref<1x80x128xf32, #tpu.memory_space<hbm>>
      %dma_wait3A_176 = tpu.memref_squeeze %dma_wait3A_175 : memref<1x80x128xf32, #tpu.memory_space<hbm>> -> memref<80x128xf32, #tpu.memory_space<hbm>>
      %dma_wait3A_177 = arith.constant 0 : i32
      %dma_wait3A_178 = tpu.memref_slice %arg4[%arg0, %sub3A_171, %dma_wait3A_177] : memref<2x10000x128xf32, #tpu.memory_space<hbm>> -> memref<1x80x128xf32, #tpu.memory_space<hbm>>
      %dma_wait3A_179 = tpu.memref_squeeze %dma_wait3A_178 : memref<1x80x128xf32, #tpu.memory_space<hbm>> -> memref<80x128xf32, #tpu.memory_space<hbm>>
      %dma_wait3A_180 = arith.constant 0 : i32
      %dma_wait3A_181 = arith.constant 0 : i32
      %dma_wait3A_182 = tpu.memref_slice %arg8[%dma_wait3A_180, %dma_wait3A_181] : memref<128x128xf32, #tpu.memory_space<vmem>> -> memref<80x128xf32, #tpu.memory_space<vmem>>
      tpu.wait_dma2 semaphore(%arg10 : memref<!tpu.dma_semaphore, #tpu.memory_space<semaphore_mem>>) src(%dma_wait3A_182 : memref<80x128xf32, #tpu.memory_space<vmem>>) dst(%dma_wait3A_179 : memref<80x128xf32, #tpu.memory_space<hbm>>)
      "tpu.region"() ({
        %run_scoped3A_195 = tpu.sem_alloc : memref<!tpu.dma_semaphore, #tpu.memory_space<semaphore_mem>>
        %dma_start3A_196 = arith.constant 0 : i32
        %dma_start3A_197 = arith.constant 0 : i32
        %dma_start3A_198 = tpu.memref_slice %arg8[%dma_start3A_196, %dma_start3A_197] : memref<128x128xf32, #tpu.memory_space<vmem>> -> memref<80x128xf32, #tpu.memory_space<vmem>>
        %dma_start3A_199 = arith.constant 0 : i32
        %dma_start3A_200 = tpu.memref_slice %arg5[%add3A_101, %dma_start3A_199] : memref<10128x128xf32, #tpu.memory_space<vmem_shared>> -> memref<80x128xf32, #tpu.memory_space<vmem_shared>>
        %dma_start3A_201 = arith.constant 0 : i32
        %dma_start3A_202 = arith.constant 0 : i32
        %dma_start3A_203 = tpu.memref_slice %arg8[%dma_start3A_201, %dma_start3A_202] : memref<128x128xf32, #tpu.memory_space<vmem>> -> memref<80x128xf32, #tpu.memory_space<vmem>>
        %dma_start3A_204 = arith.constant 0 : i32
        %dma_start3A_205 = tpu.memref_slice %arg5[%add3A_101, %dma_start3A_204] : memref<10128x128xf32, #tpu.memory_space<vmem_shared>> -> memref<80x128xf32, #tpu.memory_space<vmem_shared>>
        tpu.enqueue_dma source(%dma_start3A_205 : memref<80x128xf32, #tpu.memory_space<vmem_shared>>) target(%dma_start3A_203 : memref<80x128xf32, #tpu.memory_space<vmem>>) target_semaphore(%run_scoped3A_195 : memref<!tpu.dma_semaphore, #tpu.memory_space<semaphore_mem>>)
        %dma_wait3A_206 = arith.constant 0 : i32
        %dma_wait3A_207 = arith.constant 0 : i32
        %dma_wait3A_208 = tpu.memref_slice %arg8[%dma_wait3A_206, %dma_wait3A_207] : memref<128x128xf32, #tpu.memory_space<vmem>> -> memref<80x128xf32, #tpu.memory_space<vmem>>
        %dma_wait3A_209 = arith.constant 0 : i32
        %dma_wait3A_210 = tpu.memref_slice %arg5[%add3A_101, %dma_wait3A_209] : memref<10128x128xf32, #tpu.memory_space<vmem_shared>> -> memref<80x128xf32, #tpu.memory_space<vmem_shared>>
        %dma_wait3A_211 = arith.constant 0 : i32
        %dma_wait3A_212 = arith.constant 0 : i32
        %dma_wait3A_213 = tpu.memref_slice %arg8[%dma_wait3A_211, %dma_wait3A_212] : memref<128x128xf32, #tpu.memory_space<vmem>> -> memref<80x128xf32, #tpu.memory_space<vmem>>
        %dma_wait3A_214 = arith.constant 0 : i32
        %dma_wait3A_215 = tpu.memref_slice %arg5[%add3A_101, %dma_wait3A_214] : memref<10128x128xf32, #tpu.memory_space<vmem_shared>> -> memref<80x128xf32, #tpu.memory_space<vmem_shared>>
        tpu.wait_dma2 semaphore(%run_scoped3A_195 : memref<!tpu.dma_semaphore, #tpu.memory_space<semaphore_mem>>) src(%dma_wait3A_215 : memref<80x128xf32, #tpu.memory_space<vmem_shared>>) dst(%dma_wait3A_213 : memref<80x128xf32, #tpu.memory_space<vmem>>)
        tpu.yield
      }) : () -> ()
      %dma_start3A_183 = arith.constant 0 : i32
      %dma_start3A_184 = arith.constant 0 : i32
      %dma_start3A_185 = tpu.memref_slice %arg8[%dma_start3A_183, %dma_start3A_184] : memref<128x128xf32, #tpu.memory_space<vmem>> -> memref<80x128xf32, #tpu.memory_space<vmem>>
      %dma_start3A_186 = arith.constant 0 : i32
      %dma_start3A_187 = tpu.memref_slice %arg4[%arg0, %add3A_101, %dma_start3A_186] : memref<2x10000x128xf32, #tpu.memory_space<hbm>> -> memref<1x80x128xf32, #tpu.memory_space<hbm>>
      %dma_start3A_188 = tpu.memref_squeeze %dma_start3A_187 : memref<1x80x128xf32, #tpu.memory_space<hbm>> -> memref<80x128xf32, #tpu.memory_space<hbm>>
      %dma_start3A_189 = arith.constant 0 : i32
      %dma_start3A_190 = tpu.memref_slice %arg4[%arg0, %add3A_101, %dma_start3A_189] : memref<2x10000x128xf32, #tpu.memory_space<hbm>> -> memref<1x80x128xf32, #tpu.memory_space<hbm>>
      %dma_start3A_191 = tpu.memref_squeeze %dma_start3A_190 : memref<1x80x128xf32, #tpu.memory_space<hbm>> -> memref<80x128xf32, #tpu.memory_space<hbm>>
      %dma_start3A_192 = arith.constant 0 : i32
      %dma_start3A_193 = arith.constant 0 : i32
      %dma_start3A_194 = tpu.memref_slice %arg8[%dma_start3A_192, %dma_start3A_193] : memref<128x128xf32, #tpu.memory_space<vmem>> -> memref<80x128xf32, #tpu.memory_space<vmem>>
      tpu.enqueue_dma source(%dma_start3A_194 : memref<80x128xf32, #tpu.memory_space<vmem>>) target(%dma_start3A_191 : memref<80x128xf32, #tpu.memory_space<hbm>>) target_semaphore(%arg10 : memref<!tpu.dma_semaphore, #tpu.memory_space<semaphore_mem>>)
    } else {
    }
    %mul3A_107 = arith.constant 80 : i32
    %mul3A_108 = arith.muli %arg1, %mul3A_107 : i32
    %add3A_109 = arith.constant 3840 : i32
    %add3A_110 = arith.addi %mul3A_108, %add3A_109 : i32
    %lt3A_111 = arith.constant 10000 : i32
    %lt3A_112 = arith.cmpi slt, %add3A_110, %lt3A_111 : i32
    %convert_element_type3A_113 = arith.extui %lt3A_112 : i1 to i32
    %cond3A_114 = arith.constant 0 : i32
    %cond3A_115 = arith.cmpi ne, %convert_element_type3A_113, %cond3A_114 : i32
    scf.if %cond3A_115 {
      %sub3A_170 = arith.constant 2560 : i32
      %sub3A_171 = arith.subi %add3A_110, %sub3A_170 : i32
      %dma_wait3A = arith.constant 0 : i32
      %dma_wait3A_172 = arith.constant 0 : i32
      %dma_wait3A_173 = tpu.memref_slice %arg9[%dma_wait3A, %dma_wait3A_172] : memref<128x128xf32, #tpu.memory_space<vmem>> -> memref<80x128xf32, #tpu.memory_space<vmem>>
      %dma_wait3A_174 = arith.constant 0 : i32
      %dma_wait3A_175 = tpu.memref_slice %arg4[%arg0, %sub3A_171, %dma_wait3A_174] : memref<2x10000x128xf32, #tpu.memory_space<hbm>> -> memref<1x80x128xf32, #tpu.memory_space<hbm>>
      %dma_wait3A_176 = tpu.memref_squeeze %dma_wait3A_175 : memref<1x80x128xf32, #tpu.memory_space<hbm>> -> memref<80x128xf32, #tpu.memory_space<hbm>>
      %dma_wait3A_177 = arith.constant 0 : i32
      %dma_wait3A_178 = tpu.memref_slice %arg4[%arg0, %sub3A_171, %dma_wait3A_177] : memref<2x10000x128xf32, #tpu.memory_space<hbm>> -> memref<1x80x128xf32, #tpu.memory_space<hbm>>
      %dma_wait3A_179 = tpu.memref_squeeze %dma_wait3A_178 : memref<1x80x128xf32, #tpu.memory_space<hbm>> -> memref<80x128xf32, #tpu.memory_space<hbm>>
      %dma_wait3A_180 = arith.constant 0 : i32
      %dma_wait3A_181 = arith.constant 0 : i32
      %dma_wait3A_182 = tpu.memref_slice %arg9[%dma_wait3A_180, %dma_wait3A_181] : memref<128x128xf32, #tpu.memory_space<vmem>> -> memref<80x128xf32, #tpu.memory_space<vmem>>
      tpu.wait_dma2 semaphore(%arg11 : memref<!tpu.dma_semaphore, #tpu.memory_space<semaphore_mem>>) src(%dma_wait3A_182 : memref<80x128xf32, #tpu.memory_space<vmem>>) dst(%dma_wait3A_179 : memref<80x128xf32, #tpu.memory_space<hbm>>)
      "tpu.region"() ({
        %run_scoped3A_195 = tpu.sem_alloc : memref<!tpu.dma_semaphore, #tpu.memory_space<semaphore_mem>>
        %dma_start3A_196 = arith.constant 0 : i32
        %dma_start3A_197 = arith.constant 0 : i32
        %dma_start3A_198 = tpu.memref_slice %arg9[%dma_start3A_196, %dma_start3A_197] : memref<128x128xf32, #tpu.memory_space<vmem>> -> memref<80x128xf32, #tpu.memory_space<vmem>>
        %dma_start3A_199 = arith.constant 0 : i32
        %dma_start3A_200 = tpu.memref_slice %arg5[%add3A_110, %dma_start3A_199] : memref<10128x128xf32, #tpu.memory_space<vmem_shared>> -> memref<80x128xf32, #tpu.memory_space<vmem_shared>>
        %dma_start3A_201 = arith.constant 0 : i32
        %dma_start3A_202 = arith.constant 0 : i32
        %dma_start3A_203 = tpu.memref_slice %arg9[%dma_start3A_201, %dma_start3A_202] : memref<128x128xf32, #tpu.memory_space<vmem>> -> memref<80x128xf32, #tpu.memory_space<vmem>>
        %dma_start3A_204 = arith.constant 0 : i32
        %dma_start3A_205 = tpu.memref_slice %arg5[%add3A_110, %dma_start3A_204] : memref<10128x128xf32, #tpu.memory_space<vmem_shared>> -> memref<80x128xf32, #tpu.memory_space<vmem_shared>>
        tpu.enqueue_dma source(%dma_start3A_205 : memref<80x128xf32, #tpu.memory_space<vmem_shared>>) target(%dma_start3A_203 : memref<80x128xf32, #tpu.memory_space<vmem>>) target_semaphore(%run_scoped3A_195 : memref<!tpu.dma_semaphore, #tpu.memory_space<semaphore_mem>>)
        %dma_wait3A_206 = arith.constant 0 : i32
        %dma_wait3A_207 = arith.constant 0 : i32
        %dma_wait3A_208 = tpu.memref_slice %arg9[%dma_wait3A_206, %dma_wait3A_207] : memref<128x128xf32, #tpu.memory_space<vmem>> -> memref<80x128xf32, #tpu.memory_space<vmem>>
        %dma_wait3A_209 = arith.constant 0 : i32
        %dma_wait3A_210 = tpu.memref_slice %arg5[%add3A_110, %dma_wait3A_209] : memref<10128x128xf32, #tpu.memory_space<vmem_shared>> -> memref<80x128xf32, #tpu.memory_space<vmem_shared>>
        %dma_wait3A_211 = arith.constant 0 : i32
        %dma_wait3A_212 = arith.constant 0 : i32
        %dma_wait3A_213 = tpu.memref_slice %arg9[%dma_wait3A_211, %dma_wait3A_212] : memref<128x128xf32, #tpu.memory_space<vmem>> -> memref<80x128xf32, #tpu.memory_space<vmem>>
        %dma_wait3A_214 = arith.constant 0 : i32
        %dma_wait3A_215 = tpu.memref_slice %arg5[%add3A_110, %dma_wait3A_214] : memref<10128x128xf32, #tpu.memory_space<vmem_shared>> -> memref<80x128xf32, #tpu.memory_space<vmem_shared>>
        tpu.wait_dma2 semaphore(%run_scoped3A_195 : memref<!tpu.dma_semaphore, #tpu.memory_space<semaphore_mem>>) src(%dma_wait3A_215 : memref<80x128xf32, #tpu.memory_space<vmem_shared>>) dst(%dma_wait3A_213 : memref<80x128xf32, #tpu.memory_space<vmem>>)
        tpu.yield
      }) : () -> ()
      %dma_start3A_183 = arith.constant 0 : i32
      %dma_start3A_184 = arith.constant 0 : i32
      %dma_start3A_185 = tpu.memref_slice %arg9[%dma_start3A_183, %dma_start3A_184] : memref<128x128xf32, #tpu.memory_space<vmem>> -> memref<80x128xf32, #tpu.memory_space<vmem>>
      %dma_start3A_186 = arith.constant 0 : i32
      %dma_start3A_187 = tpu.memref_slice %arg4[%arg0, %add3A_110, %dma_start3A_186] : memref<2x10000x128xf32, #tpu.memory_space<hbm>> -> memref<1x80x128xf32, #tpu.memory_space<hbm>>
      %dma_start3A_188 = tpu.memref_squeeze %dma_start3A_187 : memref<1x80x128xf32, #tpu.memory_space<hbm>> -> memref<80x128xf32, #tpu.memory_space<hbm>>
      %dma_start3A_189 = arith.constant 0 : i32
      %dma_start3A_190 = tpu.memref_slice %arg4[%arg0, %add3A_110, %dma_start3A_189] : memref<2x10000x128xf32, #tpu.memory_space<hbm>> -> memref<1x80x128xf32, #tpu.memory_space<hbm>>
      %dma_start3A_191 = tpu.memref_squeeze %dma_start3A_190 : memref<1x80x128xf32, #tpu.memory_space<hbm>> -> memref<80x128xf32, #tpu.memory_space<hbm>>
      %dma_start3A_192 = arith.constant 0 : i32
      %dma_start3A_193 = arith.constant 0 : i32
      %dma_start3A_194 = tpu.memref_slice %arg9[%dma_start3A_192, %dma_start3A_193] : memref<128x128xf32, #tpu.memory_space<vmem>> -> memref<80x128xf32, #tpu.memory_space<vmem>>
      tpu.enqueue_dma source(%dma_start3A_194 : memref<80x128xf32, #tpu.memory_space<vmem>>) target(%dma_start3A_191 : memref<80x128xf32, #tpu.memory_space<hbm>>) target_semaphore(%arg11 : memref<!tpu.dma_semaphore, #tpu.memory_space<semaphore_mem>>)
    } else {
    }
    %mul3A_116 = arith.constant 80 : i32
    %mul3A_117 = arith.muli %arg1, %mul3A_116 : i32
    %add3A_118 = arith.constant 5120 : i32
    %add3A_119 = arith.addi %mul3A_117, %add3A_118 : i32
    %lt3A_120 = arith.constant 10000 : i32
    %lt3A_121 = arith.cmpi slt, %add3A_119, %lt3A_120 : i32
    %convert_element_type3A_122 = arith.extui %lt3A_121 : i1 to i32
    %cond3A_123 = arith.constant 0 : i32
    %cond3A_124 = arith.cmpi ne, %convert_element_type3A_122, %cond3A_123 : i32
    scf.if %cond3A_124 {
      %sub3A_170 = arith.constant 2560 : i32
      %sub3A_171 = arith.subi %add3A_119, %sub3A_170 : i32
      %dma_wait3A = arith.constant 0 : i32
      %dma_wait3A_172 = arith.constant 0 : i32
      %dma_wait3A_173 = tpu.memref_slice %arg8[%dma_wait3A, %dma_wait3A_172] : memref<128x128xf32, #tpu.memory_space<vmem>> -> memref<80x128xf32, #tpu.memory_space<vmem>>
      %dma_wait3A_174 = arith.constant 0 : i32
      %dma_wait3A_175 = tpu.memref_slice %arg4[%arg0, %sub3A_171, %dma_wait3A_174] : memref<2x10000x128xf32, #tpu.memory_space<hbm>> -> memref<1x80x128xf32, #tpu.memory_space<hbm>>
      %dma_wait3A_176 = tpu.memref_squeeze %dma_wait3A_175 : memref<1x80x128xf32, #tpu.memory_space<hbm>> -> memref<80x128xf32, #tpu.memory_space<hbm>>
      %dma_wait3A_177 = arith.constant 0 : i32
      %dma_wait3A_178 = tpu.memref_slice %arg4[%arg0, %sub3A_171, %dma_wait3A_177] : memref<2x10000x128xf32, #tpu.memory_space<hbm>> -> memref<1x80x128xf32, #tpu.memory_space<hbm>>
      %dma_wait3A_179 = tpu.memref_squeeze %dma_wait3A_178 : memref<1x80x128xf32, #tpu.memory_space<hbm>> -> memref<80x128xf32, #tpu.memory_space<hbm>>
      %dma_wait3A_180 = arith.constant 0 : i32
      %dma_wait3A_181 = arith.constant 0 : i32
      %dma_wait3A_182 = tpu.memref_slice %arg8[%dma_wait3A_180, %dma_wait3A_181] : memref<128x128xf32, #tpu.memory_space<vmem>> -> memref<80x128xf32, #tpu.memory_space<vmem>>
      tpu.wait_dma2 semaphore(%arg10 : memref<!tpu.dma_semaphore, #tpu.memory_space<semaphore_mem>>) src(%dma_wait3A_182 : memref<80x128xf32, #tpu.memory_space<vmem>>) dst(%dma_wait3A_179 : memref<80x128xf32, #tpu.memory_space<hbm>>)
      "tpu.region"() ({
        %run_scoped3A_195 = tpu.sem_alloc : memref<!tpu.dma_semaphore, #tpu.memory_space<semaphore_mem>>
        %dma_start3A_196 = arith.constant 0 : i32
        %dma_start3A_197 = arith.constant 0 : i32
        %dma_start3A_198 = tpu.memref_slice %arg8[%dma_start3A_196, %dma_start3A_197] : memref<128x128xf32, #tpu.memory_space<vmem>> -> memref<80x128xf32, #tpu.memory_space<vmem>>
        %dma_start3A_199 = arith.constant 0 : i32
        %dma_start3A_200 = tpu.memref_slice %arg5[%add3A_119, %dma_start3A_199] : memref<10128x128xf32, #tpu.memory_space<vmem_shared>> -> memref<80x128xf32, #tpu.memory_space<vmem_shared>>
        %dma_start3A_201 = arith.constant 0 : i32
        %dma_start3A_202 = arith.constant 0 : i32
        %dma_start3A_203 = tpu.memref_slice %arg8[%dma_start3A_201, %dma_start3A_202] : memref<128x128xf32, #tpu.memory_space<vmem>> -> memref<80x128xf32, #tpu.memory_space<vmem>>
        %dma_start3A_204 = arith.constant 0 : i32
        %dma_start3A_205 = tpu.memref_slice %arg5[%add3A_119, %dma_start3A_204] : memref<10128x128xf32, #tpu.memory_space<vmem_shared>> -> memref<80x128xf32, #tpu.memory_space<vmem_shared>>
        tpu.enqueue_dma source(%dma_start3A_205 : memref<80x128xf32, #tpu.memory_space<vmem_shared>>) target(%dma_start3A_203 : memref<80x128xf32, #tpu.memory_space<vmem>>) target_semaphore(%run_scoped3A_195 : memref<!tpu.dma_semaphore, #tpu.memory_space<semaphore_mem>>)
        %dma_wait3A_206 = arith.constant 0 : i32
        %dma_wait3A_207 = arith.constant 0 : i32
        %dma_wait3A_208 = tpu.memref_slice %arg8[%dma_wait3A_206, %dma_wait3A_207] : memref<128x128xf32, #tpu.memory_space<vmem>> -> memref<80x128xf32, #tpu.memory_space<vmem>>
        %dma_wait3A_209 = arith.constant 0 : i32
        %dma_wait3A_210 = tpu.memref_slice %arg5[%add3A_119, %dma_wait3A_209] : memref<10128x128xf32, #tpu.memory_space<vmem_shared>> -> memref<80x128xf32, #tpu.memory_space<vmem_shared>>
        %dma_wait3A_211 = arith.constant 0 : i32
        %dma_wait3A_212 = arith.constant 0 : i32
        %dma_wait3A_213 = tpu.memref_slice %arg8[%dma_wait3A_211, %dma_wait3A_212] : memref<128x128xf32, #tpu.memory_space<vmem>> -> memref<80x128xf32, #tpu.memory_space<vmem>>
        %dma_wait3A_214 = arith.constant 0 : i32
        %dma_wait3A_215 = tpu.memref_slice %arg5[%add3A_119, %dma_wait3A_214] : memref<10128x128xf32, #tpu.memory_space<vmem_shared>> -> memref<80x128xf32, #tpu.memory_space<vmem_shared>>
        tpu.wait_dma2 semaphore(%run_scoped3A_195 : memref<!tpu.dma_semaphore, #tpu.memory_space<semaphore_mem>>) src(%dma_wait3A_215 : memref<80x128xf32, #tpu.memory_space<vmem_shared>>) dst(%dma_wait3A_213 : memref<80x128xf32, #tpu.memory_space<vmem>>)
        tpu.yield
      }) : () -> ()
      %dma_start3A_183 = arith.constant 0 : i32
      %dma_start3A_184 = arith.constant 0 : i32
      %dma_start3A_185 = tpu.memref_slice %arg8[%dma_start3A_183, %dma_start3A_184] : memref<128x128xf32, #tpu.memory_space<vmem>> -> memref<80x128xf32, #tpu.memory_space<vmem>>
      %dma_start3A_186 = arith.constant 0 : i32
      %dma_start3A_187 = tpu.memref_slice %arg4[%arg0, %add3A_119, %dma_start3A_186] : memref<2x10000x128xf32, #tpu.memory_space<hbm>> -> memref<1x80x128xf32, #tpu.memory_space<hbm>>
      %dma_start3A_188 = tpu.memref_squeeze %dma_start3A_187 : memref<1x80x128xf32, #tpu.memory_space<hbm>> -> memref<80x128xf32, #tpu.memory_space<hbm>>
      %dma_start3A_189 = arith.constant 0 : i32
      %dma_start3A_190 = tpu.memref_slice %arg4[%arg0, %add3A_119, %dma_start3A_189] : memref<2x10000x128xf32, #tpu.memory_space<hbm>> -> memref<1x80x128xf32, #tpu.memory_space<hbm>>
      %dma_start3A_191 = tpu.memref_squeeze %dma_start3A_190 : memref<1x80x128xf32, #tpu.memory_space<hbm>> -> memref<80x128xf32, #tpu.memory_space<hbm>>
      %dma_start3A_192 = arith.constant 0 : i32
      %dma_start3A_193 = arith.constant 0 : i32
      %dma_start3A_194 = tpu.memref_slice %arg8[%dma_start3A_192, %dma_start3A_193] : memref<128x128xf32, #tpu.memory_space<vmem>> -> memref<80x128xf32, #tpu.memory_space<vmem>>
      tpu.enqueue_dma source(%dma_start3A_194 : memref<80x128xf32, #tpu.memory_space<vmem>>) target(%dma_start3A_191 : memref<80x128xf32, #tpu.memory_space<hbm>>) target_semaphore(%arg10 : memref<!tpu.dma_semaphore, #tpu.memory_space<semaphore_mem>>)
    } else {
    }
    %mul3A_125 = arith.constant 80 : i32
    %mul3A_126 = arith.muli %arg1, %mul3A_125 : i32
    %add3A_127 = arith.constant 6400 : i32
    %add3A_128 = arith.addi %mul3A_126, %add3A_127 : i32
    %lt3A_129 = arith.constant 10000 : i32
    %lt3A_130 = arith.cmpi slt, %add3A_128, %lt3A_129 : i32
    %convert_element_type3A_131 = arith.extui %lt3A_130 : i1 to i32
    %cond3A_132 = arith.constant 0 : i32
    %cond3A_133 = arith.cmpi ne, %convert_element_type3A_131, %cond3A_132 : i32
    scf.if %cond3A_133 {
      %sub3A_170 = arith.constant 2560 : i32
      %sub3A_171 = arith.subi %add3A_128, %sub3A_170 : i32
      %dma_wait3A = arith.constant 0 : i32
      %dma_wait3A_172 = arith.constant 0 : i32
      %dma_wait3A_173 = tpu.memref_slice %arg9[%dma_wait3A, %dma_wait3A_172] : memref<128x128xf32, #tpu.memory_space<vmem>> -> memref<80x128xf32, #tpu.memory_space<vmem>>
      %dma_wait3A_174 = arith.constant 0 : i32
      %dma_wait3A_175 = tpu.memref_slice %arg4[%arg0, %sub3A_171, %dma_wait3A_174] : memref<2x10000x128xf32, #tpu.memory_space<hbm>> -> memref<1x80x128xf32, #tpu.memory_space<hbm>>
      %dma_wait3A_176 = tpu.memref_squeeze %dma_wait3A_175 : memref<1x80x128xf32, #tpu.memory_space<hbm>> -> memref<80x128xf32, #tpu.memory_space<hbm>>
      %dma_wait3A_177 = arith.constant 0 : i32
      %dma_wait3A_178 = tpu.memref_slice %arg4[%arg0, %sub3A_171, %dma_wait3A_177] : memref<2x10000x128xf32, #tpu.memory_space<hbm>> -> memref<1x80x128xf32, #tpu.memory_space<hbm>>
      %dma_wait3A_179 = tpu.memref_squeeze %dma_wait3A_178 : memref<1x80x128xf32, #tpu.memory_space<hbm>> -> memref<80x128xf32, #tpu.memory_space<hbm>>
      %dma_wait3A_180 = arith.constant 0 : i32
      %dma_wait3A_181 = arith.constant 0 : i32
      %dma_wait3A_182 = tpu.memref_slice %arg9[%dma_wait3A_180, %dma_wait3A_181] : memref<128x128xf32, #tpu.memory_space<vmem>> -> memref<80x128xf32, #tpu.memory_space<vmem>>
      tpu.wait_dma2 semaphore(%arg11 : memref<!tpu.dma_semaphore, #tpu.memory_space<semaphore_mem>>) src(%dma_wait3A_182 : memref<80x128xf32, #tpu.memory_space<vmem>>) dst(%dma_wait3A_179 : memref<80x128xf32, #tpu.memory_space<hbm>>)
      "tpu.region"() ({
        %run_scoped3A_195 = tpu.sem_alloc : memref<!tpu.dma_semaphore, #tpu.memory_space<semaphore_mem>>
        %dma_start3A_196 = arith.constant 0 : i32
        %dma_start3A_197 = arith.constant 0 : i32
        %dma_start3A_198 = tpu.memref_slice %arg9[%dma_start3A_196, %dma_start3A_197] : memref<128x128xf32, #tpu.memory_space<vmem>> -> memref<80x128xf32, #tpu.memory_space<vmem>>
        %dma_start3A_199 = arith.constant 0 : i32
        %dma_start3A_200 = tpu.memref_slice %arg5[%add3A_128, %dma_start3A_199] : memref<10128x128xf32, #tpu.memory_space<vmem_shared>> -> memref<80x128xf32, #tpu.memory_space<vmem_shared>>
        %dma_start3A_201 = arith.constant 0 : i32
        %dma_start3A_202 = arith.constant 0 : i32
        %dma_start3A_203 = tpu.memref_slice %arg9[%dma_start3A_201, %dma_start3A_202] : memref<128x128xf32, #tpu.memory_space<vmem>> -> memref<80x128xf32, #tpu.memory_space<vmem>>
        %dma_start3A_204 = arith.constant 0 : i32
        %dma_start3A_205 = tpu.memref_slice %arg5[%add3A_128, %dma_start3A_204] : memref<10128x128xf32, #tpu.memory_space<vmem_shared>> -> memref<80x128xf32, #tpu.memory_space<vmem_shared>>
        tpu.enqueue_dma source(%dma_start3A_205 : memref<80x128xf32, #tpu.memory_space<vmem_shared>>) target(%dma_start3A_203 : memref<80x128xf32, #tpu.memory_space<vmem>>) target_semaphore(%run_scoped3A_195 : memref<!tpu.dma_semaphore, #tpu.memory_space<semaphore_mem>>)
        %dma_wait3A_206 = arith.constant 0 : i32
        %dma_wait3A_207 = arith.constant 0 : i32
        %dma_wait3A_208 = tpu.memref_slice %arg9[%dma_wait3A_206, %dma_wait3A_207] : memref<128x128xf32, #tpu.memory_space<vmem>> -> memref<80x128xf32, #tpu.memory_space<vmem>>
        %dma_wait3A_209 = arith.constant 0 : i32
        %dma_wait3A_210 = tpu.memref_slice %arg5[%add3A_128, %dma_wait3A_209] : memref<10128x128xf32, #tpu.memory_space<vmem_shared>> -> memref<80x128xf32, #tpu.memory_space<vmem_shared>>
        %dma_wait3A_211 = arith.constant 0 : i32
        %dma_wait3A_212 = arith.constant 0 : i32
        %dma_wait3A_213 = tpu.memref_slice %arg9[%dma_wait3A_211, %dma_wait3A_212] : memref<128x128xf32, #tpu.memory_space<vmem>> -> memref<80x128xf32, #tpu.memory_space<vmem>>
        %dma_wait3A_214 = arith.constant 0 : i32
        %dma_wait3A_215 = tpu.memref_slice %arg5[%add3A_128, %dma_wait3A_214] : memref<10128x128xf32, #tpu.memory_space<vmem_shared>> -> memref<80x128xf32, #tpu.memory_space<vmem_shared>>
        tpu.wait_dma2 semaphore(%run_scoped3A_195 : memref<!tpu.dma_semaphore, #tpu.memory_space<semaphore_mem>>) src(%dma_wait3A_215 : memref<80x128xf32, #tpu.memory_space<vmem_shared>>) dst(%dma_wait3A_213 : memref<80x128xf32, #tpu.memory_space<vmem>>)
        tpu.yield
      }) : () -> ()
      %dma_start3A_183 = arith.constant 0 : i32
      %dma_start3A_184 = arith.constant 0 : i32
      %dma_start3A_185 = tpu.memref_slice %arg9[%dma_start3A_183, %dma_start3A_184] : memref<128x128xf32, #tpu.memory_space<vmem>> -> memref<80x128xf32, #tpu.memory_space<vmem>>
      %dma_start3A_186 = arith.constant 0 : i32
      %dma_start3A_187 = tpu.memref_slice %arg4[%arg0, %add3A_128, %dma_start3A_186] : memref<2x10000x128xf32, #tpu.memory_space<hbm>> -> memref<1x80x128xf32, #tpu.memory_space<hbm>>
      %dma_start3A_188 = tpu.memref_squeeze %dma_start3A_187 : memref<1x80x128xf32, #tpu.memory_space<hbm>> -> memref<80x128xf32, #tpu.memory_space<hbm>>
      %dma_start3A_189 = arith.constant 0 : i32
      %dma_start3A_190 = tpu.memref_slice %arg4[%arg0, %add3A_128, %dma_start3A_189] : memref<2x10000x128xf32, #tpu.memory_space<hbm>> -> memref<1x80x128xf32, #tpu.memory_space<hbm>>
      %dma_start3A_191 = tpu.memref_squeeze %dma_start3A_190 : memref<1x80x128xf32, #tpu.memory_space<hbm>> -> memref<80x128xf32, #tpu.memory_space<hbm>>
      %dma_start3A_192 = arith.constant 0 : i32
      %dma_start3A_193 = arith.constant 0 : i32
      %dma_start3A_194 = tpu.memref_slice %arg9[%dma_start3A_192, %dma_start3A_193] : memref<128x128xf32, #tpu.memory_space<vmem>> -> memref<80x128xf32, #tpu.memory_space<vmem>>
      tpu.enqueue_dma source(%dma_start3A_194 : memref<80x128xf32, #tpu.memory_space<vmem>>) target(%dma_start3A_191 : memref<80x128xf32, #tpu.memory_space<hbm>>) target_semaphore(%arg11 : memref<!tpu.dma_semaphore, #tpu.memory_space<semaphore_mem>>)
    } else {
    }
    %mul3A_134 = arith.constant 80 : i32
    %mul3A_135 = arith.muli %arg1, %mul3A_134 : i32
    %add3A_136 = arith.constant 7680 : i32
    %add3A_137 = arith.addi %mul3A_135, %add3A_136 : i32
    %lt3A_138 = arith.constant 10000 : i32
    %lt3A_139 = arith.cmpi slt, %add3A_137, %lt3A_138 : i32
    %convert_element_type3A_140 = arith.extui %lt3A_139 : i1 to i32
    %cond3A_141 = arith.constant 0 : i32
    %cond3A_142 = arith.cmpi ne, %convert_element_type3A_140, %cond3A_141 : i32
    scf.if %cond3A_142 {
      %sub3A_170 = arith.constant 2560 : i32
      %sub3A_171 = arith.subi %add3A_137, %sub3A_170 : i32
      %dma_wait3A = arith.constant 0 : i32
      %dma_wait3A_172 = arith.constant 0 : i32
      %dma_wait3A_173 = tpu.memref_slice %arg8[%dma_wait3A, %dma_wait3A_172] : memref<128x128xf32, #tpu.memory_space<vmem>> -> memref<80x128xf32, #tpu.memory_space<vmem>>
      %dma_wait3A_174 = arith.constant 0 : i32
      %dma_wait3A_175 = tpu.memref_slice %arg4[%arg0, %sub3A_171, %dma_wait3A_174] : memref<2x10000x128xf32, #tpu.memory_space<hbm>> -> memref<1x80x128xf32, #tpu.memory_space<hbm>>
      %dma_wait3A_176 = tpu.memref_squeeze %dma_wait3A_175 : memref<1x80x128xf32, #tpu.memory_space<hbm>> -> memref<80x128xf32, #tpu.memory_space<hbm>>
      %dma_wait3A_177 = arith.constant 0 : i32
      %dma_wait3A_178 = tpu.memref_slice %arg4[%arg0, %sub3A_171, %dma_wait3A_177] : memref<2x10000x128xf32, #tpu.memory_space<hbm>> -> memref<1x80x128xf32, #tpu.memory_space<hbm>>
      %dma_wait3A_179 = tpu.memref_squeeze %dma_wait3A_178 : memref<1x80x128xf32, #tpu.memory_space<hbm>> -> memref<80x128xf32, #tpu.memory_space<hbm>>
      %dma_wait3A_180 = arith.constant 0 : i32
      %dma_wait3A_181 = arith.constant 0 : i32
      %dma_wait3A_182 = tpu.memref_slice %arg8[%dma_wait3A_180, %dma_wait3A_181] : memref<128x128xf32, #tpu.memory_space<vmem>> -> memref<80x128xf32, #tpu.memory_space<vmem>>
      tpu.wait_dma2 semaphore(%arg10 : memref<!tpu.dma_semaphore, #tpu.memory_space<semaphore_mem>>) src(%dma_wait3A_182 : memref<80x128xf32, #tpu.memory_space<vmem>>) dst(%dma_wait3A_179 : memref<80x128xf32, #tpu.memory_space<hbm>>)
      "tpu.region"() ({
        %run_scoped3A_195 = tpu.sem_alloc : memref<!tpu.dma_semaphore, #tpu.memory_space<semaphore_mem>>
        %dma_start3A_196 = arith.constant 0 : i32
        %dma_start3A_197 = arith.constant 0 : i32
        %dma_start3A_198 = tpu.memref_slice %arg8[%dma_start3A_196, %dma_start3A_197] : memref<128x128xf32, #tpu.memory_space<vmem>> -> memref<80x128xf32, #tpu.memory_space<vmem>>
        %dma_start3A_199 = arith.constant 0 : i32
        %dma_start3A_200 = tpu.memref_slice %arg5[%add3A_137, %dma_start3A_199] : memref<10128x128xf32, #tpu.memory_space<vmem_shared>> -> memref<80x128xf32, #tpu.memory_space<vmem_shared>>
        %dma_start3A_201 = arith.constant 0 : i32
        %dma_start3A_202 = arith.constant 0 : i32
        %dma_start3A_203 = tpu.memref_slice %arg8[%dma_start3A_201, %dma_start3A_202] : memref<128x128xf32, #tpu.memory_space<vmem>> -> memref<80x128xf32, #tpu.memory_space<vmem>>
        %dma_start3A_204 = arith.constant 0 : i32
        %dma_start3A_205 = tpu.memref_slice %arg5[%add3A_137, %dma_start3A_204] : memref<10128x128xf32, #tpu.memory_space<vmem_shared>> -> memref<80x128xf32, #tpu.memory_space<vmem_shared>>
        tpu.enqueue_dma source(%dma_start3A_205 : memref<80x128xf32, #tpu.memory_space<vmem_shared>>) target(%dma_start3A_203 : memref<80x128xf32, #tpu.memory_space<vmem>>) target_semaphore(%run_scoped3A_195 : memref<!tpu.dma_semaphore, #tpu.memory_space<semaphore_mem>>)
        %dma_wait3A_206 = arith.constant 0 : i32
        %dma_wait3A_207 = arith.constant 0 : i32
        %dma_wait3A_208 = tpu.memref_slice %arg8[%dma_wait3A_206, %dma_wait3A_207] : memref<128x128xf32, #tpu.memory_space<vmem>> -> memref<80x128xf32, #tpu.memory_space<vmem>>
        %dma_wait3A_209 = arith.constant 0 : i32
        %dma_wait3A_210 = tpu.memref_slice %arg5[%add3A_137, %dma_wait3A_209] : memref<10128x128xf32, #tpu.memory_space<vmem_shared>> -> memref<80x128xf32, #tpu.memory_space<vmem_shared>>
        %dma_wait3A_211 = arith.constant 0 : i32
        %dma_wait3A_212 = arith.constant 0 : i32
        %dma_wait3A_213 = tpu.memref_slice %arg8[%dma_wait3A_211, %dma_wait3A_212] : memref<128x128xf32, #tpu.memory_space<vmem>> -> memref<80x128xf32, #tpu.memory_space<vmem>>
        %dma_wait3A_214 = arith.constant 0 : i32
        %dma_wait3A_215 = tpu.memref_slice %arg5[%add3A_137, %dma_wait3A_214] : memref<10128x128xf32, #tpu.memory_space<vmem_shared>> -> memref<80x128xf32, #tpu.memory_space<vmem_shared>>
        tpu.wait_dma2 semaphore(%run_scoped3A_195 : memref<!tpu.dma_semaphore, #tpu.memory_space<semaphore_mem>>) src(%dma_wait3A_215 : memref<80x128xf32, #tpu.memory_space<vmem_shared>>) dst(%dma_wait3A_213 : memref<80x128xf32, #tpu.memory_space<vmem>>)
        tpu.yield
      }) : () -> ()
      %dma_start3A_183 = arith.constant 0 : i32
      %dma_start3A_184 = arith.constant 0 : i32
      %dma_start3A_185 = tpu.memref_slice %arg8[%dma_start3A_183, %dma_start3A_184] : memref<128x128xf32, #tpu.memory_space<vmem>> -> memref<80x128xf32, #tpu.memory_space<vmem>>
      %dma_start3A_186 = arith.constant 0 : i32
      %dma_start3A_187 = tpu.memref_slice %arg4[%arg0, %add3A_137, %dma_start3A_186] : memref<2x10000x128xf32, #tpu.memory_space<hbm>> -> memref<1x80x128xf32, #tpu.memory_space<hbm>>
      %dma_start3A_188 = tpu.memref_squeeze %dma_start3A_187 : memref<1x80x128xf32, #tpu.memory_space<hbm>> -> memref<80x128xf32, #tpu.memory_space<hbm>>
      %dma_start3A_189 = arith.constant 0 : i32
      %dma_start3A_190 = tpu.memref_slice %arg4[%arg0, %add3A_137, %dma_start3A_189] : memref<2x10000x128xf32, #tpu.memory_space<hbm>> -> memref<1x80x128xf32, #tpu.memory_space<hbm>>
      %dma_start3A_191 = tpu.memref_squeeze %dma_start3A_190 : memref<1x80x128xf32, #tpu.memory_space<hbm>> -> memref<80x128xf32, #tpu.memory_space<hbm>>
      %dma_start3A_192 = arith.constant 0 : i32
      %dma_start3A_193 = arith.constant 0 : i32
      %dma_start3A_194 = tpu.memref_slice %arg8[%dma_start3A_192, %dma_start3A_193] : memref<128x128xf32, #tpu.memory_space<vmem>> -> memref<80x128xf32, #tpu.memory_space<vmem>>
      tpu.enqueue_dma source(%dma_start3A_194 : memref<80x128xf32, #tpu.memory_space<vmem>>) target(%dma_start3A_191 : memref<80x128xf32, #tpu.memory_space<hbm>>) target_semaphore(%arg10 : memref<!tpu.dma_semaphore, #tpu.memory_space<semaphore_mem>>)
    } else {
    }
    %mul3A_143 = arith.constant 80 : i32
    %mul3A_144 = arith.muli %arg1, %mul3A_143 : i32
    %add3A_145 = arith.constant 8960 : i32
    %add3A_146 = arith.addi %mul3A_144, %add3A_145 : i32
    %lt3A_147 = arith.constant 10000 : i32
    %lt3A_148 = arith.cmpi slt, %add3A_146, %lt3A_147 : i32
    %convert_element_type3A_149 = arith.extui %lt3A_148 : i1 to i32
    %cond3A_150 = arith.constant 0 : i32
    %cond3A_151 = arith.cmpi ne, %convert_element_type3A_149, %cond3A_150 : i32
    scf.if %cond3A_151 {
      %sub3A_170 = arith.constant 2560 : i32
      %sub3A_171 = arith.subi %add3A_146, %sub3A_170 : i32
      %dma_wait3A = arith.constant 0 : i32
      %dma_wait3A_172 = arith.constant 0 : i32
      %dma_wait3A_173 = tpu.memref_slice %arg9[%dma_wait3A, %dma_wait3A_172] : memref<128x128xf32, #tpu.memory_space<vmem>> -> memref<80x128xf32, #tpu.memory_space<vmem>>
      %dma_wait3A_174 = arith.constant 0 : i32
      %dma_wait3A_175 = tpu.memref_slice %arg4[%arg0, %sub3A_171, %dma_wait3A_174] : memref<2x10000x128xf32, #tpu.memory_space<hbm>> -> memref<1x80x128xf32, #tpu.memory_space<hbm>>
      %dma_wait3A_176 = tpu.memref_squeeze %dma_wait3A_175 : memref<1x80x128xf32, #tpu.memory_space<hbm>> -> memref<80x128xf32, #tpu.memory_space<hbm>>
      %dma_wait3A_177 = arith.constant 0 : i32
      %dma_wait3A_178 = tpu.memref_slice %arg4[%arg0, %sub3A_171, %dma_wait3A_177] : memref<2x10000x128xf32, #tpu.memory_space<hbm>> -> memref<1x80x128xf32, #tpu.memory_space<hbm>>
      %dma_wait3A_179 = tpu.memref_squeeze %dma_wait3A_178 : memref<1x80x128xf32, #tpu.memory_space<hbm>> -> memref<80x128xf32, #tpu.memory_space<hbm>>
      %dma_wait3A_180 = arith.constant 0 : i32
      %dma_wait3A_181 = arith.constant 0 : i32
      %dma_wait3A_182 = tpu.memref_slice %arg9[%dma_wait3A_180, %dma_wait3A_181] : memref<128x128xf32, #tpu.memory_space<vmem>> -> memref<80x128xf32, #tpu.memory_space<vmem>>
      tpu.wait_dma2 semaphore(%arg11 : memref<!tpu.dma_semaphore, #tpu.memory_space<semaphore_mem>>) src(%dma_wait3A_182 : memref<80x128xf32, #tpu.memory_space<vmem>>) dst(%dma_wait3A_179 : memref<80x128xf32, #tpu.memory_space<hbm>>)
      "tpu.region"() ({
        %run_scoped3A_195 = tpu.sem_alloc : memref<!tpu.dma_semaphore, #tpu.memory_space<semaphore_mem>>
        %dma_start3A_196 = arith.constant 0 : i32
        %dma_start3A_197 = arith.constant 0 : i32
        %dma_start3A_198 = tpu.memref_slice %arg9[%dma_start3A_196, %dma_start3A_197] : memref<128x128xf32, #tpu.memory_space<vmem>> -> memref<80x128xf32, #tpu.memory_space<vmem>>
        %dma_start3A_199 = arith.constant 0 : i32
        %dma_start3A_200 = tpu.memref_slice %arg5[%add3A_146, %dma_start3A_199] : memref<10128x128xf32, #tpu.memory_space<vmem_shared>> -> memref<80x128xf32, #tpu.memory_space<vmem_shared>>
        %dma_start3A_201 = arith.constant 0 : i32
        %dma_start3A_202 = arith.constant 0 : i32
        %dma_start3A_203 = tpu.memref_slice %arg9[%dma_start3A_201, %dma_start3A_202] : memref<128x128xf32, #tpu.memory_space<vmem>> -> memref<80x128xf32, #tpu.memory_space<vmem>>
        %dma_start3A_204 = arith.constant 0 : i32
        %dma_start3A_205 = tpu.memref_slice %arg5[%add3A_146, %dma_start3A_204] : memref<10128x128xf32, #tpu.memory_space<vmem_shared>> -> memref<80x128xf32, #tpu.memory_space<vmem_shared>>
        tpu.enqueue_dma source(%dma_start3A_205 : memref<80x128xf32, #tpu.memory_space<vmem_shared>>) target(%dma_start3A_203 : memref<80x128xf32, #tpu.memory_space<vmem>>) target_semaphore(%run_scoped3A_195 : memref<!tpu.dma_semaphore, #tpu.memory_space<semaphore_mem>>)
        %dma_wait3A_206 = arith.constant 0 : i32
        %dma_wait3A_207 = arith.constant 0 : i32
        %dma_wait3A_208 = tpu.memref_slice %arg9[%dma_wait3A_206, %dma_wait3A_207] : memref<128x128xf32, #tpu.memory_space<vmem>> -> memref<80x128xf32, #tpu.memory_space<vmem>>
        %dma_wait3A_209 = arith.constant 0 : i32
        %dma_wait3A_210 = tpu.memref_slice %arg5[%add3A_146, %dma_wait3A_209] : memref<10128x128xf32, #tpu.memory_space<vmem_shared>> -> memref<80x128xf32, #tpu.memory_space<vmem_shared>>
        %dma_wait3A_211 = arith.constant 0 : i32
        %dma_wait3A_212 = arith.constant 0 : i32
        %dma_wait3A_213 = tpu.memref_slice %arg9[%dma_wait3A_211, %dma_wait3A_212] : memref<128x128xf32, #tpu.memory_space<vmem>> -> memref<80x128xf32, #tpu.memory_space<vmem>>
        %dma_wait3A_214 = arith.constant 0 : i32
        %dma_wait3A_215 = tpu.memref_slice %arg5[%add3A_146, %dma_wait3A_214] : memref<10128x128xf32, #tpu.memory_space<vmem_shared>> -> memref<80x128xf32, #tpu.memory_space<vmem_shared>>
        tpu.wait_dma2 semaphore(%run_scoped3A_195 : memref<!tpu.dma_semaphore, #tpu.memory_space<semaphore_mem>>) src(%dma_wait3A_215 : memref<80x128xf32, #tpu.memory_space<vmem_shared>>) dst(%dma_wait3A_213 : memref<80x128xf32, #tpu.memory_space<vmem>>)
        tpu.yield
      }) : () -> ()
      %dma_start3A_183 = arith.constant 0 : i32
      %dma_start3A_184 = arith.constant 0 : i32
      %dma_start3A_185 = tpu.memref_slice %arg9[%dma_start3A_183, %dma_start3A_184] : memref<128x128xf32, #tpu.memory_space<vmem>> -> memref<80x128xf32, #tpu.memory_space<vmem>>
      %dma_start3A_186 = arith.constant 0 : i32
      %dma_start3A_187 = tpu.memref_slice %arg4[%arg0, %add3A_146, %dma_start3A_186] : memref<2x10000x128xf32, #tpu.memory_space<hbm>> -> memref<1x80x128xf32, #tpu.memory_space<hbm>>
      %dma_start3A_188 = tpu.memref_squeeze %dma_start3A_187 : memref<1x80x128xf32, #tpu.memory_space<hbm>> -> memref<80x128xf32, #tpu.memory_space<hbm>>
      %dma_start3A_189 = arith.constant 0 : i32
      %dma_start3A_190 = tpu.memref_slice %arg4[%arg0, %add3A_146, %dma_start3A_189] : memref<2x10000x128xf32, #tpu.memory_space<hbm>> -> memref<1x80x128xf32, #tpu.memory_space<hbm>>
      %dma_start3A_191 = tpu.memref_squeeze %dma_start3A_190 : memref<1x80x128xf32, #tpu.memory_space<hbm>> -> memref<80x128xf32, #tpu.memory_space<hbm>>
      %dma_start3A_192 = arith.constant 0 : i32
      %dma_start3A_193 = arith.constant 0 : i32
      %dma_start3A_194 = tpu.memref_slice %arg9[%dma_start3A_192, %dma_start3A_193] : memref<128x128xf32, #tpu.memory_space<vmem>> -> memref<80x128xf32, #tpu.memory_space<vmem>>
      tpu.enqueue_dma source(%dma_start3A_194 : memref<80x128xf32, #tpu.memory_space<vmem>>) target(%dma_start3A_191 : memref<80x128xf32, #tpu.memory_space<hbm>>) target_semaphore(%arg11 : memref<!tpu.dma_semaphore, #tpu.memory_space<semaphore_mem>>)
    } else {
    }
    %mul3A_152 = arith.constant 80 : i32
    %mul3A_153 = arith.muli %arg1, %mul3A_152 : i32
    %add3A_154 = arith.constant 7680 : i32
    %add3A_155 = arith.addi %mul3A_153, %add3A_154 : i32
    %lt3A_156 = arith.constant 10000 : i32
    %lt3A_157 = arith.cmpi slt, %add3A_155, %lt3A_156 : i32
    %convert_element_type3A_158 = arith.extui %lt3A_157 : i1 to i32
    %cond3A_159 = arith.constant 0 : i32
    %cond3A_160 = arith.cmpi ne, %convert_element_type3A_158, %cond3A_159 : i32
    scf.if %cond3A_160 {
      %dma_wait3A = arith.constant 0 : i32
      %dma_wait3A_170 = arith.constant 0 : i32
      %dma_wait3A_171 = tpu.memref_slice %arg8[%dma_wait3A, %dma_wait3A_170] : memref<128x128xf32, #tpu.memory_space<vmem>> -> memref<80x128xf32, #tpu.memory_space<vmem>>
      %dma_wait3A_172 = arith.constant 0 : i32
      %dma_wait3A_173 = tpu.memref_slice %arg4[%arg0, %add3A_155, %dma_wait3A_172] : memref<2x10000x128xf32, #tpu.memory_space<hbm>> -> memref<1x80x128xf32, #tpu.memory_space<hbm>>
      %dma_wait3A_174 = tpu.memref_squeeze %dma_wait3A_173 : memref<1x80x128xf32, #tpu.memory_space<hbm>> -> memref<80x128xf32, #tpu.memory_space<hbm>>
      %dma_wait3A_175 = arith.constant 0 : i32
      %dma_wait3A_176 = tpu.memref_slice %arg4[%arg0, %add3A_155, %dma_wait3A_175] : memref<2x10000x128xf32, #tpu.memory_space<hbm>> -> memref<1x80x128xf32, #tpu.memory_space<hbm>>
      %dma_wait3A_177 = tpu.memref_squeeze %dma_wait3A_176 : memref<1x80x128xf32, #tpu.memory_space<hbm>> -> memref<80x128xf32, #tpu.memory_space<hbm>>
      %dma_wait3A_178 = arith.constant 0 : i32
      %dma_wait3A_179 = arith.constant 0 : i32
      %dma_wait3A_180 = tpu.memref_slice %arg8[%dma_wait3A_178, %dma_wait3A_179] : memref<128x128xf32, #tpu.memory_space<vmem>> -> memref<80x128xf32, #tpu.memory_space<vmem>>
      tpu.wait_dma2 semaphore(%arg10 : memref<!tpu.dma_semaphore, #tpu.memory_space<semaphore_mem>>) src(%dma_wait3A_180 : memref<80x128xf32, #tpu.memory_space<vmem>>) dst(%dma_wait3A_177 : memref<80x128xf32, #tpu.memory_space<hbm>>)
    } else {
    }
    %mul3A_161 = arith.constant 80 : i32
    %mul3A_162 = arith.muli %arg1, %mul3A_161 : i32
    %add3A_163 = arith.constant 8960 : i32
    %add3A_164 = arith.addi %mul3A_162, %add3A_163 : i32
    %lt3A_165 = arith.constant 10000 : i32
    %lt3A_166 = arith.cmpi slt, %add3A_164, %lt3A_165 : i32
    %convert_element_type3A_167 = arith.extui %lt3A_166 : i1 to i32
    %cond3A_168 = arith.constant 0 : i32
    %cond3A_169 = arith.cmpi ne, %convert_element_type3A_167, %cond3A_168 : i32
    scf.if %cond3A_169 {
      %dma_wait3A = arith.constant 0 : i32
      %dma_wait3A_170 = arith.constant 0 : i32
      %dma_wait3A_171 = tpu.memref_slice %arg9[%dma_wait3A, %dma_wait3A_170] : memref<128x128xf32, #tpu.memory_space<vmem>> -> memref<80x128xf32, #tpu.memory_space<vmem>>
      %dma_wait3A_172 = arith.constant 0 : i32
      %dma_wait3A_173 = tpu.memref_slice %arg4[%arg0, %add3A_164, %dma_wait3A_172] : memref<2x10000x128xf32, #tpu.memory_space<hbm>> -> memref<1x80x128xf32, #tpu.memory_space<hbm>>
      %dma_wait3A_174 = tpu.memref_squeeze %dma_wait3A_173 : memref<1x80x128xf32, #tpu.memory_space<hbm>> -> memref<80x128xf32, #tpu.memory_space<hbm>>
      %dma_wait3A_175 = arith.constant 0 : i32
      %dma_wait3A_176 = tpu.memref_slice %arg4[%arg0, %add3A_164, %dma_wait3A_175] : memref<2x10000x128xf32, #tpu.memory_space<hbm>> -> memref<1x80x128xf32, #tpu.memory_space<hbm>>
      %dma_wait3A_177 = tpu.memref_squeeze %dma_wait3A_176 : memref<1x80x128xf32, #tpu.memory_space<hbm>> -> memref<80x128xf32, #tpu.memory_space<hbm>>
      %dma_wait3A_178 = arith.constant 0 : i32
      %dma_wait3A_179 = arith.constant 0 : i32
      %dma_wait3A_180 = tpu.memref_slice %arg9[%dma_wait3A_178, %dma_wait3A_179] : memref<128x128xf32, #tpu.memory_space<vmem>> -> memref<80x128xf32, #tpu.memory_space<vmem>>
      tpu.wait_dma2 semaphore(%arg11 : memref<!tpu.dma_semaphore, #tpu.memory_space<semaphore_mem>>) src(%dma_wait3A_180 : memref<80x128xf32, #tpu.memory_space<vmem>>) dst(%dma_wait3A_177 : memref<80x128xf32, #tpu.memory_space<hbm>>)
    } else {
    }
    return
  }
}

module attributes {stable_mosaic.version = 14 : i64} {
  func.func @_dis_expand_body(%arg0: memref<160x128xf32, #tpu.memory_space<vmem>>, %arg1: memref<10240x128xf32, #tpu.memory_space<vmem>>) attributes {dimension_semantics = [], scalar_prefetch = 0 : i64, scratch_operands = 0 : i64, tpu.core_type = #tpu.core_type<tc>} {
    %get3A = arith.constant 0 : index
    %get3A_0 = arith.constant 0 : index
    %get3A_1 = vector.load %arg0[%get3A, %get3A_0] : memref<160x128xf32, #tpu.memory_space<vmem>>, vector<80x128xf32>
    %get3A_2 = arith.constant 80 : index
    %get3A_3 = arith.constant 0 : index
    %get3A_4 = vector.load %arg0[%get3A_2, %get3A_3] : memref<160x128xf32, #tpu.memory_space<vmem>>, vector<80x128xf32>
    %add3A = arith.addf %get3A_1, %get3A_4 : vector<80x128xf32>
    %add3A_5 = arith.constant 1.000000e+00 : f32
    %add3A_6 = vector.broadcast %add3A_5 : f32 to vector<80x128xf32>
    %add3A_7 = arith.addf %add3A, %add3A_6 : vector<80x128xf32>
    %iota3A = tpu.iota {dimensions = array<i32: 0>} : vector<128x128xi32>
    %iota3A_8 = tpu.iota {dimensions = array<i32: 1>} : vector<128x128xi32>
    %add3A_9 = arith.constant 0 : i32
    %add3A_10 = vector.broadcast %add3A_9 : i32 to vector<128x128xi32>
    %add3A_11 = arith.addi %iota3A, %add3A_10 : vector<128x128xi32>
    %eq3A = arith.cmpi eq, %add3A_11, %iota3A_8 : vector<128x128xi32>
    %convert_element_type3A = arith.extui %eq3A : vector<128x128xi1> to vector<128x128xi32>
    %convert_element_type3A_12 = arith.sitofp %convert_element_type3A : vector<128x128xi32> to vector<128x128xf32>
    %broadcast_in_dim3A = arith.constant 1.000000e+00 : f32
    %broadcast_in_dim3A_13 = vector.broadcast %broadcast_in_dim3A : f32 to vector<128x128xf32>
    %slice3A = vector.extract_strided_slice %add3A_7 {offsets = [0, 0], sizes = [1, 128], strides = [1, 1]} : vector<80x128xf32> to vector<1x128xf32>
    %squeeze3A = vector.shape_cast %slice3A : vector<1x128xf32> to vector<128xf32>
    %broadcast_in_dim3A_14 = vector.shape_cast %squeeze3A : vector<128xf32> to vector<1x128xf32>
    %mul3A = vector.broadcast %broadcast_in_dim3A_14 : vector<1x128xf32> to vector<128x128xf32>
    %mul3A_15 = arith.mulf %convert_element_type3A_12, %mul3A : vector<128x128xf32>
    %dot_general3A = arith.constant dense<0.000000e+00> : vector<128x128xf32>
    %dot_general3A_16 = tpu.matmul %mul3A_15, %broadcast_in_dim3A_13, %dot_general3A {dimension_numbers = #tpu.dot_dimension_numbers<[1], [0], [0], [1], [0, 0, 1, 1], [], []>, precision = #tpu.contract_precision<fp32>, transpose_lhs_hint = false} : vector<128x128xf32>, vector<128x128xf32>, vector<128x128xf32> -> vector<128x128xf32>
    %rsqrt3A = math.rsqrt %dot_general3A_16 : vector<128x128xf32>
    %swap3A = arith.constant 0 : index
    %swap3A_17 = arith.constant 0 : index
    %swap3A_18 = vector.load %arg1[%swap3A, %swap3A_17] : memref<10240x128xf32, #tpu.memory_space<vmem>>, vector<128x128xf32>
    tpu.vector_store %arg1[%swap3A, %swap3A_17], %rsqrt3A {strides = array<i32>} : memref<10240x128xf32, #tpu.memory_space<vmem>>, vector<128x128xf32>,
    %slice3A_19 = vector.extract_strided_slice %add3A_7 {offsets = [1, 0], sizes = [1, 128], strides = [1, 1]} : vector<80x128xf32> to vector<1x128xf32>
    %squeeze3A_20 = vector.shape_cast %slice3A_19 : vector<1x128xf32> to vector<128xf32>
    %broadcast_in_dim3A_21 = vector.shape_cast %squeeze3A_20 : vector<128xf32> to vector<1x128xf32>
    %mul3A_22 = vector.broadcast %broadcast_in_dim3A_21 : vector<1x128xf32> to vector<128x128xf32>
    %mul3A_23 = arith.mulf %convert_element_type3A_12, %mul3A_22 : vector<128x128xf32>
    %dot_general3A_24 = arith.constant dense<0.000000e+00> : vector<128x128xf32>
    %dot_general3A_25 = tpu.matmul %mul3A_23, %broadcast_in_dim3A_13, %dot_general3A_24 {dimension_numbers = #tpu.dot_dimension_numbers<[1], [0], [0], [1], [0, 0, 1, 1], [], []>, precision = #tpu.contract_precision<fp32>, transpose_lhs_hint = false} : vector<128x128xf32>, vector<128x128xf32>, vector<128x128xf32> -> vector<128x128xf32>
    %rsqrt3A_26 = math.rsqrt %dot_general3A_25 : vector<128x128xf32>
    %swap3A_27 = arith.constant 128 : index
    %swap3A_28 = arith.constant 0 : index
    %swap3A_29 = vector.load %arg1[%swap3A_27, %swap3A_28] : memref<10240x128xf32, #tpu.memory_space<vmem>>, vector<128x128xf32>
    tpu.vector_store %arg1[%swap3A_27, %swap3A_28], %rsqrt3A_26 {strides = array<i32>} : memref<10240x128xf32, #tpu.memory_space<vmem>>, vector<128x128xf32>,
    %slice3A_30 = vector.extract_strided_slice %add3A_7 {offsets = [2, 0], sizes = [1, 128], strides = [1, 1]} : vector<80x128xf32> to vector<1x128xf32>
    %squeeze3A_31 = vector.shape_cast %slice3A_30 : vector<1x128xf32> to vector<128xf32>
    %broadcast_in_dim3A_32 = vector.shape_cast %squeeze3A_31 : vector<128xf32> to vector<1x128xf32>
    %mul3A_33 = vector.broadcast %broadcast_in_dim3A_32 : vector<1x128xf32> to vector<128x128xf32>
    %mul3A_34 = arith.mulf %convert_element_type3A_12, %mul3A_33 : vector<128x128xf32>
    %dot_general3A_35 = arith.constant dense<0.000000e+00> : vector<128x128xf32>
    %dot_general3A_36 = tpu.matmul %mul3A_34, %broadcast_in_dim3A_13, %dot_general3A_35 {dimension_numbers = #tpu.dot_dimension_numbers<[1], [0], [0], [1], [0, 0, 1, 1], [], []>, precision = #tpu.contract_precision<fp32>, transpose_lhs_hint = false} : vector<128x128xf32>, vector<128x128xf32>, vector<128x128xf32> -> vector<128x128xf32>
    %rsqrt3A_37 = math.rsqrt %dot_general3A_36 : vector<128x128xf32>
    %swap3A_38 = arith.constant 256 : index
    %swap3A_39 = arith.constant 0 : index
    %swap3A_40 = vector.load %arg1[%swap3A_38, %swap3A_39] : memref<10240x128xf32, #tpu.memory_space<vmem>>, vector<128x128xf32>
    tpu.vector_store %arg1[%swap3A_38, %swap3A_39], %rsqrt3A_37 {strides = array<i32>} : memref<10240x128xf32, #tpu.memory_space<vmem>>, vector<128x128xf32>,
    %slice3A_41 = vector.extract_strided_slice %add3A_7 {offsets = [3, 0], sizes = [1, 128], strides = [1, 1]} : vector<80x128xf32> to vector<1x128xf32>
    %squeeze3A_42 = vector.shape_cast %slice3A_41 : vector<1x128xf32> to vector<128xf32>
    %broadcast_in_dim3A_43 = vector.shape_cast %squeeze3A_42 : vector<128xf32> to vector<1x128xf32>
    %mul3A_44 = vector.broadcast %broadcast_in_dim3A_43 : vector<1x128xf32> to vector<128x128xf32>
    %mul3A_45 = arith.mulf %convert_element_type3A_12, %mul3A_44 : vector<128x128xf32>
    %dot_general3A_46 = arith.constant dense<0.000000e+00> : vector<128x128xf32>
    %dot_general3A_47 = tpu.matmul %mul3A_45, %broadcast_in_dim3A_13, %dot_general3A_46 {dimension_numbers = #tpu.dot_dimension_numbers<[1], [0], [0], [1], [0, 0, 1, 1], [], []>, precision = #tpu.contract_precision<fp32>, transpose_lhs_hint = false} : vector<128x128xf32>, vector<128x128xf32>, vector<128x128xf32> -> vector<128x128xf32>
    %rsqrt3A_48 = math.rsqrt %dot_general3A_47 : vector<128x128xf32>
    %swap3A_49 = arith.constant 384 : index
    %swap3A_50 = arith.constant 0 : index
    %swap3A_51 = vector.load %arg1[%swap3A_49, %swap3A_50] : memref<10240x128xf32, #tpu.memory_space<vmem>>, vector<128x128xf32>
    tpu.vector_store %arg1[%swap3A_49, %swap3A_50], %rsqrt3A_48 {strides = array<i32>} : memref<10240x128xf32, #tpu.memory_space<vmem>>, vector<128x128xf32>,
    %slice3A_52 = vector.extract_strided_slice %add3A_7 {offsets = [4, 0], sizes = [1, 128], strides = [1, 1]} : vector<80x128xf32> to vector<1x128xf32>
    %squeeze3A_53 = vector.shape_cast %slice3A_52 : vector<1x128xf32> to vector<128xf32>
    %broadcast_in_dim3A_54 = vector.shape_cast %squeeze3A_53 : vector<128xf32> to vector<1x128xf32>
    %mul3A_55 = vector.broadcast %broadcast_in_dim3A_54 : vector<1x128xf32> to vector<128x128xf32>
    %mul3A_56 = arith.mulf %convert_element_type3A_12, %mul3A_55 : vector<128x128xf32>
    %dot_general3A_57 = arith.constant dense<0.000000e+00> : vector<128x128xf32>
    %dot_general3A_58 = tpu.matmul %mul3A_56, %broadcast_in_dim3A_13, %dot_general3A_57 {dimension_numbers = #tpu.dot_dimension_numbers<[1], [0], [0], [1], [0, 0, 1, 1], [], []>, precision = #tpu.contract_precision<fp32>, transpose_lhs_hint = false} : vector<128x128xf32>, vector<128x128xf32>, vector<128x128xf32> -> vector<128x128xf32>
    %rsqrt3A_59 = math.rsqrt %dot_general3A_58 : vector<128x128xf32>
    %swap3A_60 = arith.constant 512 : index
    %swap3A_61 = arith.constant 0 : index
    %swap3A_62 = vector.load %arg1[%swap3A_60, %swap3A_61] : memref<10240x128xf32, #tpu.memory_space<vmem>>, vector<128x128xf32>
    tpu.vector_store %arg1[%swap3A_60, %swap3A_61], %rsqrt3A_59 {strides = array<i32>} : memref<10240x128xf32, #tpu.memory_space<vmem>>, vector<128x128xf32>,
    %slice3A_63 = vector.extract_strided_slice %add3A_7 {offsets = [5, 0], sizes = [1, 128], strides = [1, 1]} : vector<80x128xf32> to vector<1x128xf32>
    %squeeze3A_64 = vector.shape_cast %slice3A_63 : vector<1x128xf32> to vector<128xf32>
    %broadcast_in_dim3A_65 = vector.shape_cast %squeeze3A_64 : vector<128xf32> to vector<1x128xf32>
    %mul3A_66 = vector.broadcast %broadcast_in_dim3A_65 : vector<1x128xf32> to vector<128x128xf32>
    %mul3A_67 = arith.mulf %convert_element_type3A_12, %mul3A_66 : vector<128x128xf32>
    %dot_general3A_68 = arith.constant dense<0.000000e+00> : vector<128x128xf32>
    %dot_general3A_69 = tpu.matmul %mul3A_67, %broadcast_in_dim3A_13, %dot_general3A_68 {dimension_numbers = #tpu.dot_dimension_numbers<[1], [0], [0], [1], [0, 0, 1, 1], [], []>, precision = #tpu.contract_precision<fp32>, transpose_lhs_hint = false} : vector<128x128xf32>, vector<128x128xf32>, vector<128x128xf32> -> vector<128x128xf32>
    %rsqrt3A_70 = math.rsqrt %dot_general3A_69 : vector<128x128xf32>
    %swap3A_71 = arith.constant 640 : index
    %swap3A_72 = arith.constant 0 : index
    %swap3A_73 = vector.load %arg1[%swap3A_71, %swap3A_72] : memref<10240x128xf32, #tpu.memory_space<vmem>>, vector<128x128xf32>
    tpu.vector_store %arg1[%swap3A_71, %swap3A_72], %rsqrt3A_70 {strides = array<i32>} : memref<10240x128xf32, #tpu.memory_space<vmem>>, vector<128x128xf32>,
    %slice3A_74 = vector.extract_strided_slice %add3A_7 {offsets = [6, 0], sizes = [1, 128], strides = [1, 1]} : vector<80x128xf32> to vector<1x128xf32>
    %squeeze3A_75 = vector.shape_cast %slice3A_74 : vector<1x128xf32> to vector<128xf32>
    %broadcast_in_dim3A_76 = vector.shape_cast %squeeze3A_75 : vector<128xf32> to vector<1x128xf32>
    %mul3A_77 = vector.broadcast %broadcast_in_dim3A_76 : vector<1x128xf32> to vector<128x128xf32>
    %mul3A_78 = arith.mulf %convert_element_type3A_12, %mul3A_77 : vector<128x128xf32>
    %dot_general3A_79 = arith.constant dense<0.000000e+00> : vector<128x128xf32>
    %dot_general3A_80 = tpu.matmul %mul3A_78, %broadcast_in_dim3A_13, %dot_general3A_79 {dimension_numbers = #tpu.dot_dimension_numbers<[1], [0], [0], [1], [0, 0, 1, 1], [], []>, precision = #tpu.contract_precision<fp32>, transpose_lhs_hint = false} : vector<128x128xf32>, vector<128x128xf32>, vector<128x128xf32> -> vector<128x128xf32>
    %rsqrt3A_81 = math.rsqrt %dot_general3A_80 : vector<128x128xf32>
    %swap3A_82 = arith.constant 768 : index
    %swap3A_83 = arith.constant 0 : index
    %swap3A_84 = vector.load %arg1[%swap3A_82, %swap3A_83] : memref<10240x128xf32, #tpu.memory_space<vmem>>, vector<128x128xf32>
    tpu.vector_store %arg1[%swap3A_82, %swap3A_83], %rsqrt3A_81 {strides = array<i32>} : memref<10240x128xf32, #tpu.memory_space<vmem>>, vector<128x128xf32>,
    %slice3A_85 = vector.extract_strided_slice %add3A_7 {offsets = [7, 0], sizes = [1, 128], strides = [1, 1]} : vector<80x128xf32> to vector<1x128xf32>
    %squeeze3A_86 = vector.shape_cast %slice3A_85 : vector<1x128xf32> to vector<128xf32>
    %broadcast_in_dim3A_87 = vector.shape_cast %squeeze3A_86 : vector<128xf32> to vector<1x128xf32>
    %mul3A_88 = vector.broadcast %broadcast_in_dim3A_87 : vector<1x128xf32> to vector<128x128xf32>
    %mul3A_89 = arith.mulf %convert_element_type3A_12, %mul3A_88 : vector<128x128xf32>
    %dot_general3A_90 = arith.constant dense<0.000000e+00> : vector<128x128xf32>
    %dot_general3A_91 = tpu.matmul %mul3A_89, %broadcast_in_dim3A_13, %dot_general3A_90 {dimension_numbers = #tpu.dot_dimension_numbers<[1], [0], [0], [1], [0, 0, 1, 1], [], []>, precision = #tpu.contract_precision<fp32>, transpose_lhs_hint = false} : vector<128x128xf32>, vector<128x128xf32>, vector<128x128xf32> -> vector<128x128xf32>
    %rsqrt3A_92 = math.rsqrt %dot_general3A_91 : vector<128x128xf32>
    %swap3A_93 = arith.constant 896 : index
    %swap3A_94 = arith.constant 0 : index
    %swap3A_95 = vector.load %arg1[%swap3A_93, %swap3A_94] : memref<10240x128xf32, #tpu.memory_space<vmem>>, vector<128x128xf32>
    tpu.vector_store %arg1[%swap3A_93, %swap3A_94], %rsqrt3A_92 {strides = array<i32>} : memref<10240x128xf32, #tpu.memory_space<vmem>>, vector<128x128xf32>,
    %slice3A_96 = vector.extract_strided_slice %add3A_7 {offsets = [8, 0], sizes = [1, 128], strides = [1, 1]} : vector<80x128xf32> to vector<1x128xf32>
    %squeeze3A_97 = vector.shape_cast %slice3A_96 : vector<1x128xf32> to vector<128xf32>
    %broadcast_in_dim3A_98 = vector.shape_cast %squeeze3A_97 : vector<128xf32> to vector<1x128xf32>
    %mul3A_99 = vector.broadcast %broadcast_in_dim3A_98 : vector<1x128xf32> to vector<128x128xf32>
    %mul3A_100 = arith.mulf %convert_element_type3A_12, %mul3A_99 : vector<128x128xf32>
    %dot_general3A_101 = arith.constant dense<0.000000e+00> : vector<128x128xf32>
    %dot_general3A_102 = tpu.matmul %mul3A_100, %broadcast_in_dim3A_13, %dot_general3A_101 {dimension_numbers = #tpu.dot_dimension_numbers<[1], [0], [0], [1], [0, 0, 1, 1], [], []>, precision = #tpu.contract_precision<fp32>, transpose_lhs_hint = false} : vector<128x128xf32>, vector<128x128xf32>, vector<128x128xf32> -> vector<128x128xf32>
    %rsqrt3A_103 = math.rsqrt %dot_general3A_102 : vector<128x128xf32>
    %swap3A_104 = arith.constant 1024 : index
    %swap3A_105 = arith.constant 0 : index
    %swap3A_106 = vector.load %arg1[%swap3A_104, %swap3A_105] : memref<10240x128xf32, #tpu.memory_space<vmem>>, vector<128x128xf32>
    tpu.vector_store %arg1[%swap3A_104, %swap3A_105], %rsqrt3A_103 {strides = array<i32>} : memref<10240x128xf32, #tpu.memory_space<vmem>>, vector<128x128xf32>,
    %slice3A_107 = vector.extract_strided_slice %add3A_7 {offsets = [9, 0], sizes = [1, 128], strides = [1, 1]} : vector<80x128xf32> to vector<1x128xf32>
    %squeeze3A_108 = vector.shape_cast %slice3A_107 : vector<1x128xf32> to vector<128xf32>
    %broadcast_in_dim3A_109 = vector.shape_cast %squeeze3A_108 : vector<128xf32> to vector<1x128xf32>
    %mul3A_110 = vector.broadcast %broadcast_in_dim3A_109 : vector<1x128xf32> to vector<128x128xf32>
    %mul3A_111 = arith.mulf %convert_element_type3A_12, %mul3A_110 : vector<128x128xf32>
    %dot_general3A_112 = arith.constant dense<0.000000e+00> : vector<128x128xf32>
    %dot_general3A_113 = tpu.matmul %mul3A_111, %broadcast_in_dim3A_13, %dot_general3A_112 {dimension_numbers = #tpu.dot_dimension_numbers<[1], [0], [0], [1], [0, 0, 1, 1], [], []>, precision = #tpu.contract_precision<fp32>, transpose_lhs_hint = false} : vector<128x128xf32>, vector<128x128xf32>, vector<128x128xf32> -> vector<128x128xf32>
    %rsqrt3A_114 = math.rsqrt %dot_general3A_113 : vector<128x128xf32>
    %swap3A_115 = arith.constant 1152 : index
    %swap3A_116 = arith.constant 0 : index
    %swap3A_117 = vector.load %arg1[%swap3A_115, %swap3A_116] : memref<10240x128xf32, #tpu.memory_space<vmem>>, vector<128x128xf32>
    tpu.vector_store %arg1[%swap3A_115, %swap3A_116], %rsqrt3A_114 {strides = array<i32>} : memref<10240x128xf32, #tpu.memory_space<vmem>>, vector<128x128xf32>,
    %slice3A_118 = vector.extract_strided_slice %add3A_7 {offsets = [10, 0], sizes = [1, 128], strides = [1, 1]} : vector<80x128xf32> to vector<1x128xf32>
    %squeeze3A_119 = vector.shape_cast %slice3A_118 : vector<1x128xf32> to vector<128xf32>
    %broadcast_in_dim3A_120 = vector.shape_cast %squeeze3A_119 : vector<128xf32> to vector<1x128xf32>
    %mul3A_121 = vector.broadcast %broadcast_in_dim3A_120 : vector<1x128xf32> to vector<128x128xf32>
    %mul3A_122 = arith.mulf %convert_element_type3A_12, %mul3A_121 : vector<128x128xf32>
    %dot_general3A_123 = arith.constant dense<0.000000e+00> : vector<128x128xf32>
    %dot_general3A_124 = tpu.matmul %mul3A_122, %broadcast_in_dim3A_13, %dot_general3A_123 {dimension_numbers = #tpu.dot_dimension_numbers<[1], [0], [0], [1], [0, 0, 1, 1], [], []>, precision = #tpu.contract_precision<fp32>, transpose_lhs_hint = false} : vector<128x128xf32>, vector<128x128xf32>, vector<128x128xf32> -> vector<128x128xf32>
    %rsqrt3A_125 = math.rsqrt %dot_general3A_124 : vector<128x128xf32>
    %swap3A_126 = arith.constant 1280 : index
    %swap3A_127 = arith.constant 0 : index
    %swap3A_128 = vector.load %arg1[%swap3A_126, %swap3A_127] : memref<10240x128xf32, #tpu.memory_space<vmem>>, vector<128x128xf32>
    tpu.vector_store %arg1[%swap3A_126, %swap3A_127], %rsqrt3A_125 {strides = array<i32>} : memref<10240x128xf32, #tpu.memory_space<vmem>>, vector<128x128xf32>,
    %slice3A_129 = vector.extract_strided_slice %add3A_7 {offsets = [11, 0], sizes = [1, 128], strides = [1, 1]} : vector<80x128xf32> to vector<1x128xf32>
    %squeeze3A_130 = vector.shape_cast %slice3A_129 : vector<1x128xf32> to vector<128xf32>
    %broadcast_in_dim3A_131 = vector.shape_cast %squeeze3A_130 : vector<128xf32> to vector<1x128xf32>
    %mul3A_132 = vector.broadcast %broadcast_in_dim3A_131 : vector<1x128xf32> to vector<128x128xf32>
    %mul3A_133 = arith.mulf %convert_element_type3A_12, %mul3A_132 : vector<128x128xf32>
    %dot_general3A_134 = arith.constant dense<0.000000e+00> : vector<128x128xf32>
    %dot_general3A_135 = tpu.matmul %mul3A_133, %broadcast_in_dim3A_13, %dot_general3A_134 {dimension_numbers = #tpu.dot_dimension_numbers<[1], [0], [0], [1], [0, 0, 1, 1], [], []>, precision = #tpu.contract_precision<fp32>, transpose_lhs_hint = false} : vector<128x128xf32>, vector<128x128xf32>, vector<128x128xf32> -> vector<128x128xf32>
    %rsqrt3A_136 = math.rsqrt %dot_general3A_135 : vector<128x128xf32>
    %swap3A_137 = arith.constant 1408 : index
    %swap3A_138 = arith.constant 0 : index
    %swap3A_139 = vector.load %arg1[%swap3A_137, %swap3A_138] : memref<10240x128xf32, #tpu.memory_space<vmem>>, vector<128x128xf32>
    tpu.vector_store %arg1[%swap3A_137, %swap3A_138], %rsqrt3A_136 {strides = array<i32>} : memref<10240x128xf32, #tpu.memory_space<vmem>>, vector<128x128xf32>,
    %slice3A_140 = vector.extract_strided_slice %add3A_7 {offsets = [12, 0], sizes = [1, 128], strides = [1, 1]} : vector<80x128xf32> to vector<1x128xf32>
    %squeeze3A_141 = vector.shape_cast %slice3A_140 : vector<1x128xf32> to vector<128xf32>
    %broadcast_in_dim3A_142 = vector.shape_cast %squeeze3A_141 : vector<128xf32> to vector<1x128xf32>
    %mul3A_143 = vector.broadcast %broadcast_in_dim3A_142 : vector<1x128xf32> to vector<128x128xf32>
    %mul3A_144 = arith.mulf %convert_element_type3A_12, %mul3A_143 : vector<128x128xf32>
    %dot_general3A_145 = arith.constant dense<0.000000e+00> : vector<128x128xf32>
    %dot_general3A_146 = tpu.matmul %mul3A_144, %broadcast_in_dim3A_13, %dot_general3A_145 {dimension_numbers = #tpu.dot_dimension_numbers<[1], [0], [0], [1], [0, 0, 1, 1], [], []>, precision = #tpu.contract_precision<fp32>, transpose_lhs_hint = false} : vector<128x128xf32>, vector<128x128xf32>, vector<128x128xf32> -> vector<128x128xf32>
    %rsqrt3A_147 = math.rsqrt %dot_general3A_146 : vector<128x128xf32>
    %swap3A_148 = arith.constant 1536 : index
    %swap3A_149 = arith.constant 0 : index
    %swap3A_150 = vector.load %arg1[%swap3A_148, %swap3A_149] : memref<10240x128xf32, #tpu.memory_space<vmem>>, vector<128x128xf32>
    tpu.vector_store %arg1[%swap3A_148, %swap3A_149], %rsqrt3A_147 {strides = array<i32>} : memref<10240x128xf32, #tpu.memory_space<vmem>>, vector<128x128xf32>,
    %slice3A_151 = vector.extract_strided_slice %add3A_7 {offsets = [13, 0], sizes = [1, 128], strides = [1, 1]} : vector<80x128xf32> to vector<1x128xf32>
    %squeeze3A_152 = vector.shape_cast %slice3A_151 : vector<1x128xf32> to vector<128xf32>
    %broadcast_in_dim3A_153 = vector.shape_cast %squeeze3A_152 : vector<128xf32> to vector<1x128xf32>
    %mul3A_154 = vector.broadcast %broadcast_in_dim3A_153 : vector<1x128xf32> to vector<128x128xf32>
    %mul3A_155 = arith.mulf %convert_element_type3A_12, %mul3A_154 : vector<128x128xf32>
    %dot_general3A_156 = arith.constant dense<0.000000e+00> : vector<128x128xf32>
    %dot_general3A_157 = tpu.matmul %mul3A_155, %broadcast_in_dim3A_13, %dot_general3A_156 {dimension_numbers = #tpu.dot_dimension_numbers<[1], [0], [0], [1], [0, 0, 1, 1], [], []>, precision = #tpu.contract_precision<fp32>, transpose_lhs_hint = false} : vector<128x128xf32>, vector<128x128xf32>, vector<128x128xf32> -> vector<128x128xf32>
    %rsqrt3A_158 = math.rsqrt %dot_general3A_157 : vector<128x128xf32>
    %swap3A_159 = arith.constant 1664 : index
    %swap3A_160 = arith.constant 0 : index
    %swap3A_161 = vector.load %arg1[%swap3A_159, %swap3A_160] : memref<10240x128xf32, #tpu.memory_space<vmem>>, vector<128x128xf32>
    tpu.vector_store %arg1[%swap3A_159, %swap3A_160], %rsqrt3A_158 {strides = array<i32>} : memref<10240x128xf32, #tpu.memory_space<vmem>>, vector<128x128xf32>,
    %slice3A_162 = vector.extract_strided_slice %add3A_7 {offsets = [14, 0], sizes = [1, 128], strides = [1, 1]} : vector<80x128xf32> to vector<1x128xf32>
    %squeeze3A_163 = vector.shape_cast %slice3A_162 : vector<1x128xf32> to vector<128xf32>
    %broadcast_in_dim3A_164 = vector.shape_cast %squeeze3A_163 : vector<128xf32> to vector<1x128xf32>
    %mul3A_165 = vector.broadcast %broadcast_in_dim3A_164 : vector<1x128xf32> to vector<128x128xf32>
    %mul3A_166 = arith.mulf %convert_element_type3A_12, %mul3A_165 : vector<128x128xf32>
    %dot_general3A_167 = arith.constant dense<0.000000e+00> : vector<128x128xf32>
    %dot_general3A_168 = tpu.matmul %mul3A_166, %broadcast_in_dim3A_13, %dot_general3A_167 {dimension_numbers = #tpu.dot_dimension_numbers<[1], [0], [0], [1], [0, 0, 1, 1], [], []>, precision = #tpu.contract_precision<fp32>, transpose_lhs_hint = false} : vector<128x128xf32>, vector<128x128xf32>, vector<128x128xf32> -> vector<128x128xf32>
    %rsqrt3A_169 = math.rsqrt %dot_general3A_168 : vector<128x128xf32>
    %swap3A_170 = arith.constant 1792 : index
    %swap3A_171 = arith.constant 0 : index
    %swap3A_172 = vector.load %arg1[%swap3A_170, %swap3A_171] : memref<10240x128xf32, #tpu.memory_space<vmem>>, vector<128x128xf32>
    tpu.vector_store %arg1[%swap3A_170, %swap3A_171], %rsqrt3A_169 {strides = array<i32>} : memref<10240x128xf32, #tpu.memory_space<vmem>>, vector<128x128xf32>,
    %slice3A_173 = vector.extract_strided_slice %add3A_7 {offsets = [15, 0], sizes = [1, 128], strides = [1, 1]} : vector<80x128xf32> to vector<1x128xf32>
    %squeeze3A_174 = vector.shape_cast %slice3A_173 : vector<1x128xf32> to vector<128xf32>
    %broadcast_in_dim3A_175 = vector.shape_cast %squeeze3A_174 : vector<128xf32> to vector<1x128xf32>
    %mul3A_176 = vector.broadcast %broadcast_in_dim3A_175 : vector<1x128xf32> to vector<128x128xf32>
    %mul3A_177 = arith.mulf %convert_element_type3A_12, %mul3A_176 : vector<128x128xf32>
    %dot_general3A_178 = arith.constant dense<0.000000e+00> : vector<128x128xf32>
    %dot_general3A_179 = tpu.matmul %mul3A_177, %broadcast_in_dim3A_13, %dot_general3A_178 {dimension_numbers = #tpu.dot_dimension_numbers<[1], [0], [0], [1], [0, 0, 1, 1], [], []>, precision = #tpu.contract_precision<fp32>, transpose_lhs_hint = false} : vector<128x128xf32>, vector<128x128xf32>, vector<128x128xf32> -> vector<128x128xf32>
    %rsqrt3A_180 = math.rsqrt %dot_general3A_179 : vector<128x128xf32>
    %swap3A_181 = arith.constant 1920 : index
    %swap3A_182 = arith.constant 0 : index
    %swap3A_183 = vector.load %arg1[%swap3A_181, %swap3A_182] : memref<10240x128xf32, #tpu.memory_space<vmem>>, vector<128x128xf32>
    tpu.vector_store %arg1[%swap3A_181, %swap3A_182], %rsqrt3A_180 {strides = array<i32>} : memref<10240x128xf32, #tpu.memory_space<vmem>>, vector<128x128xf32>,
    %slice3A_184 = vector.extract_strided_slice %add3A_7 {offsets = [16, 0], sizes = [1, 128], strides = [1, 1]} : vector<80x128xf32> to vector<1x128xf32>
    %squeeze3A_185 = vector.shape_cast %slice3A_184 : vector<1x128xf32> to vector<128xf32>
    %broadcast_in_dim3A_186 = vector.shape_cast %squeeze3A_185 : vector<128xf32> to vector<1x128xf32>
    %mul3A_187 = vector.broadcast %broadcast_in_dim3A_186 : vector<1x128xf32> to vector<128x128xf32>
    %mul3A_188 = arith.mulf %convert_element_type3A_12, %mul3A_187 : vector<128x128xf32>
    %dot_general3A_189 = arith.constant dense<0.000000e+00> : vector<128x128xf32>
    %dot_general3A_190 = tpu.matmul %mul3A_188, %broadcast_in_dim3A_13, %dot_general3A_189 {dimension_numbers = #tpu.dot_dimension_numbers<[1], [0], [0], [1], [0, 0, 1, 1], [], []>, precision = #tpu.contract_precision<fp32>, transpose_lhs_hint = false} : vector<128x128xf32>, vector<128x128xf32>, vector<128x128xf32> -> vector<128x128xf32>
    %rsqrt3A_191 = math.rsqrt %dot_general3A_190 : vector<128x128xf32>
    %swap3A_192 = arith.constant 2048 : index
    %swap3A_193 = arith.constant 0 : index
    %swap3A_194 = vector.load %arg1[%swap3A_192, %swap3A_193] : memref<10240x128xf32, #tpu.memory_space<vmem>>, vector<128x128xf32>
    tpu.vector_store %arg1[%swap3A_192, %swap3A_193], %rsqrt3A_191 {strides = array<i32>} : memref<10240x128xf32, #tpu.memory_space<vmem>>, vector<128x128xf32>,
    %slice3A_195 = vector.extract_strided_slice %add3A_7 {offsets = [17, 0], sizes = [1, 128], strides = [1, 1]} : vector<80x128xf32> to vector<1x128xf32>
    %squeeze3A_196 = vector.shape_cast %slice3A_195 : vector<1x128xf32> to vector<128xf32>
    %broadcast_in_dim3A_197 = vector.shape_cast %squeeze3A_196 : vector<128xf32> to vector<1x128xf32>
    %mul3A_198 = vector.broadcast %broadcast_in_dim3A_197 : vector<1x128xf32> to vector<128x128xf32>
    %mul3A_199 = arith.mulf %convert_element_type3A_12, %mul3A_198 : vector<128x128xf32>
    %dot_general3A_200 = arith.constant dense<0.000000e+00> : vector<128x128xf32>
    %dot_general3A_201 = tpu.matmul %mul3A_199, %broadcast_in_dim3A_13, %dot_general3A_200 {dimension_numbers = #tpu.dot_dimension_numbers<[1], [0], [0], [1], [0, 0, 1, 1], [], []>, precision = #tpu.contract_precision<fp32>, transpose_lhs_hint = false} : vector<128x128xf32>, vector<128x128xf32>, vector<128x128xf32> -> vector<128x128xf32>
    %rsqrt3A_202 = math.rsqrt %dot_general3A_201 : vector<128x128xf32>
    %swap3A_203 = arith.constant 2176 : index
    %swap3A_204 = arith.constant 0 : index
    %swap3A_205 = vector.load %arg1[%swap3A_203, %swap3A_204] : memref<10240x128xf32, #tpu.memory_space<vmem>>, vector<128x128xf32>
    tpu.vector_store %arg1[%swap3A_203, %swap3A_204], %rsqrt3A_202 {strides = array<i32>} : memref<10240x128xf32, #tpu.memory_space<vmem>>, vector<128x128xf32>,
    %slice3A_206 = vector.extract_strided_slice %add3A_7 {offsets = [18, 0], sizes = [1, 128], strides = [1, 1]} : vector<80x128xf32> to vector<1x128xf32>
    %squeeze3A_207 = vector.shape_cast %slice3A_206 : vector<1x128xf32> to vector<128xf32>
    %broadcast_in_dim3A_208 = vector.shape_cast %squeeze3A_207 : vector<128xf32> to vector<1x128xf32>
    %mul3A_209 = vector.broadcast %broadcast_in_dim3A_208 : vector<1x128xf32> to vector<128x128xf32>
    %mul3A_210 = arith.mulf %convert_element_type3A_12, %mul3A_209 : vector<128x128xf32>
    %dot_general3A_211 = arith.constant dense<0.000000e+00> : vector<128x128xf32>
    %dot_general3A_212 = tpu.matmul %mul3A_210, %broadcast_in_dim3A_13, %dot_general3A_211 {dimension_numbers = #tpu.dot_dimension_numbers<[1], [0], [0], [1], [0, 0, 1, 1], [], []>, precision = #tpu.contract_precision<fp32>, transpose_lhs_hint = false} : vector<128x128xf32>, vector<128x128xf32>, vector<128x128xf32> -> vector<128x128xf32>
    %rsqrt3A_213 = math.rsqrt %dot_general3A_212 : vector<128x128xf32>
    %swap3A_214 = arith.constant 2304 : index
    %swap3A_215 = arith.constant 0 : index
    %swap3A_216 = vector.load %arg1[%swap3A_214, %swap3A_215] : memref<10240x128xf32, #tpu.memory_space<vmem>>, vector<128x128xf32>
    tpu.vector_store %arg1[%swap3A_214, %swap3A_215], %rsqrt3A_213 {strides = array<i32>} : memref<10240x128xf32, #tpu.memory_space<vmem>>, vector<128x128xf32>,
    %slice3A_217 = vector.extract_strided_slice %add3A_7 {offsets = [19, 0], sizes = [1, 128], strides = [1, 1]} : vector<80x128xf32> to vector<1x128xf32>
    %squeeze3A_218 = vector.shape_cast %slice3A_217 : vector<1x128xf32> to vector<128xf32>
    %broadcast_in_dim3A_219 = vector.shape_cast %squeeze3A_218 : vector<128xf32> to vector<1x128xf32>
    %mul3A_220 = vector.broadcast %broadcast_in_dim3A_219 : vector<1x128xf32> to vector<128x128xf32>
    %mul3A_221 = arith.mulf %convert_element_type3A_12, %mul3A_220 : vector<128x128xf32>
    %dot_general3A_222 = arith.constant dense<0.000000e+00> : vector<128x128xf32>
    %dot_general3A_223 = tpu.matmul %mul3A_221, %broadcast_in_dim3A_13, %dot_general3A_222 {dimension_numbers = #tpu.dot_dimension_numbers<[1], [0], [0], [1], [0, 0, 1, 1], [], []>, precision = #tpu.contract_precision<fp32>, transpose_lhs_hint = false} : vector<128x128xf32>, vector<128x128xf32>, vector<128x128xf32> -> vector<128x128xf32>
    %rsqrt3A_224 = math.rsqrt %dot_general3A_223 : vector<128x128xf32>
    %swap3A_225 = arith.constant 2432 : index
    %swap3A_226 = arith.constant 0 : index
    %swap3A_227 = vector.load %arg1[%swap3A_225, %swap3A_226] : memref<10240x128xf32, #tpu.memory_space<vmem>>, vector<128x128xf32>
    tpu.vector_store %arg1[%swap3A_225, %swap3A_226], %rsqrt3A_224 {strides = array<i32>} : memref<10240x128xf32, #tpu.memory_space<vmem>>, vector<128x128xf32>,
    %slice3A_228 = vector.extract_strided_slice %add3A_7 {offsets = [20, 0], sizes = [1, 128], strides = [1, 1]} : vector<80x128xf32> to vector<1x128xf32>
    %squeeze3A_229 = vector.shape_cast %slice3A_228 : vector<1x128xf32> to vector<128xf32>
    %broadcast_in_dim3A_230 = vector.shape_cast %squeeze3A_229 : vector<128xf32> to vector<1x128xf32>
    %mul3A_231 = vector.broadcast %broadcast_in_dim3A_230 : vector<1x128xf32> to vector<128x128xf32>
    %mul3A_232 = arith.mulf %convert_element_type3A_12, %mul3A_231 : vector<128x128xf32>
    %dot_general3A_233 = arith.constant dense<0.000000e+00> : vector<128x128xf32>
    %dot_general3A_234 = tpu.matmul %mul3A_232, %broadcast_in_dim3A_13, %dot_general3A_233 {dimension_numbers = #tpu.dot_dimension_numbers<[1], [0], [0], [1], [0, 0, 1, 1], [], []>, precision = #tpu.contract_precision<fp32>, transpose_lhs_hint = false} : vector<128x128xf32>, vector<128x128xf32>, vector<128x128xf32> -> vector<128x128xf32>
    %rsqrt3A_235 = math.rsqrt %dot_general3A_234 : vector<128x128xf32>
    %swap3A_236 = arith.constant 2560 : index
    %swap3A_237 = arith.constant 0 : index
    %swap3A_238 = vector.load %arg1[%swap3A_236, %swap3A_237] : memref<10240x128xf32, #tpu.memory_space<vmem>>, vector<128x128xf32>
    tpu.vector_store %arg1[%swap3A_236, %swap3A_237], %rsqrt3A_235 {strides = array<i32>} : memref<10240x128xf32, #tpu.memory_space<vmem>>, vector<128x128xf32>,
    %slice3A_239 = vector.extract_strided_slice %add3A_7 {offsets = [21, 0], sizes = [1, 128], strides = [1, 1]} : vector<80x128xf32> to vector<1x128xf32>
    %squeeze3A_240 = vector.shape_cast %slice3A_239 : vector<1x128xf32> to vector<128xf32>
    %broadcast_in_dim3A_241 = vector.shape_cast %squeeze3A_240 : vector<128xf32> to vector<1x128xf32>
    %mul3A_242 = vector.broadcast %broadcast_in_dim3A_241 : vector<1x128xf32> to vector<128x128xf32>
    %mul3A_243 = arith.mulf %convert_element_type3A_12, %mul3A_242 : vector<128x128xf32>
    %dot_general3A_244 = arith.constant dense<0.000000e+00> : vector<128x128xf32>
    %dot_general3A_245 = tpu.matmul %mul3A_243, %broadcast_in_dim3A_13, %dot_general3A_244 {dimension_numbers = #tpu.dot_dimension_numbers<[1], [0], [0], [1], [0, 0, 1, 1], [], []>, precision = #tpu.contract_precision<fp32>, transpose_lhs_hint = false} : vector<128x128xf32>, vector<128x128xf32>, vector<128x128xf32> -> vector<128x128xf32>
    %rsqrt3A_246 = math.rsqrt %dot_general3A_245 : vector<128x128xf32>
    %swap3A_247 = arith.constant 2688 : index
    %swap3A_248 = arith.constant 0 : index
    %swap3A_249 = vector.load %arg1[%swap3A_247, %swap3A_248] : memref<10240x128xf32, #tpu.memory_space<vmem>>, vector<128x128xf32>
    tpu.vector_store %arg1[%swap3A_247, %swap3A_248], %rsqrt3A_246 {strides = array<i32>} : memref<10240x128xf32, #tpu.memory_space<vmem>>, vector<128x128xf32>,
    %slice3A_250 = vector.extract_strided_slice %add3A_7 {offsets = [22, 0], sizes = [1, 128], strides = [1, 1]} : vector<80x128xf32> to vector<1x128xf32>
    %squeeze3A_251 = vector.shape_cast %slice3A_250 : vector<1x128xf32> to vector<128xf32>
    %broadcast_in_dim3A_252 = vector.shape_cast %squeeze3A_251 : vector<128xf32> to vector<1x128xf32>
    %mul3A_253 = vector.broadcast %broadcast_in_dim3A_252 : vector<1x128xf32> to vector<128x128xf32>
    %mul3A_254 = arith.mulf %convert_element_type3A_12, %mul3A_253 : vector<128x128xf32>
    %dot_general3A_255 = arith.constant dense<0.000000e+00> : vector<128x128xf32>
    %dot_general3A_256 = tpu.matmul %mul3A_254, %broadcast_in_dim3A_13, %dot_general3A_255 {dimension_numbers = #tpu.dot_dimension_numbers<[1], [0], [0], [1], [0, 0, 1, 1], [], []>, precision = #tpu.contract_precision<fp32>, transpose_lhs_hint = false} : vector<128x128xf32>, vector<128x128xf32>, vector<128x128xf32> -> vector<128x128xf32>
    %rsqrt3A_257 = math.rsqrt %dot_general3A_256 : vector<128x128xf32>
    %swap3A_258 = arith.constant 2816 : index
    %swap3A_259 = arith.constant 0 : index
    %swap3A_260 = vector.load %arg1[%swap3A_258, %swap3A_259] : memref<10240x128xf32, #tpu.memory_space<vmem>>, vector<128x128xf32>
    tpu.vector_store %arg1[%swap3A_258, %swap3A_259], %rsqrt3A_257 {strides = array<i32>} : memref<10240x128xf32, #tpu.memory_space<vmem>>, vector<128x128xf32>,
    %slice3A_261 = vector.extract_strided_slice %add3A_7 {offsets = [23, 0], sizes = [1, 128], strides = [1, 1]} : vector<80x128xf32> to vector<1x128xf32>
    %squeeze3A_262 = vector.shape_cast %slice3A_261 : vector<1x128xf32> to vector<128xf32>
    %broadcast_in_dim3A_263 = vector.shape_cast %squeeze3A_262 : vector<128xf32> to vector<1x128xf32>
    %mul3A_264 = vector.broadcast %broadcast_in_dim3A_263 : vector<1x128xf32> to vector<128x128xf32>
    %mul3A_265 = arith.mulf %convert_element_type3A_12, %mul3A_264 : vector<128x128xf32>
    %dot_general3A_266 = arith.constant dense<0.000000e+00> : vector<128x128xf32>
    %dot_general3A_267 = tpu.matmul %mul3A_265, %broadcast_in_dim3A_13, %dot_general3A_266 {dimension_numbers = #tpu.dot_dimension_numbers<[1], [0], [0], [1], [0, 0, 1, 1], [], []>, precision = #tpu.contract_precision<fp32>, transpose_lhs_hint = false} : vector<128x128xf32>, vector<128x128xf32>, vector<128x128xf32> -> vector<128x128xf32>
    %rsqrt3A_268 = math.rsqrt %dot_general3A_267 : vector<128x128xf32>
    %swap3A_269 = arith.constant 2944 : index
    %swap3A_270 = arith.constant 0 : index
    %swap3A_271 = vector.load %arg1[%swap3A_269, %swap3A_270] : memref<10240x128xf32, #tpu.memory_space<vmem>>, vector<128x128xf32>
    tpu.vector_store %arg1[%swap3A_269, %swap3A_270], %rsqrt3A_268 {strides = array<i32>} : memref<10240x128xf32, #tpu.memory_space<vmem>>, vector<128x128xf32>,
    %slice3A_272 = vector.extract_strided_slice %add3A_7 {offsets = [24, 0], sizes = [1, 128], strides = [1, 1]} : vector<80x128xf32> to vector<1x128xf32>
    %squeeze3A_273 = vector.shape_cast %slice3A_272 : vector<1x128xf32> to vector<128xf32>
    %broadcast_in_dim3A_274 = vector.shape_cast %squeeze3A_273 : vector<128xf32> to vector<1x128xf32>
    %mul3A_275 = vector.broadcast %broadcast_in_dim3A_274 : vector<1x128xf32> to vector<128x128xf32>
    %mul3A_276 = arith.mulf %convert_element_type3A_12, %mul3A_275 : vector<128x128xf32>
    %dot_general3A_277 = arith.constant dense<0.000000e+00> : vector<128x128xf32>
    %dot_general3A_278 = tpu.matmul %mul3A_276, %broadcast_in_dim3A_13, %dot_general3A_277 {dimension_numbers = #tpu.dot_dimension_numbers<[1], [0], [0], [1], [0, 0, 1, 1], [], []>, precision = #tpu.contract_precision<fp32>, transpose_lhs_hint = false} : vector<128x128xf32>, vector<128x128xf32>, vector<128x128xf32> -> vector<128x128xf32>
    %rsqrt3A_279 = math.rsqrt %dot_general3A_278 : vector<128x128xf32>
    %swap3A_280 = arith.constant 3072 : index
    %swap3A_281 = arith.constant 0 : index
    %swap3A_282 = vector.load %arg1[%swap3A_280, %swap3A_281] : memref<10240x128xf32, #tpu.memory_space<vmem>>, vector<128x128xf32>
    tpu.vector_store %arg1[%swap3A_280, %swap3A_281], %rsqrt3A_279 {strides = array<i32>} : memref<10240x128xf32, #tpu.memory_space<vmem>>, vector<128x128xf32>,
    %slice3A_283 = vector.extract_strided_slice %add3A_7 {offsets = [25, 0], sizes = [1, 128], strides = [1, 1]} : vector<80x128xf32> to vector<1x128xf32>
    %squeeze3A_284 = vector.shape_cast %slice3A_283 : vector<1x128xf32> to vector<128xf32>
    %broadcast_in_dim3A_285 = vector.shape_cast %squeeze3A_284 : vector<128xf32> to vector<1x128xf32>
    %mul3A_286 = vector.broadcast %broadcast_in_dim3A_285 : vector<1x128xf32> to vector<128x128xf32>
    %mul3A_287 = arith.mulf %convert_element_type3A_12, %mul3A_286 : vector<128x128xf32>
    %dot_general3A_288 = arith.constant dense<0.000000e+00> : vector<128x128xf32>
    %dot_general3A_289 = tpu.matmul %mul3A_287, %broadcast_in_dim3A_13, %dot_general3A_288 {dimension_numbers = #tpu.dot_dimension_numbers<[1], [0], [0], [1], [0, 0, 1, 1], [], []>, precision = #tpu.contract_precision<fp32>, transpose_lhs_hint = false} : vector<128x128xf32>, vector<128x128xf32>, vector<128x128xf32> -> vector<128x128xf32>
    %rsqrt3A_290 = math.rsqrt %dot_general3A_289 : vector<128x128xf32>
    %swap3A_291 = arith.constant 3200 : index
    %swap3A_292 = arith.constant 0 : index
    %swap3A_293 = vector.load %arg1[%swap3A_291, %swap3A_292] : memref<10240x128xf32, #tpu.memory_space<vmem>>, vector<128x128xf32>
    tpu.vector_store %arg1[%swap3A_291, %swap3A_292], %rsqrt3A_290 {strides = array<i32>} : memref<10240x128xf32, #tpu.memory_space<vmem>>, vector<128x128xf32>,
    %slice3A_294 = vector.extract_strided_slice %add3A_7 {offsets = [26, 0], sizes = [1, 128], strides = [1, 1]} : vector<80x128xf32> to vector<1x128xf32>
    %squeeze3A_295 = vector.shape_cast %slice3A_294 : vector<1x128xf32> to vector<128xf32>
    %broadcast_in_dim3A_296 = vector.shape_cast %squeeze3A_295 : vector<128xf32> to vector<1x128xf32>
    %mul3A_297 = vector.broadcast %broadcast_in_dim3A_296 : vector<1x128xf32> to vector<128x128xf32>
    %mul3A_298 = arith.mulf %convert_element_type3A_12, %mul3A_297 : vector<128x128xf32>
    %dot_general3A_299 = arith.constant dense<0.000000e+00> : vector<128x128xf32>
    %dot_general3A_300 = tpu.matmul %mul3A_298, %broadcast_in_dim3A_13, %dot_general3A_299 {dimension_numbers = #tpu.dot_dimension_numbers<[1], [0], [0], [1], [0, 0, 1, 1], [], []>, precision = #tpu.contract_precision<fp32>, transpose_lhs_hint = false} : vector<128x128xf32>, vector<128x128xf32>, vector<128x128xf32> -> vector<128x128xf32>
    %rsqrt3A_301 = math.rsqrt %dot_general3A_300 : vector<128x128xf32>
    %swap3A_302 = arith.constant 3328 : index
    %swap3A_303 = arith.constant 0 : index
    %swap3A_304 = vector.load %arg1[%swap3A_302, %swap3A_303] : memref<10240x128xf32, #tpu.memory_space<vmem>>, vector<128x128xf32>
    tpu.vector_store %arg1[%swap3A_302, %swap3A_303], %rsqrt3A_301 {strides = array<i32>} : memref<10240x128xf32, #tpu.memory_space<vmem>>, vector<128x128xf32>,
    %slice3A_305 = vector.extract_strided_slice %add3A_7 {offsets = [27, 0], sizes = [1, 128], strides = [1, 1]} : vector<80x128xf32> to vector<1x128xf32>
    %squeeze3A_306 = vector.shape_cast %slice3A_305 : vector<1x128xf32> to vector<128xf32>
    %broadcast_in_dim3A_307 = vector.shape_cast %squeeze3A_306 : vector<128xf32> to vector<1x128xf32>
    %mul3A_308 = vector.broadcast %broadcast_in_dim3A_307 : vector<1x128xf32> to vector<128x128xf32>
    %mul3A_309 = arith.mulf %convert_element_type3A_12, %mul3A_308 : vector<128x128xf32>
    %dot_general3A_310 = arith.constant dense<0.000000e+00> : vector<128x128xf32>
    %dot_general3A_311 = tpu.matmul %mul3A_309, %broadcast_in_dim3A_13, %dot_general3A_310 {dimension_numbers = #tpu.dot_dimension_numbers<[1], [0], [0], [1], [0, 0, 1, 1], [], []>, precision = #tpu.contract_precision<fp32>, transpose_lhs_hint = false} : vector<128x128xf32>, vector<128x128xf32>, vector<128x128xf32> -> vector<128x128xf32>
    %rsqrt3A_312 = math.rsqrt %dot_general3A_311 : vector<128x128xf32>
    %swap3A_313 = arith.constant 3456 : index
    %swap3A_314 = arith.constant 0 : index
    %swap3A_315 = vector.load %arg1[%swap3A_313, %swap3A_314] : memref<10240x128xf32, #tpu.memory_space<vmem>>, vector<128x128xf32>
    tpu.vector_store %arg1[%swap3A_313, %swap3A_314], %rsqrt3A_312 {strides = array<i32>} : memref<10240x128xf32, #tpu.memory_space<vmem>>, vector<128x128xf32>,
    %slice3A_316 = vector.extract_strided_slice %add3A_7 {offsets = [28, 0], sizes = [1, 128], strides = [1, 1]} : vector<80x128xf32> to vector<1x128xf32>
    %squeeze3A_317 = vector.shape_cast %slice3A_316 : vector<1x128xf32> to vector<128xf32>
    %broadcast_in_dim3A_318 = vector.shape_cast %squeeze3A_317 : vector<128xf32> to vector<1x128xf32>
    %mul3A_319 = vector.broadcast %broadcast_in_dim3A_318 : vector<1x128xf32> to vector<128x128xf32>
    %mul3A_320 = arith.mulf %convert_element_type3A_12, %mul3A_319 : vector<128x128xf32>
    %dot_general3A_321 = arith.constant dense<0.000000e+00> : vector<128x128xf32>
    %dot_general3A_322 = tpu.matmul %mul3A_320, %broadcast_in_dim3A_13, %dot_general3A_321 {dimension_numbers = #tpu.dot_dimension_numbers<[1], [0], [0], [1], [0, 0, 1, 1], [], []>, precision = #tpu.contract_precision<fp32>, transpose_lhs_hint = false} : vector<128x128xf32>, vector<128x128xf32>, vector<128x128xf32> -> vector<128x128xf32>
    %rsqrt3A_323 = math.rsqrt %dot_general3A_322 : vector<128x128xf32>
    %swap3A_324 = arith.constant 3584 : index
    %swap3A_325 = arith.constant 0 : index
    %swap3A_326 = vector.load %arg1[%swap3A_324, %swap3A_325] : memref<10240x128xf32, #tpu.memory_space<vmem>>, vector<128x128xf32>
    tpu.vector_store %arg1[%swap3A_324, %swap3A_325], %rsqrt3A_323 {strides = array<i32>} : memref<10240x128xf32, #tpu.memory_space<vmem>>, vector<128x128xf32>,
    %slice3A_327 = vector.extract_strided_slice %add3A_7 {offsets = [29, 0], sizes = [1, 128], strides = [1, 1]} : vector<80x128xf32> to vector<1x128xf32>
    %squeeze3A_328 = vector.shape_cast %slice3A_327 : vector<1x128xf32> to vector<128xf32>
    %broadcast_in_dim3A_329 = vector.shape_cast %squeeze3A_328 : vector<128xf32> to vector<1x128xf32>
    %mul3A_330 = vector.broadcast %broadcast_in_dim3A_329 : vector<1x128xf32> to vector<128x128xf32>
    %mul3A_331 = arith.mulf %convert_element_type3A_12, %mul3A_330 : vector<128x128xf32>
    %dot_general3A_332 = arith.constant dense<0.000000e+00> : vector<128x128xf32>
    %dot_general3A_333 = tpu.matmul %mul3A_331, %broadcast_in_dim3A_13, %dot_general3A_332 {dimension_numbers = #tpu.dot_dimension_numbers<[1], [0], [0], [1], [0, 0, 1, 1], [], []>, precision = #tpu.contract_precision<fp32>, transpose_lhs_hint = false} : vector<128x128xf32>, vector<128x128xf32>, vector<128x128xf32> -> vector<128x128xf32>
    %rsqrt3A_334 = math.rsqrt %dot_general3A_333 : vector<128x128xf32>
    %swap3A_335 = arith.constant 3712 : index
    %swap3A_336 = arith.constant 0 : index
    %swap3A_337 = vector.load %arg1[%swap3A_335, %swap3A_336] : memref<10240x128xf32, #tpu.memory_space<vmem>>, vector<128x128xf32>
    tpu.vector_store %arg1[%swap3A_335, %swap3A_336], %rsqrt3A_334 {strides = array<i32>} : memref<10240x128xf32, #tpu.memory_space<vmem>>, vector<128x128xf32>,
    %slice3A_338 = vector.extract_strided_slice %add3A_7 {offsets = [30, 0], sizes = [1, 128], strides = [1, 1]} : vector<80x128xf32> to vector<1x128xf32>
    %squeeze3A_339 = vector.shape_cast %slice3A_338 : vector<1x128xf32> to vector<128xf32>
    %broadcast_in_dim3A_340 = vector.shape_cast %squeeze3A_339 : vector<128xf32> to vector<1x128xf32>
    %mul3A_341 = vector.broadcast %broadcast_in_dim3A_340 : vector<1x128xf32> to vector<128x128xf32>
    %mul3A_342 = arith.mulf %convert_element_type3A_12, %mul3A_341 : vector<128x128xf32>
    %dot_general3A_343 = arith.constant dense<0.000000e+00> : vector<128x128xf32>
    %dot_general3A_344 = tpu.matmul %mul3A_342, %broadcast_in_dim3A_13, %dot_general3A_343 {dimension_numbers = #tpu.dot_dimension_numbers<[1], [0], [0], [1], [0, 0, 1, 1], [], []>, precision = #tpu.contract_precision<fp32>, transpose_lhs_hint = false} : vector<128x128xf32>, vector<128x128xf32>, vector<128x128xf32> -> vector<128x128xf32>
    %rsqrt3A_345 = math.rsqrt %dot_general3A_344 : vector<128x128xf32>
    %swap3A_346 = arith.constant 3840 : index
    %swap3A_347 = arith.constant 0 : index
    %swap3A_348 = vector.load %arg1[%swap3A_346, %swap3A_347] : memref<10240x128xf32, #tpu.memory_space<vmem>>, vector<128x128xf32>
    tpu.vector_store %arg1[%swap3A_346, %swap3A_347], %rsqrt3A_345 {strides = array<i32>} : memref<10240x128xf32, #tpu.memory_space<vmem>>, vector<128x128xf32>,
    %slice3A_349 = vector.extract_strided_slice %add3A_7 {offsets = [31, 0], sizes = [1, 128], strides = [1, 1]} : vector<80x128xf32> to vector<1x128xf32>
    %squeeze3A_350 = vector.shape_cast %slice3A_349 : vector<1x128xf32> to vector<128xf32>
    %broadcast_in_dim3A_351 = vector.shape_cast %squeeze3A_350 : vector<128xf32> to vector<1x128xf32>
    %mul3A_352 = vector.broadcast %broadcast_in_dim3A_351 : vector<1x128xf32> to vector<128x128xf32>
    %mul3A_353 = arith.mulf %convert_element_type3A_12, %mul3A_352 : vector<128x128xf32>
    %dot_general3A_354 = arith.constant dense<0.000000e+00> : vector<128x128xf32>
    %dot_general3A_355 = tpu.matmul %mul3A_353, %broadcast_in_dim3A_13, %dot_general3A_354 {dimension_numbers = #tpu.dot_dimension_numbers<[1], [0], [0], [1], [0, 0, 1, 1], [], []>, precision = #tpu.contract_precision<fp32>, transpose_lhs_hint = false} : vector<128x128xf32>, vector<128x128xf32>, vector<128x128xf32> -> vector<128x128xf32>
    %rsqrt3A_356 = math.rsqrt %dot_general3A_355 : vector<128x128xf32>
    %swap3A_357 = arith.constant 3968 : index
    %swap3A_358 = arith.constant 0 : index
    %swap3A_359 = vector.load %arg1[%swap3A_357, %swap3A_358] : memref<10240x128xf32, #tpu.memory_space<vmem>>, vector<128x128xf32>
    tpu.vector_store %arg1[%swap3A_357, %swap3A_358], %rsqrt3A_356 {strides = array<i32>} : memref<10240x128xf32, #tpu.memory_space<vmem>>, vector<128x128xf32>,
    %slice3A_360 = vector.extract_strided_slice %add3A_7 {offsets = [32, 0], sizes = [1, 128], strides = [1, 1]} : vector<80x128xf32> to vector<1x128xf32>
    %squeeze3A_361 = vector.shape_cast %slice3A_360 : vector<1x128xf32> to vector<128xf32>
    %broadcast_in_dim3A_362 = vector.shape_cast %squeeze3A_361 : vector<128xf32> to vector<1x128xf32>
    %mul3A_363 = vector.broadcast %broadcast_in_dim3A_362 : vector<1x128xf32> to vector<128x128xf32>
    %mul3A_364 = arith.mulf %convert_element_type3A_12, %mul3A_363 : vector<128x128xf32>
    %dot_general3A_365 = arith.constant dense<0.000000e+00> : vector<128x128xf32>
    %dot_general3A_366 = tpu.matmul %mul3A_364, %broadcast_in_dim3A_13, %dot_general3A_365 {dimension_numbers = #tpu.dot_dimension_numbers<[1], [0], [0], [1], [0, 0, 1, 1], [], []>, precision = #tpu.contract_precision<fp32>, transpose_lhs_hint = false} : vector<128x128xf32>, vector<128x128xf32>, vector<128x128xf32> -> vector<128x128xf32>
    %rsqrt3A_367 = math.rsqrt %dot_general3A_366 : vector<128x128xf32>
    %swap3A_368 = arith.constant 4096 : index
    %swap3A_369 = arith.constant 0 : index
    %swap3A_370 = vector.load %arg1[%swap3A_368, %swap3A_369] : memref<10240x128xf32, #tpu.memory_space<vmem>>, vector<128x128xf32>
    tpu.vector_store %arg1[%swap3A_368, %swap3A_369], %rsqrt3A_367 {strides = array<i32>} : memref<10240x128xf32, #tpu.memory_space<vmem>>, vector<128x128xf32>,
    %slice3A_371 = vector.extract_strided_slice %add3A_7 {offsets = [33, 0], sizes = [1, 128], strides = [1, 1]} : vector<80x128xf32> to vector<1x128xf32>
    %squeeze3A_372 = vector.shape_cast %slice3A_371 : vector<1x128xf32> to vector<128xf32>
    %broadcast_in_dim3A_373 = vector.shape_cast %squeeze3A_372 : vector<128xf32> to vector<1x128xf32>
    %mul3A_374 = vector.broadcast %broadcast_in_dim3A_373 : vector<1x128xf32> to vector<128x128xf32>
    %mul3A_375 = arith.mulf %convert_element_type3A_12, %mul3A_374 : vector<128x128xf32>
    %dot_general3A_376 = arith.constant dense<0.000000e+00> : vector<128x128xf32>
    %dot_general3A_377 = tpu.matmul %mul3A_375, %broadcast_in_dim3A_13, %dot_general3A_376 {dimension_numbers = #tpu.dot_dimension_numbers<[1], [0], [0], [1], [0, 0, 1, 1], [], []>, precision = #tpu.contract_precision<fp32>, transpose_lhs_hint = false} : vector<128x128xf32>, vector<128x128xf32>, vector<128x128xf32> -> vector<128x128xf32>
    %rsqrt3A_378 = math.rsqrt %dot_general3A_377 : vector<128x128xf32>
    %swap3A_379 = arith.constant 4224 : index
    %swap3A_380 = arith.constant 0 : index
    %swap3A_381 = vector.load %arg1[%swap3A_379, %swap3A_380] : memref<10240x128xf32, #tpu.memory_space<vmem>>, vector<128x128xf32>
    tpu.vector_store %arg1[%swap3A_379, %swap3A_380], %rsqrt3A_378 {strides = array<i32>} : memref<10240x128xf32, #tpu.memory_space<vmem>>, vector<128x128xf32>,
    %slice3A_382 = vector.extract_strided_slice %add3A_7 {offsets = [34, 0], sizes = [1, 128], strides = [1, 1]} : vector<80x128xf32> to vector<1x128xf32>
    %squeeze3A_383 = vector.shape_cast %slice3A_382 : vector<1x128xf32> to vector<128xf32>
    %broadcast_in_dim3A_384 = vector.shape_cast %squeeze3A_383 : vector<128xf32> to vector<1x128xf32>
    %mul3A_385 = vector.broadcast %broadcast_in_dim3A_384 : vector<1x128xf32> to vector<128x128xf32>
    %mul3A_386 = arith.mulf %convert_element_type3A_12, %mul3A_385 : vector<128x128xf32>
    %dot_general3A_387 = arith.constant dense<0.000000e+00> : vector<128x128xf32>
    %dot_general3A_388 = tpu.matmul %mul3A_386, %broadcast_in_dim3A_13, %dot_general3A_387 {dimension_numbers = #tpu.dot_dimension_numbers<[1], [0], [0], [1], [0, 0, 1, 1], [], []>, precision = #tpu.contract_precision<fp32>, transpose_lhs_hint = false} : vector<128x128xf32>, vector<128x128xf32>, vector<128x128xf32> -> vector<128x128xf32>
    %rsqrt3A_389 = math.rsqrt %dot_general3A_388 : vector<128x128xf32>
    %swap3A_390 = arith.constant 4352 : index
    %swap3A_391 = arith.constant 0 : index
    %swap3A_392 = vector.load %arg1[%swap3A_390, %swap3A_391] : memref<10240x128xf32, #tpu.memory_space<vmem>>, vector<128x128xf32>
    tpu.vector_store %arg1[%swap3A_390, %swap3A_391], %rsqrt3A_389 {strides = array<i32>} : memref<10240x128xf32, #tpu.memory_space<vmem>>, vector<128x128xf32>,
    %slice3A_393 = vector.extract_strided_slice %add3A_7 {offsets = [35, 0], sizes = [1, 128], strides = [1, 1]} : vector<80x128xf32> to vector<1x128xf32>
    %squeeze3A_394 = vector.shape_cast %slice3A_393 : vector<1x128xf32> to vector<128xf32>
    %broadcast_in_dim3A_395 = vector.shape_cast %squeeze3A_394 : vector<128xf32> to vector<1x128xf32>
    %mul3A_396 = vector.broadcast %broadcast_in_dim3A_395 : vector<1x128xf32> to vector<128x128xf32>
    %mul3A_397 = arith.mulf %convert_element_type3A_12, %mul3A_396 : vector<128x128xf32>
    %dot_general3A_398 = arith.constant dense<0.000000e+00> : vector<128x128xf32>
    %dot_general3A_399 = tpu.matmul %mul3A_397, %broadcast_in_dim3A_13, %dot_general3A_398 {dimension_numbers = #tpu.dot_dimension_numbers<[1], [0], [0], [1], [0, 0, 1, 1], [], []>, precision = #tpu.contract_precision<fp32>, transpose_lhs_hint = false} : vector<128x128xf32>, vector<128x128xf32>, vector<128x128xf32> -> vector<128x128xf32>
    %rsqrt3A_400 = math.rsqrt %dot_general3A_399 : vector<128x128xf32>
    %swap3A_401 = arith.constant 4480 : index
    %swap3A_402 = arith.constant 0 : index
    %swap3A_403 = vector.load %arg1[%swap3A_401, %swap3A_402] : memref<10240x128xf32, #tpu.memory_space<vmem>>, vector<128x128xf32>
    tpu.vector_store %arg1[%swap3A_401, %swap3A_402], %rsqrt3A_400 {strides = array<i32>} : memref<10240x128xf32, #tpu.memory_space<vmem>>, vector<128x128xf32>,
    %slice3A_404 = vector.extract_strided_slice %add3A_7 {offsets = [36, 0], sizes = [1, 128], strides = [1, 1]} : vector<80x128xf32> to vector<1x128xf32>
    %squeeze3A_405 = vector.shape_cast %slice3A_404 : vector<1x128xf32> to vector<128xf32>
    %broadcast_in_dim3A_406 = vector.shape_cast %squeeze3A_405 : vector<128xf32> to vector<1x128xf32>
    %mul3A_407 = vector.broadcast %broadcast_in_dim3A_406 : vector<1x128xf32> to vector<128x128xf32>
    %mul3A_408 = arith.mulf %convert_element_type3A_12, %mul3A_407 : vector<128x128xf32>
    %dot_general3A_409 = arith.constant dense<0.000000e+00> : vector<128x128xf32>
    %dot_general3A_410 = tpu.matmul %mul3A_408, %broadcast_in_dim3A_13, %dot_general3A_409 {dimension_numbers = #tpu.dot_dimension_numbers<[1], [0], [0], [1], [0, 0, 1, 1], [], []>, precision = #tpu.contract_precision<fp32>, transpose_lhs_hint = false} : vector<128x128xf32>, vector<128x128xf32>, vector<128x128xf32> -> vector<128x128xf32>
    %rsqrt3A_411 = math.rsqrt %dot_general3A_410 : vector<128x128xf32>
    %swap3A_412 = arith.constant 4608 : index
    %swap3A_413 = arith.constant 0 : index
    %swap3A_414 = vector.load %arg1[%swap3A_412, %swap3A_413] : memref<10240x128xf32, #tpu.memory_space<vmem>>, vector<128x128xf32>
    tpu.vector_store %arg1[%swap3A_412, %swap3A_413], %rsqrt3A_411 {strides = array<i32>} : memref<10240x128xf32, #tpu.memory_space<vmem>>, vector<128x128xf32>,
    %slice3A_415 = vector.extract_strided_slice %add3A_7 {offsets = [37, 0], sizes = [1, 128], strides = [1, 1]} : vector<80x128xf32> to vector<1x128xf32>
    %squeeze3A_416 = vector.shape_cast %slice3A_415 : vector<1x128xf32> to vector<128xf32>
    %broadcast_in_dim3A_417 = vector.shape_cast %squeeze3A_416 : vector<128xf32> to vector<1x128xf32>
    %mul3A_418 = vector.broadcast %broadcast_in_dim3A_417 : vector<1x128xf32> to vector<128x128xf32>
    %mul3A_419 = arith.mulf %convert_element_type3A_12, %mul3A_418 : vector<128x128xf32>
    %dot_general3A_420 = arith.constant dense<0.000000e+00> : vector<128x128xf32>
    %dot_general3A_421 = tpu.matmul %mul3A_419, %broadcast_in_dim3A_13, %dot_general3A_420 {dimension_numbers = #tpu.dot_dimension_numbers<[1], [0], [0], [1], [0, 0, 1, 1], [], []>, precision = #tpu.contract_precision<fp32>, transpose_lhs_hint = false} : vector<128x128xf32>, vector<128x128xf32>, vector<128x128xf32> -> vector<128x128xf32>
    %rsqrt3A_422 = math.rsqrt %dot_general3A_421 : vector<128x128xf32>
    %swap3A_423 = arith.constant 4736 : index
    %swap3A_424 = arith.constant 0 : index
    %swap3A_425 = vector.load %arg1[%swap3A_423, %swap3A_424] : memref<10240x128xf32, #tpu.memory_space<vmem>>, vector<128x128xf32>
    tpu.vector_store %arg1[%swap3A_423, %swap3A_424], %rsqrt3A_422 {strides = array<i32>} : memref<10240x128xf32, #tpu.memory_space<vmem>>, vector<128x128xf32>,
    %slice3A_426 = vector.extract_strided_slice %add3A_7 {offsets = [38, 0], sizes = [1, 128], strides = [1, 1]} : vector<80x128xf32> to vector<1x128xf32>
    %squeeze3A_427 = vector.shape_cast %slice3A_426 : vector<1x128xf32> to vector<128xf32>
    %broadcast_in_dim3A_428 = vector.shape_cast %squeeze3A_427 : vector<128xf32> to vector<1x128xf32>
    %mul3A_429 = vector.broadcast %broadcast_in_dim3A_428 : vector<1x128xf32> to vector<128x128xf32>
    %mul3A_430 = arith.mulf %convert_element_type3A_12, %mul3A_429 : vector<128x128xf32>
    %dot_general3A_431 = arith.constant dense<0.000000e+00> : vector<128x128xf32>
    %dot_general3A_432 = tpu.matmul %mul3A_430, %broadcast_in_dim3A_13, %dot_general3A_431 {dimension_numbers = #tpu.dot_dimension_numbers<[1], [0], [0], [1], [0, 0, 1, 1], [], []>, precision = #tpu.contract_precision<fp32>, transpose_lhs_hint = false} : vector<128x128xf32>, vector<128x128xf32>, vector<128x128xf32> -> vector<128x128xf32>
    %rsqrt3A_433 = math.rsqrt %dot_general3A_432 : vector<128x128xf32>
    %swap3A_434 = arith.constant 4864 : index
    %swap3A_435 = arith.constant 0 : index
    %swap3A_436 = vector.load %arg1[%swap3A_434, %swap3A_435] : memref<10240x128xf32, #tpu.memory_space<vmem>>, vector<128x128xf32>
    tpu.vector_store %arg1[%swap3A_434, %swap3A_435], %rsqrt3A_433 {strides = array<i32>} : memref<10240x128xf32, #tpu.memory_space<vmem>>, vector<128x128xf32>,
    %slice3A_437 = vector.extract_strided_slice %add3A_7 {offsets = [39, 0], sizes = [1, 128], strides = [1, 1]} : vector<80x128xf32> to vector<1x128xf32>
    %squeeze3A_438 = vector.shape_cast %slice3A_437 : vector<1x128xf32> to vector<128xf32>
    %broadcast_in_dim3A_439 = vector.shape_cast %squeeze3A_438 : vector<128xf32> to vector<1x128xf32>
    %mul3A_440 = vector.broadcast %broadcast_in_dim3A_439 : vector<1x128xf32> to vector<128x128xf32>
    %mul3A_441 = arith.mulf %convert_element_type3A_12, %mul3A_440 : vector<128x128xf32>
    %dot_general3A_442 = arith.constant dense<0.000000e+00> : vector<128x128xf32>
    %dot_general3A_443 = tpu.matmul %mul3A_441, %broadcast_in_dim3A_13, %dot_general3A_442 {dimension_numbers = #tpu.dot_dimension_numbers<[1], [0], [0], [1], [0, 0, 1, 1], [], []>, precision = #tpu.contract_precision<fp32>, transpose_lhs_hint = false} : vector<128x128xf32>, vector<128x128xf32>, vector<128x128xf32> -> vector<128x128xf32>
    %rsqrt3A_444 = math.rsqrt %dot_general3A_443 : vector<128x128xf32>
    %swap3A_445 = arith.constant 4992 : index
    %swap3A_446 = arith.constant 0 : index
    %swap3A_447 = vector.load %arg1[%swap3A_445, %swap3A_446] : memref<10240x128xf32, #tpu.memory_space<vmem>>, vector<128x128xf32>
    tpu.vector_store %arg1[%swap3A_445, %swap3A_446], %rsqrt3A_444 {strides = array<i32>} : memref<10240x128xf32, #tpu.memory_space<vmem>>, vector<128x128xf32>,
    %slice3A_448 = vector.extract_strided_slice %add3A_7 {offsets = [40, 0], sizes = [1, 128], strides = [1, 1]} : vector<80x128xf32> to vector<1x128xf32>
    %squeeze3A_449 = vector.shape_cast %slice3A_448 : vector<1x128xf32> to vector<128xf32>
    %broadcast_in_dim3A_450 = vector.shape_cast %squeeze3A_449 : vector<128xf32> to vector<1x128xf32>
    %mul3A_451 = vector.broadcast %broadcast_in_dim3A_450 : vector<1x128xf32> to vector<128x128xf32>
    %mul3A_452 = arith.mulf %convert_element_type3A_12, %mul3A_451 : vector<128x128xf32>
    %dot_general3A_453 = arith.constant dense<0.000000e+00> : vector<128x128xf32>
    %dot_general3A_454 = tpu.matmul %mul3A_452, %broadcast_in_dim3A_13, %dot_general3A_453 {dimension_numbers = #tpu.dot_dimension_numbers<[1], [0], [0], [1], [0, 0, 1, 1], [], []>, precision = #tpu.contract_precision<fp32>, transpose_lhs_hint = false} : vector<128x128xf32>, vector<128x128xf32>, vector<128x128xf32> -> vector<128x128xf32>
    %rsqrt3A_455 = math.rsqrt %dot_general3A_454 : vector<128x128xf32>
    %swap3A_456 = arith.constant 5120 : index
    %swap3A_457 = arith.constant 0 : index
    %swap3A_458 = vector.load %arg1[%swap3A_456, %swap3A_457] : memref<10240x128xf32, #tpu.memory_space<vmem>>, vector<128x128xf32>
    tpu.vector_store %arg1[%swap3A_456, %swap3A_457], %rsqrt3A_455 {strides = array<i32>} : memref<10240x128xf32, #tpu.memory_space<vmem>>, vector<128x128xf32>,
    %slice3A_459 = vector.extract_strided_slice %add3A_7 {offsets = [41, 0], sizes = [1, 128], strides = [1, 1]} : vector<80x128xf32> to vector<1x128xf32>
    %squeeze3A_460 = vector.shape_cast %slice3A_459 : vector<1x128xf32> to vector<128xf32>
    %broadcast_in_dim3A_461 = vector.shape_cast %squeeze3A_460 : vector<128xf32> to vector<1x128xf32>
    %mul3A_462 = vector.broadcast %broadcast_in_dim3A_461 : vector<1x128xf32> to vector<128x128xf32>
    %mul3A_463 = arith.mulf %convert_element_type3A_12, %mul3A_462 : vector<128x128xf32>
    %dot_general3A_464 = arith.constant dense<0.000000e+00> : vector<128x128xf32>
    %dot_general3A_465 = tpu.matmul %mul3A_463, %broadcast_in_dim3A_13, %dot_general3A_464 {dimension_numbers = #tpu.dot_dimension_numbers<[1], [0], [0], [1], [0, 0, 1, 1], [], []>, precision = #tpu.contract_precision<fp32>, transpose_lhs_hint = false} : vector<128x128xf32>, vector<128x128xf32>, vector<128x128xf32> -> vector<128x128xf32>
    %rsqrt3A_466 = math.rsqrt %dot_general3A_465 : vector<128x128xf32>
    %swap3A_467 = arith.constant 5248 : index
    %swap3A_468 = arith.constant 0 : index
    %swap3A_469 = vector.load %arg1[%swap3A_467, %swap3A_468] : memref<10240x128xf32, #tpu.memory_space<vmem>>, vector<128x128xf32>
    tpu.vector_store %arg1[%swap3A_467, %swap3A_468], %rsqrt3A_466 {strides = array<i32>} : memref<10240x128xf32, #tpu.memory_space<vmem>>, vector<128x128xf32>,
    %slice3A_470 = vector.extract_strided_slice %add3A_7 {offsets = [42, 0], sizes = [1, 128], strides = [1, 1]} : vector<80x128xf32> to vector<1x128xf32>
    %squeeze3A_471 = vector.shape_cast %slice3A_470 : vector<1x128xf32> to vector<128xf32>
    %broadcast_in_dim3A_472 = vector.shape_cast %squeeze3A_471 : vector<128xf32> to vector<1x128xf32>
    %mul3A_473 = vector.broadcast %broadcast_in_dim3A_472 : vector<1x128xf32> to vector<128x128xf32>
    %mul3A_474 = arith.mulf %convert_element_type3A_12, %mul3A_473 : vector<128x128xf32>
    %dot_general3A_475 = arith.constant dense<0.000000e+00> : vector<128x128xf32>
    %dot_general3A_476 = tpu.matmul %mul3A_474, %broadcast_in_dim3A_13, %dot_general3A_475 {dimension_numbers = #tpu.dot_dimension_numbers<[1], [0], [0], [1], [0, 0, 1, 1], [], []>, precision = #tpu.contract_precision<fp32>, transpose_lhs_hint = false} : vector<128x128xf32>, vector<128x128xf32>, vector<128x128xf32> -> vector<128x128xf32>
    %rsqrt3A_477 = math.rsqrt %dot_general3A_476 : vector<128x128xf32>
    %swap3A_478 = arith.constant 5376 : index
    %swap3A_479 = arith.constant 0 : index
    %swap3A_480 = vector.load %arg1[%swap3A_478, %swap3A_479] : memref<10240x128xf32, #tpu.memory_space<vmem>>, vector<128x128xf32>
    tpu.vector_store %arg1[%swap3A_478, %swap3A_479], %rsqrt3A_477 {strides = array<i32>} : memref<10240x128xf32, #tpu.memory_space<vmem>>, vector<128x128xf32>,
    %slice3A_481 = vector.extract_strided_slice %add3A_7 {offsets = [43, 0], sizes = [1, 128], strides = [1, 1]} : vector<80x128xf32> to vector<1x128xf32>
    %squeeze3A_482 = vector.shape_cast %slice3A_481 : vector<1x128xf32> to vector<128xf32>
    %broadcast_in_dim3A_483 = vector.shape_cast %squeeze3A_482 : vector<128xf32> to vector<1x128xf32>
    %mul3A_484 = vector.broadcast %broadcast_in_dim3A_483 : vector<1x128xf32> to vector<128x128xf32>
    %mul3A_485 = arith.mulf %convert_element_type3A_12, %mul3A_484 : vector<128x128xf32>
    %dot_general3A_486 = arith.constant dense<0.000000e+00> : vector<128x128xf32>
    %dot_general3A_487 = tpu.matmul %mul3A_485, %broadcast_in_dim3A_13, %dot_general3A_486 {dimension_numbers = #tpu.dot_dimension_numbers<[1], [0], [0], [1], [0, 0, 1, 1], [], []>, precision = #tpu.contract_precision<fp32>, transpose_lhs_hint = false} : vector<128x128xf32>, vector<128x128xf32>, vector<128x128xf32> -> vector<128x128xf32>
    %rsqrt3A_488 = math.rsqrt %dot_general3A_487 : vector<128x128xf32>
    %swap3A_489 = arith.constant 5504 : index
    %swap3A_490 = arith.constant 0 : index
    %swap3A_491 = vector.load %arg1[%swap3A_489, %swap3A_490] : memref<10240x128xf32, #tpu.memory_space<vmem>>, vector<128x128xf32>
    tpu.vector_store %arg1[%swap3A_489, %swap3A_490], %rsqrt3A_488 {strides = array<i32>} : memref<10240x128xf32, #tpu.memory_space<vmem>>, vector<128x128xf32>,
    %slice3A_492 = vector.extract_strided_slice %add3A_7 {offsets = [44, 0], sizes = [1, 128], strides = [1, 1]} : vector<80x128xf32> to vector<1x128xf32>
    %squeeze3A_493 = vector.shape_cast %slice3A_492 : vector<1x128xf32> to vector<128xf32>
    %broadcast_in_dim3A_494 = vector.shape_cast %squeeze3A_493 : vector<128xf32> to vector<1x128xf32>
    %mul3A_495 = vector.broadcast %broadcast_in_dim3A_494 : vector<1x128xf32> to vector<128x128xf32>
    %mul3A_496 = arith.mulf %convert_element_type3A_12, %mul3A_495 : vector<128x128xf32>
    %dot_general3A_497 = arith.constant dense<0.000000e+00> : vector<128x128xf32>
    %dot_general3A_498 = tpu.matmul %mul3A_496, %broadcast_in_dim3A_13, %dot_general3A_497 {dimension_numbers = #tpu.dot_dimension_numbers<[1], [0], [0], [1], [0, 0, 1, 1], [], []>, precision = #tpu.contract_precision<fp32>, transpose_lhs_hint = false} : vector<128x128xf32>, vector<128x128xf32>, vector<128x128xf32> -> vector<128x128xf32>
    %rsqrt3A_499 = math.rsqrt %dot_general3A_498 : vector<128x128xf32>
    %swap3A_500 = arith.constant 5632 : index
    %swap3A_501 = arith.constant 0 : index
    %swap3A_502 = vector.load %arg1[%swap3A_500, %swap3A_501] : memref<10240x128xf32, #tpu.memory_space<vmem>>, vector<128x128xf32>
    tpu.vector_store %arg1[%swap3A_500, %swap3A_501], %rsqrt3A_499 {strides = array<i32>} : memref<10240x128xf32, #tpu.memory_space<vmem>>, vector<128x128xf32>,
    %slice3A_503 = vector.extract_strided_slice %add3A_7 {offsets = [45, 0], sizes = [1, 128], strides = [1, 1]} : vector<80x128xf32> to vector<1x128xf32>
    %squeeze3A_504 = vector.shape_cast %slice3A_503 : vector<1x128xf32> to vector<128xf32>
    %broadcast_in_dim3A_505 = vector.shape_cast %squeeze3A_504 : vector<128xf32> to vector<1x128xf32>
    %mul3A_506 = vector.broadcast %broadcast_in_dim3A_505 : vector<1x128xf32> to vector<128x128xf32>
    %mul3A_507 = arith.mulf %convert_element_type3A_12, %mul3A_506 : vector<128x128xf32>
    %dot_general3A_508 = arith.constant dense<0.000000e+00> : vector<128x128xf32>
    %dot_general3A_509 = tpu.matmul %mul3A_507, %broadcast_in_dim3A_13, %dot_general3A_508 {dimension_numbers = #tpu.dot_dimension_numbers<[1], [0], [0], [1], [0, 0, 1, 1], [], []>, precision = #tpu.contract_precision<fp32>, transpose_lhs_hint = false} : vector<128x128xf32>, vector<128x128xf32>, vector<128x128xf32> -> vector<128x128xf32>
    %rsqrt3A_510 = math.rsqrt %dot_general3A_509 : vector<128x128xf32>
    %swap3A_511 = arith.constant 5760 : index
    %swap3A_512 = arith.constant 0 : index
    %swap3A_513 = vector.load %arg1[%swap3A_511, %swap3A_512] : memref<10240x128xf32, #tpu.memory_space<vmem>>, vector<128x128xf32>
    tpu.vector_store %arg1[%swap3A_511, %swap3A_512], %rsqrt3A_510 {strides = array<i32>} : memref<10240x128xf32, #tpu.memory_space<vmem>>, vector<128x128xf32>,
    %slice3A_514 = vector.extract_strided_slice %add3A_7 {offsets = [46, 0], sizes = [1, 128], strides = [1, 1]} : vector<80x128xf32> to vector<1x128xf32>
    %squeeze3A_515 = vector.shape_cast %slice3A_514 : vector<1x128xf32> to vector<128xf32>
    %broadcast_in_dim3A_516 = vector.shape_cast %squeeze3A_515 : vector<128xf32> to vector<1x128xf32>
    %mul3A_517 = vector.broadcast %broadcast_in_dim3A_516 : vector<1x128xf32> to vector<128x128xf32>
    %mul3A_518 = arith.mulf %convert_element_type3A_12, %mul3A_517 : vector<128x128xf32>
    %dot_general3A_519 = arith.constant dense<0.000000e+00> : vector<128x128xf32>
    %dot_general3A_520 = tpu.matmul %mul3A_518, %broadcast_in_dim3A_13, %dot_general3A_519 {dimension_numbers = #tpu.dot_dimension_numbers<[1], [0], [0], [1], [0, 0, 1, 1], [], []>, precision = #tpu.contract_precision<fp32>, transpose_lhs_hint = false} : vector<128x128xf32>, vector<128x128xf32>, vector<128x128xf32> -> vector<128x128xf32>
    %rsqrt3A_521 = math.rsqrt %dot_general3A_520 : vector<128x128xf32>
    %swap3A_522 = arith.constant 5888 : index
    %swap3A_523 = arith.constant 0 : index
    %swap3A_524 = vector.load %arg1[%swap3A_522, %swap3A_523] : memref<10240x128xf32, #tpu.memory_space<vmem>>, vector<128x128xf32>
    tpu.vector_store %arg1[%swap3A_522, %swap3A_523], %rsqrt3A_521 {strides = array<i32>} : memref<10240x128xf32, #tpu.memory_space<vmem>>, vector<128x128xf32>,
    %slice3A_525 = vector.extract_strided_slice %add3A_7 {offsets = [47, 0], sizes = [1, 128], strides = [1, 1]} : vector<80x128xf32> to vector<1x128xf32>
    %squeeze3A_526 = vector.shape_cast %slice3A_525 : vector<1x128xf32> to vector<128xf32>
    %broadcast_in_dim3A_527 = vector.shape_cast %squeeze3A_526 : vector<128xf32> to vector<1x128xf32>
    %mul3A_528 = vector.broadcast %broadcast_in_dim3A_527 : vector<1x128xf32> to vector<128x128xf32>
    %mul3A_529 = arith.mulf %convert_element_type3A_12, %mul3A_528 : vector<128x128xf32>
    %dot_general3A_530 = arith.constant dense<0.000000e+00> : vector<128x128xf32>
    %dot_general3A_531 = tpu.matmul %mul3A_529, %broadcast_in_dim3A_13, %dot_general3A_530 {dimension_numbers = #tpu.dot_dimension_numbers<[1], [0], [0], [1], [0, 0, 1, 1], [], []>, precision = #tpu.contract_precision<fp32>, transpose_lhs_hint = false} : vector<128x128xf32>, vector<128x128xf32>, vector<128x128xf32> -> vector<128x128xf32>
    %rsqrt3A_532 = math.rsqrt %dot_general3A_531 : vector<128x128xf32>
    %swap3A_533 = arith.constant 6016 : index
    %swap3A_534 = arith.constant 0 : index
    %swap3A_535 = vector.load %arg1[%swap3A_533, %swap3A_534] : memref<10240x128xf32, #tpu.memory_space<vmem>>, vector<128x128xf32>
    tpu.vector_store %arg1[%swap3A_533, %swap3A_534], %rsqrt3A_532 {strides = array<i32>} : memref<10240x128xf32, #tpu.memory_space<vmem>>, vector<128x128xf32>,
    %slice3A_536 = vector.extract_strided_slice %add3A_7 {offsets = [48, 0], sizes = [1, 128], strides = [1, 1]} : vector<80x128xf32> to vector<1x128xf32>
    %squeeze3A_537 = vector.shape_cast %slice3A_536 : vector<1x128xf32> to vector<128xf32>
    %broadcast_in_dim3A_538 = vector.shape_cast %squeeze3A_537 : vector<128xf32> to vector<1x128xf32>
    %mul3A_539 = vector.broadcast %broadcast_in_dim3A_538 : vector<1x128xf32> to vector<128x128xf32>
    %mul3A_540 = arith.mulf %convert_element_type3A_12, %mul3A_539 : vector<128x128xf32>
    %dot_general3A_541 = arith.constant dense<0.000000e+00> : vector<128x128xf32>
    %dot_general3A_542 = tpu.matmul %mul3A_540, %broadcast_in_dim3A_13, %dot_general3A_541 {dimension_numbers = #tpu.dot_dimension_numbers<[1], [0], [0], [1], [0, 0, 1, 1], [], []>, precision = #tpu.contract_precision<fp32>, transpose_lhs_hint = false} : vector<128x128xf32>, vector<128x128xf32>, vector<128x128xf32> -> vector<128x128xf32>
    %rsqrt3A_543 = math.rsqrt %dot_general3A_542 : vector<128x128xf32>
    %swap3A_544 = arith.constant 6144 : index
    %swap3A_545 = arith.constant 0 : index
    %swap3A_546 = vector.load %arg1[%swap3A_544, %swap3A_545] : memref<10240x128xf32, #tpu.memory_space<vmem>>, vector<128x128xf32>
    tpu.vector_store %arg1[%swap3A_544, %swap3A_545], %rsqrt3A_543 {strides = array<i32>} : memref<10240x128xf32, #tpu.memory_space<vmem>>, vector<128x128xf32>,
    %slice3A_547 = vector.extract_strided_slice %add3A_7 {offsets = [49, 0], sizes = [1, 128], strides = [1, 1]} : vector<80x128xf32> to vector<1x128xf32>
    %squeeze3A_548 = vector.shape_cast %slice3A_547 : vector<1x128xf32> to vector<128xf32>
    %broadcast_in_dim3A_549 = vector.shape_cast %squeeze3A_548 : vector<128xf32> to vector<1x128xf32>
    %mul3A_550 = vector.broadcast %broadcast_in_dim3A_549 : vector<1x128xf32> to vector<128x128xf32>
    %mul3A_551 = arith.mulf %convert_element_type3A_12, %mul3A_550 : vector<128x128xf32>
    %dot_general3A_552 = arith.constant dense<0.000000e+00> : vector<128x128xf32>
    %dot_general3A_553 = tpu.matmul %mul3A_551, %broadcast_in_dim3A_13, %dot_general3A_552 {dimension_numbers = #tpu.dot_dimension_numbers<[1], [0], [0], [1], [0, 0, 1, 1], [], []>, precision = #tpu.contract_precision<fp32>, transpose_lhs_hint = false} : vector<128x128xf32>, vector<128x128xf32>, vector<128x128xf32> -> vector<128x128xf32>
    %rsqrt3A_554 = math.rsqrt %dot_general3A_553 : vector<128x128xf32>
    %swap3A_555 = arith.constant 6272 : index
    %swap3A_556 = arith.constant 0 : index
    %swap3A_557 = vector.load %arg1[%swap3A_555, %swap3A_556] : memref<10240x128xf32, #tpu.memory_space<vmem>>, vector<128x128xf32>
    tpu.vector_store %arg1[%swap3A_555, %swap3A_556], %rsqrt3A_554 {strides = array<i32>} : memref<10240x128xf32, #tpu.memory_space<vmem>>, vector<128x128xf32>,
    %slice3A_558 = vector.extract_strided_slice %add3A_7 {offsets = [50, 0], sizes = [1, 128], strides = [1, 1]} : vector<80x128xf32> to vector<1x128xf32>
    %squeeze3A_559 = vector.shape_cast %slice3A_558 : vector<1x128xf32> to vector<128xf32>
    %broadcast_in_dim3A_560 = vector.shape_cast %squeeze3A_559 : vector<128xf32> to vector<1x128xf32>
    %mul3A_561 = vector.broadcast %broadcast_in_dim3A_560 : vector<1x128xf32> to vector<128x128xf32>
    %mul3A_562 = arith.mulf %convert_element_type3A_12, %mul3A_561 : vector<128x128xf32>
    %dot_general3A_563 = arith.constant dense<0.000000e+00> : vector<128x128xf32>
    %dot_general3A_564 = tpu.matmul %mul3A_562, %broadcast_in_dim3A_13, %dot_general3A_563 {dimension_numbers = #tpu.dot_dimension_numbers<[1], [0], [0], [1], [0, 0, 1, 1], [], []>, precision = #tpu.contract_precision<fp32>, transpose_lhs_hint = false} : vector<128x128xf32>, vector<128x128xf32>, vector<128x128xf32> -> vector<128x128xf32>
    %rsqrt3A_565 = math.rsqrt %dot_general3A_564 : vector<128x128xf32>
    %swap3A_566 = arith.constant 6400 : index
    %swap3A_567 = arith.constant 0 : index
    %swap3A_568 = vector.load %arg1[%swap3A_566, %swap3A_567] : memref<10240x128xf32, #tpu.memory_space<vmem>>, vector<128x128xf32>
    tpu.vector_store %arg1[%swap3A_566, %swap3A_567], %rsqrt3A_565 {strides = array<i32>} : memref<10240x128xf32, #tpu.memory_space<vmem>>, vector<128x128xf32>,
    %slice3A_569 = vector.extract_strided_slice %add3A_7 {offsets = [51, 0], sizes = [1, 128], strides = [1, 1]} : vector<80x128xf32> to vector<1x128xf32>
    %squeeze3A_570 = vector.shape_cast %slice3A_569 : vector<1x128xf32> to vector<128xf32>
    %broadcast_in_dim3A_571 = vector.shape_cast %squeeze3A_570 : vector<128xf32> to vector<1x128xf32>
    %mul3A_572 = vector.broadcast %broadcast_in_dim3A_571 : vector<1x128xf32> to vector<128x128xf32>
    %mul3A_573 = arith.mulf %convert_element_type3A_12, %mul3A_572 : vector<128x128xf32>
    %dot_general3A_574 = arith.constant dense<0.000000e+00> : vector<128x128xf32>
    %dot_general3A_575 = tpu.matmul %mul3A_573, %broadcast_in_dim3A_13, %dot_general3A_574 {dimension_numbers = #tpu.dot_dimension_numbers<[1], [0], [0], [1], [0, 0, 1, 1], [], []>, precision = #tpu.contract_precision<fp32>, transpose_lhs_hint = false} : vector<128x128xf32>, vector<128x128xf32>, vector<128x128xf32> -> vector<128x128xf32>
    %rsqrt3A_576 = math.rsqrt %dot_general3A_575 : vector<128x128xf32>
    %swap3A_577 = arith.constant 6528 : index
    %swap3A_578 = arith.constant 0 : index
    %swap3A_579 = vector.load %arg1[%swap3A_577, %swap3A_578] : memref<10240x128xf32, #tpu.memory_space<vmem>>, vector<128x128xf32>
    tpu.vector_store %arg1[%swap3A_577, %swap3A_578], %rsqrt3A_576 {strides = array<i32>} : memref<10240x128xf32, #tpu.memory_space<vmem>>, vector<128x128xf32>,
    %slice3A_580 = vector.extract_strided_slice %add3A_7 {offsets = [52, 0], sizes = [1, 128], strides = [1, 1]} : vector<80x128xf32> to vector<1x128xf32>
    %squeeze3A_581 = vector.shape_cast %slice3A_580 : vector<1x128xf32> to vector<128xf32>
    %broadcast_in_dim3A_582 = vector.shape_cast %squeeze3A_581 : vector<128xf32> to vector<1x128xf32>
    %mul3A_583 = vector.broadcast %broadcast_in_dim3A_582 : vector<1x128xf32> to vector<128x128xf32>
    %mul3A_584 = arith.mulf %convert_element_type3A_12, %mul3A_583 : vector<128x128xf32>
    %dot_general3A_585 = arith.constant dense<0.000000e+00> : vector<128x128xf32>
    %dot_general3A_586 = tpu.matmul %mul3A_584, %broadcast_in_dim3A_13, %dot_general3A_585 {dimension_numbers = #tpu.dot_dimension_numbers<[1], [0], [0], [1], [0, 0, 1, 1], [], []>, precision = #tpu.contract_precision<fp32>, transpose_lhs_hint = false} : vector<128x128xf32>, vector<128x128xf32>, vector<128x128xf32> -> vector<128x128xf32>
    %rsqrt3A_587 = math.rsqrt %dot_general3A_586 : vector<128x128xf32>
    %swap3A_588 = arith.constant 6656 : index
    %swap3A_589 = arith.constant 0 : index
    %swap3A_590 = vector.load %arg1[%swap3A_588, %swap3A_589] : memref<10240x128xf32, #tpu.memory_space<vmem>>, vector<128x128xf32>
    tpu.vector_store %arg1[%swap3A_588, %swap3A_589], %rsqrt3A_587 {strides = array<i32>} : memref<10240x128xf32, #tpu.memory_space<vmem>>, vector<128x128xf32>,
    %slice3A_591 = vector.extract_strided_slice %add3A_7 {offsets = [53, 0], sizes = [1, 128], strides = [1, 1]} : vector<80x128xf32> to vector<1x128xf32>
    %squeeze3A_592 = vector.shape_cast %slice3A_591 : vector<1x128xf32> to vector<128xf32>
    %broadcast_in_dim3A_593 = vector.shape_cast %squeeze3A_592 : vector<128xf32> to vector<1x128xf32>
    %mul3A_594 = vector.broadcast %broadcast_in_dim3A_593 : vector<1x128xf32> to vector<128x128xf32>
    %mul3A_595 = arith.mulf %convert_element_type3A_12, %mul3A_594 : vector<128x128xf32>
    %dot_general3A_596 = arith.constant dense<0.000000e+00> : vector<128x128xf32>
    %dot_general3A_597 = tpu.matmul %mul3A_595, %broadcast_in_dim3A_13, %dot_general3A_596 {dimension_numbers = #tpu.dot_dimension_numbers<[1], [0], [0], [1], [0, 0, 1, 1], [], []>, precision = #tpu.contract_precision<fp32>, transpose_lhs_hint = false} : vector<128x128xf32>, vector<128x128xf32>, vector<128x128xf32> -> vector<128x128xf32>
    %rsqrt3A_598 = math.rsqrt %dot_general3A_597 : vector<128x128xf32>
    %swap3A_599 = arith.constant 6784 : index
    %swap3A_600 = arith.constant 0 : index
    %swap3A_601 = vector.load %arg1[%swap3A_599, %swap3A_600] : memref<10240x128xf32, #tpu.memory_space<vmem>>, vector<128x128xf32>
    tpu.vector_store %arg1[%swap3A_599, %swap3A_600], %rsqrt3A_598 {strides = array<i32>} : memref<10240x128xf32, #tpu.memory_space<vmem>>, vector<128x128xf32>,
    %slice3A_602 = vector.extract_strided_slice %add3A_7 {offsets = [54, 0], sizes = [1, 128], strides = [1, 1]} : vector<80x128xf32> to vector<1x128xf32>
    %squeeze3A_603 = vector.shape_cast %slice3A_602 : vector<1x128xf32> to vector<128xf32>
    %broadcast_in_dim3A_604 = vector.shape_cast %squeeze3A_603 : vector<128xf32> to vector<1x128xf32>
    %mul3A_605 = vector.broadcast %broadcast_in_dim3A_604 : vector<1x128xf32> to vector<128x128xf32>
    %mul3A_606 = arith.mulf %convert_element_type3A_12, %mul3A_605 : vector<128x128xf32>
    %dot_general3A_607 = arith.constant dense<0.000000e+00> : vector<128x128xf32>
    %dot_general3A_608 = tpu.matmul %mul3A_606, %broadcast_in_dim3A_13, %dot_general3A_607 {dimension_numbers = #tpu.dot_dimension_numbers<[1], [0], [0], [1], [0, 0, 1, 1], [], []>, precision = #tpu.contract_precision<fp32>, transpose_lhs_hint = false} : vector<128x128xf32>, vector<128x128xf32>, vector<128x128xf32> -> vector<128x128xf32>
    %rsqrt3A_609 = math.rsqrt %dot_general3A_608 : vector<128x128xf32>
    %swap3A_610 = arith.constant 6912 : index
    %swap3A_611 = arith.constant 0 : index
    %swap3A_612 = vector.load %arg1[%swap3A_610, %swap3A_611] : memref<10240x128xf32, #tpu.memory_space<vmem>>, vector<128x128xf32>
    tpu.vector_store %arg1[%swap3A_610, %swap3A_611], %rsqrt3A_609 {strides = array<i32>} : memref<10240x128xf32, #tpu.memory_space<vmem>>, vector<128x128xf32>,
    %slice3A_613 = vector.extract_strided_slice %add3A_7 {offsets = [55, 0], sizes = [1, 128], strides = [1, 1]} : vector<80x128xf32> to vector<1x128xf32>
    %squeeze3A_614 = vector.shape_cast %slice3A_613 : vector<1x128xf32> to vector<128xf32>
    %broadcast_in_dim3A_615 = vector.shape_cast %squeeze3A_614 : vector<128xf32> to vector<1x128xf32>
    %mul3A_616 = vector.broadcast %broadcast_in_dim3A_615 : vector<1x128xf32> to vector<128x128xf32>
    %mul3A_617 = arith.mulf %convert_element_type3A_12, %mul3A_616 : vector<128x128xf32>
    %dot_general3A_618 = arith.constant dense<0.000000e+00> : vector<128x128xf32>
    %dot_general3A_619 = tpu.matmul %mul3A_617, %broadcast_in_dim3A_13, %dot_general3A_618 {dimension_numbers = #tpu.dot_dimension_numbers<[1], [0], [0], [1], [0, 0, 1, 1], [], []>, precision = #tpu.contract_precision<fp32>, transpose_lhs_hint = false} : vector<128x128xf32>, vector<128x128xf32>, vector<128x128xf32> -> vector<128x128xf32>
    %rsqrt3A_620 = math.rsqrt %dot_general3A_619 : vector<128x128xf32>
    %swap3A_621 = arith.constant 7040 : index
    %swap3A_622 = arith.constant 0 : index
    %swap3A_623 = vector.load %arg1[%swap3A_621, %swap3A_622] : memref<10240x128xf32, #tpu.memory_space<vmem>>, vector<128x128xf32>
    tpu.vector_store %arg1[%swap3A_621, %swap3A_622], %rsqrt3A_620 {strides = array<i32>} : memref<10240x128xf32, #tpu.memory_space<vmem>>, vector<128x128xf32>,
    %slice3A_624 = vector.extract_strided_slice %add3A_7 {offsets = [56, 0], sizes = [1, 128], strides = [1, 1]} : vector<80x128xf32> to vector<1x128xf32>
    %squeeze3A_625 = vector.shape_cast %slice3A_624 : vector<1x128xf32> to vector<128xf32>
    %broadcast_in_dim3A_626 = vector.shape_cast %squeeze3A_625 : vector<128xf32> to vector<1x128xf32>
    %mul3A_627 = vector.broadcast %broadcast_in_dim3A_626 : vector<1x128xf32> to vector<128x128xf32>
    %mul3A_628 = arith.mulf %convert_element_type3A_12, %mul3A_627 : vector<128x128xf32>
    %dot_general3A_629 = arith.constant dense<0.000000e+00> : vector<128x128xf32>
    %dot_general3A_630 = tpu.matmul %mul3A_628, %broadcast_in_dim3A_13, %dot_general3A_629 {dimension_numbers = #tpu.dot_dimension_numbers<[1], [0], [0], [1], [0, 0, 1, 1], [], []>, precision = #tpu.contract_precision<fp32>, transpose_lhs_hint = false} : vector<128x128xf32>, vector<128x128xf32>, vector<128x128xf32> -> vector<128x128xf32>
    %rsqrt3A_631 = math.rsqrt %dot_general3A_630 : vector<128x128xf32>
    %swap3A_632 = arith.constant 7168 : index
    %swap3A_633 = arith.constant 0 : index
    %swap3A_634 = vector.load %arg1[%swap3A_632, %swap3A_633] : memref<10240x128xf32, #tpu.memory_space<vmem>>, vector<128x128xf32>
    tpu.vector_store %arg1[%swap3A_632, %swap3A_633], %rsqrt3A_631 {strides = array<i32>} : memref<10240x128xf32, #tpu.memory_space<vmem>>, vector<128x128xf32>,
    %slice3A_635 = vector.extract_strided_slice %add3A_7 {offsets = [57, 0], sizes = [1, 128], strides = [1, 1]} : vector<80x128xf32> to vector<1x128xf32>
    %squeeze3A_636 = vector.shape_cast %slice3A_635 : vector<1x128xf32> to vector<128xf32>
    %broadcast_in_dim3A_637 = vector.shape_cast %squeeze3A_636 : vector<128xf32> to vector<1x128xf32>
    %mul3A_638 = vector.broadcast %broadcast_in_dim3A_637 : vector<1x128xf32> to vector<128x128xf32>
    %mul3A_639 = arith.mulf %convert_element_type3A_12, %mul3A_638 : vector<128x128xf32>
    %dot_general3A_640 = arith.constant dense<0.000000e+00> : vector<128x128xf32>
    %dot_general3A_641 = tpu.matmul %mul3A_639, %broadcast_in_dim3A_13, %dot_general3A_640 {dimension_numbers = #tpu.dot_dimension_numbers<[1], [0], [0], [1], [0, 0, 1, 1], [], []>, precision = #tpu.contract_precision<fp32>, transpose_lhs_hint = false} : vector<128x128xf32>, vector<128x128xf32>, vector<128x128xf32> -> vector<128x128xf32>
    %rsqrt3A_642 = math.rsqrt %dot_general3A_641 : vector<128x128xf32>
    %swap3A_643 = arith.constant 7296 : index
    %swap3A_644 = arith.constant 0 : index
    %swap3A_645 = vector.load %arg1[%swap3A_643, %swap3A_644] : memref<10240x128xf32, #tpu.memory_space<vmem>>, vector<128x128xf32>
    tpu.vector_store %arg1[%swap3A_643, %swap3A_644], %rsqrt3A_642 {strides = array<i32>} : memref<10240x128xf32, #tpu.memory_space<vmem>>, vector<128x128xf32>,
    %slice3A_646 = vector.extract_strided_slice %add3A_7 {offsets = [58, 0], sizes = [1, 128], strides = [1, 1]} : vector<80x128xf32> to vector<1x128xf32>
    %squeeze3A_647 = vector.shape_cast %slice3A_646 : vector<1x128xf32> to vector<128xf32>
    %broadcast_in_dim3A_648 = vector.shape_cast %squeeze3A_647 : vector<128xf32> to vector<1x128xf32>
    %mul3A_649 = vector.broadcast %broadcast_in_dim3A_648 : vector<1x128xf32> to vector<128x128xf32>
    %mul3A_650 = arith.mulf %convert_element_type3A_12, %mul3A_649 : vector<128x128xf32>
    %dot_general3A_651 = arith.constant dense<0.000000e+00> : vector<128x128xf32>
    %dot_general3A_652 = tpu.matmul %mul3A_650, %broadcast_in_dim3A_13, %dot_general3A_651 {dimension_numbers = #tpu.dot_dimension_numbers<[1], [0], [0], [1], [0, 0, 1, 1], [], []>, precision = #tpu.contract_precision<fp32>, transpose_lhs_hint = false} : vector<128x128xf32>, vector<128x128xf32>, vector<128x128xf32> -> vector<128x128xf32>
    %rsqrt3A_653 = math.rsqrt %dot_general3A_652 : vector<128x128xf32>
    %swap3A_654 = arith.constant 7424 : index
    %swap3A_655 = arith.constant 0 : index
    %swap3A_656 = vector.load %arg1[%swap3A_654, %swap3A_655] : memref<10240x128xf32, #tpu.memory_space<vmem>>, vector<128x128xf32>
    tpu.vector_store %arg1[%swap3A_654, %swap3A_655], %rsqrt3A_653 {strides = array<i32>} : memref<10240x128xf32, #tpu.memory_space<vmem>>, vector<128x128xf32>,
    %slice3A_657 = vector.extract_strided_slice %add3A_7 {offsets = [59, 0], sizes = [1, 128], strides = [1, 1]} : vector<80x128xf32> to vector<1x128xf32>
    %squeeze3A_658 = vector.shape_cast %slice3A_657 : vector<1x128xf32> to vector<128xf32>
    %broadcast_in_dim3A_659 = vector.shape_cast %squeeze3A_658 : vector<128xf32> to vector<1x128xf32>
    %mul3A_660 = vector.broadcast %broadcast_in_dim3A_659 : vector<1x128xf32> to vector<128x128xf32>
    %mul3A_661 = arith.mulf %convert_element_type3A_12, %mul3A_660 : vector<128x128xf32>
    %dot_general3A_662 = arith.constant dense<0.000000e+00> : vector<128x128xf32>
    %dot_general3A_663 = tpu.matmul %mul3A_661, %broadcast_in_dim3A_13, %dot_general3A_662 {dimension_numbers = #tpu.dot_dimension_numbers<[1], [0], [0], [1], [0, 0, 1, 1], [], []>, precision = #tpu.contract_precision<fp32>, transpose_lhs_hint = false} : vector<128x128xf32>, vector<128x128xf32>, vector<128x128xf32> -> vector<128x128xf32>
    %rsqrt3A_664 = math.rsqrt %dot_general3A_663 : vector<128x128xf32>
    %swap3A_665 = arith.constant 7552 : index
    %swap3A_666 = arith.constant 0 : index
    %swap3A_667 = vector.load %arg1[%swap3A_665, %swap3A_666] : memref<10240x128xf32, #tpu.memory_space<vmem>>, vector<128x128xf32>
    tpu.vector_store %arg1[%swap3A_665, %swap3A_666], %rsqrt3A_664 {strides = array<i32>} : memref<10240x128xf32, #tpu.memory_space<vmem>>, vector<128x128xf32>,
    %slice3A_668 = vector.extract_strided_slice %add3A_7 {offsets = [60, 0], sizes = [1, 128], strides = [1, 1]} : vector<80x128xf32> to vector<1x128xf32>
    %squeeze3A_669 = vector.shape_cast %slice3A_668 : vector<1x128xf32> to vector<128xf32>
    %broadcast_in_dim3A_670 = vector.shape_cast %squeeze3A_669 : vector<128xf32> to vector<1x128xf32>
    %mul3A_671 = vector.broadcast %broadcast_in_dim3A_670 : vector<1x128xf32> to vector<128x128xf32>
    %mul3A_672 = arith.mulf %convert_element_type3A_12, %mul3A_671 : vector<128x128xf32>
    %dot_general3A_673 = arith.constant dense<0.000000e+00> : vector<128x128xf32>
    %dot_general3A_674 = tpu.matmul %mul3A_672, %broadcast_in_dim3A_13, %dot_general3A_673 {dimension_numbers = #tpu.dot_dimension_numbers<[1], [0], [0], [1], [0, 0, 1, 1], [], []>, precision = #tpu.contract_precision<fp32>, transpose_lhs_hint = false} : vector<128x128xf32>, vector<128x128xf32>, vector<128x128xf32> -> vector<128x128xf32>
    %rsqrt3A_675 = math.rsqrt %dot_general3A_674 : vector<128x128xf32>
    %swap3A_676 = arith.constant 7680 : index
    %swap3A_677 = arith.constant 0 : index
    %swap3A_678 = vector.load %arg1[%swap3A_676, %swap3A_677] : memref<10240x128xf32, #tpu.memory_space<vmem>>, vector<128x128xf32>
    tpu.vector_store %arg1[%swap3A_676, %swap3A_677], %rsqrt3A_675 {strides = array<i32>} : memref<10240x128xf32, #tpu.memory_space<vmem>>, vector<128x128xf32>,
    %slice3A_679 = vector.extract_strided_slice %add3A_7 {offsets = [61, 0], sizes = [1, 128], strides = [1, 1]} : vector<80x128xf32> to vector<1x128xf32>
    %squeeze3A_680 = vector.shape_cast %slice3A_679 : vector<1x128xf32> to vector<128xf32>
    %broadcast_in_dim3A_681 = vector.shape_cast %squeeze3A_680 : vector<128xf32> to vector<1x128xf32>
    %mul3A_682 = vector.broadcast %broadcast_in_dim3A_681 : vector<1x128xf32> to vector<128x128xf32>
    %mul3A_683 = arith.mulf %convert_element_type3A_12, %mul3A_682 : vector<128x128xf32>
    %dot_general3A_684 = arith.constant dense<0.000000e+00> : vector<128x128xf32>
    %dot_general3A_685 = tpu.matmul %mul3A_683, %broadcast_in_dim3A_13, %dot_general3A_684 {dimension_numbers = #tpu.dot_dimension_numbers<[1], [0], [0], [1], [0, 0, 1, 1], [], []>, precision = #tpu.contract_precision<fp32>, transpose_lhs_hint = false} : vector<128x128xf32>, vector<128x128xf32>, vector<128x128xf32> -> vector<128x128xf32>
    %rsqrt3A_686 = math.rsqrt %dot_general3A_685 : vector<128x128xf32>
    %swap3A_687 = arith.constant 7808 : index
    %swap3A_688 = arith.constant 0 : index
    %swap3A_689 = vector.load %arg1[%swap3A_687, %swap3A_688] : memref<10240x128xf32, #tpu.memory_space<vmem>>, vector<128x128xf32>
    tpu.vector_store %arg1[%swap3A_687, %swap3A_688], %rsqrt3A_686 {strides = array<i32>} : memref<10240x128xf32, #tpu.memory_space<vmem>>, vector<128x128xf32>,
    %slice3A_690 = vector.extract_strided_slice %add3A_7 {offsets = [62, 0], sizes = [1, 128], strides = [1, 1]} : vector<80x128xf32> to vector<1x128xf32>
    %squeeze3A_691 = vector.shape_cast %slice3A_690 : vector<1x128xf32> to vector<128xf32>
    %broadcast_in_dim3A_692 = vector.shape_cast %squeeze3A_691 : vector<128xf32> to vector<1x128xf32>
    %mul3A_693 = vector.broadcast %broadcast_in_dim3A_692 : vector<1x128xf32> to vector<128x128xf32>
    %mul3A_694 = arith.mulf %convert_element_type3A_12, %mul3A_693 : vector<128x128xf32>
    %dot_general3A_695 = arith.constant dense<0.000000e+00> : vector<128x128xf32>
    %dot_general3A_696 = tpu.matmul %mul3A_694, %broadcast_in_dim3A_13, %dot_general3A_695 {dimension_numbers = #tpu.dot_dimension_numbers<[1], [0], [0], [1], [0, 0, 1, 1], [], []>, precision = #tpu.contract_precision<fp32>, transpose_lhs_hint = false} : vector<128x128xf32>, vector<128x128xf32>, vector<128x128xf32> -> vector<128x128xf32>
    %rsqrt3A_697 = math.rsqrt %dot_general3A_696 : vector<128x128xf32>
    %swap3A_698 = arith.constant 7936 : index
    %swap3A_699 = arith.constant 0 : index
    %swap3A_700 = vector.load %arg1[%swap3A_698, %swap3A_699] : memref<10240x128xf32, #tpu.memory_space<vmem>>, vector<128x128xf32>
    tpu.vector_store %arg1[%swap3A_698, %swap3A_699], %rsqrt3A_697 {strides = array<i32>} : memref<10240x128xf32, #tpu.memory_space<vmem>>, vector<128x128xf32>,
    %slice3A_701 = vector.extract_strided_slice %add3A_7 {offsets = [63, 0], sizes = [1, 128], strides = [1, 1]} : vector<80x128xf32> to vector<1x128xf32>
    %squeeze3A_702 = vector.shape_cast %slice3A_701 : vector<1x128xf32> to vector<128xf32>
    %broadcast_in_dim3A_703 = vector.shape_cast %squeeze3A_702 : vector<128xf32> to vector<1x128xf32>
    %mul3A_704 = vector.broadcast %broadcast_in_dim3A_703 : vector<1x128xf32> to vector<128x128xf32>
    %mul3A_705 = arith.mulf %convert_element_type3A_12, %mul3A_704 : vector<128x128xf32>
    %dot_general3A_706 = arith.constant dense<0.000000e+00> : vector<128x128xf32>
    %dot_general3A_707 = tpu.matmul %mul3A_705, %broadcast_in_dim3A_13, %dot_general3A_706 {dimension_numbers = #tpu.dot_dimension_numbers<[1], [0], [0], [1], [0, 0, 1, 1], [], []>, precision = #tpu.contract_precision<fp32>, transpose_lhs_hint = false} : vector<128x128xf32>, vector<128x128xf32>, vector<128x128xf32> -> vector<128x128xf32>
    %rsqrt3A_708 = math.rsqrt %dot_general3A_707 : vector<128x128xf32>
    %swap3A_709 = arith.constant 8064 : index
    %swap3A_710 = arith.constant 0 : index
    %swap3A_711 = vector.load %arg1[%swap3A_709, %swap3A_710] : memref<10240x128xf32, #tpu.memory_space<vmem>>, vector<128x128xf32>
    tpu.vector_store %arg1[%swap3A_709, %swap3A_710], %rsqrt3A_708 {strides = array<i32>} : memref<10240x128xf32, #tpu.memory_space<vmem>>, vector<128x128xf32>,
    %slice3A_712 = vector.extract_strided_slice %add3A_7 {offsets = [64, 0], sizes = [1, 128], strides = [1, 1]} : vector<80x128xf32> to vector<1x128xf32>
    %squeeze3A_713 = vector.shape_cast %slice3A_712 : vector<1x128xf32> to vector<128xf32>
    %broadcast_in_dim3A_714 = vector.shape_cast %squeeze3A_713 : vector<128xf32> to vector<1x128xf32>
    %mul3A_715 = vector.broadcast %broadcast_in_dim3A_714 : vector<1x128xf32> to vector<128x128xf32>
    %mul3A_716 = arith.mulf %convert_element_type3A_12, %mul3A_715 : vector<128x128xf32>
    %dot_general3A_717 = arith.constant dense<0.000000e+00> : vector<128x128xf32>
    %dot_general3A_718 = tpu.matmul %mul3A_716, %broadcast_in_dim3A_13, %dot_general3A_717 {dimension_numbers = #tpu.dot_dimension_numbers<[1], [0], [0], [1], [0, 0, 1, 1], [], []>, precision = #tpu.contract_precision<fp32>, transpose_lhs_hint = false} : vector<128x128xf32>, vector<128x128xf32>, vector<128x128xf32> -> vector<128x128xf32>
    %rsqrt3A_719 = math.rsqrt %dot_general3A_718 : vector<128x128xf32>
    %swap3A_720 = arith.constant 8192 : index
    %swap3A_721 = arith.constant 0 : index
    %swap3A_722 = vector.load %arg1[%swap3A_720, %swap3A_721] : memref<10240x128xf32, #tpu.memory_space<vmem>>, vector<128x128xf32>
    tpu.vector_store %arg1[%swap3A_720, %swap3A_721], %rsqrt3A_719 {strides = array<i32>} : memref<10240x128xf32, #tpu.memory_space<vmem>>, vector<128x128xf32>,
    %slice3A_723 = vector.extract_strided_slice %add3A_7 {offsets = [65, 0], sizes = [1, 128], strides = [1, 1]} : vector<80x128xf32> to vector<1x128xf32>
    %squeeze3A_724 = vector.shape_cast %slice3A_723 : vector<1x128xf32> to vector<128xf32>
    %broadcast_in_dim3A_725 = vector.shape_cast %squeeze3A_724 : vector<128xf32> to vector<1x128xf32>
    %mul3A_726 = vector.broadcast %broadcast_in_dim3A_725 : vector<1x128xf32> to vector<128x128xf32>
    %mul3A_727 = arith.mulf %convert_element_type3A_12, %mul3A_726 : vector<128x128xf32>
    %dot_general3A_728 = arith.constant dense<0.000000e+00> : vector<128x128xf32>
    %dot_general3A_729 = tpu.matmul %mul3A_727, %broadcast_in_dim3A_13, %dot_general3A_728 {dimension_numbers = #tpu.dot_dimension_numbers<[1], [0], [0], [1], [0, 0, 1, 1], [], []>, precision = #tpu.contract_precision<fp32>, transpose_lhs_hint = false} : vector<128x128xf32>, vector<128x128xf32>, vector<128x128xf32> -> vector<128x128xf32>
    %rsqrt3A_730 = math.rsqrt %dot_general3A_729 : vector<128x128xf32>
    %swap3A_731 = arith.constant 8320 : index
    %swap3A_732 = arith.constant 0 : index
    %swap3A_733 = vector.load %arg1[%swap3A_731, %swap3A_732] : memref<10240x128xf32, #tpu.memory_space<vmem>>, vector<128x128xf32>
    tpu.vector_store %arg1[%swap3A_731, %swap3A_732], %rsqrt3A_730 {strides = array<i32>} : memref<10240x128xf32, #tpu.memory_space<vmem>>, vector<128x128xf32>,
    %slice3A_734 = vector.extract_strided_slice %add3A_7 {offsets = [66, 0], sizes = [1, 128], strides = [1, 1]} : vector<80x128xf32> to vector<1x128xf32>
    %squeeze3A_735 = vector.shape_cast %slice3A_734 : vector<1x128xf32> to vector<128xf32>
    %broadcast_in_dim3A_736 = vector.shape_cast %squeeze3A_735 : vector<128xf32> to vector<1x128xf32>
    %mul3A_737 = vector.broadcast %broadcast_in_dim3A_736 : vector<1x128xf32> to vector<128x128xf32>
    %mul3A_738 = arith.mulf %convert_element_type3A_12, %mul3A_737 : vector<128x128xf32>
    %dot_general3A_739 = arith.constant dense<0.000000e+00> : vector<128x128xf32>
    %dot_general3A_740 = tpu.matmul %mul3A_738, %broadcast_in_dim3A_13, %dot_general3A_739 {dimension_numbers = #tpu.dot_dimension_numbers<[1], [0], [0], [1], [0, 0, 1, 1], [], []>, precision = #tpu.contract_precision<fp32>, transpose_lhs_hint = false} : vector<128x128xf32>, vector<128x128xf32>, vector<128x128xf32> -> vector<128x128xf32>
    %rsqrt3A_741 = math.rsqrt %dot_general3A_740 : vector<128x128xf32>
    %swap3A_742 = arith.constant 8448 : index
    %swap3A_743 = arith.constant 0 : index
    %swap3A_744 = vector.load %arg1[%swap3A_742, %swap3A_743] : memref<10240x128xf32, #tpu.memory_space<vmem>>, vector<128x128xf32>
    tpu.vector_store %arg1[%swap3A_742, %swap3A_743], %rsqrt3A_741 {strides = array<i32>} : memref<10240x128xf32, #tpu.memory_space<vmem>>, vector<128x128xf32>,
    %slice3A_745 = vector.extract_strided_slice %add3A_7 {offsets = [67, 0], sizes = [1, 128], strides = [1, 1]} : vector<80x128xf32> to vector<1x128xf32>
    %squeeze3A_746 = vector.shape_cast %slice3A_745 : vector<1x128xf32> to vector<128xf32>
    %broadcast_in_dim3A_747 = vector.shape_cast %squeeze3A_746 : vector<128xf32> to vector<1x128xf32>
    %mul3A_748 = vector.broadcast %broadcast_in_dim3A_747 : vector<1x128xf32> to vector<128x128xf32>
    %mul3A_749 = arith.mulf %convert_element_type3A_12, %mul3A_748 : vector<128x128xf32>
    %dot_general3A_750 = arith.constant dense<0.000000e+00> : vector<128x128xf32>
    %dot_general3A_751 = tpu.matmul %mul3A_749, %broadcast_in_dim3A_13, %dot_general3A_750 {dimension_numbers = #tpu.dot_dimension_numbers<[1], [0], [0], [1], [0, 0, 1, 1], [], []>, precision = #tpu.contract_precision<fp32>, transpose_lhs_hint = false} : vector<128x128xf32>, vector<128x128xf32>, vector<128x128xf32> -> vector<128x128xf32>
    %rsqrt3A_752 = math.rsqrt %dot_general3A_751 : vector<128x128xf32>
    %swap3A_753 = arith.constant 8576 : index
    %swap3A_754 = arith.constant 0 : index
    %swap3A_755 = vector.load %arg1[%swap3A_753, %swap3A_754] : memref<10240x128xf32, #tpu.memory_space<vmem>>, vector<128x128xf32>
    tpu.vector_store %arg1[%swap3A_753, %swap3A_754], %rsqrt3A_752 {strides = array<i32>} : memref<10240x128xf32, #tpu.memory_space<vmem>>, vector<128x128xf32>,
    %slice3A_756 = vector.extract_strided_slice %add3A_7 {offsets = [68, 0], sizes = [1, 128], strides = [1, 1]} : vector<80x128xf32> to vector<1x128xf32>
    %squeeze3A_757 = vector.shape_cast %slice3A_756 : vector<1x128xf32> to vector<128xf32>
    %broadcast_in_dim3A_758 = vector.shape_cast %squeeze3A_757 : vector<128xf32> to vector<1x128xf32>
    %mul3A_759 = vector.broadcast %broadcast_in_dim3A_758 : vector<1x128xf32> to vector<128x128xf32>
    %mul3A_760 = arith.mulf %convert_element_type3A_12, %mul3A_759 : vector<128x128xf32>
    %dot_general3A_761 = arith.constant dense<0.000000e+00> : vector<128x128xf32>
    %dot_general3A_762 = tpu.matmul %mul3A_760, %broadcast_in_dim3A_13, %dot_general3A_761 {dimension_numbers = #tpu.dot_dimension_numbers<[1], [0], [0], [1], [0, 0, 1, 1], [], []>, precision = #tpu.contract_precision<fp32>, transpose_lhs_hint = false} : vector<128x128xf32>, vector<128x128xf32>, vector<128x128xf32> -> vector<128x128xf32>
    %rsqrt3A_763 = math.rsqrt %dot_general3A_762 : vector<128x128xf32>
    %swap3A_764 = arith.constant 8704 : index
    %swap3A_765 = arith.constant 0 : index
    %swap3A_766 = vector.load %arg1[%swap3A_764, %swap3A_765] : memref<10240x128xf32, #tpu.memory_space<vmem>>, vector<128x128xf32>
    tpu.vector_store %arg1[%swap3A_764, %swap3A_765], %rsqrt3A_763 {strides = array<i32>} : memref<10240x128xf32, #tpu.memory_space<vmem>>, vector<128x128xf32>,
    %slice3A_767 = vector.extract_strided_slice %add3A_7 {offsets = [69, 0], sizes = [1, 128], strides = [1, 1]} : vector<80x128xf32> to vector<1x128xf32>
    %squeeze3A_768 = vector.shape_cast %slice3A_767 : vector<1x128xf32> to vector<128xf32>
    %broadcast_in_dim3A_769 = vector.shape_cast %squeeze3A_768 : vector<128xf32> to vector<1x128xf32>
    %mul3A_770 = vector.broadcast %broadcast_in_dim3A_769 : vector<1x128xf32> to vector<128x128xf32>
    %mul3A_771 = arith.mulf %convert_element_type3A_12, %mul3A_770 : vector<128x128xf32>
    %dot_general3A_772 = arith.constant dense<0.000000e+00> : vector<128x128xf32>
    %dot_general3A_773 = tpu.matmul %mul3A_771, %broadcast_in_dim3A_13, %dot_general3A_772 {dimension_numbers = #tpu.dot_dimension_numbers<[1], [0], [0], [1], [0, 0, 1, 1], [], []>, precision = #tpu.contract_precision<fp32>, transpose_lhs_hint = false} : vector<128x128xf32>, vector<128x128xf32>, vector<128x128xf32> -> vector<128x128xf32>
    %rsqrt3A_774 = math.rsqrt %dot_general3A_773 : vector<128x128xf32>
    %swap3A_775 = arith.constant 8832 : index
    %swap3A_776 = arith.constant 0 : index
    %swap3A_777 = vector.load %arg1[%swap3A_775, %swap3A_776] : memref<10240x128xf32, #tpu.memory_space<vmem>>, vector<128x128xf32>
    tpu.vector_store %arg1[%swap3A_775, %swap3A_776], %rsqrt3A_774 {strides = array<i32>} : memref<10240x128xf32, #tpu.memory_space<vmem>>, vector<128x128xf32>,
    %slice3A_778 = vector.extract_strided_slice %add3A_7 {offsets = [70, 0], sizes = [1, 128], strides = [1, 1]} : vector<80x128xf32> to vector<1x128xf32>
    %squeeze3A_779 = vector.shape_cast %slice3A_778 : vector<1x128xf32> to vector<128xf32>
    %broadcast_in_dim3A_780 = vector.shape_cast %squeeze3A_779 : vector<128xf32> to vector<1x128xf32>
    %mul3A_781 = vector.broadcast %broadcast_in_dim3A_780 : vector<1x128xf32> to vector<128x128xf32>
    %mul3A_782 = arith.mulf %convert_element_type3A_12, %mul3A_781 : vector<128x128xf32>
    %dot_general3A_783 = arith.constant dense<0.000000e+00> : vector<128x128xf32>
    %dot_general3A_784 = tpu.matmul %mul3A_782, %broadcast_in_dim3A_13, %dot_general3A_783 {dimension_numbers = #tpu.dot_dimension_numbers<[1], [0], [0], [1], [0, 0, 1, 1], [], []>, precision = #tpu.contract_precision<fp32>, transpose_lhs_hint = false} : vector<128x128xf32>, vector<128x128xf32>, vector<128x128xf32> -> vector<128x128xf32>
    %rsqrt3A_785 = math.rsqrt %dot_general3A_784 : vector<128x128xf32>
    %swap3A_786 = arith.constant 8960 : index
    %swap3A_787 = arith.constant 0 : index
    %swap3A_788 = vector.load %arg1[%swap3A_786, %swap3A_787] : memref<10240x128xf32, #tpu.memory_space<vmem>>, vector<128x128xf32>
    tpu.vector_store %arg1[%swap3A_786, %swap3A_787], %rsqrt3A_785 {strides = array<i32>} : memref<10240x128xf32, #tpu.memory_space<vmem>>, vector<128x128xf32>,
    %slice3A_789 = vector.extract_strided_slice %add3A_7 {offsets = [71, 0], sizes = [1, 128], strides = [1, 1]} : vector<80x128xf32> to vector<1x128xf32>
    %squeeze3A_790 = vector.shape_cast %slice3A_789 : vector<1x128xf32> to vector<128xf32>
    %broadcast_in_dim3A_791 = vector.shape_cast %squeeze3A_790 : vector<128xf32> to vector<1x128xf32>
    %mul3A_792 = vector.broadcast %broadcast_in_dim3A_791 : vector<1x128xf32> to vector<128x128xf32>
    %mul3A_793 = arith.mulf %convert_element_type3A_12, %mul3A_792 : vector<128x128xf32>
    %dot_general3A_794 = arith.constant dense<0.000000e+00> : vector<128x128xf32>
    %dot_general3A_795 = tpu.matmul %mul3A_793, %broadcast_in_dim3A_13, %dot_general3A_794 {dimension_numbers = #tpu.dot_dimension_numbers<[1], [0], [0], [1], [0, 0, 1, 1], [], []>, precision = #tpu.contract_precision<fp32>, transpose_lhs_hint = false} : vector<128x128xf32>, vector<128x128xf32>, vector<128x128xf32> -> vector<128x128xf32>
    %rsqrt3A_796 = math.rsqrt %dot_general3A_795 : vector<128x128xf32>
    %swap3A_797 = arith.constant 9088 : index
    %swap3A_798 = arith.constant 0 : index
    %swap3A_799 = vector.load %arg1[%swap3A_797, %swap3A_798] : memref<10240x128xf32, #tpu.memory_space<vmem>>, vector<128x128xf32>
    tpu.vector_store %arg1[%swap3A_797, %swap3A_798], %rsqrt3A_796 {strides = array<i32>} : memref<10240x128xf32, #tpu.memory_space<vmem>>, vector<128x128xf32>,
    %slice3A_800 = vector.extract_strided_slice %add3A_7 {offsets = [72, 0], sizes = [1, 128], strides = [1, 1]} : vector<80x128xf32> to vector<1x128xf32>
    %squeeze3A_801 = vector.shape_cast %slice3A_800 : vector<1x128xf32> to vector<128xf32>
    %broadcast_in_dim3A_802 = vector.shape_cast %squeeze3A_801 : vector<128xf32> to vector<1x128xf32>
    %mul3A_803 = vector.broadcast %broadcast_in_dim3A_802 : vector<1x128xf32> to vector<128x128xf32>
    %mul3A_804 = arith.mulf %convert_element_type3A_12, %mul3A_803 : vector<128x128xf32>
    %dot_general3A_805 = arith.constant dense<0.000000e+00> : vector<128x128xf32>
    %dot_general3A_806 = tpu.matmul %mul3A_804, %broadcast_in_dim3A_13, %dot_general3A_805 {dimension_numbers = #tpu.dot_dimension_numbers<[1], [0], [0], [1], [0, 0, 1, 1], [], []>, precision = #tpu.contract_precision<fp32>, transpose_lhs_hint = false} : vector<128x128xf32>, vector<128x128xf32>, vector<128x128xf32> -> vector<128x128xf32>
    %rsqrt3A_807 = math.rsqrt %dot_general3A_806 : vector<128x128xf32>
    %swap3A_808 = arith.constant 9216 : index
    %swap3A_809 = arith.constant 0 : index
    %swap3A_810 = vector.load %arg1[%swap3A_808, %swap3A_809] : memref<10240x128xf32, #tpu.memory_space<vmem>>, vector<128x128xf32>
    tpu.vector_store %arg1[%swap3A_808, %swap3A_809], %rsqrt3A_807 {strides = array<i32>} : memref<10240x128xf32, #tpu.memory_space<vmem>>, vector<128x128xf32>,
    %slice3A_811 = vector.extract_strided_slice %add3A_7 {offsets = [73, 0], sizes = [1, 128], strides = [1, 1]} : vector<80x128xf32> to vector<1x128xf32>
    %squeeze3A_812 = vector.shape_cast %slice3A_811 : vector<1x128xf32> to vector<128xf32>
    %broadcast_in_dim3A_813 = vector.shape_cast %squeeze3A_812 : vector<128xf32> to vector<1x128xf32>
    %mul3A_814 = vector.broadcast %broadcast_in_dim3A_813 : vector<1x128xf32> to vector<128x128xf32>
    %mul3A_815 = arith.mulf %convert_element_type3A_12, %mul3A_814 : vector<128x128xf32>
    %dot_general3A_816 = arith.constant dense<0.000000e+00> : vector<128x128xf32>
    %dot_general3A_817 = tpu.matmul %mul3A_815, %broadcast_in_dim3A_13, %dot_general3A_816 {dimension_numbers = #tpu.dot_dimension_numbers<[1], [0], [0], [1], [0, 0, 1, 1], [], []>, precision = #tpu.contract_precision<fp32>, transpose_lhs_hint = false} : vector<128x128xf32>, vector<128x128xf32>, vector<128x128xf32> -> vector<128x128xf32>
    %rsqrt3A_818 = math.rsqrt %dot_general3A_817 : vector<128x128xf32>
    %swap3A_819 = arith.constant 9344 : index
    %swap3A_820 = arith.constant 0 : index
    %swap3A_821 = vector.load %arg1[%swap3A_819, %swap3A_820] : memref<10240x128xf32, #tpu.memory_space<vmem>>, vector<128x128xf32>
    tpu.vector_store %arg1[%swap3A_819, %swap3A_820], %rsqrt3A_818 {strides = array<i32>} : memref<10240x128xf32, #tpu.memory_space<vmem>>, vector<128x128xf32>,
    %slice3A_822 = vector.extract_strided_slice %add3A_7 {offsets = [74, 0], sizes = [1, 128], strides = [1, 1]} : vector<80x128xf32> to vector<1x128xf32>
    %squeeze3A_823 = vector.shape_cast %slice3A_822 : vector<1x128xf32> to vector<128xf32>
    %broadcast_in_dim3A_824 = vector.shape_cast %squeeze3A_823 : vector<128xf32> to vector<1x128xf32>
    %mul3A_825 = vector.broadcast %broadcast_in_dim3A_824 : vector<1x128xf32> to vector<128x128xf32>
    %mul3A_826 = arith.mulf %convert_element_type3A_12, %mul3A_825 : vector<128x128xf32>
    %dot_general3A_827 = arith.constant dense<0.000000e+00> : vector<128x128xf32>
    %dot_general3A_828 = tpu.matmul %mul3A_826, %broadcast_in_dim3A_13, %dot_general3A_827 {dimension_numbers = #tpu.dot_dimension_numbers<[1], [0], [0], [1], [0, 0, 1, 1], [], []>, precision = #tpu.contract_precision<fp32>, transpose_lhs_hint = false} : vector<128x128xf32>, vector<128x128xf32>, vector<128x128xf32> -> vector<128x128xf32>
    %rsqrt3A_829 = math.rsqrt %dot_general3A_828 : vector<128x128xf32>
    %swap3A_830 = arith.constant 9472 : index
    %swap3A_831 = arith.constant 0 : index
    %swap3A_832 = vector.load %arg1[%swap3A_830, %swap3A_831] : memref<10240x128xf32, #tpu.memory_space<vmem>>, vector<128x128xf32>
    tpu.vector_store %arg1[%swap3A_830, %swap3A_831], %rsqrt3A_829 {strides = array<i32>} : memref<10240x128xf32, #tpu.memory_space<vmem>>, vector<128x128xf32>,
    %slice3A_833 = vector.extract_strided_slice %add3A_7 {offsets = [75, 0], sizes = [1, 128], strides = [1, 1]} : vector<80x128xf32> to vector<1x128xf32>
    %squeeze3A_834 = vector.shape_cast %slice3A_833 : vector<1x128xf32> to vector<128xf32>
    %broadcast_in_dim3A_835 = vector.shape_cast %squeeze3A_834 : vector<128xf32> to vector<1x128xf32>
    %mul3A_836 = vector.broadcast %broadcast_in_dim3A_835 : vector<1x128xf32> to vector<128x128xf32>
    %mul3A_837 = arith.mulf %convert_element_type3A_12, %mul3A_836 : vector<128x128xf32>
    %dot_general3A_838 = arith.constant dense<0.000000e+00> : vector<128x128xf32>
    %dot_general3A_839 = tpu.matmul %mul3A_837, %broadcast_in_dim3A_13, %dot_general3A_838 {dimension_numbers = #tpu.dot_dimension_numbers<[1], [0], [0], [1], [0, 0, 1, 1], [], []>, precision = #tpu.contract_precision<fp32>, transpose_lhs_hint = false} : vector<128x128xf32>, vector<128x128xf32>, vector<128x128xf32> -> vector<128x128xf32>
    %rsqrt3A_840 = math.rsqrt %dot_general3A_839 : vector<128x128xf32>
    %swap3A_841 = arith.constant 9600 : index
    %swap3A_842 = arith.constant 0 : index
    %swap3A_843 = vector.load %arg1[%swap3A_841, %swap3A_842] : memref<10240x128xf32, #tpu.memory_space<vmem>>, vector<128x128xf32>
    tpu.vector_store %arg1[%swap3A_841, %swap3A_842], %rsqrt3A_840 {strides = array<i32>} : memref<10240x128xf32, #tpu.memory_space<vmem>>, vector<128x128xf32>,
    %slice3A_844 = vector.extract_strided_slice %add3A_7 {offsets = [76, 0], sizes = [1, 128], strides = [1, 1]} : vector<80x128xf32> to vector<1x128xf32>
    %squeeze3A_845 = vector.shape_cast %slice3A_844 : vector<1x128xf32> to vector<128xf32>
    %broadcast_in_dim3A_846 = vector.shape_cast %squeeze3A_845 : vector<128xf32> to vector<1x128xf32>
    %mul3A_847 = vector.broadcast %broadcast_in_dim3A_846 : vector<1x128xf32> to vector<128x128xf32>
    %mul3A_848 = arith.mulf %convert_element_type3A_12, %mul3A_847 : vector<128x128xf32>
    %dot_general3A_849 = arith.constant dense<0.000000e+00> : vector<128x128xf32>
    %dot_general3A_850 = tpu.matmul %mul3A_848, %broadcast_in_dim3A_13, %dot_general3A_849 {dimension_numbers = #tpu.dot_dimension_numbers<[1], [0], [0], [1], [0, 0, 1, 1], [], []>, precision = #tpu.contract_precision<fp32>, transpose_lhs_hint = false} : vector<128x128xf32>, vector<128x128xf32>, vector<128x128xf32> -> vector<128x128xf32>
    %rsqrt3A_851 = math.rsqrt %dot_general3A_850 : vector<128x128xf32>
    %swap3A_852 = arith.constant 9728 : index
    %swap3A_853 = arith.constant 0 : index
    %swap3A_854 = vector.load %arg1[%swap3A_852, %swap3A_853] : memref<10240x128xf32, #tpu.memory_space<vmem>>, vector<128x128xf32>
    tpu.vector_store %arg1[%swap3A_852, %swap3A_853], %rsqrt3A_851 {strides = array<i32>} : memref<10240x128xf32, #tpu.memory_space<vmem>>, vector<128x128xf32>,
    %slice3A_855 = vector.extract_strided_slice %add3A_7 {offsets = [77, 0], sizes = [1, 128], strides = [1, 1]} : vector<80x128xf32> to vector<1x128xf32>
    %squeeze3A_856 = vector.shape_cast %slice3A_855 : vector<1x128xf32> to vector<128xf32>
    %broadcast_in_dim3A_857 = vector.shape_cast %squeeze3A_856 : vector<128xf32> to vector<1x128xf32>
    %mul3A_858 = vector.broadcast %broadcast_in_dim3A_857 : vector<1x128xf32> to vector<128x128xf32>
    %mul3A_859 = arith.mulf %convert_element_type3A_12, %mul3A_858 : vector<128x128xf32>
    %dot_general3A_860 = arith.constant dense<0.000000e+00> : vector<128x128xf32>
    %dot_general3A_861 = tpu.matmul %mul3A_859, %broadcast_in_dim3A_13, %dot_general3A_860 {dimension_numbers = #tpu.dot_dimension_numbers<[1], [0], [0], [1], [0, 0, 1, 1], [], []>, precision = #tpu.contract_precision<fp32>, transpose_lhs_hint = false} : vector<128x128xf32>, vector<128x128xf32>, vector<128x128xf32> -> vector<128x128xf32>
    %rsqrt3A_862 = math.rsqrt %dot_general3A_861 : vector<128x128xf32>
    %swap3A_863 = arith.constant 9856 : index
    %swap3A_864 = arith.constant 0 : index
    %swap3A_865 = vector.load %arg1[%swap3A_863, %swap3A_864] : memref<10240x128xf32, #tpu.memory_space<vmem>>, vector<128x128xf32>
    tpu.vector_store %arg1[%swap3A_863, %swap3A_864], %rsqrt3A_862 {strides = array<i32>} : memref<10240x128xf32, #tpu.memory_space<vmem>>, vector<128x128xf32>,
    %slice3A_866 = vector.extract_strided_slice %add3A_7 {offsets = [78, 0], sizes = [1, 128], strides = [1, 1]} : vector<80x128xf32> to vector<1x128xf32>
    %squeeze3A_867 = vector.shape_cast %slice3A_866 : vector<1x128xf32> to vector<128xf32>
    %broadcast_in_dim3A_868 = vector.shape_cast %squeeze3A_867 : vector<128xf32> to vector<1x128xf32>
    %mul3A_869 = vector.broadcast %broadcast_in_dim3A_868 : vector<1x128xf32> to vector<128x128xf32>
    %mul3A_870 = arith.mulf %convert_element_type3A_12, %mul3A_869 : vector<128x128xf32>
    %dot_general3A_871 = arith.constant dense<0.000000e+00> : vector<128x128xf32>
    %dot_general3A_872 = tpu.matmul %mul3A_870, %broadcast_in_dim3A_13, %dot_general3A_871 {dimension_numbers = #tpu.dot_dimension_numbers<[1], [0], [0], [1], [0, 0, 1, 1], [], []>, precision = #tpu.contract_precision<fp32>, transpose_lhs_hint = false} : vector<128x128xf32>, vector<128x128xf32>, vector<128x128xf32> -> vector<128x128xf32>
    %rsqrt3A_873 = math.rsqrt %dot_general3A_872 : vector<128x128xf32>
    %swap3A_874 = arith.constant 9984 : index
    %swap3A_875 = arith.constant 0 : index
    %swap3A_876 = vector.load %arg1[%swap3A_874, %swap3A_875] : memref<10240x128xf32, #tpu.memory_space<vmem>>, vector<128x128xf32>
    tpu.vector_store %arg1[%swap3A_874, %swap3A_875], %rsqrt3A_873 {strides = array<i32>} : memref<10240x128xf32, #tpu.memory_space<vmem>>, vector<128x128xf32>,
    %slice3A_877 = vector.extract_strided_slice %add3A_7 {offsets = [79, 0], sizes = [1, 128], strides = [1, 1]} : vector<80x128xf32> to vector<1x128xf32>
    %squeeze3A_878 = vector.shape_cast %slice3A_877 : vector<1x128xf32> to vector<128xf32>
    %broadcast_in_dim3A_879 = vector.shape_cast %squeeze3A_878 : vector<128xf32> to vector<1x128xf32>
    %mul3A_880 = vector.broadcast %broadcast_in_dim3A_879 : vector<1x128xf32> to vector<128x128xf32>
    %mul3A_881 = arith.mulf %convert_element_type3A_12, %mul3A_880 : vector<128x128xf32>
    %dot_general3A_882 = arith.constant dense<0.000000e+00> : vector<128x128xf32>
    %dot_general3A_883 = tpu.matmul %mul3A_881, %broadcast_in_dim3A_13, %dot_general3A_882 {dimension_numbers = #tpu.dot_dimension_numbers<[1], [0], [0], [1], [0, 0, 1, 1], [], []>, precision = #tpu.contract_precision<fp32>, transpose_lhs_hint = false} : vector<128x128xf32>, vector<128x128xf32>, vector<128x128xf32> -> vector<128x128xf32>
    %rsqrt3A_884 = math.rsqrt %dot_general3A_883 : vector<128x128xf32>
    %swap3A_885 = arith.constant 10112 : index
    %swap3A_886 = arith.constant 0 : index
    %swap3A_887 = vector.load %arg1[%swap3A_885, %swap3A_886] : memref<10240x128xf32, #tpu.memory_space<vmem>>, vector<128x128xf32>
    tpu.vector_store %arg1[%swap3A_885, %swap3A_886], %rsqrt3A_884 {strides = array<i32>} : memref<10240x128xf32, #tpu.memory_space<vmem>>, vector<128x128xf32>,
    return
  }
}

module attributes {stable_mosaic.version = 14 : i64} {
  func.func @_tc_pre_body(%arg0: i32, %arg1: memref<2000x128xf32, #tpu.memory_space<vmem>>, %arg2: memref<128x128xf32, #tpu.memory_space<vmem>>, %arg3: memref<2000x128xf32, #tpu.memory_space<vmem>>, %arg4: memref<2000x128xf32, #tpu.memory_space<vmem>>) attributes {dimension_semantics = [#tpu.dimension_semantics<arbitrary>], iteration_bounds = array<i64: 5>, scalar_prefetch = 0 : i64, scratch_operands = 0 : i64, tpu.core_type = #tpu.core_type<tc>, window_params = [{transform_indices = @transform_0, window_bounds = array<i64: 2000, 128>}, {pipeline_mode = #tpu.pipeline_mode<synchronous>, transform_indices = @transform_1, window_bounds = array<i64: 128, 128>}, {transform_indices = @transform_2, window_bounds = array<i64: 2000, 128>}, {transform_indices = @transform_3, window_bounds = array<i64: 2000, 128>}]} {
    %get3A = arith.constant 0 : index
    %get3A_0 = arith.constant 0 : index
    %get3A_1 = vector.load %arg1[%get3A, %get3A_0] : memref<2000x128xf32, #tpu.memory_space<vmem>>, vector<2000x128xf32>
    %get3A_2 = arith.constant 0 : index
    %get3A_3 = arith.constant 0 : index
    %get3A_4 = vector.load %arg2[%get3A_2, %get3A_3] : memref<128x128xf32, #tpu.memory_space<vmem>>, vector<128x128xf32>
    %dot_general3A = arith.constant dense<0.000000e+00> : vector<2000x128xf32>
    %dot_general3A_5 = tpu.matmul %get3A_1, %get3A_4, %dot_general3A {dimension_numbers = #tpu.dot_dimension_numbers<[1], [0], [0], [1], [0, 0, 1, 1], [], []>, transpose_lhs_hint = false} : vector<2000x128xf32>, vector<128x128xf32>, vector<2000x128xf32> -> vector<2000x128xf32>
    %get3A_6 = arith.constant 0 : index
    %get3A_7 = arith.constant 0 : index
    %get3A_8 = vector.load %arg3[%get3A_6, %get3A_7] : memref<2000x128xf32, #tpu.memory_space<vmem>>, vector<2000x128xf32>
    %mul3A = arith.mulf %dot_general3A_5, %get3A_8 : vector<2000x128xf32>
    %swap3A = arith.constant 0 : index
    %swap3A_9 = arith.constant 0 : index
    %swap3A_10 = vector.load %arg4[%swap3A, %swap3A_9] : memref<2000x128xf32, #tpu.memory_space<vmem>>, vector<2000x128xf32>
    tpu.vector_store %arg4[%swap3A, %swap3A_9], %mul3A {strides = array<i32>} : memref<2000x128xf32, #tpu.memory_space<vmem>>, vector<2000x128xf32>,
    return
  }
  func.func @transform_0(%arg0: i32) -> (i32, i32) {
    %c0_i32 = arith.constant 0 : i32
    %c0_i32_0 = arith.constant 0 : i32
    return %arg0, %c0_i32 : i32, i32
  }
  func.func @transform_1(%arg0: i32) -> (i32, i32) {
    %c0_i32 = arith.constant 0 : i32
    %c0_i32_0 = arith.constant 0 : i32
    %c0_i32_1 = arith.constant 0 : i32
    return %c0_i32, %c0_i32_0 : i32, i32
  }
  func.func @transform_2(%arg0: i32) -> (i32, i32) {
    %c0_i32 = arith.constant 0 : i32
    %c0_i32_0 = arith.constant 0 : i32
    return %arg0, %c0_i32 : i32, i32
  }
  func.func @transform_3(%arg0: i32) -> (i32, i32) {
    %c0_i32 = arith.constant 0 : i32
    %c0_i32_0 = arith.constant 0 : i32
    return %arg0, %c0_i32 : i32, i32
  }
}

module attributes {stable_mosaic.version = 14 : i64} {
  func.func @_tc_mid_body(%arg0: i32, %arg1: memref<2x2000x128xf32, #tpu.memory_space<vmem>>, %arg2: memref<2000x128xf32, #tpu.memory_space<vmem>>, %arg3: memref<2000x128xf32, #tpu.memory_space<vmem>>, %arg4: memref<1x128xf32, #tpu.memory_space<vmem>>, %arg5: memref<128x128xf32, #tpu.memory_space<vmem>>, %arg6: memref<2000x128xf32, #tpu.memory_space<vmem>>) attributes {dimension_semantics = [#tpu.dimension_semantics<arbitrary>], iteration_bounds = array<i64: 5>, scalar_prefetch = 0 : i64, scratch_operands = 0 : i64, tpu.core_type = #tpu.core_type<tc>, window_params = [{transform_indices = @transform_0, window_bounds = array<i64: 2, 2000, 128>}, {transform_indices = @transform_1, window_bounds = array<i64: 2000, 128>}, {transform_indices = @transform_2, window_bounds = array<i64: 2000, 128>}, {pipeline_mode = #tpu.pipeline_mode<synchronous>, transform_indices = @transform_3, window_bounds = array<i64: 1, 128>}, {pipeline_mode = #tpu.pipeline_mode<synchronous>, transform_indices = @transform_4, window_bounds = array<i64: 128, 128>}, {transform_indices = @transform_5, window_bounds = array<i64: 2000, 128>}]} {
    %get3A = arith.constant 0 : index
    %get3A_0 = arith.constant 0 : index
    %get3A_1 = vector.load %arg3[%get3A, %get3A_0] : memref<2000x128xf32, #tpu.memory_space<vmem>>, vector<2000x128xf32>
    %get3A_2 = arith.constant 0 : index
    %get3A_3 = arith.constant 0 : index
    %get3A_4 = arith.constant 0 : index
    %get3A_5 = vector.load %arg1[%get3A_2, %get3A_3, %get3A_4] : memref<2x2000x128xf32, #tpu.memory_space<vmem>>, vector<1x2000x128xf32>
    %get3A_6 = vector.shape_cast %get3A_5 : vector<1x2000x128xf32> to vector<2000x128xf32>
    %get3A_7 = arith.constant 1 : index
    %get3A_8 = arith.constant 0 : index
    %get3A_9 = arith.constant 0 : index
    %get3A_10 = vector.load %arg1[%get3A_7, %get3A_8, %get3A_9] : memref<2x2000x128xf32, #tpu.memory_space<vmem>>, vector<1x2000x128xf32>
    %get3A_11 = vector.shape_cast %get3A_10 : vector<1x2000x128xf32> to vector<2000x128xf32>
    %add3A = arith.addf %get3A_6, %get3A_11 : vector<2000x128xf32>
    %get3A_12 = arith.constant 0 : index
    %get3A_13 = arith.constant 0 : index
    %get3A_14 = vector.load %arg2[%get3A_12, %get3A_13] : memref<2000x128xf32, #tpu.memory_space<vmem>>, vector<2000x128xf32>
    %add3A_15 = arith.addf %add3A, %get3A_14 : vector<2000x128xf32>
    %mul3A = arith.mulf %get3A_1, %add3A_15 : vector<2000x128xf32>
    %get3A_16 = arith.constant 0 : index
    %get3A_17 = arith.constant 0 : index
    %get3A_18 = vector.load %arg4[%get3A_16, %get3A_17] : memref<1x128xf32, #tpu.memory_space<vmem>>, vector<1x128xf32>
    %add3A_19 = vector.broadcast %get3A_18 : vector<1x128xf32> to vector<2000x128xf32>
    %add3A_20 = arith.addf %mul3A, %add3A_19 : vector<2000x128xf32>
    %max3A = arith.constant 0.000000e+00 : f32
    %max3A_21 = vector.broadcast %max3A : f32 to vector<2000x128xf32>
    %max3A_22 = arith.maximumf %add3A_20, %max3A_21 : vector<2000x128xf32>
    %get3A_23 = arith.constant 0 : index
    %get3A_24 = arith.constant 0 : index
    %get3A_25 = vector.load %arg5[%get3A_23, %get3A_24] : memref<128x128xf32, #tpu.memory_space<vmem>>, vector<128x128xf32>
    %dot_general3A = arith.constant dense<0.000000e+00> : vector<2000x128xf32>
    %dot_general3A_26 = tpu.matmul %max3A_22, %get3A_25, %dot_general3A {dimension_numbers = #tpu.dot_dimension_numbers<[1], [0], [0], [1], [0, 0, 1, 1], [], []>, transpose_lhs_hint = false} : vector<2000x128xf32>, vector<128x128xf32>, vector<2000x128xf32> -> vector<2000x128xf32>
    %mul3A_27 = arith.mulf %dot_general3A_26, %get3A_1 : vector<2000x128xf32>
    %swap3A = arith.constant 0 : index
    %swap3A_28 = arith.constant 0 : index
    %swap3A_29 = vector.load %arg6[%swap3A, %swap3A_28] : memref<2000x128xf32, #tpu.memory_space<vmem>>, vector<2000x128xf32>
    tpu.vector_store %arg6[%swap3A, %swap3A_28], %mul3A_27 {strides = array<i32>} : memref<2000x128xf32, #tpu.memory_space<vmem>>, vector<2000x128xf32>,
    return
  }
  func.func @transform_0(%arg0: i32) -> (i32, i32, i32) {
    %c0_i32 = arith.constant 0 : i32
    %c0_i32_0 = arith.constant 0 : i32
    %c0_i32_1 = arith.constant 0 : i32
    return %c0_i32, %arg0, %c0_i32_0 : i32, i32, i32
  }
  func.func @transform_1(%arg0: i32) -> (i32, i32) {
    %c0_i32 = arith.constant 0 : i32
    %c0_i32_0 = arith.constant 0 : i32
    return %arg0, %c0_i32 : i32, i32
  }
  func.func @transform_2(%arg0: i32) -> (i32, i32) {
    %c0_i32 = arith.constant 0 : i32
    %c0_i32_0 = arith.constant 0 : i32
    return %arg0, %c0_i32 : i32, i32
  }
  func.func @transform_3(%arg0: i32) -> (i32, i32) {
    %c0_i32 = arith.constant 0 : i32
    %c0_i32_0 = arith.constant 0 : i32
    %c0_i32_1 = arith.constant 0 : i32
    return %c0_i32, %c0_i32_0 : i32, i32
  }
  func.func @transform_4(%arg0: i32) -> (i32, i32) {
    %c0_i32 = arith.constant 0 : i32
    %c0_i32_0 = arith.constant 0 : i32
    %c0_i32_1 = arith.constant 0 : i32
    return %c0_i32, %c0_i32_0 : i32, i32
  }
  func.func @transform_5(%arg0: i32) -> (i32, i32) {
    %c0_i32 = arith.constant 0 : i32
    %c0_i32_0 = arith.constant 0 : i32
    return %arg0, %c0_i32 : i32, i32
  }
}

module attributes {stable_mosaic.version = 14 : i64} {
  func.func @_tc_head_body(%arg0: i32, %arg1: memref<2x2000x128xf32, #tpu.memory_space<vmem>>, %arg2: memref<2000x128xf32, #tpu.memory_space<vmem>>, %arg3: memref<2000x128xf32, #tpu.memory_space<vmem>>, %arg4: memref<1x128xf32, #tpu.memory_space<vmem>>, %arg5: memref<128x128xf32, #tpu.memory_space<vmem>>, %arg6: memref<1x128xf32, #tpu.memory_space<vmem>>, %arg7: memref<128x8xf32, #tpu.memory_space<vmem>>, %arg8: memref<1x8xf32, #tpu.memory_space<vmem>>, %arg9: memref<2000x8xf32, #tpu.memory_space<vmem>>) attributes {dimension_semantics = [#tpu.dimension_semantics<arbitrary>], iteration_bounds = array<i64: 5>, scalar_prefetch = 0 : i64, scratch_operands = 0 : i64, tpu.core_type = #tpu.core_type<tc>, window_params = [{transform_indices = @transform_0, window_bounds = array<i64: 2, 2000, 128>}, {transform_indices = @transform_1, window_bounds = array<i64: 2000, 128>}, {transform_indices = @transform_2, window_bounds = array<i64: 2000, 128>}, {pipeline_mode = #tpu.pipeline_mode<synchronous>, transform_indices = @transform_3, window_bounds = array<i64: 1, 128>}, {pipeline_mode = #tpu.pipeline_mode<synchronous>, transform_indices = @transform_4, window_bounds = array<i64: 128, 128>}, {pipeline_mode = #tpu.pipeline_mode<synchronous>, transform_indices = @transform_5, window_bounds = array<i64: 1, 128>}, {pipeline_mode = #tpu.pipeline_mode<synchronous>, transform_indices = @transform_6, window_bounds = array<i64: 128, 8>}, {pipeline_mode = #tpu.pipeline_mode<synchronous>, transform_indices = @transform_7, window_bounds = array<i64: 1, 8>}, {transform_indices = @transform_8, window_bounds = array<i64: 2000, 8>}]} {
    %get3A = arith.constant 0 : index
    %get3A_0 = arith.constant 0 : index
    %get3A_1 = vector.load %arg3[%get3A, %get3A_0] : memref<2000x128xf32, #tpu.memory_space<vmem>>, vector<2000x128xf32>
    %get3A_2 = arith.constant 0 : index
    %get3A_3 = arith.constant 0 : index
    %get3A_4 = arith.constant 0 : index
    %get3A_5 = vector.load %arg1[%get3A_2, %get3A_3, %get3A_4] : memref<2x2000x128xf32, #tpu.memory_space<vmem>>, vector<1x2000x128xf32>
    %get3A_6 = vector.shape_cast %get3A_5 : vector<1x2000x128xf32> to vector<2000x128xf32>
    %get3A_7 = arith.constant 1 : index
    %get3A_8 = arith.constant 0 : index
    %get3A_9 = arith.constant 0 : index
    %get3A_10 = vector.load %arg1[%get3A_7, %get3A_8, %get3A_9] : memref<2x2000x128xf32, #tpu.memory_space<vmem>>, vector<1x2000x128xf32>
    %get3A_11 = vector.shape_cast %get3A_10 : vector<1x2000x128xf32> to vector<2000x128xf32>
    %add3A = arith.addf %get3A_6, %get3A_11 : vector<2000x128xf32>
    %get3A_12 = arith.constant 0 : index
    %get3A_13 = arith.constant 0 : index
    %get3A_14 = vector.load %arg2[%get3A_12, %get3A_13] : memref<2000x128xf32, #tpu.memory_space<vmem>>, vector<2000x128xf32>
    %add3A_15 = arith.addf %add3A, %get3A_14 : vector<2000x128xf32>
    %mul3A = arith.mulf %get3A_1, %add3A_15 : vector<2000x128xf32>
    %get3A_16 = arith.constant 0 : index
    %get3A_17 = arith.constant 0 : index
    %get3A_18 = vector.load %arg4[%get3A_16, %get3A_17] : memref<1x128xf32, #tpu.memory_space<vmem>>, vector<1x128xf32>
    %add3A_19 = vector.broadcast %get3A_18 : vector<1x128xf32> to vector<2000x128xf32>
    %add3A_20 = arith.addf %mul3A, %add3A_19 : vector<2000x128xf32>
    %max3A = arith.constant 0.000000e+00 : f32
    %max3A_21 = vector.broadcast %max3A : f32 to vector<2000x128xf32>
    %max3A_22 = arith.maximumf %add3A_20, %max3A_21 : vector<2000x128xf32>
    %get3A_23 = arith.constant 0 : index
    %get3A_24 = arith.constant 0 : index
    %get3A_25 = vector.load %arg5[%get3A_23, %get3A_24] : memref<128x128xf32, #tpu.memory_space<vmem>>, vector<128x128xf32>
    %dot_general3A = arith.constant dense<0.000000e+00> : vector<2000x128xf32>
    %dot_general3A_26 = tpu.matmul %max3A_22, %get3A_25, %dot_general3A {dimension_numbers = #tpu.dot_dimension_numbers<[1], [0], [0], [1], [0, 0, 1, 1], [], []>, transpose_lhs_hint = false} : vector<2000x128xf32>, vector<128x128xf32>, vector<2000x128xf32> -> vector<2000x128xf32>
    %get3A_27 = arith.constant 0 : index
    %get3A_28 = arith.constant 0 : index
    %get3A_29 = vector.load %arg6[%get3A_27, %get3A_28] : memref<1x128xf32, #tpu.memory_space<vmem>>, vector<1x128xf32>
    %add3A_30 = vector.broadcast %get3A_29 : vector<1x128xf32> to vector<2000x128xf32>
    %add3A_31 = arith.addf %dot_general3A_26, %add3A_30 : vector<2000x128xf32>
    %max3A_32 = arith.constant 0.000000e+00 : f32
    %max3A_33 = vector.broadcast %max3A_32 : f32 to vector<2000x128xf32>
    %max3A_34 = arith.maximumf %add3A_31, %max3A_33 : vector<2000x128xf32>
    %get3A_35 = arith.constant 0 : index
    %get3A_36 = arith.constant 0 : index
    %get3A_37 = vector.load %arg7[%get3A_35, %get3A_36] : memref<128x8xf32, #tpu.memory_space<vmem>>, vector<128x8xf32>
    %dot_general3A_38 = arith.constant dense<0.000000e+00> : vector<2000x8xf32>
    %dot_general3A_39 = tpu.matmul %max3A_34, %get3A_37, %dot_general3A_38 {dimension_numbers = #tpu.dot_dimension_numbers<[1], [0], [0], [1], [0, 0, 1, 1], [], []>, transpose_lhs_hint = false} : vector<2000x128xf32>, vector<128x8xf32>, vector<2000x8xf32> -> vector<2000x8xf32>
    %get3A_40 = arith.constant 0 : index
    %get3A_41 = arith.constant 0 : index
    %get3A_42 = vector.load %arg8[%get3A_40, %get3A_41] : memref<1x8xf32, #tpu.memory_space<vmem>>, vector<1x8xf32>
    %add3A_43 = vector.broadcast %get3A_42 : vector<1x8xf32> to vector<2000x8xf32>
    %add3A_44 = arith.addf %dot_general3A_39, %add3A_43 : vector<2000x8xf32>
    %swap3A = arith.constant 0 : index
    %swap3A_45 = arith.constant 0 : index
    %swap3A_46 = vector.load %arg9[%swap3A, %swap3A_45] : memref<2000x8xf32, #tpu.memory_space<vmem>>, vector<2000x8xf32>
    tpu.vector_store %arg9[%swap3A, %swap3A_45], %add3A_44 {strides = array<i32>} : memref<2000x8xf32, #tpu.memory_space<vmem>>, vector<2000x8xf32>,
    return
  }
  func.func @transform_0(%arg0: i32) -> (i32, i32, i32) {
    %c0_i32 = arith.constant 0 : i32
    %c0_i32_0 = arith.constant 0 : i32
    %c0_i32_1 = arith.constant 0 : i32
    return %c0_i32, %arg0, %c0_i32_0 : i32, i32, i32
  }
  func.func @transform_1(%arg0: i32) -> (i32, i32) {
    %c0_i32 = arith.constant 0 : i32
    %c0_i32_0 = arith.constant 0 : i32
    return %arg0, %c0_i32 : i32, i32
  }
  func.func @transform_2(%arg0: i32) -> (i32, i32) {
    %c0_i32 = arith.constant 0 : i32
    %c0_i32_0 = arith.constant 0 : i32
    return %arg0, %c0_i32 : i32, i32
  }
  func.func @transform_3(%arg0: i32) -> (i32, i32) {
    %c0_i32 = arith.constant 0 : i32
    %c0_i32_0 = arith.constant 0 : i32
    %c0_i32_1 = arith.constant 0 : i32
    return %c0_i32, %c0_i32_0 : i32, i32
  }
  func.func @transform_4(%arg0: i32) -> (i32, i32) {
    %c0_i32 = arith.constant 0 : i32
    %c0_i32_0 = arith.constant 0 : i32
    %c0_i32_1 = arith.constant 0 : i32
    return %c0_i32, %c0_i32_0 : i32, i32
  }
  func.func @transform_5(%arg0: i32) -> (i32, i32) {
    %c0_i32 = arith.constant 0 : i32
    %c0_i32_0 = arith.constant 0 : i32
    %c0_i32_1 = arith.constant 0 : i32
    return %c0_i32, %c0_i32_0 : i32, i32
  }
  func.func @transform_6(%arg0: i32) -> (i32, i32) {
    %c0_i32 = arith.constant 0 : i32
    %c0_i32_0 = arith.constant 0 : i32
    %c0_i32_1 = arith.constant 0 : i32
    return %c0_i32, %c0_i32_0 : i32, i32
  }
  func.func @transform_7(%arg0: i32) -> (i32, i32) {
    %c0_i32 = arith.constant 0 : i32
    %c0_i32_0 = arith.constant 0 : i32
    %c0_i32_1 = arith.constant 0 : i32
    return %c0_i32, %c0_i32_0 : i32, i32
  }
  func.func @transform_8(%arg0: i32) -> (i32, i32) {
    %c0_i32 = arith.constant 0 : i32
    %c0_i32_0 = arith.constant 0 : i32
    return %arg0, %c0_i32 : i32, i32
  }
}

</mosaic_0001>

<sc_bundles>
// kernel: kernel.12.cloned.1.call-start
scs
__scs_entry_jumppad:
0x0: {  	(pc) =	sbr.rel $0x88, $3  }
0x1: {  	(tag) =	ssettag $0x0;
	lr =	simm.s32 $0x1  }
0x2: {  	[smem:$0x3F97] =	sst lr;
	_ =	strace $0xD0000000  }
0x3: {  	_ = 	snop  }
0x4: {  	_ = 	snop  }
0x5: {  	_ = 	snop  }
0x6: {  	_ = 	snop  }
0x7: {  	_ = 	snop  }
__scs_overlays_trampoline_lowered:
0x8: {  	[smem:$0x3FA6] =	sst s0  }
0x9: {  	[smem:$0x3FA7] =	sst s1  }
0xa: {  	[smem:$0x3FA8] =	sst s2  }
0xb: {  	[smem:$0x3FA9] =	sst s3  }
0xc: {  	[smem:$0x3FAA] =	sst s4  }
0xd: {  	[smem:$0x3FAB] =	sst s5  }
0xe: {  	[smem:$0x3FAC] =	sst s6  }
0xf: {  	[smem:$0x3FAD] =	sst s7  }
0x10: {  	[smem:$0x3FAE] =	sst s8  }
0x11: {  	[smem:$0x3FAF] =	sst s9;
	s0 =	simm.s32 @!p0 $0x0  }
0x12: {  	s1 =	sld [smem:$0x3F95];
	s0 =	simm.s32 @p0 $0x1  }
0x13: {  	[smem:$0x3FB0] =	sst s0;
	s0 =	simm.s32 @!p1 $0x0  }
0x14: {  	s2 =	sld [smem:$0x3F94];
	s0 =	simm.s32 @p1 $0x1  }
0x15: {  	[smem:$0x3FB1] =	sst s0;
	s0 =	simm.s32 @!p2 $0x0  }
0x16: {  	s3 =	sld [smem:$0x3FDB];
	s0 =	simm.s32 @p2 $0x1  }
0x17: {  	s4 =	simm.s32 $0x1BF5;
	[smem:$0x3FB3] =	sst s0  }
0x18: {  	s0 =	sld [smem:$0x3F96];
	_ =	swait.ge [sflag:s4], $0x0  }
0x19: {  	s7 =	sld [smem:$0x3F97]  }
0x1a: {  	s8 =	sadd.s32 $0xFFFFE003, lr  }
0x1b: {  	s9 =	sadd.s32 $0xFFFFFEF7, lr;
	s5 =	simm.s32 $0xFFFFFFFF;
	p2 =	slt.u32 s8, $0xFFFFF086  }
0x1c: {  	p1 =	slt.u32 s9, $0xF7A;
	s5 =	simm.s32 @!p2 $0x0  }
0x1d: {  	s5 =	simm.s32 @p1 $0x1;
	p0 =	seq.s32 s7, s2  }
0x1e: {  	s7 =	smul.u32 @!p0 $0xF7A, s2;
	p2 =	seq.s32 @!p0 s5, $0x0  }
0x1f: {  	s9 =	smul.u32 $0xF7A, s1;
	s8 =	simm.s32 @!p0 $0x1BF5;
	p2 =	por !p2, p0  }
0x20: {  	[sflag:s8] =	ssyncset.s32 @!p0 $0xFFFFF086;
	s6 =	sadd.s32 @!p0 s3, s7;
	s7 =	simm.s32 @!p0 $0x108  }
0x21: {  	s3 =	sadd.s32 s3, s9;
	s6 =	sadd.s32 @!p0 $0x88, s6;
	s7 =	simm.s32 @p2 $0x1082  }
0x22: {  	[simem:s7], [sflag:s8] =	dma.local @!p0 [hbm:s6], $0xF7A  }
0x23: {  	s9 =	sor.u32 $0xD0000000, s2;
	s6 =	simm.s32 $0x108;
	_ =	swait.ge @!p0 [sflag:s8], $0x0  }
0x24: {  	s3 =	sadd.s32 $0x88, s3;
	s6 =	simm.s32 @!p1 $0x1082;
	[sflag:s4] =	ssyncset.s32 $0xFFFFF086  }
0x25: {  	[simem:s6], [sflag:s4] =	dma.local [hbm:s3], $0xF7A  }
0x26: {  	[smem:$0x3F97] =	sst s1;
	(tag) =	ssettag s2;
	_ =	strace s9  }
0x27: {  	s1 =	sld [smem:$0x3FA7]  }
0x28: {  	s2 =	sld [smem:$0x3FA8]  }
0x29: {  	s4 =	sld [smem:$0x3FAA]  }
0x2a: {  	p0 =	seq.s32 s5, $0x0;
	s5 =	sld [smem:$0x3FAB]  }
0x2b: {  	s6 =	sld [smem:$0x3FAC]  }
0x2c: {  	s7 =	sld [smem:$0x3FAD]  }
0x2d: {  	s3 =	simm.s32 $0x108;
	s8 =	sld [smem:$0x3FAE]  }
0x2e: {  	s3 =	simm.s32 @!p0 $0x1082;
	s9 =	sld [smem:$0x3FAF]  }
0x2f: {  	lr =	sadd.s32 s0, s3;
	s0 =	sld [smem:$0x3FA6]  }
0x30: {  	s3 =	sld [smem:$0x3FA9]  }
0x31: {  	[smem:$0x3FB2] =	sst s10  }
0x32: {  	s10 =	sld [smem:$0x3FB0];
	_ =	sdelay $0x3  }
0x33: {  	p0 =	seq.s32 s10, $0x1;
	s10 =	sld [smem:$0x3FB2];
	_ =	sdelay $0x3  }
0x34: {  	[smem:$0x3FB2] =	sst s10  }
0x35: {  	s10 =	sld [smem:$0x3FB1];
	_ =	sdelay $0x3  }
0x36: {  	p1 =	seq.s32 s10, $0x1;
	s10 =	sld [smem:$0x3FB2];
	_ =	sdelay $0x3  }
0x37: {  	[smem:$0x3FB2] =	sst s10  }
0x38: {  	s10 =	sld [smem:$0x3FB3]  }
0x39: {  	_ = 	snop;
	(pc) =	sbr.ind lr, $3  }
0x3a: {  	_ = 	snop  }
0x3b: {  	_ = 	snop  }
0x3c: {  	p2 =	seq.s32 s10, $0x1;
	s10 =	sld [smem:$0x3FB2]  }
0x3d: {  	_ =	shalt  }
0x3e: {  	_ =	shalt  }
0x3f: {  	_ =	shalt  }
0x40: {  	_ =	shalt  }
0x41: {  	_ =	shalt  }
0x42: {  	_ =	shalt  }
0x43: {  	_ =	shalt  }
0x44: {  	_ =	shalt  }
0x45: {  	_ =	shalt  }
0x46: {  	_ =	shalt  }
0x47: {  	_ =	shalt  }
0x48: {  	_ =	shalt  }
0x49: {  	_ =	shalt  }
0x4a: {  	_ =	shalt  }
0x4b: {  	_ =	shalt  }
0x4c: {  	_ =	shalt  }
0x4d: {  	_ =	shalt  }
0x4e: {  	_ =	shalt  }
0x4f: {  	_ =	shalt  }
0x50: {  	_ =	shalt  }
0x51: {  	_ =	shalt  }
0x52: {  	_ =	shalt  }
0x53: {  	_ =	shalt  }
0x54: {  	_ =	shalt  }
0x55: {  	_ =	shalt  }
0x56: {  	_ =	shalt  }
0x57: {  	_ =	shalt  }
0x58: {  	_ =	shalt  }
0x59: {  	_ =	shalt  }
0x5a: {  	_ =	shalt  }
0x5b: {  	_ =	shalt  }
0x5c: {  	_ =	shalt  }
0x5d: {  	_ =	shalt  }
0x5e: {  	_ =	shalt  }
0x5f: {  	_ =	shalt  }
0x60: {  	_ =	shalt  }
0x61: {  	_ =	shalt  }
0x62: {  	_ =	shalt  }
0x63: {  	_ =	shalt  }
0x64: {  	_ =	shalt  }
0x65: {  	_ =	shalt  }
0x66: {  	_ =	shalt  }
0x67: {  	_ =	shalt  }
0x68: {  	_ =	shalt  }
0x69: {  	_ =	shalt  }
0x6a: {  	_ =	shalt  }
0x6b: {  	_ =	shalt  }
0x6c: {  	_ =	shalt  }
0x6d: {  	_ =	shalt  }
0x6e: {  	_ =	shalt  }
0x6f: {  	_ =	shalt  }
0x70: {  	_ =	shalt  }
0x71: {  	_ =	shalt  }
0x72: {  	_ =	shalt  }
0x73: {  	_ =	shalt  }
0x74: {  	_ =	shalt  }
0x75: {  	_ =	shalt  }
0x76: {  	_ =	shalt  }
0x77: {  	_ =	shalt  }
0x78: {  	_ =	shalt  }
0x79: {  	_ =	shalt  }
0x7a: {  	_ =	shalt  }
0x7b: {  	_ =	shalt  }
0x7c: {  	_ =	shalt  }
0x7d: {  	_ =	shalt  }
0x7e: {  	_ =	shalt  }
0x7f: {  	_ =	shalt  }
0x80: {  	_ =	shalt  }
0x81: {  	_ =	shalt  }
0x82: {  	_ =	shalt  }
0x83: {  	_ =	shalt  }
0x84: {  	_ =	shalt  }
0x85: {  	_ =	shalt  }
0x86: {  	_ =	shalt  }
0x87: {  	_ =	shalt  }
.Lfunc_end0:
.L_simem_size_0:
called_computation.1_lowered:
.L_overlay_start_0:
0x88: {  	s2 =	sld [smem:$0x3FD9]  }
0x89: {  	s3 =	sld [smem:$0x3FFE];
	_ =	sdelay $0x1  }
0x8a: {  	s1 =	srdreg.scid  }
0x8b: {  	s0 =	sand.u32 $0x1, s1  }
0x8c: {  	s16 =	sshll.u32 s0, $0xA;
	s2 =	sadd.s32 s3, s2  }
0x8d: {  	s2 =	sadd.s32 s2, s16  }
0x8e: {  	[smem:$0x3FBE] =	sst s2  }
0x8f: {  	_ = 	snop  }
0x90: {  	(tm) =	ssettm $0x1  }
0x91: {  	s17 =	sld [smem:$0x3FFB];
	_ =	sdelay $0x3  }
0x92: {  	_ =	strace s17  }
0x93: {  	s2 =	sld [smem:$0x3FFC];
	_ =	sdelay $0x3  }
0x94: {  	_ =	strace s2  }
0x95: {  	s2 =	sld [smem:$0x3FFD];
	_ =	sdelay $0x3  }
0x96: {  	_ =	strace s2  }
0x97: {  	_ =	strace $0x8FFFFFFF  }
0x98: {  	s18 =	sld [smem:$0x3FDB];
	_ =	sdelay $0x1  }
0x99: {  	s19 =	simm.s32 $_scs_section_size  }
0x9a: {  	s4 =	simm.s32 $_size__tile_overlayer_lowered;
	s5 =	simm.s32 $_tile_overlayer_lowered  }
0x9b: {  	s22 =	simm.s32 $0x1BFF;
	s21 =	sshll.u32 s5, $0x1;
	s2 =	sadd.s32 s19, s18  }
0x9c: {  	s6 =	simm.s32 $0x0;
	s20 =	sshll.u32 s4, $0x1;
	s4 =	sadd.s32 s21, s2  }
0x9d: {  	[timem:s6], [sflag:s22] =	dma.local [hbm:s4], s20  }
0x9e: {  	_ =	swait.ge [sflag:s22], s20  }
0x9f: {  	s3 =	ssub.s32 $0x0, s20;
	[sflag:s22] =	ssyncset.done $0x0  }
0xa0: {  	[sflag:s22] =	ssyncadd.s32 s3;
	_ =	sdelay $0x1  }
0xa1: {  	s23 =	simm.s32 $0x1B8B  }
0xa2: {  	_ =	swait.ge [sflag:s23], $0x1  }
0xa3: {  	[sflag:s23] =	ssyncset.done $0x0  }
0xa4: {  	s25 =	simm.s32 $0x1B8E;
	s24 =	sld [smem:$0x3FFE];
	[sflag:s23] =	ssyncadd.s32 $0xFFFFFFFF  }
0xa5: {  	s26 =	simm.s32 $execute0_lowered;
	[smem:$0x3FD2] =	sst s25  }
0xa6: {  	s4 =	sshll.u32 s26, $0x1;
	_ =	strace $0x80000049;
	[dreg:$0x1] =	wrdreg $0xFFFFFFFF  }
0xa7: {  	s28 =	simm.s32 $_size_execute0_lowered;
	s2 =	sadd.s32 s2, s4;
	[dreg:$0x0] =	wrdreg $0x0  }
0xa8: {  	s4 =	sshll.u32 s28, $0x1;
	[dreg:$0x2] =	wrdreg s2  }
0xa9: {  	[dreg:$0x3] =	wrdreg s4  }
0xaa: {  	[dreg:$0x4] =	wrdreg $0xC0  }
0xab: {  	_ =	task [dreg:s6], $0x5FFFF  }
0xac: {  	[dreg:$0x1] =	wrdreg $0xFFFFFFFF  }
0xad: {  	[dreg:$0x0] =	wrdreg $0x60  }
0xae: {  	[dreg:$0x2] =	wrdreg s24  }
0xaf: {  	[dreg:$0x3] =	wrdreg $0x0  }
0xb0: {  	[dreg:$0x4] =	wrdreg $0x9  }
0xb1: {  	_ =	task.clear_ibuf [dreg:s6], $0x5FFFF;
	_ =	strace $0x90000049  }
0xb2: {  	s29 =	simm.s32 $0x9;
	_ =	strace $0x8000004B  }
0xb3: {  	_ =	swait.ge [sflag:s29], $0x1  }
0xb4: {  	[sflag:s29] =	ssyncadd.s32 $0xFFFFFFFF  }
0xb5: {  	_ =	strace $0x9000004B  }
0xb6: {  	_ =	sfence  }
0xb7: {  	s30 =	sld [smem:$0x0];
	_ =	sdelay $0x2  }
0xb8: {  	s31 =	sshll.u32 s1, $0xD;
	s1 =	sshrl.u32 s1, $0x2  }
0xb9: {  	s3 =	sand.u32 $0x4000, s31;
	s1 =	sadd.s32 s1, s30  }
0xba: {  	s0 =	sor.u32 s3, s0;
	s1 =	sshll.u32 s1, $0x11  }
0xbb: {  	s0 =	sor.u32 s1, s0  }
0xbc: {  	s0 =	sadd.s32 $0x8F2B, s0  }
0xbd: {  	[sflag:s0] =	ssyncadd.remote.s32 $0x1  }
0xbe: {  	_ =	sfence.sel $0xFFFF  }
0xbf: {  	[dreg:$0x0] =	wrdreg $0xFFFFFFFF;
	(pc) =	sbr.abs _section_cstart, $3  }
0xc0: {  	[dreg:$0x1] =	wrdreg $0xFFFFFFFF  }
0xc1: {  	_ =	task.clear_ibuf [dreg:s6], $0x2FFFF;
	_ =	strace $0x9FFFFFFF  }
0xc2: {  	(tm) =	ssettm $0x7FFFFFFF  }
0xc3: {  	_ =	shalt  }
tec
execute0_lowered:
.L_overlay_start_1:
0x0: {  	(tag) =	ssettag $0x1  }
0x1: {  	s0 =	srdreg.scid;
	s5 =	rddreg [dreg:$0x0]  }
0x2: {  	s28 =	stileid.u32;
	s2 =	rddreg [dreg:$0x1];
	s3 =	simm.s32 $0x0  }
0x3: {  	s29 =	simm.s32 $0x1;
	s30 =	simm.s32 $0x13C80;
	s31 =	simm.s32 $0x5  }
0x4: {  	s0 =	sand.u32 $0x1, s0;
	s6 =	smul.u32 $0x50, s28;
	[smem:$0x7FF] =	sst s3  }
0x5: {  	s4 =	sadd.s32 $0x16E00, s5;
	s8 =	sadd.s32 $0x3E000, s5;
	s10 =	smul.u32 $0x2800, s28  }
0x6: {  	s12 =	smul.u32 $0xA000, s28;
	p0 =	sgt.u32 s28, $0xC;
	s1 =	sshll.u32 s0, $0x4  }
0x7: {  	_ =	strace $0x8000004A;
	s21 =	ssub.s32 $0x2, s0;
	s0 =	smul.u32 $0x138800, s0  }
0x8: {  	s1 =	sor.u32 s28, s1;
	s7 =	ssub.s32 $0x2C00, s6;
	s9 =	sshrl.u32 s21, $0x1  }
0x9: {  	s6 =	sshll.u32 s6, $0x7;
	s28 =	simm.s32 $0x16480;
	s1 =	smul.u32 $0x2800, s1  }
0xa: {  	s7 =	smul.u32 $0xCCD, s7;
	s9 =	ssub.s32 s21, s9;
	s10 =	sadd.s32 s10, s0  }
0xb: {  	s13 =	sadd.s32 $0x78000, s6;
	s14 =	sadd.s32 $0xA0000, s6;
	s17 =	sadd.s32 $0xC8000, s6  }
0xc: {  	s10 =	sshrl.u32 s10, $0x3;
	s15 =	sadd.s32 s0, s13;
	s16 =	sadd.s32 s0, s14  }
0xd: {  	s19 =	sadd.s32 s0, s17;
	s1 =	sshrl.u32 s1, $0x3;
	s10 =	sadd.s32 s8, s10  }
0xe: {  	s25 =	sshrl.u32 s15, $0x3;
	s26 =	sshrl.u32 s16, $0x3;
	s15 =	sshrl.u32 s19, $0x3  }
0xf: {  	s1 =	sadd.s32 s1, s5;
	s5 =	sshrl.u32 s7, $0x16;
	s7 =	sadd.s32 $0x28000, s6  }
0x10: {  	[dreg:$0x4] =	wrdreg s10;
	s10 =	sadd.s32 $0x50000, s6;
	s16 =	sadd.s32 s8, s26  }
0x11: {  	s15 =	sadd.s32 s8, s15;
	s26 =	sshrl.u32 s12, $0x2;
	s12 =	simm.s32 $0x16400  }
0x12: {  	s11 =	sadd.s32 $0x2E00, s1;
	s22 =	sadd.s32 s0, s7;
	[dreg:$0x8] =	wrdreg s16  }
0x13: {  	s24 =	sadd.s32 s0, s10;
	[dreg:$0x9] =	wrdreg s15;
	s18 =	sadd.s32 s26, s2  }
0x14: {  	s19 =	sadd.s32 s7, s2;
	s26 =	smax.u32 s9, $0x1;
	s7 =	simm.s32 $0x1A480  }
0x15: {  	s9 =	simm.s32 $0x3;
	[dreg:$0x3] =	wrdreg s11;
	s11 =	sshrl.u32 s22, $0x3  }
0x16: {  	s22 =	sadd.s32 $0xCE00, s1;
	s23 =	sadd.s32 s8, s11;
	s11 =	sshrl.u32 s24, $0x3  }
0x17: {  	s24 =	sadd.s32 $0xF0000, s6;
	s6 =	sadd.s32 $0x118000, s6;
	[dreg:$0xc] =	wrdreg s22  }
0x18: {  	s22 =	sadd.s32 s14, s2;
	[dreg:$0x5] =	wrdreg s23;
	s11 =	sadd.s32 s8, s11  }
0x19: {  	s20 =	sadd.s32 s0, s24;
	s0 =	sadd.s32 s0, s6;
	s23 =	sadd.s32 $0x3080, s1  }
0x1a: {  	s24 =	sadd.s32 s24, s2;
	[dreg:$0x6] =	wrdreg s11;
	s11 =	sadd.s32 s8, s25  }
0x1b: {  	s21 =	sshrl.u32 s20, $0x3;
	s0 =	sshrl.u32 s0, $0x3;
	[dreg:$0xd] =	wrdreg s23  }
0x1c: {  	s25 =	sadd.s32 $0xD080, s1;
	s20 =	sadd.s32 s10, s2;
	s23 =	sadd.s32 s17, s2  }
0x1d: {  	s1 =	simm.s32 $0x15080;
	s10 =	simm.s32 $0x4;
	[dreg:$0x7] =	wrdreg s11  }
0x1e: {  	s15 =	sadd.s32 s8, s21;
	s0 =	sadd.s32 s8, s0;
	[dreg:$0xe] =	wrdreg s25  }
0x1f: {  	s21 =	sadd.s32 s13, s2;
	s25 =	sadd.s32 s6, s2;
	s6 =	simm.s32 $0x13D00  }
0x20: {  	s8 =	simm.s32 $0x2;
	s11 =	simm.s32 $0x16380;
	[dreg:$0xa] =	wrdreg s15  }
0x21: {  	v0 =	vimm.f32 $0.0e+00;
	s13 =	simm.s32 $0x0;
	[dreg:$0xb] =	wrdreg s0;
	s0 =	simm.s32 $0x80  }
.LBB2_1:
0x22: {  	s14 =	simm.s32 $0x70;
	s15 =	simm.s32 $0x3C0  }
.LBB2_2:
0x23: {  	p1 =	sne.s32 s15, $0x9FC0;
	[tilespmem:s14+$0x16480] =	vst v0  }
0x24: {  	[tilespmem:s14+$0x16410] =	vst v0  }
0x25: {  	[tilespmem:s14+$0x16420] =	vst v0  }
.Ltmp0:
0x26: {  	[tilespmem:s14+$0x16430] =	vst v0;
	(pc) =	sbr.rel @p1 .LBB2_2-.Ltmp0, $4  }
0x27: {  	[tilespmem:s14+$0x16440] =	vst v0  }
0x28: {  	[tilespmem:s14+$0x16450] =	vst v0  }
0x29: {  	[tilespmem:s14+$0x16460] =	vst v0  }
0x2a: {  	[tilespmem:s14+$0x16470] =	vst v0;
	s14 =	sshra.s32 s15, $0x2;
	s15 =	sadd.s32 $0x200, s15  }
0x2b: {  	[tilespmem:s14+$0x16480] =	vst v0  }
0x2c: {  	[tilespmem:s14+$0x16410] =	vst v0  }
0x2d: {  	[tilespmem:s14+$0x16420] =	vst v0  }
0x2e: {  	[tilespmem:s14+$0x16430] =	vst v0;
	p1 =	sne.s32 s5, $0x1  }
.Ltmp1:
0x2f: {  	[tilespmem:s14+$0x16440] =	vst v0;
	(pc) =	sbr.rel @!p1 .LBB2_5-.Ltmp1, $4  }
0x30: {  	[tilespmem:s14+$0x16450] =	vst v0  }
0x31: {  	[tilespmem:s14+$0x16460] =	vst v0  }
0x32: {  	[tilespmem:s14+$0x16470] =	vst v0;
	s14 =	sadd.s32 $0xFFFFFFFF, s5;
	s15 =	smov.u32 s18  }
0x33: {  	[spmem:s18] =	stream.linear.scatter [tilespmem:s28], [sflag:$0x1], $0x2800, $0x38;
	[tilespmem:$0x1E480] =	vst v63  }
.LBB2_4:
0x34: {  	p2 =	sne.s32 s14, $0x1  }
.Ltmp2:
0x35: {  	_ = 	snop;
	(pc) =	sbr.rel @p2 .LBB2_4-.Ltmp2, $3  }
0x36: {  	_ = 	snop  }
0x37: {  	s14 =	sadd.s32 $0xFFFFFFFF, s14;
	s15 =	sadd.s32 $0x28000, s15;
	_ =	sdelay $0x1  }
0x38: {  	[spmem:s15] =	stream.linear.scatter [tilespmem:s28], [sflag:$0x1], $0x2800, $0x38;
	[tilespmem:$0x1E480] =	vst v63  }
.LBB2_5:
.Ltmp3:
0x39: {  	(pc) =	sbr.rel @!p1 .LBB2_7-.Ltmp3, $3  }
0x3a: {  	_ =	sdelay $0x1  }
0x3b: {  	_ =	swait.ge [sflag:s29], $0x2800  }
0x3c: {  	s14 =	sadd.s32 $0xFFFFFFFF, s5;
	[sflag:s29] =	ssyncset.done $0x0  }
.LBB2_6:
0x3d: {  	p1 =	sne.s32 s14, $0x1;
	s14 =	sadd.s32 $0xFFFFFFFF, s14;
	[sflag:s29] =	ssyncadd.s32 $0xFFFFD800  }
.Ltmp4:
0x3e: {  	(pc) =	sbr.rel @p1 .LBB2_6-.Ltmp4, $3  }
0x3f: {  	_ =	sdelay $0x1  }
0x40: {  	_ =	swait.ge [sflag:s29], $0x2800  }
0x41: {  	[sflag:s29] =	ssyncset.done $0x0  }
.LBB2_7:
0x42: {  	[sflag:s29] =	ssyncadd.s32 $0xFFFFD800  }
0x43: {  	[bflag:$0x0] =	sbarrier.arrive $0xFFFF  }
0x44: {  	s14 =	simm.s32 $0x0;
	s15 =	rddreg [dreg:$0x3]  }
0x45: {  	[tilespmem:s30], [sflag:$0x5] =	stream.linear.gather [hbm4b:s15+s14], $0x1400, $0x38;
	[tilespmem:$0x1E480] =	vst v63  }
0x46: {  	_ =	swait.ge [sflag:s31], $0x1400  }
0x47: {  	[sflag:s31] =	ssyncset.done $0x0  }
0x48: {  	s17 =	rddreg [dreg:$0xc];
	[sflag:s31] =	ssyncadd.s32 $0xFFFFEC00  }
0x49: {  	[tilespmem:s1], [sflag:$0x5] =	stream.linear.gather [hbm4b:s17+s14], $0x1400, $0x38;
	[tilespmem:$0x1E480] =	vst v63  }
0x4a: {  	_ =	swait.ge [sflag:s31], $0x1400  }
0x4b: {  	[sflag:s31] =	ssyncset.done $0x0  }
0x4c: {  	[sflag:s31] =	ssyncadd.s32 $0xFFFFEC00  }
0x4d: {  	[tilespmem:s28], [sflag:$0x1] =	stream.indirect.gather [hbm4b:s4+s0], $0x80, s30, s0, $0xb8;
	[tilespmem:$0x1E480] =	vst v63  }
0x4e: {  	_ = 	snop  }
0x4f: {  	[tilespmem:s7], [sflag:$0x2] =	stream.indirect.gather [hbm4b:s4+s0], $0x80, s6, s0, $0xb8;
	[tilespmem:$0x1E480] =	vst v63  }
0x50: {  	_ =	swait.ge [sflag:s29], $0x4000  }
0x51: {  	[sflag:s29] =	ssyncset.done $0x0  }
0x52: {  	s15 =	simm.s32 $0x15080;
	[sflag:s29] =	ssyncadd.s32 $0xFFFFC000  }
0x53: {  	[spmem:s2] =	stream.indirect.scatter.add.f32 [tilespmem:s28], [sflag:$0x3], $0x80, s15, s0, $0xb8;
	[tilespmem:$0x1E480] =	vst v63  }
0x54: {  	_ =	swait.ge [sflag:s8], $0x4000  }
0x55: {  	[sflag:s8] =	ssyncset.done $0x0  }
0x56: {  	[sflag:s8] =	ssyncadd.s32 $0xFFFFC000  }
0x57: {  	_ =	swait.ge [sflag:s9], $0x4000  }
0x58: {  	[sflag:s9] =	ssyncset.done $0x0  }
0x59: {  	s16 =	simm.s32 $0x15100;
	[sflag:s9] =	ssyncadd.s32 $0xFFFFC000  }
0x5a: {  	[spmem:s2] =	stream.indirect.scatter.add.f32 [tilespmem:s7], [sflag:$0x4], $0x80, s16, s0, $0xb8;
	[tilespmem:$0x1E480] =	vst v63  }
0x5b: {  	s17 =	simm.s32 $0x13D80  }
0x5c: {  	[tilespmem:s28], [sflag:$0x1] =	stream.indirect.gather [hbm4b:s4+s0], $0x80, s17, s0, $0xb8;
	[tilespmem:$0x1E480] =	vst v63  }
0x5d: {  	_ =	swait.ge [sflag:s10], $0x4000  }
0x5e: {  	[sflag:s10] =	ssyncset.done $0x0  }
0x5f: {  	s14 =	simm.s32 $0x400;
	s15 =	simm.s32 $0x13E00;
	[sflag:s10] =	ssyncadd.s32 $0xFFFFC000  }
.LBB2_8:
0x60: {  	[tilespmem:s7], [sflag:$0x2] =	stream.indirect.gather [hbm4b:s4+s0], $0x80, s15, s0, $0xb8;
	[tilespmem:$0x1E480] =	vst v63  }
0x61: {  	s15 =	smov.u32 s14  }
0x62: {  	p1 =	sne.s32 s14, $0x4800;
	s14 =	sadd.s32 $0x400, s14;
	_ =	swait.ge [sflag:s29], $0x4000  }
0x63: {  	s15 =	sshra.s32 s15, $0x2;
	[sflag:s29] =	ssyncset.done $0x0  }
0x64: {  	s16 =	sadd.s32 $0x15080, s15;
	[sflag:s29] =	ssyncadd.s32 $0xFFFFC000  }
0x65: {  	[spmem:s2] =	stream.indirect.scatter.add.f32 [tilespmem:s28], [sflag:$0x3], $0x80, s16, s0, $0xb8;
	[tilespmem:$0x1E480] =	vst v63  }
0x66: {  	_ =	swait.ge [sflag:s8], $0x4000  }
0x67: {  	[sflag:s8] =	ssyncset.done $0x0  }
0x68: {  	[sflag:s8] =	ssyncadd.s32 $0xFFFFC000  }
0x69: {  	_ =	swait.ge [sflag:s9], $0x4000  }
0x6a: {  	[sflag:s9] =	ssyncset.done $0x0  }
0x6b: {  	s16 =	sadd.s32 $0x15100, s15;
	[sflag:s9] =	ssyncadd.s32 $0xFFFFC000  }
0x6c: {  	[spmem:s2] =	stream.indirect.scatter.add.f32 [tilespmem:s7], [sflag:$0x4], $0x80, s16, s0, $0xb8;
	[tilespmem:$0x1E480] =	vst v63  }
.Ltmp5:
0x6d: {  	s16 =	sadd.s32 $0x13D80, s15;
	(pc) =	sbr.rel @p1 .LBB2_8-.Ltmp5, $4  }
0x6e: {  	[tilespmem:s28], [sflag:$0x1] =	stream.indirect.gather [hbm4b:s4+s0], $0x80, s16, s0, $0xb8;
	[tilespmem:$0x1E480] =	vst v63  }
0x6f: {  	_ =	swait.ge [sflag:s10], $0x4000  }
0x70: {  	[sflag:s10] =	ssyncset.done $0x0  }
0x71: {  	s15 =	sadd.s32 $0x13E00, s15;
	[sflag:s10] =	ssyncadd.s32 $0xFFFFC000  }
0x72: {  	[tilespmem:s7], [sflag:$0x2] =	stream.indirect.gather [hbm4b:s4+s0], $0x80, s15, s0, $0xb8;
	[tilespmem:$0x1E480] =	vst v63  }
0x73: {  	_ =	swait.ge [sflag:s29], $0x4000  }
0x74: {  	[sflag:s29] =	ssyncset.done $0x0  }
0x75: {  	[sflag:s29] =	ssyncadd.s32 $0xFFFFC000  }
0x76: {  	[spmem:s2] =	stream.indirect.scatter.add.f32 [tilespmem:s28], [sflag:$0x3], $0x80, s11, s0, $0xb8;
	[tilespmem:$0x1E480] =	vst v63  }
0x77: {  	_ =	swait.ge [sflag:s8], $0x4000  }
0x78: {  	[sflag:s8] =	ssyncset.done $0x0  }
0x79: {  	[sflag:s8] =	ssyncadd.s32 $0xFFFFC000  }
0x7a: {  	_ =	swait.ge [sflag:s9], $0x4000  }
0x7b: {  	[sflag:s9] =	ssyncset.done $0x0  }
0x7c: {  	[sflag:s9] =	ssyncadd.s32 $0xFFFFC000  }
0x7d: {  	[spmem:s2] =	stream.indirect.scatter.add.f32 [tilespmem:s7], [sflag:$0x4], $0x80, s12, s0, $0xb8;
	[tilespmem:$0x1E480] =	vst v63  }
0x7e: {  	_ =	swait.ge [sflag:s10], $0x4000  }
0x7f: {  	[sflag:s10] =	ssyncset.done $0x0  }
0x80: {  	s14 =	simm.s32 $0x0;
	s16 =	rddreg [dreg:$0xd];
	[sflag:s10] =	ssyncadd.s32 $0xFFFFC000  }
0x81: {  	[tilespmem:s30], [sflag:$0x5] =	stream.linear.gather [hbm4b:s16+s14], $0x1400, $0x38;
	[tilespmem:$0x1E480] =	vst v63  }
0x82: {  	_ =	swait.ge [sflag:s31], $0x1400  }
0x83: {  	[sflag:s31] =	ssyncset.done $0x0  }
0x84: {  	s17 =	rddreg [dreg:$0xe];
	[sflag:s31] =	ssyncadd.s32 $0xFFFFEC00  }
0x85: {  	[tilespmem:s1], [sflag:$0x5] =	stream.linear.gather [hbm4b:s17+s14], $0x1400, $0x38;
	[tilespmem:$0x1E480] =	vst v63  }
0x86: {  	_ =	swait.ge [sflag:s31], $0x1400  }
0x87: {  	[sflag:s31] =	ssyncset.done $0x0  }
0x88: {  	[sflag:s31] =	ssyncadd.s32 $0xFFFFEC00  }
0x89: {  	[tilespmem:s28], [sflag:$0x1] =	stream.indirect.gather [hbm4b:s4+s0], $0x80, s30, s0, $0xb8;
	[tilespmem:$0x1E480] =	vst v63  }
0x8a: {  	_ = 	snop  }
0x8b: {  	[tilespmem:s7], [sflag:$0x2] =	stream.indirect.gather [hbm4b:s4+s0], $0x80, s6, s0, $0xb8;
	[tilespmem:$0x1E480] =	vst v63  }
0x8c: {  	_ =	swait.ge [sflag:s29], $0x4000  }
0x8d: {  	[sflag:s29] =	ssyncset.done $0x0  }
0x8e: {  	s15 =	simm.s32 $0x15080;
	[sflag:s29] =	ssyncadd.s32 $0xFFFFC000  }
0x8f: {  	[spmem:s2] =	stream.indirect.scatter.add.f32 [tilespmem:s28], [sflag:$0x3], $0x80, s15, s0, $0xb8;
	[tilespmem:$0x1E480] =	vst v63  }
0x90: {  	_ =	swait.ge [sflag:s8], $0x4000  }
0x91: {  	[sflag:s8] =	ssyncset.done $0x0  }
0x92: {  	[sflag:s8] =	ssyncadd.s32 $0xFFFFC000  }
0x93: {  	_ =	swait.ge [sflag:s9], $0x4000  }
0x94: {  	[sflag:s9] =	ssyncset.done $0x0  }
0x95: {  	s16 =	simm.s32 $0x15100;
	[sflag:s9] =	ssyncadd.s32 $0xFFFFC000  }
0x96: {  	[spmem:s2] =	stream.indirect.scatter.add.f32 [tilespmem:s7], [sflag:$0x4], $0x80, s16, s0, $0xb8;
	[tilespmem:$0x1E480] =	vst v63  }
0x97: {  	s17 =	simm.s32 $0x13D80  }
0x98: {  	[tilespmem:s28], [sflag:$0x1] =	stream.indirect.gather [hbm4b:s4+s0], $0x80, s17, s0, $0xb8;
	[tilespmem:$0x1E480] =	vst v63  }
0x99: {  	_ =	swait.ge [sflag:s10], $0x4000  }
0x9a: {  	[sflag:s10] =	ssyncset.done $0x0  }
0x9b: {  	s14 =	simm.s32 $0x400;
	s15 =	simm.s32 $0x13E00;
	[sflag:s10] =	ssyncadd.s32 $0xFFFFC000  }
.LBB2_10:
0x9c: {  	[tilespmem:s7], [sflag:$0x2] =	stream.indirect.gather [hbm4b:s4+s0], $0x80, s15, s0, $0xb8;
	[tilespmem:$0x1E480] =	vst v63  }
0x9d: {  	s15 =	smov.u32 s14  }
0x9e: {  	p1 =	sne.s32 s14, $0x4800;
	s14 =	sadd.s32 $0x400, s14;
	_ =	swait.ge [sflag:s29], $0x4000  }
0x9f: {  	s15 =	sshra.s32 s15, $0x2;
	[sflag:s29] =	ssyncset.done $0x0  }
0xa0: {  	s16 =	sadd.s32 $0x15080, s15;
	[sflag:s29] =	ssyncadd.s32 $0xFFFFC000  }
0xa1: {  	[spmem:s2] =	stream.indirect.scatter.add.f32 [tilespmem:s28], [sflag:$0x3], $0x80, s16, s0, $0xb8;
	[tilespmem:$0x1E480] =	vst v63  }
0xa2: {  	_ =	swait.ge [sflag:s8], $0x4000  }
0xa3: {  	[sflag:s8] =	ssyncset.done $0x0  }
0xa4: {  	[sflag:s8] =	ssyncadd.s32 $0xFFFFC000  }
0xa5: {  	_ =	swait.ge [sflag:s9], $0x4000  }
0xa6: {  	[sflag:s9] =	ssyncset.done $0x0  }
0xa7: {  	s16 =	sadd.s32 $0x15100, s15;
	[sflag:s9] =	ssyncadd.s32 $0xFFFFC000  }
0xa8: {  	[spmem:s2] =	stream.indirect.scatter.add.f32 [tilespmem:s7], [sflag:$0x4], $0x80, s16, s0, $0xb8;
	[tilespmem:$0x1E480] =	vst v63  }
.Ltmp6:
0xa9: {  	s16 =	sadd.s32 $0x13D80, s15;
	(pc) =	sbr.rel @p1 .LBB2_10-.Ltmp6, $4  }
0xaa: {  	[tilespmem:s28], [sflag:$0x1] =	stream.indirect.gather [hbm4b:s4+s0], $0x80, s16, s0, $0xb8;
	[tilespmem:$0x1E480] =	vst v63  }
0xab: {  	_ =	swait.ge [sflag:s10], $0x4000  }
0xac: {  	[sflag:s10] =	ssyncset.done $0x0  }
0xad: {  	s15 =	sadd.s32 $0x13E00, s15;
	[sflag:s10] =	ssyncadd.s32 $0xFFFFC000  }
0xae: {  	[tilespmem:s7], [sflag:$0x2] =	stream.indirect.gather [hbm4b:s4+s0], $0x80, s15, s0, $0xb8;
	[tilespmem:$0x1E480] =	vst v63  }
0xaf: {  	_ =	swait.ge [sflag:s29], $0x4000  }
0xb0: {  	[sflag:s29] =	ssyncset.done $0x0  }
0xb1: {  	[sflag:s29] =	ssyncadd.s32 $0xFFFFC000  }
0xb2: {  	[spmem:s2] =	stream.indirect.scatter.add.f32 [tilespmem:s28], [sflag:$0x3], $0x80, s11, s0, $0xb8;
	[tilespmem:$0x1E480] =	vst v63  }
0xb3: {  	_ =	swait.ge [sflag:s8], $0x4000  }
0xb4: {  	[sflag:s8] =	ssyncset.done $0x0  }
0xb5: {  	[sflag:s8] =	ssyncadd.s32 $0xFFFFC000  }
0xb6: {  	_ =	swait.ge [sflag:s9], $0x4000  }
0xb7: {  	[sflag:s9] =	ssyncset.done $0x0  }
0xb8: {  	[sflag:s9] =	ssyncadd.s32 $0xFFFFC000  }
0xb9: {  	[spmem:s2] =	stream.indirect.scatter.add.f32 [tilespmem:s7], [sflag:$0x4], $0x80, s12, s0, $0xb8;
	[tilespmem:$0x1E480] =	vst v63  }
0xba: {  	_ =	swait.ge [sflag:s10], $0x4000  }
0xbb: {  	[sflag:s10] =	ssyncset.done $0x0  }
0xbc: {  	[sflag:s10] =	ssyncadd.s32 $0xFFFFC000  }
0xbd: {  	[bflag:$0x0] =	sbarrier.arrive $0xFFFF  }
0xbe: {  	[tilespmem:s28], [sflag:$0x5] =	stream.linear.gather [spmem:s18], $0x2800, $0x38;
	[tilespmem:$0x1E480] =	vst v63  }
0xbf: {  	_ =	swait.ge [sflag:s31], $0x2800  }
0xc0: {  	[sflag:s31] =	ssyncset.done $0x0  }
0xc1: {  	s14 =	rddreg [dreg:$0x4];
	[sflag:s31] =	ssyncadd.s32 $0xFFFFD800  }
0xc2: {  	[hbm4b:s14+s3] =	stream.linear.scatter [tilespmem:s28], [sflag:$0x1], $0x2800, $0x38;
	[tilespmem:$0x1E480] =	vst v63  }
0xc3: {  	_ = 	snop  }
0xc4: {  	[tilespmem:s7], [sflag:$0x5] =	stream.linear.gather [spmem:s19], $0x2800, $0x38;
	[tilespmem:$0x1E480] =	vst v63  }
0xc5: {  	_ =	swait.ge [sflag:s31], $0x2800  }
0xc6: {  	[sflag:s31] =	ssyncset.done $0x0  }
0xc7: {  	s15 =	rddreg [dreg:$0x5];
	[sflag:s31] =	ssyncadd.s32 $0xFFFFD800  }
0xc8: {  	[hbm4b:s15+s3] =	stream.linear.scatter [tilespmem:s7], [sflag:$0x2], $0x2800, $0x38;
	[tilespmem:$0x1E480] =	vst v63  }
0xc9: {  	_ =	swait.ge [sflag:s29], $0x2800  }
0xca: {  	[sflag:s29] =	ssyncset.done $0x0  }
0xcb: {  	[sflag:s29] =	ssyncadd.s32 $0xFFFFD800  }
0xcc: {  	[tilespmem:s28], [sflag:$0x5] =	stream.linear.gather [spmem:s20], $0x2800, $0x38;
	[tilespmem:$0x1E480] =	vst v63  }
0xcd: {  	_ =	swait.ge [sflag:s31], $0x2800  }
0xce: {  	[sflag:s31] =	ssyncset.done $0x0  }
0xcf: {  	s16 =	rddreg [dreg:$0x6];
	[sflag:s31] =	ssyncadd.s32 $0xFFFFD800  }
0xd0: {  	[hbm4b:s16+s3] =	stream.linear.scatter [tilespmem:s28], [sflag:$0x1], $0x2800, $0x38;
	[tilespmem:$0x1E480] =	vst v63  }
0xd1: {  	_ =	swait.ge [sflag:s8], $0x2800  }
0xd2: {  	[sflag:s8] =	ssyncset.done $0x0  }
0xd3: {  	[sflag:s8] =	ssyncadd.s32 $0xFFFFD800  }
0xd4: {  	[tilespmem:s7], [sflag:$0x5] =	stream.linear.gather [spmem:s21], $0x2800, $0x38;
	[tilespmem:$0x1E480] =	vst v63  }
0xd5: {  	_ =	swait.ge [sflag:s31], $0x2800  }
0xd6: {  	[sflag:s31] =	ssyncset.done $0x0  }
0xd7: {  	s17 =	rddreg [dreg:$0x7];
	[sflag:s31] =	ssyncadd.s32 $0xFFFFD800  }
0xd8: {  	[hbm4b:s17+s3] =	stream.linear.scatter [tilespmem:s7], [sflag:$0x2], $0x2800, $0x38;
	[tilespmem:$0x1E480] =	vst v63  }
0xd9: {  	_ =	swait.ge [sflag:s29], $0x2800  }
0xda: {  	[sflag:s29] =	ssyncset.done $0x0  }
0xdb: {  	[sflag:s29] =	ssyncadd.s32 $0xFFFFD800  }
0xdc: {  	[tilespmem:s28], [sflag:$0x5] =	stream.linear.gather [spmem:s22], $0x2800, $0x38;
	[tilespmem:$0x1E480] =	vst v63  }
0xdd: {  	_ =	swait.ge [sflag:s31], $0x2800  }
0xde: {  	[sflag:s31] =	ssyncset.done $0x0  }
0xdf: {  	s15 =	rddreg [dreg:$0x8];
	[sflag:s31] =	ssyncadd.s32 $0xFFFFD800  }
0xe0: {  	[hbm4b:s15+s3] =	stream.linear.scatter [tilespmem:s28], [sflag:$0x1], $0x2800, $0x38;
	[tilespmem:$0x1E480] =	vst v63  }
0xe1: {  	_ =	swait.ge [sflag:s8], $0x2800  }
0xe2: {  	[sflag:s8] =	ssyncset.done $0x0  }
0xe3: {  	[sflag:s8] =	ssyncadd.s32 $0xFFFFD800  }
0xe4: {  	[tilespmem:s7], [sflag:$0x5] =	stream.linear.gather [spmem:s23], $0x2800, $0x38;
	[tilespmem:$0x1E480] =	vst v63  }
0xe5: {  	_ =	swait.ge [sflag:s31], $0x2800  }
0xe6: {  	[sflag:s31] =	ssyncset.done $0x0  }
0xe7: {  	s16 =	rddreg [dreg:$0x9];
	[sflag:s31] =	ssyncadd.s32 $0xFFFFD800  }
0xe8: {  	[hbm4b:s16+s3] =	stream.linear.scatter [tilespmem:s7], [sflag:$0x2], $0x2800, $0x38;
	[tilespmem:$0x1E480] =	vst v63  }
0xe9: {  	_ =	swait.ge [sflag:s29], $0x2800  }
0xea: {  	[sflag:s29] =	ssyncset.done $0x0  }
0xeb: {  	[sflag:s29] =	ssyncadd.s32 $0xFFFFD800  }
0xec: {  	[tilespmem:s28], [sflag:$0x5] =	stream.linear.gather [spmem:s24], $0x2800, $0x38;
	[tilespmem:$0x1E480] =	vst v63  }
0xed: {  	_ =	swait.ge [sflag:s31], $0x2800  }
0xee: {  	[sflag:s31] =	ssyncset.done $0x0  }
0xef: {  	s14 =	simm.s32 @!p0 $0x2;
	s17 =	rddreg [dreg:$0xa];
	[sflag:s31] =	ssyncadd.s32 $0xFFFFD800  }
0xf0: {  	[hbm4b:s17+s3] =	stream.linear.scatter [tilespmem:s28], [sflag:$0x1], $0x2800, $0x38;
	[tilespmem:$0x1E480] =	vst v63  }
0xf1: {  	_ =	swait.ge @!p0 [sflag:s14], $0x2800  }
0xf2: {  	[sflag:s14] =	ssyncset.done @!p0 $0x0  }
0xf3: {  	s15 =	simm.s32 @!p0 $0x1A480;
	s16 =	simm.s32 @!p0 $0x5;
	[sflag:s14] =	ssyncadd.s32 @!p0 $0xFFFFD800  }
0xf4: {  	[tilespmem:s15], [sflag:$0x5] =	stream.linear.gather @!p0 [spmem:s25], $0x2800, $0x38;
	[tilespmem:$0x1E480] =	vst v63  }
0xf5: {  	_ =	swait.ge @!p0 [sflag:s16], $0x2800  }
0xf6: {  	[sflag:s16] =	ssyncset.done @!p0 $0x0  }
0xf7: {  	s17 =	rddreg [dreg:$0xb];
	[sflag:s16] =	ssyncadd.s32 @!p0 $0xFFFFD800;
	s16 =	simm.s32 @!p0 $0x0  }
0xf8: {  	[hbm4b:s17+s16] =	stream.linear.scatter @!p0 [tilespmem:s15], [sflag:$0x2], $0x2800, $0x38;
	[tilespmem:$0x1E480] =	vst v63  }
0xf9: {  	s13 =	sadd.s32 $0x1, s13;
	s15 =	simm.s32 @!p0 $0x1  }
0xfa: {  	p1 =	sne.s32 s13, s26;
	_ =	swait.ge @!p0 [sflag:s15], $0x2800  }
.Ltmp7:
0xfb: {  	[sflag:s15] =	ssyncset.done @!p0 $0x0;
	(pc) =	sbr.rel @p1 .LBB2_1-.Ltmp7, $4  }
0xfc: {  	s14 =	simm.s32 @p0 $0x1;
	[sflag:s15] =	ssyncadd.s32 @!p0 $0xFFFFD800  }
0xfd: {  	_ =	swait.ge [sflag:s14], $0x2800  }
0xfe: {  	[sflag:s14] =	ssyncset.done $0x0  }
0xff: {  	[sflag:s14] =	ssyncadd.s32 $0xFFFFD800  }
0x100: {  	_ =	sfence.sel $0x180000  }
0x101: {  	[bflag:$0x0] =	sbarrier.arrive $0xFFFF  }
0x102: {  	_ =	strace $0x9000004A  }
0x103: {  	s0 =	stileid.u32;
	[bflag:$0x2] =	sbarrier.arrive $0xFFFF  }
0x104: {  	p0 =	sne.s32 s0, $0x0;
	s0 =	rddreg [dreg:$0x2]  }
0x105: {  	s0 =	sadd.s32 @!p0 $0x100000, s0  }
0x106: {  	[sflag:s0] =	ssyncadd.tile.s32 @!p0 $0x1;
	_ =	shalt  }
.Lfunc_end2:
_tile_overlayer_lowered:
.L_overlay_start_2:
0x107: {  	(tag) =	ssettag $0x2  }
0x108: {  	s0 =	rddreg [dreg:$0x0];
	s2 =	stileid.u32  }
0x109: {  	s1 =	rddreg [dreg:$0x1];
	p0 =	sne.s32 s2, $0x0  }
0x10a: {  	s3 =	rddreg [dreg:$0x2];
	[bflag:$0x3] =	sbarrier.arrive $0xFFFF;
	s2 =	simm.s32 @!p0 $0x1C05  }
0x10b: {  	[timem:s3], [sflag:s2] =	dma.local @!p0 [hbm:s0], s1  }
0x10c: {  	s0 =	simm.s32 @!p0 $0x5  }
0x10d: {  	_ =	swait.ge @!p0 [sflag:s0], s1  }
0x10e: {  	s1 =	ssub.s32 @!p0 $0x0, s1;
	[sflag:s0] =	ssyncset.done @!p0 $0x0  }
0x10f: {  	[sflag:s0] =	ssyncadd.s32 @!p0 s1  }
0x110: {  	[bflag:$0x3] =	sbarrier.arrive $0xFFFF  }
0x111: {  	_ =	shalt  }

// kernel: kernel.15.cloned.1.call-start
scs
__scs_entry_jumppad:
0x0: {  	(pc) =	sbr.rel $0x88, $3  }
0x1: {  	(tag) =	ssettag $0x0;
	lr =	simm.s32 $0x1  }
0x2: {  	[smem:$0x3F97] =	sst lr;
	_ =	strace $0xD0000000  }
0x3: {  	_ = 	snop  }
0x4: {  	_ = 	snop  }
0x5: {  	_ = 	snop  }
0x6: {  	_ = 	snop  }
0x7: {  	_ = 	snop  }
__scs_overlays_trampoline_lowered:
0x8: {  	[smem:$0x3FA6] =	sst s0  }
0x9: {  	[smem:$0x3FA7] =	sst s1  }
0xa: {  	[smem:$0x3FA8] =	sst s2  }
0xb: {  	[smem:$0x3FA9] =	sst s3  }
0xc: {  	[smem:$0x3FAA] =	sst s4  }
0xd: {  	[smem:$0x3FAB] =	sst s5  }
0xe: {  	[smem:$0x3FAC] =	sst s6  }
0xf: {  	[smem:$0x3FAD] =	sst s7  }
0x10: {  	[smem:$0x3FAE] =	sst s8  }
0x11: {  	[smem:$0x3FAF] =	sst s9;
	s0 =	simm.s32 @!p0 $0x0  }
0x12: {  	s1 =	sld [smem:$0x3F95];
	s0 =	simm.s32 @p0 $0x1  }
0x13: {  	[smem:$0x3FB0] =	sst s0;
	s0 =	simm.s32 @!p1 $0x0  }
0x14: {  	s2 =	sld [smem:$0x3F94];
	s0 =	simm.s32 @p1 $0x1  }
0x15: {  	[smem:$0x3FB1] =	sst s0;
	s0 =	simm.s32 @!p2 $0x0  }
0x16: {  	s3 =	sld [smem:$0x3FDB];
	s0 =	simm.s32 @p2 $0x1  }
0x17: {  	s4 =	simm.s32 $0x1BF5;
	[smem:$0x3FB3] =	sst s0  }
0x18: {  	s0 =	sld [smem:$0x3F96];
	_ =	swait.ge [sflag:s4], $0x0  }
0x19: {  	s7 =	sld [smem:$0x3F97]  }
0x1a: {  	s8 =	sadd.s32 $0xFFFFE003, lr  }
0x1b: {  	s9 =	sadd.s32 $0xFFFFFEF7, lr;
	s5 =	simm.s32 $0xFFFFFFFF;
	p2 =	slt.u32 s8, $0xFFFFF086  }
0x1c: {  	p1 =	slt.u32 s9, $0xF7A;
	s5 =	simm.s32 @!p2 $0x0  }
0x1d: {  	s5 =	simm.s32 @p1 $0x1;
	p0 =	seq.s32 s7, s2  }
0x1e: {  	s7 =	smul.u32 @!p0 $0xF7A, s2;
	p2 =	seq.s32 @!p0 s5, $0x0  }
0x1f: {  	s9 =	smul.u32 $0xF7A, s1;
	s8 =	simm.s32 @!p0 $0x1BF5;
	p2 =	por !p2, p0  }
0x20: {  	[sflag:s8] =	ssyncset.s32 @!p0 $0xFFFFF086;
	s6 =	sadd.s32 @!p0 s3, s7;
	s7 =	simm.s32 @!p0 $0x108  }
0x21: {  	s3 =	sadd.s32 s3, s9;
	s6 =	sadd.s32 @!p0 $0x88, s6;
	s7 =	simm.s32 @p2 $0x1082  }
0x22: {  	[simem:s7], [sflag:s8] =	dma.local @!p0 [hbm:s6], $0xF7A  }
0x23: {  	s9 =	sor.u32 $0xD0000000, s2;
	s6 =	simm.s32 $0x108;
	_ =	swait.ge @!p0 [sflag:s8], $0x0  }
0x24: {  	s3 =	sadd.s32 $0x88, s3;
	s6 =	simm.s32 @!p1 $0x1082;
	[sflag:s4] =	ssyncset.s32 $0xFFFFF086  }
0x25: {  	[simem:s6], [sflag:s4] =	dma.local [hbm:s3], $0xF7A  }
0x26: {  	[smem:$0x3F97] =	sst s1;
	(tag) =	ssettag s2;
	_ =	strace s9  }
0x27: {  	s1 =	sld [smem:$0x3FA7]  }
0x28: {  	s2 =	sld [smem:$0x3FA8]  }
0x29: {  	s4 =	sld [smem:$0x3FAA]  }
0x2a: {  	p0 =	seq.s32 s5, $0x0;
	s5 =	sld [smem:$0x3FAB]  }
0x2b: {  	s6 =	sld [smem:$0x3FAC]  }
0x2c: {  	s7 =	sld [smem:$0x3FAD]  }
0x2d: {  	s3 =	simm.s32 $0x108;
	s8 =	sld [smem:$0x3FAE]  }
0x2e: {  	s3 =	simm.s32 @!p0 $0x1082;
	s9 =	sld [smem:$0x3FAF]  }
0x2f: {  	lr =	sadd.s32 s0, s3;
	s0 =	sld [smem:$0x3FA6]  }
0x30: {  	s3 =	sld [smem:$0x3FA9]  }
0x31: {  	[smem:$0x3FB2] =	sst s10  }
0x32: {  	s10 =	sld [smem:$0x3FB0];
	_ =	sdelay $0x3  }
0x33: {  	p0 =	seq.s32 s10, $0x1;
	s10 =	sld [smem:$0x3FB2];
	_ =	sdelay $0x3  }
0x34: {  	[smem:$0x3FB2] =	sst s10  }
0x35: {  	s10 =	sld [smem:$0x3FB1];
	_ =	sdelay $0x3  }
0x36: {  	p1 =	seq.s32 s10, $0x1;
	s10 =	sld [smem:$0x3FB2];
	_ =	sdelay $0x3  }
0x37: {  	[smem:$0x3FB2] =	sst s10  }
0x38: {  	s10 =	sld [smem:$0x3FB3]  }
0x39: {  	_ = 	snop;
	(pc) =	sbr.ind lr, $3  }
0x3a: {  	_ = 	snop  }
0x3b: {  	_ = 	snop  }
0x3c: {  	p2 =	seq.s32 s10, $0x1;
	s10 =	sld [smem:$0x3FB2]  }
0x3d: {  	_ =	shalt  }
0x3e: {  	_ =	shalt  }
0x3f: {  	_ =	shalt  }
0x40: {  	_ =	shalt  }
0x41: {  	_ =	shalt  }
0x42: {  	_ =	shalt  }
0x43: {  	_ =	shalt  }
0x44: {  	_ =	shalt  }
0x45: {  	_ =	shalt  }
0x46: {  	_ =	shalt  }
0x47: {  	_ =	shalt  }
0x48: {  	_ =	shalt  }
0x49: {  	_ =	shalt  }
0x4a: {  	_ =	shalt  }
0x4b: {  	_ =	shalt  }
0x4c: {  	_ =	shalt  }
0x4d: {  	_ =	shalt  }
0x4e: {  	_ =	shalt  }
0x4f: {  	_ =	shalt  }
0x50: {  	_ =	shalt  }
0x51: {  	_ =	shalt  }
0x52: {  	_ =	shalt  }
0x53: {  	_ =	shalt  }
0x54: {  	_ =	shalt  }
0x55: {  	_ =	shalt  }
0x56: {  	_ =	shalt  }
0x57: {  	_ =	shalt  }
0x58: {  	_ =	shalt  }
0x59: {  	_ =	shalt  }
0x5a: {  	_ =	shalt  }
0x5b: {  	_ =	shalt  }
0x5c: {  	_ =	shalt  }
0x5d: {  	_ =	shalt  }
0x5e: {  	_ =	shalt  }
0x5f: {  	_ =	shalt  }
0x60: {  	_ =	shalt  }
0x61: {  	_ =	shalt  }
0x62: {  	_ =	shalt  }
0x63: {  	_ =	shalt  }
0x64: {  	_ =	shalt  }
0x65: {  	_ =	shalt  }
0x66: {  	_ =	shalt  }
0x67: {  	_ =	shalt  }
0x68: {  	_ =	shalt  }
0x69: {  	_ =	shalt  }
0x6a: {  	_ =	shalt  }
0x6b: {  	_ =	shalt  }
0x6c: {  	_ =	shalt  }
0x6d: {  	_ =	shalt  }
0x6e: {  	_ =	shalt  }
0x6f: {  	_ =	shalt  }
0x70: {  	_ =	shalt  }
0x71: {  	_ =	shalt  }
0x72: {  	_ =	shalt  }
0x73: {  	_ =	shalt  }
0x74: {  	_ =	shalt  }
0x75: {  	_ =	shalt  }
0x76: {  	_ =	shalt  }
0x77: {  	_ =	shalt  }
0x78: {  	_ =	shalt  }
0x79: {  	_ =	shalt  }
0x7a: {  	_ =	shalt  }
0x7b: {  	_ =	shalt  }
0x7c: {  	_ =	shalt  }
0x7d: {  	_ =	shalt  }
0x7e: {  	_ =	shalt  }
0x7f: {  	_ =	shalt  }
0x80: {  	_ =	shalt  }
0x81: {  	_ =	shalt  }
0x82: {  	_ =	shalt  }
0x83: {  	_ =	shalt  }
0x84: {  	_ =	shalt  }
0x85: {  	_ =	shalt  }
0x86: {  	_ =	shalt  }
0x87: {  	_ =	shalt  }
.Lfunc_end0:
.L_simem_size_0:
called_computation.2_lowered:
.L_overlay_start_0:
0x88: {  	s2 =	sld [smem:$0x3FD9]  }
0x89: {  	s3 =	sld [smem:$0x3FFE];
	_ =	sdelay $0x1  }
0x8a: {  	s1 =	srdreg.scid  }
0x8b: {  	s0 =	sand.u32 $0x1, s1  }
0x8c: {  	s16 =	sshll.u32 s0, $0xA;
	s2 =	sadd.s32 s3, s2  }
0x8d: {  	s2 =	sadd.s32 s2, s16  }
0x8e: {  	[smem:$0x3FBE] =	sst s2  }
0x8f: {  	_ = 	snop  }
0x90: {  	(tm) =	ssettm $0x1  }
0x91: {  	s17 =	sld [smem:$0x3FFB];
	_ =	sdelay $0x3  }
0x92: {  	_ =	strace s17  }
0x93: {  	s2 =	sld [smem:$0x3FFC];
	_ =	sdelay $0x3  }
0x94: {  	_ =	strace s2  }
0x95: {  	s2 =	sld [smem:$0x3FFD];
	_ =	sdelay $0x3  }
0x96: {  	_ =	strace s2  }
0x97: {  	_ =	strace $0x8FFFFFFF  }
0x98: {  	s18 =	sld [smem:$0x3FDB];
	_ =	sdelay $0x1  }
0x99: {  	s19 =	simm.s32 $_scs_section_size  }
0x9a: {  	s4 =	simm.s32 $_size__tile_overlayer_lowered;
	s5 =	simm.s32 $_tile_overlayer_lowered  }
0x9b: {  	s22 =	simm.s32 $0x1BFF;
	s21 =	sshll.u32 s5, $0x1;
	s2 =	sadd.s32 s19, s18  }
0x9c: {  	s6 =	simm.s32 $0x0;
	s20 =	sshll.u32 s4, $0x1;
	s4 =	sadd.s32 s21, s2  }
0x9d: {  	[timem:s6], [sflag:s22] =	dma.local [hbm:s4], s20  }
0x9e: {  	_ =	swait.ge [sflag:s22], s20  }
0x9f: {  	s3 =	ssub.s32 $0x0, s20;
	[sflag:s22] =	ssyncset.done $0x0  }
0xa0: {  	[sflag:s22] =	ssyncadd.s32 s3;
	_ =	sdelay $0x1  }
0xa1: {  	s23 =	simm.s32 $0x1B8B  }
0xa2: {  	_ =	swait.ge [sflag:s23], $0x1  }
0xa3: {  	[sflag:s23] =	ssyncset.done $0x0  }
0xa4: {  	s25 =	simm.s32 $0x1B8E;
	s24 =	sld [smem:$0x3FFE];
	[sflag:s23] =	ssyncadd.s32 $0xFFFFFFFF  }
0xa5: {  	s26 =	simm.s32 $execute0_lowered;
	[smem:$0x3FD2] =	sst s25  }
0xa6: {  	s4 =	sshll.u32 s26, $0x1;
	_ =	strace $0x8000004C;
	[dreg:$0x1] =	wrdreg $0xFFFFFFFF  }
0xa7: {  	s28 =	simm.s32 $_size_execute0_lowered;
	s2 =	sadd.s32 s2, s4;
	[dreg:$0x0] =	wrdreg $0x0  }
0xa8: {  	s4 =	sshll.u32 s28, $0x1;
	[dreg:$0x2] =	wrdreg s2  }
0xa9: {  	[dreg:$0x3] =	wrdreg s4  }
0xaa: {  	[dreg:$0x4] =	wrdreg $0xC0  }
0xab: {  	_ =	task [dreg:s6], $0x5FFFF  }
0xac: {  	[dreg:$0x1] =	wrdreg $0xFFFFFFFF  }
0xad: {  	[dreg:$0x0] =	wrdreg $0x60  }
0xae: {  	[dreg:$0x2] =	wrdreg s24  }
0xaf: {  	[dreg:$0x3] =	wrdreg $0x0  }
0xb0: {  	[dreg:$0x4] =	wrdreg $0x9  }
0xb1: {  	_ =	task.clear_ibuf [dreg:s6], $0x5FFFF;
	_ =	strace $0x9000004C  }
0xb2: {  	s29 =	simm.s32 $0x9;
	_ =	strace $0x8000004E  }
0xb3: {  	_ =	swait.ge [sflag:s29], $0x1  }
0xb4: {  	[sflag:s29] =	ssyncadd.s32 $0xFFFFFFFF  }
0xb5: {  	_ =	strace $0x9000004E  }
0xb6: {  	_ =	sfence  }
0xb7: {  	s30 =	sld [smem:$0x0];
	_ =	sdelay $0x2  }
0xb8: {  	s31 =	sshll.u32 s1, $0xD;
	s1 =	sshrl.u32 s1, $0x2  }
0xb9: {  	s3 =	sand.u32 $0x4000, s31;
	s1 =	sadd.s32 s1, s30  }
0xba: {  	s0 =	sor.u32 s3, s0;
	s1 =	sshll.u32 s1, $0x11  }
0xbb: {  	s0 =	sor.u32 s1, s0  }
0xbc: {  	s0 =	sadd.s32 $0x8F2B, s0  }
0xbd: {  	[sflag:s0] =	ssyncadd.remote.s32 $0x1  }
0xbe: {  	_ =	sfence.sel $0xFFFF  }
0xbf: {  	[dreg:$0x0] =	wrdreg $0xFFFFFFFF;
	(pc) =	sbr.abs _section_cstart, $3  }
0xc0: {  	[dreg:$0x1] =	wrdreg $0xFFFFFFFF  }
0xc1: {  	_ =	task.clear_ibuf [dreg:s6], $0x2FFFF;
	_ =	strace $0x9FFFFFFF  }
0xc2: {  	(tm) =	ssettm $0x7FFFFFFF  }
0xc3: {  	_ =	shalt  }
tec
execute0_lowered:
.L_overlay_start_1:
0x0: {  	(tag) =	ssettag $0x1  }
0x1: {  	s0 =	srdreg.scid;
	s5 =	rddreg [dreg:$0x0]  }
0x2: {  	s28 =	stileid.u32;
	s2 =	rddreg [dreg:$0x1];
	s3 =	simm.s32 $0x0  }
0x3: {  	s29 =	simm.s32 $0x1;
	s30 =	simm.s32 $0x13C80;
	s31 =	simm.s32 $0x5  }
0x4: {  	s0 =	sand.u32 $0x1, s0;
	s6 =	smul.u32 $0x50, s28;
	[smem:$0x7FF] =	sst s3  }
0x5: {  	s4 =	sadd.s32 $0x16E00, s5;
	s8 =	sadd.s32 $0x3E000, s5;
	s10 =	smul.u32 $0x2800, s28  }
0x6: {  	s12 =	smul.u32 $0xA000, s28;
	p0 =	sgt.u32 s28, $0xC;
	s1 =	sshll.u32 s0, $0x4  }
0x7: {  	_ =	strace $0x8000004D;
	s21 =	ssub.s32 $0x2, s0;
	s0 =	smul.u32 $0x138800, s0  }
0x8: {  	s1 =	sor.u32 s28, s1;
	s7 =	ssub.s32 $0x2C00, s6;
	s9 =	sshrl.u32 s21, $0x1  }
0x9: {  	s6 =	sshll.u32 s6, $0x7;
	s28 =	simm.s32 $0x16480;
	s1 =	smul.u32 $0x2800, s1  }
0xa: {  	s7 =	smul.u32 $0xCCD, s7;
	s9 =	ssub.s32 s21, s9;
	s10 =	sadd.s32 s10, s0  }
0xb: {  	s13 =	sadd.s32 $0x78000, s6;
	s14 =	sadd.s32 $0xA0000, s6;
	s17 =	sadd.s32 $0xC8000, s6  }
0xc: {  	s10 =	sshrl.u32 s10, $0x3;
	s15 =	sadd.s32 s0, s13;
	s16 =	sadd.s32 s0, s14  }
0xd: {  	s19 =	sadd.s32 s0, s17;
	s1 =	sshrl.u32 s1, $0x3;
	s10 =	sadd.s32 s8, s10  }
0xe: {  	s25 =	sshrl.u32 s15, $0x3;
	s26 =	sshrl.u32 s16, $0x3;
	s15 =	sshrl.u32 s19, $0x3  }
0xf: {  	s1 =	sadd.s32 s1, s5;
	s5 =	sshrl.u32 s7, $0x16;
	s7 =	sadd.s32 $0x28000, s6  }
0x10: {  	[dreg:$0x4] =	wrdreg s10;
	s10 =	sadd.s32 $0x50000, s6;
	s16 =	sadd.s32 s8, s26  }
0x11: {  	s15 =	sadd.s32 s8, s15;
	s26 =	sshrl.u32 s12, $0x2;
	s12 =	simm.s32 $0x16400  }
0x12: {  	s11 =	sadd.s32 $0x2E00, s1;
	s22 =	sadd.s32 s0, s7;
	[dreg:$0x8] =	wrdreg s16  }
0x13: {  	s24 =	sadd.s32 s0, s10;
	[dreg:$0x9] =	wrdreg s15;
	s18 =	sadd.s32 s26, s2  }
0x14: {  	s19 =	sadd.s32 s7, s2;
	s26 =	smax.u32 s9, $0x1;
	s7 =	simm.s32 $0x1A480  }
0x15: {  	s9 =	simm.s32 $0x3;
	[dreg:$0x3] =	wrdreg s11;
	s11 =	sshrl.u32 s22, $0x3  }
0x16: {  	s22 =	sadd.s32 $0xCE00, s1;
	s23 =	sadd.s32 s8, s11;
	s11 =	sshrl.u32 s24, $0x3  }
0x17: {  	s24 =	sadd.s32 $0xF0000, s6;
	s6 =	sadd.s32 $0x118000, s6;
	[dreg:$0xc] =	wrdreg s22  }
0x18: {  	s22 =	sadd.s32 s14, s2;
	[dreg:$0x5] =	wrdreg s23;
	s11 =	sadd.s32 s8, s11  }
0x19: {  	s20 =	sadd.s32 s0, s24;
	s0 =	sadd.s32 s0, s6;
	s23 =	sadd.s32 $0x3080, s1  }
0x1a: {  	s24 =	sadd.s32 s24, s2;
	[dreg:$0x6] =	wrdreg s11;
	s11 =	sadd.s32 s8, s25  }
0x1b: {  	s21 =	sshrl.u32 s20, $0x3;
	s0 =	sshrl.u32 s0, $0x3;
	[dreg:$0xd] =	wrdreg s23  }
0x1c: {  	s25 =	sadd.s32 $0xD080, s1;
	s20 =	sadd.s32 s10, s2;
	s23 =	sadd.s32 s17, s2  }
0x1d: {  	s1 =	simm.s32 $0x15080;
	s10 =	simm.s32 $0x4;
	[dreg:$0x7] =	wrdreg s11  }
0x1e: {  	s15 =	sadd.s32 s8, s21;
	s0 =	sadd.s32 s8, s0;
	[dreg:$0xe] =	wrdreg s25  }
0x1f: {  	s21 =	sadd.s32 s13, s2;
	s25 =	sadd.s32 s6, s2;
	s6 =	simm.s32 $0x13D00  }
0x20: {  	s8 =	simm.s32 $0x2;
	s11 =	simm.s32 $0x16380;
	[dreg:$0xa] =	wrdreg s15  }
0x21: {  	v0 =	vimm.f32 $0.0e+00;
	s13 =	simm.s32 $0x0;
	[dreg:$0xb] =	wrdreg s0;
	s0 =	simm.s32 $0x80  }
.LBB2_1:
0x22: {  	s14 =	simm.s32 $0x70;
	s15 =	simm.s32 $0x3C0  }
.LBB2_2:
0x23: {  	p1 =	sne.s32 s15, $0x9FC0;
	[tilespmem:s14+$0x16480] =	vst v0  }
0x24: {  	[tilespmem:s14+$0x16410] =	vst v0  }
0x25: {  	[tilespmem:s14+$0x16420] =	vst v0  }
.Ltmp0:
0x26: {  	[tilespmem:s14+$0x16430] =	vst v0;
	(pc) =	sbr.rel @p1 .LBB2_2-.Ltmp0, $4  }
0x27: {  	[tilespmem:s14+$0x16440] =	vst v0  }
0x28: {  	[tilespmem:s14+$0x16450] =	vst v0  }
0x29: {  	[tilespmem:s14+$0x16460] =	vst v0  }
0x2a: {  	[tilespmem:s14+$0x16470] =	vst v0;
	s14 =	sshra.s32 s15, $0x2;
	s15 =	sadd.s32 $0x200, s15  }
0x2b: {  	[tilespmem:s14+$0x16480] =	vst v0  }
0x2c: {  	[tilespmem:s14+$0x16410] =	vst v0  }
0x2d: {  	[tilespmem:s14+$0x16420] =	vst v0  }
0x2e: {  	[tilespmem:s14+$0x16430] =	vst v0;
	p1 =	sne.s32 s5, $0x1  }
.Ltmp1:
0x2f: {  	[tilespmem:s14+$0x16440] =	vst v0;
	(pc) =	sbr.rel @!p1 .LBB2_5-.Ltmp1, $4  }
0x30: {  	[tilespmem:s14+$0x16450] =	vst v0  }
0x31: {  	[tilespmem:s14+$0x16460] =	vst v0  }
0x32: {  	[tilespmem:s14+$0x16470] =	vst v0;
	s14 =	sadd.s32 $0xFFFFFFFF, s5;
	s15 =	smov.u32 s18  }
0x33: {  	[spmem:s18] =	stream.linear.scatter [tilespmem:s28], [sflag:$0x1], $0x2800, $0x38;
	[tilespmem:$0x1E480] =	vst v63  }
.LBB2_4:
0x34: {  	p2 =	sne.s32 s14, $0x1  }
.Ltmp2:
0x35: {  	_ = 	snop;
	(pc) =	sbr.rel @p2 .LBB2_4-.Ltmp2, $3  }
0x36: {  	_ = 	snop  }
0x37: {  	s14 =	sadd.s32 $0xFFFFFFFF, s14;
	s15 =	sadd.s32 $0x28000, s15;
	_ =	sdelay $0x1  }
0x38: {  	[spmem:s15] =	stream.linear.scatter [tilespmem:s28], [sflag:$0x1], $0x2800, $0x38;
	[tilespmem:$0x1E480] =	vst v63  }
.LBB2_5:
.Ltmp3:
0x39: {  	(pc) =	sbr.rel @!p1 .LBB2_7-.Ltmp3, $3  }
0x3a: {  	_ =	sdelay $0x1  }
0x3b: {  	_ =	swait.ge [sflag:s29], $0x2800  }
0x3c: {  	s14 =	sadd.s32 $0xFFFFFFFF, s5;
	[sflag:s29] =	ssyncset.done $0x0  }
.LBB2_6:
0x3d: {  	p1 =	sne.s32 s14, $0x1;
	s14 =	sadd.s32 $0xFFFFFFFF, s14;
	[sflag:s29] =	ssyncadd.s32 $0xFFFFD800  }
.Ltmp4:
0x3e: {  	(pc) =	sbr.rel @p1 .LBB2_6-.Ltmp4, $3  }
0x3f: {  	_ =	sdelay $0x1  }
0x40: {  	_ =	swait.ge [sflag:s29], $0x2800  }
0x41: {  	[sflag:s29] =	ssyncset.done $0x0  }
.LBB2_7:
0x42: {  	[sflag:s29] =	ssyncadd.s32 $0xFFFFD800  }
0x43: {  	[bflag:$0x0] =	sbarrier.arrive $0xFFFF  }
0x44: {  	s14 =	simm.s32 $0x0;
	s15 =	rddreg [dreg:$0x3]  }
0x45: {  	[tilespmem:s30], [sflag:$0x5] =	stream.linear.gather [hbm4b:s15+s14], $0x1400, $0x38;
	[tilespmem:$0x1E480] =	vst v63  }
0x46: {  	_ =	swait.ge [sflag:s31], $0x1400  }
0x47: {  	[sflag:s31] =	ssyncset.done $0x0  }
0x48: {  	s17 =	rddreg [dreg:$0xc];
	[sflag:s31] =	ssyncadd.s32 $0xFFFFEC00  }
0x49: {  	[tilespmem:s1], [sflag:$0x5] =	stream.linear.gather [hbm4b:s17+s14], $0x1400, $0x38;
	[tilespmem:$0x1E480] =	vst v63  }
0x4a: {  	_ =	swait.ge [sflag:s31], $0x1400  }
0x4b: {  	[sflag:s31] =	ssyncset.done $0x0  }
0x4c: {  	[sflag:s31] =	ssyncadd.s32 $0xFFFFEC00  }
0x4d: {  	[tilespmem:s28], [sflag:$0x1] =	stream.indirect.gather [hbm4b:s4+s0], $0x80, s30, s0, $0xb8;
	[tilespmem:$0x1E480] =	vst v63  }
0x4e: {  	_ = 	snop  }
0x4f: {  	[tilespmem:s7], [sflag:$0x2] =	stream.indirect.gather [hbm4b:s4+s0], $0x80, s6, s0, $0xb8;
	[tilespmem:$0x1E480] =	vst v63  }
0x50: {  	_ =	swait.ge [sflag:s29], $0x4000  }
0x51: {  	[sflag:s29] =	ssyncset.done $0x0  }
0x52: {  	s15 =	simm.s32 $0x15080;
	[sflag:s29] =	ssyncadd.s32 $0xFFFFC000  }
0x53: {  	[spmem:s2] =	stream.indirect.scatter.add.f32 [tilespmem:s28], [sflag:$0x3], $0x80, s15, s0, $0xb8;
	[tilespmem:$0x1E480] =	vst v63  }
0x54: {  	_ =	swait.ge [sflag:s8], $0x4000  }
0x55: {  	[sflag:s8] =	ssyncset.done $0x0  }
0x56: {  	[sflag:s8] =	ssyncadd.s32 $0xFFFFC000  }
0x57: {  	_ =	swait.ge [sflag:s9], $0x4000  }
0x58: {  	[sflag:s9] =	ssyncset.done $0x0  }
0x59: {  	s16 =	simm.s32 $0x15100;
	[sflag:s9] =	ssyncadd.s32 $0xFFFFC000  }
0x5a: {  	[spmem:s2] =	stream.indirect.scatter.add.f32 [tilespmem:s7], [sflag:$0x4], $0x80, s16, s0, $0xb8;
	[tilespmem:$0x1E480] =	vst v63  }
0x5b: {  	s17 =	simm.s32 $0x13D80  }
0x5c: {  	[tilespmem:s28], [sflag:$0x1] =	stream.indirect.gather [hbm4b:s4+s0], $0x80, s17, s0, $0xb8;
	[tilespmem:$0x1E480] =	vst v63  }
0x5d: {  	_ =	swait.ge [sflag:s10], $0x4000  }
0x5e: {  	[sflag:s10] =	ssyncset.done $0x0  }
0x5f: {  	s14 =	simm.s32 $0x400;
	s15 =	simm.s32 $0x13E00;
	[sflag:s10] =	ssyncadd.s32 $0xFFFFC000  }
.LBB2_8:
0x60: {  	[tilespmem:s7], [sflag:$0x2] =	stream.indirect.gather [hbm4b:s4+s0], $0x80, s15, s0, $0xb8;
	[tilespmem:$0x1E480] =	vst v63  }
0x61: {  	s15 =	smov.u32 s14  }
0x62: {  	p1 =	sne.s32 s14, $0x4800;
	s14 =	sadd.s32 $0x400, s14;
	_ =	swait.ge [sflag:s29], $0x4000  }
0x63: {  	s15 =	sshra.s32 s15, $0x2;
	[sflag:s29] =	ssyncset.done $0x0  }
0x64: {  	s16 =	sadd.s32 $0x15080, s15;
	[sflag:s29] =	ssyncadd.s32 $0xFFFFC000  }
0x65: {  	[spmem:s2] =	stream.indirect.scatter.add.f32 [tilespmem:s28], [sflag:$0x3], $0x80, s16, s0, $0xb8;
	[tilespmem:$0x1E480] =	vst v63  }
0x66: {  	_ =	swait.ge [sflag:s8], $0x4000  }
0x67: {  	[sflag:s8] =	ssyncset.done $0x0  }
0x68: {  	[sflag:s8] =	ssyncadd.s32 $0xFFFFC000  }
0x69: {  	_ =	swait.ge [sflag:s9], $0x4000  }
0x6a: {  	[sflag:s9] =	ssyncset.done $0x0  }
0x6b: {  	s16 =	sadd.s32 $0x15100, s15;
	[sflag:s9] =	ssyncadd.s32 $0xFFFFC000  }
0x6c: {  	[spmem:s2] =	stream.indirect.scatter.add.f32 [tilespmem:s7], [sflag:$0x4], $0x80, s16, s0, $0xb8;
	[tilespmem:$0x1E480] =	vst v63  }
.Ltmp5:
0x6d: {  	s16 =	sadd.s32 $0x13D80, s15;
	(pc) =	sbr.rel @p1 .LBB2_8-.Ltmp5, $4  }
0x6e: {  	[tilespmem:s28], [sflag:$0x1] =	stream.indirect.gather [hbm4b:s4+s0], $0x80, s16, s0, $0xb8;
	[tilespmem:$0x1E480] =	vst v63  }
0x6f: {  	_ =	swait.ge [sflag:s10], $0x4000  }
0x70: {  	[sflag:s10] =	ssyncset.done $0x0  }
0x71: {  	s15 =	sadd.s32 $0x13E00, s15;
	[sflag:s10] =	ssyncadd.s32 $0xFFFFC000  }
0x72: {  	[tilespmem:s7], [sflag:$0x2] =	stream.indirect.gather [hbm4b:s4+s0], $0x80, s15, s0, $0xb8;
	[tilespmem:$0x1E480] =	vst v63  }
0x73: {  	_ =	swait.ge [sflag:s29], $0x4000  }
0x74: {  	[sflag:s29] =	ssyncset.done $0x0  }
0x75: {  	[sflag:s29] =	ssyncadd.s32 $0xFFFFC000  }
0x76: {  	[spmem:s2] =	stream.indirect.scatter.add.f32 [tilespmem:s28], [sflag:$0x3], $0x80, s11, s0, $0xb8;
	[tilespmem:$0x1E480] =	vst v63  }
0x77: {  	_ =	swait.ge [sflag:s8], $0x4000  }
0x78: {  	[sflag:s8] =	ssyncset.done $0x0  }
0x79: {  	[sflag:s8] =	ssyncadd.s32 $0xFFFFC000  }
0x7a: {  	_ =	swait.ge [sflag:s9], $0x4000  }
0x7b: {  	[sflag:s9] =	ssyncset.done $0x0  }
0x7c: {  	[sflag:s9] =	ssyncadd.s32 $0xFFFFC000  }
0x7d: {  	[spmem:s2] =	stream.indirect.scatter.add.f32 [tilespmem:s7], [sflag:$0x4], $0x80, s12, s0, $0xb8;
	[tilespmem:$0x1E480] =	vst v63  }
0x7e: {  	_ =	swait.ge [sflag:s10], $0x4000  }
0x7f: {  	[sflag:s10] =	ssyncset.done $0x0  }
0x80: {  	s14 =	simm.s32 $0x0;
	s16 =	rddreg [dreg:$0xd];
	[sflag:s10] =	ssyncadd.s32 $0xFFFFC000  }
0x81: {  	[tilespmem:s30], [sflag:$0x5] =	stream.linear.gather [hbm4b:s16+s14], $0x1400, $0x38;
	[tilespmem:$0x1E480] =	vst v63  }
0x82: {  	_ =	swait.ge [sflag:s31], $0x1400  }
0x83: {  	[sflag:s31] =	ssyncset.done $0x0  }
0x84: {  	s17 =	rddreg [dreg:$0xe];
	[sflag:s31] =	ssyncadd.s32 $0xFFFFEC00  }
0x85: {  	[tilespmem:s1], [sflag:$0x5] =	stream.linear.gather [hbm4b:s17+s14], $0x1400, $0x38;
	[tilespmem:$0x1E480] =	vst v63  }
0x86: {  	_ =	swait.ge [sflag:s31], $0x1400  }
0x87: {  	[sflag:s31] =	ssyncset.done $0x0  }
0x88: {  	[sflag:s31] =	ssyncadd.s32 $0xFFFFEC00  }
0x89: {  	[tilespmem:s28], [sflag:$0x1] =	stream.indirect.gather [hbm4b:s4+s0], $0x80, s30, s0, $0xb8;
	[tilespmem:$0x1E480] =	vst v63  }
0x8a: {  	_ = 	snop  }
0x8b: {  	[tilespmem:s7], [sflag:$0x2] =	stream.indirect.gather [hbm4b:s4+s0], $0x80, s6, s0, $0xb8;
	[tilespmem:$0x1E480] =	vst v63  }
0x8c: {  	_ =	swait.ge [sflag:s29], $0x4000  }
0x8d: {  	[sflag:s29] =	ssyncset.done $0x0  }
0x8e: {  	s15 =	simm.s32 $0x15080;
	[sflag:s29] =	ssyncadd.s32 $0xFFFFC000  }
0x8f: {  	[spmem:s2] =	stream.indirect.scatter.add.f32 [tilespmem:s28], [sflag:$0x3], $0x80, s15, s0, $0xb8;
	[tilespmem:$0x1E480] =	vst v63  }
0x90: {  	_ =	swait.ge [sflag:s8], $0x4000  }
0x91: {  	[sflag:s8] =	ssyncset.done $0x0  }
0x92: {  	[sflag:s8] =	ssyncadd.s32 $0xFFFFC000  }
0x93: {  	_ =	swait.ge [sflag:s9], $0x4000  }
0x94: {  	[sflag:s9] =	ssyncset.done $0x0  }
0x95: {  	s16 =	simm.s32 $0x15100;
	[sflag:s9] =	ssyncadd.s32 $0xFFFFC000  }
0x96: {  	[spmem:s2] =	stream.indirect.scatter.add.f32 [tilespmem:s7], [sflag:$0x4], $0x80, s16, s0, $0xb8;
	[tilespmem:$0x1E480] =	vst v63  }
0x97: {  	s17 =	simm.s32 $0x13D80  }
0x98: {  	[tilespmem:s28], [sflag:$0x1] =	stream.indirect.gather [hbm4b:s4+s0], $0x80, s17, s0, $0xb8;
	[tilespmem:$0x1E480] =	vst v63  }
0x99: {  	_ =	swait.ge [sflag:s10], $0x4000  }
0x9a: {  	[sflag:s10] =	ssyncset.done $0x0  }
0x9b: {  	s14 =	simm.s32 $0x400;
	s15 =	simm.s32 $0x13E00;
	[sflag:s10] =	ssyncadd.s32 $0xFFFFC000  }
.LBB2_10:
0x9c: {  	[tilespmem:s7], [sflag:$0x2] =	stream.indirect.gather [hbm4b:s4+s0], $0x80, s15, s0, $0xb8;
	[tilespmem:$0x1E480] =	vst v63  }
0x9d: {  	s15 =	smov.u32 s14  }
0x9e: {  	p1 =	sne.s32 s14, $0x4800;
	s14 =	sadd.s32 $0x400, s14;
	_ =	swait.ge [sflag:s29], $0x4000  }
0x9f: {  	s15 =	sshra.s32 s15, $0x2;
	[sflag:s29] =	ssyncset.done $0x0  }
0xa0: {  	s16 =	sadd.s32 $0x15080, s15;
	[sflag:s29] =	ssyncadd.s32 $0xFFFFC000  }
0xa1: {  	[spmem:s2] =	stream.indirect.scatter.add.f32 [tilespmem:s28], [sflag:$0x3], $0x80, s16, s0, $0xb8;
	[tilespmem:$0x1E480] =	vst v63  }
0xa2: {  	_ =	swait.ge [sflag:s8], $0x4000  }
0xa3: {  	[sflag:s8] =	ssyncset.done $0x0  }
0xa4: {  	[sflag:s8] =	ssyncadd.s32 $0xFFFFC000  }
0xa5: {  	_ =	swait.ge [sflag:s9], $0x4000  }
0xa6: {  	[sflag:s9] =	ssyncset.done $0x0  }
0xa7: {  	s16 =	sadd.s32 $0x15100, s15;
	[sflag:s9] =	ssyncadd.s32 $0xFFFFC000  }
0xa8: {  	[spmem:s2] =	stream.indirect.scatter.add.f32 [tilespmem:s7], [sflag:$0x4], $0x80, s16, s0, $0xb8;
	[tilespmem:$0x1E480] =	vst v63  }
.Ltmp6:
0xa9: {  	s16 =	sadd.s32 $0x13D80, s15;
	(pc) =	sbr.rel @p1 .LBB2_10-.Ltmp6, $4  }
0xaa: {  	[tilespmem:s28], [sflag:$0x1] =	stream.indirect.gather [hbm4b:s4+s0], $0x80, s16, s0, $0xb8;
	[tilespmem:$0x1E480] =	vst v63  }
0xab: {  	_ =	swait.ge [sflag:s10], $0x4000  }
0xac: {  	[sflag:s10] =	ssyncset.done $0x0  }
0xad: {  	s15 =	sadd.s32 $0x13E00, s15;
	[sflag:s10] =	ssyncadd.s32 $0xFFFFC000  }
0xae: {  	[tilespmem:s7], [sflag:$0x2] =	stream.indirect.gather [hbm4b:s4+s0], $0x80, s15, s0, $0xb8;
	[tilespmem:$0x1E480] =	vst v63  }
0xaf: {  	_ =	swait.ge [sflag:s29], $0x4000  }
0xb0: {  	[sflag:s29] =	ssyncset.done $0x0  }
0xb1: {  	[sflag:s29] =	ssyncadd.s32 $0xFFFFC000  }
0xb2: {  	[spmem:s2] =	stream.indirect.scatter.add.f32 [tilespmem:s28], [sflag:$0x3], $0x80, s11, s0, $0xb8;
	[tilespmem:$0x1E480] =	vst v63  }
0xb3: {  	_ =	swait.ge [sflag:s8], $0x4000  }
0xb4: {  	[sflag:s8] =	ssyncset.done $0x0  }
0xb5: {  	[sflag:s8] =	ssyncadd.s32 $0xFFFFC000  }
0xb6: {  	_ =	swait.ge [sflag:s9], $0x4000  }
0xb7: {  	[sflag:s9] =	ssyncset.done $0x0  }
0xb8: {  	[sflag:s9] =	ssyncadd.s32 $0xFFFFC000  }
0xb9: {  	[spmem:s2] =	stream.indirect.scatter.add.f32 [tilespmem:s7], [sflag:$0x4], $0x80, s12, s0, $0xb8;
	[tilespmem:$0x1E480] =	vst v63  }
0xba: {  	_ =	swait.ge [sflag:s10], $0x4000  }
0xbb: {  	[sflag:s10] =	ssyncset.done $0x0  }
0xbc: {  	[sflag:s10] =	ssyncadd.s32 $0xFFFFC000  }
0xbd: {  	[bflag:$0x0] =	sbarrier.arrive $0xFFFF  }
0xbe: {  	[tilespmem:s28], [sflag:$0x5] =	stream.linear.gather [spmem:s18], $0x2800, $0x38;
	[tilespmem:$0x1E480] =	vst v63  }
0xbf: {  	_ =	swait.ge [sflag:s31], $0x2800  }
0xc0: {  	[sflag:s31] =	ssyncset.done $0x0  }
0xc1: {  	s14 =	rddreg [dreg:$0x4];
	[sflag:s31] =	ssyncadd.s32 $0xFFFFD800  }
0xc2: {  	[hbm4b:s14+s3] =	stream.linear.scatter [tilespmem:s28], [sflag:$0x1], $0x2800, $0x38;
	[tilespmem:$0x1E480] =	vst v63  }
0xc3: {  	_ = 	snop  }
0xc4: {  	[tilespmem:s7], [sflag:$0x5] =	stream.linear.gather [spmem:s19], $0x2800, $0x38;
	[tilespmem:$0x1E480] =	vst v63  }
0xc5: {  	_ =	swait.ge [sflag:s31], $0x2800  }
0xc6: {  	[sflag:s31] =	ssyncset.done $0x0  }
0xc7: {  	s15 =	rddreg [dreg:$0x5];
	[sflag:s31] =	ssyncadd.s32 $0xFFFFD800  }
0xc8: {  	[hbm4b:s15+s3] =	stream.linear.scatter [tilespmem:s7], [sflag:$0x2], $0x2800, $0x38;
	[tilespmem:$0x1E480] =	vst v63  }
0xc9: {  	_ =	swait.ge [sflag:s29], $0x2800  }
0xca: {  	[sflag:s29] =	ssyncset.done $0x0  }
0xcb: {  	[sflag:s29] =	ssyncadd.s32 $0xFFFFD800  }
0xcc: {  	[tilespmem:s28], [sflag:$0x5] =	stream.linear.gather [spmem:s20], $0x2800, $0x38;
	[tilespmem:$0x1E480] =	vst v63  }
0xcd: {  	_ =	swait.ge [sflag:s31], $0x2800  }
0xce: {  	[sflag:s31] =	ssyncset.done $0x0  }
0xcf: {  	s16 =	rddreg [dreg:$0x6];
	[sflag:s31] =	ssyncadd.s32 $0xFFFFD800  }
0xd0: {  	[hbm4b:s16+s3] =	stream.linear.scatter [tilespmem:s28], [sflag:$0x1], $0x2800, $0x38;
	[tilespmem:$0x1E480] =	vst v63  }
0xd1: {  	_ =	swait.ge [sflag:s8], $0x2800  }
0xd2: {  	[sflag:s8] =	ssyncset.done $0x0  }
0xd3: {  	[sflag:s8] =	ssyncadd.s32 $0xFFFFD800  }
0xd4: {  	[tilespmem:s7], [sflag:$0x5] =	stream.linear.gather [spmem:s21], $0x2800, $0x38;
	[tilespmem:$0x1E480] =	vst v63  }
0xd5: {  	_ =	swait.ge [sflag:s31], $0x2800  }
0xd6: {  	[sflag:s31] =	ssyncset.done $0x0  }
0xd7: {  	s17 =	rddreg [dreg:$0x7];
	[sflag:s31] =	ssyncadd.s32 $0xFFFFD800  }
0xd8: {  	[hbm4b:s17+s3] =	stream.linear.scatter [tilespmem:s7], [sflag:$0x2], $0x2800, $0x38;
	[tilespmem:$0x1E480] =	vst v63  }
0xd9: {  	_ =	swait.ge [sflag:s29], $0x2800  }
0xda: {  	[sflag:s29] =	ssyncset.done $0x0  }
0xdb: {  	[sflag:s29] =	ssyncadd.s32 $0xFFFFD800  }
0xdc: {  	[tilespmem:s28], [sflag:$0x5] =	stream.linear.gather [spmem:s22], $0x2800, $0x38;
	[tilespmem:$0x1E480] =	vst v63  }
0xdd: {  	_ =	swait.ge [sflag:s31], $0x2800  }
0xde: {  	[sflag:s31] =	ssyncset.done $0x0  }
0xdf: {  	s15 =	rddreg [dreg:$0x8];
	[sflag:s31] =	ssyncadd.s32 $0xFFFFD800  }
0xe0: {  	[hbm4b:s15+s3] =	stream.linear.scatter [tilespmem:s28], [sflag:$0x1], $0x2800, $0x38;
	[tilespmem:$0x1E480] =	vst v63  }
0xe1: {  	_ =	swait.ge [sflag:s8], $0x2800  }
0xe2: {  	[sflag:s8] =	ssyncset.done $0x0  }
0xe3: {  	[sflag:s8] =	ssyncadd.s32 $0xFFFFD800  }
0xe4: {  	[tilespmem:s7], [sflag:$0x5] =	stream.linear.gather [spmem:s23], $0x2800, $0x38;
	[tilespmem:$0x1E480] =	vst v63  }
0xe5: {  	_ =	swait.ge [sflag:s31], $0x2800  }
0xe6: {  	[sflag:s31] =	ssyncset.done $0x0  }
0xe7: {  	s16 =	rddreg [dreg:$0x9];
	[sflag:s31] =	ssyncadd.s32 $0xFFFFD800  }
0xe8: {  	[hbm4b:s16+s3] =	stream.linear.scatter [tilespmem:s7], [sflag:$0x2], $0x2800, $0x38;
	[tilespmem:$0x1E480] =	vst v63  }
0xe9: {  	_ =	swait.ge [sflag:s29], $0x2800  }
0xea: {  	[sflag:s29] =	ssyncset.done $0x0  }
0xeb: {  	[sflag:s29] =	ssyncadd.s32 $0xFFFFD800  }
0xec: {  	[tilespmem:s28], [sflag:$0x5] =	stream.linear.gather [spmem:s24], $0x2800, $0x38;
	[tilespmem:$0x1E480] =	vst v63  }
0xed: {  	_ =	swait.ge [sflag:s31], $0x2800  }
0xee: {  	[sflag:s31] =	ssyncset.done $0x0  }
0xef: {  	s14 =	simm.s32 @!p0 $0x2;
	s17 =	rddreg [dreg:$0xa];
	[sflag:s31] =	ssyncadd.s32 $0xFFFFD800  }
0xf0: {  	[hbm4b:s17+s3] =	stream.linear.scatter [tilespmem:s28], [sflag:$0x1], $0x2800, $0x38;
	[tilespmem:$0x1E480] =	vst v63  }
0xf1: {  	_ =	swait.ge @!p0 [sflag:s14], $0x2800  }
0xf2: {  	[sflag:s14] =	ssyncset.done @!p0 $0x0  }
0xf3: {  	s15 =	simm.s32 @!p0 $0x1A480;
	s16 =	simm.s32 @!p0 $0x5;
	[sflag:s14] =	ssyncadd.s32 @!p0 $0xFFFFD800  }
0xf4: {  	[tilespmem:s15], [sflag:$0x5] =	stream.linear.gather @!p0 [spmem:s25], $0x2800, $0x38;
	[tilespmem:$0x1E480] =	vst v63  }
0xf5: {  	_ =	swait.ge @!p0 [sflag:s16], $0x2800  }
0xf6: {  	[sflag:s16] =	ssyncset.done @!p0 $0x0  }
0xf7: {  	s17 =	rddreg [dreg:$0xb];
	[sflag:s16] =	ssyncadd.s32 @!p0 $0xFFFFD800;
	s16 =	simm.s32 @!p0 $0x0  }
0xf8: {  	[hbm4b:s17+s16] =	stream.linear.scatter @!p0 [tilespmem:s15], [sflag:$0x2], $0x2800, $0x38;
	[tilespmem:$0x1E480] =	vst v63  }
0xf9: {  	s13 =	sadd.s32 $0x1, s13;
	s15 =	simm.s32 @!p0 $0x1  }
0xfa: {  	p1 =	sne.s32 s13, s26;
	_ =	swait.ge @!p0 [sflag:s15], $0x2800  }
.Ltmp7:
0xfb: {  	[sflag:s15] =	ssyncset.done @!p0 $0x0;
	(pc) =	sbr.rel @p1 .LBB2_1-.Ltmp7, $4  }
0xfc: {  	s14 =	simm.s32 @p0 $0x1;
	[sflag:s15] =	ssyncadd.s32 @!p0 $0xFFFFD800  }
0xfd: {  	_ =	swait.ge [sflag:s14], $0x2800  }
0xfe: {  	[sflag:s14] =	ssyncset.done $0x0  }
0xff: {  	[sflag:s14] =	ssyncadd.s32 $0xFFFFD800  }
0x100: {  	_ =	sfence.sel $0x180000  }
0x101: {  	[bflag:$0x0] =	sbarrier.arrive $0xFFFF  }
0x102: {  	_ =	strace $0x9000004D  }
0x103: {  	s0 =	stileid.u32;
	[bflag:$0x2] =	sbarrier.arrive $0xFFFF  }
0x104: {  	p0 =	sne.s32 s0, $0x0;
	s0 =	rddreg [dreg:$0x2]  }
0x105: {  	s0 =	sadd.s32 @!p0 $0x100000, s0  }
0x106: {  	[sflag:s0] =	ssyncadd.tile.s32 @!p0 $0x1;
	_ =	shalt  }
.Lfunc_end2:
_tile_overlayer_lowered:
.L_overlay_start_2:
0x107: {  	(tag) =	ssettag $0x2  }
0x108: {  	s0 =	rddreg [dreg:$0x0];
	s2 =	stileid.u32  }
0x109: {  	s1 =	rddreg [dreg:$0x1];
	p0 =	sne.s32 s2, $0x0  }
0x10a: {  	s3 =	rddreg [dreg:$0x2];
	[bflag:$0x3] =	sbarrier.arrive $0xFFFF;
	s2 =	simm.s32 @!p0 $0x1C05  }
0x10b: {  	[timem:s3], [sflag:s2] =	dma.local @!p0 [hbm:s0], s1  }
0x10c: {  	s0 =	simm.s32 @!p0 $0x5  }
0x10d: {  	_ =	swait.ge @!p0 [sflag:s0], s1  }
0x10e: {  	s1 =	ssub.s32 @!p0 $0x0, s1;
	[sflag:s0] =	ssyncset.done @!p0 $0x0  }
0x10f: {  	[sflag:s0] =	ssyncadd.s32 @!p0 s1  }
0x110: {  	[bflag:$0x3] =	sbarrier.arrive $0xFFFF  }
0x111: {  	_ =	shalt  }

// kernel: kernel.9.cloned.1.call-start
scs
__scs_entry_jumppad:
0x0: {  	(pc) =	sbr.rel $0x88, $3  }
0x1: {  	(tag) =	ssettag $0x0;
	lr =	simm.s32 $0x1  }
0x2: {  	[smem:$0x3F97] =	sst lr;
	_ =	strace $0xD0000000  }
0x3: {  	_ = 	snop  }
0x4: {  	_ = 	snop  }
0x5: {  	_ = 	snop  }
0x6: {  	_ = 	snop  }
0x7: {  	_ = 	snop  }
__scs_overlays_trampoline_lowered:
0x8: {  	[smem:$0x3FA6] =	sst s0  }
0x9: {  	[smem:$0x3FA7] =	sst s1  }
0xa: {  	[smem:$0x3FA8] =	sst s2  }
0xb: {  	[smem:$0x3FA9] =	sst s3  }
0xc: {  	[smem:$0x3FAA] =	sst s4  }
0xd: {  	[smem:$0x3FAB] =	sst s5  }
0xe: {  	[smem:$0x3FAC] =	sst s6  }
0xf: {  	[smem:$0x3FAD] =	sst s7  }
0x10: {  	[smem:$0x3FAE] =	sst s8  }
0x11: {  	[smem:$0x3FAF] =	sst s9;
	s0 =	simm.s32 @!p0 $0x0  }
0x12: {  	s1 =	sld [smem:$0x3F95];
	s0 =	simm.s32 @p0 $0x1  }
0x13: {  	[smem:$0x3FB0] =	sst s0;
	s0 =	simm.s32 @!p1 $0x0  }
0x14: {  	s2 =	sld [smem:$0x3F94];
	s0 =	simm.s32 @p1 $0x1  }
0x15: {  	[smem:$0x3FB1] =	sst s0;
	s0 =	simm.s32 @!p2 $0x0  }
0x16: {  	s3 =	sld [smem:$0x3FDB];
	s0 =	simm.s32 @p2 $0x1  }
0x17: {  	s4 =	simm.s32 $0x1BF5;
	[smem:$0x3FB3] =	sst s0  }
0x18: {  	s0 =	sld [smem:$0x3F96];
	_ =	swait.ge [sflag:s4], $0x0  }
0x19: {  	s7 =	sld [smem:$0x3F97]  }
0x1a: {  	s8 =	sadd.s32 $0xFFFFE003, lr  }
0x1b: {  	s9 =	sadd.s32 $0xFFFFFEF7, lr;
	s5 =	simm.s32 $0xFFFFFFFF;
	p2 =	slt.u32 s8, $0xFFFFF086  }
0x1c: {  	p1 =	slt.u32 s9, $0xF7A;
	s5 =	simm.s32 @!p2 $0x0  }
0x1d: {  	s5 =	simm.s32 @p1 $0x1;
	p0 =	seq.s32 s7, s2  }
0x1e: {  	s7 =	smul.u32 @!p0 $0xF7A, s2;
	p2 =	seq.s32 @!p0 s5, $0x0  }
0x1f: {  	s9 =	smul.u32 $0xF7A, s1;
	s8 =	simm.s32 @!p0 $0x1BF5;
	p2 =	por !p2, p0  }
0x20: {  	[sflag:s8] =	ssyncset.s32 @!p0 $0xFFFFF086;
	s6 =	sadd.s32 @!p0 s3, s7;
	s7 =	simm.s32 @!p0 $0x108  }
0x21: {  	s3 =	sadd.s32 s3, s9;
	s6 =	sadd.s32 @!p0 $0x88, s6;
	s7 =	simm.s32 @p2 $0x1082  }
0x22: {  	[simem:s7], [sflag:s8] =	dma.local @!p0 [hbm:s6], $0xF7A  }
0x23: {  	s9 =	sor.u32 $0xD0000000, s2;
	s6 =	simm.s32 $0x108;
	_ =	swait.ge @!p0 [sflag:s8], $0x0  }
0x24: {  	s3 =	sadd.s32 $0x88, s3;
	s6 =	simm.s32 @!p1 $0x1082;
	[sflag:s4] =	ssyncset.s32 $0xFFFFF086  }
0x25: {  	[simem:s6], [sflag:s4] =	dma.local [hbm:s3], $0xF7A  }
0x26: {  	[smem:$0x3F97] =	sst s1;
	(tag) =	ssettag s2;
	_ =	strace s9  }
0x27: {  	s1 =	sld [smem:$0x3FA7]  }
0x28: {  	s2 =	sld [smem:$0x3FA8]  }
0x29: {  	s4 =	sld [smem:$0x3FAA]  }
0x2a: {  	p0 =	seq.s32 s5, $0x0;
	s5 =	sld [smem:$0x3FAB]  }
0x2b: {  	s6 =	sld [smem:$0x3FAC]  }
0x2c: {  	s7 =	sld [smem:$0x3FAD]  }
0x2d: {  	s3 =	simm.s32 $0x108;
	s8 =	sld [smem:$0x3FAE]  }
0x2e: {  	s3 =	simm.s32 @!p0 $0x1082;
	s9 =	sld [smem:$0x3FAF]  }
0x2f: {  	lr =	sadd.s32 s0, s3;
	s0 =	sld [smem:$0x3FA6]  }
0x30: {  	s3 =	sld [smem:$0x3FA9]  }
0x31: {  	[smem:$0x3FB2] =	sst s10  }
0x32: {  	s10 =	sld [smem:$0x3FB0];
	_ =	sdelay $0x3  }
0x33: {  	p0 =	seq.s32 s10, $0x1;
	s10 =	sld [smem:$0x3FB2];
	_ =	sdelay $0x3  }
0x34: {  	[smem:$0x3FB2] =	sst s10  }
0x35: {  	s10 =	sld [smem:$0x3FB1];
	_ =	sdelay $0x3  }
0x36: {  	p1 =	seq.s32 s10, $0x1;
	s10 =	sld [smem:$0x3FB2];
	_ =	sdelay $0x3  }
0x37: {  	[smem:$0x3FB2] =	sst s10  }
0x38: {  	s10 =	sld [smem:$0x3FB3]  }
0x39: {  	_ = 	snop;
	(pc) =	sbr.ind lr, $3  }
0x3a: {  	_ = 	snop  }
0x3b: {  	_ = 	snop  }
0x3c: {  	p2 =	seq.s32 s10, $0x1;
	s10 =	sld [smem:$0x3FB2]  }
0x3d: {  	_ =	shalt  }
0x3e: {  	_ =	shalt  }
0x3f: {  	_ =	shalt  }
0x40: {  	_ =	shalt  }
0x41: {  	_ =	shalt  }
0x42: {  	_ =	shalt  }
0x43: {  	_ =	shalt  }
0x44: {  	_ =	shalt  }
0x45: {  	_ =	shalt  }
0x46: {  	_ =	shalt  }
0x47: {  	_ =	shalt  }
0x48: {  	_ =	shalt  }
0x49: {  	_ =	shalt  }
0x4a: {  	_ =	shalt  }
0x4b: {  	_ =	shalt  }
0x4c: {  	_ =	shalt  }
0x4d: {  	_ =	shalt  }
0x4e: {  	_ =	shalt  }
0x4f: {  	_ =	shalt  }
0x50: {  	_ =	shalt  }
0x51: {  	_ =	shalt  }
0x52: {  	_ =	shalt  }
0x53: {  	_ =	shalt  }
0x54: {  	_ =	shalt  }
0x55: {  	_ =	shalt  }
0x56: {  	_ =	shalt  }
0x57: {  	_ =	shalt  }
0x58: {  	_ =	shalt  }
0x59: {  	_ =	shalt  }
0x5a: {  	_ =	shalt  }
0x5b: {  	_ =	shalt  }
0x5c: {  	_ =	shalt  }
0x5d: {  	_ =	shalt  }
0x5e: {  	_ =	shalt  }
0x5f: {  	_ =	shalt  }
0x60: {  	_ =	shalt  }
0x61: {  	_ =	shalt  }
0x62: {  	_ =	shalt  }
0x63: {  	_ =	shalt  }
0x64: {  	_ =	shalt  }
0x65: {  	_ =	shalt  }
0x66: {  	_ =	shalt  }
0x67: {  	_ =	shalt  }
0x68: {  	_ =	shalt  }
0x69: {  	_ =	shalt  }
0x6a: {  	_ =	shalt  }
0x6b: {  	_ =	shalt  }
0x6c: {  	_ =	shalt  }
0x6d: {  	_ =	shalt  }
0x6e: {  	_ =	shalt  }
0x6f: {  	_ =	shalt  }
0x70: {  	_ =	shalt  }
0x71: {  	_ =	shalt  }
0x72: {  	_ =	shalt  }
0x73: {  	_ =	shalt  }
0x74: {  	_ =	shalt  }
0x75: {  	_ =	shalt  }
0x76: {  	_ =	shalt  }
0x77: {  	_ =	shalt  }
0x78: {  	_ =	shalt  }
0x79: {  	_ =	shalt  }
0x7a: {  	_ =	shalt  }
0x7b: {  	_ =	shalt  }
0x7c: {  	_ =	shalt  }
0x7d: {  	_ =	shalt  }
0x7e: {  	_ =	shalt  }
0x7f: {  	_ =	shalt  }
0x80: {  	_ =	shalt  }
0x81: {  	_ =	shalt  }
0x82: {  	_ =	shalt  }
0x83: {  	_ =	shalt  }
0x84: {  	_ =	shalt  }
0x85: {  	_ =	shalt  }
0x86: {  	_ =	shalt  }
0x87: {  	_ =	shalt  }
.Lfunc_end0:
.L_simem_size_0:
called_computation_lowered:
.L_overlay_start_0:
0x88: {  	s2 =	sld [smem:$0x3FD9]  }
0x89: {  	s3 =	sld [smem:$0x3FFE];
	_ =	sdelay $0x1  }
0x8a: {  	s1 =	srdreg.scid  }
0x8b: {  	s0 =	sand.u32 $0x1, s1  }
0x8c: {  	s17 =	sshll.u32 s0, $0xA;
	s2 =	sadd.s32 s3, s2  }
0x8d: {  	s2 =	sadd.s32 s2, s17  }
0x8e: {  	[smem:$0x3FBE] =	sst s2  }
0x8f: {  	_ = 	snop  }
0x90: {  	s2 =	sld [smem:$0x3FD0];
	(tm) =	ssettm $0x1  }
0x91: {  	s18 =	sld [smem:$0x3FFB];
	_ =	sdelay $0x3  }
0x92: {  	_ =	strace s18  }
0x93: {  	s3 =	sld [smem:$0x3FFC];
	_ =	sdelay $0x3  }
0x94: {  	_ =	strace s3  }
0x95: {  	s3 =	sld [smem:$0x3FFD];
	_ =	sdelay $0x3  }
0x96: {  	_ =	strace s3  }
0x97: {  	_ =	strace $0x8FFFFFFF  }
0x98: {  	s19 =	sld [smem:$0x3FDB];
	_ =	sdelay $0x1  }
0x99: {  	s4 =	simm.s32 $_scs_section_size  }
0x9a: {  	s5 =	simm.s32 $_size__tile_overlayer_lowered;
	s6 =	simm.s32 $_tile_overlayer_lowered  }
0x9b: {  	s22 =	simm.s32 $0x1BFF;
	s21 =	sshll.u32 s6, $0x1;
	s3 =	sadd.s32 s4, s19  }
0x9c: {  	s7 =	simm.s32 $0x0;
	s20 =	sshll.u32 s5, $0x1;
	s5 =	sadd.s32 s21, s3  }
0x9d: {  	[timem:s7], [sflag:s22] =	dma.local [hbm:s5], s20  }
0x9e: {  	_ =	swait.ge [sflag:s22], s20  }
0x9f: {  	s4 =	ssub.s32 $0x0, s20;
	[sflag:s22] =	ssyncset.done $0x0  }
0xa0: {  	[sflag:s22] =	ssyncadd.s32 s4;
	_ =	sdelay $0x1  }
0xa1: {  	s23 =	simm.s32 $0x1B8B  }
0xa2: {  	_ =	swait.ge [sflag:s23], $0x1  }
0xa3: {  	[sflag:s23] =	ssyncset.done $0x0  }
0xa4: {  	s25 =	simm.s32 $0x1B8E;
	s24 =	sld [smem:$0x3FFE];
	[sflag:s23] =	ssyncadd.s32 $0xFFFFFFFF  }
0xa5: {  	s26 =	simm.s32 $execute0_lowered;
	[smem:$0x3FD2] =	sst s25  }
0xa6: {  	s5 =	sshll.u32 s26, $0x1;
	_ =	strace $0x80000046;
	[dreg:$0x1] =	wrdreg $0xFFFFFFFF  }
0xa7: {  	s28 =	simm.s32 $_size_execute0_lowered;
	s3 =	sadd.s32 s3, s5;
	[dreg:$0x0] =	wrdreg $0x0  }
0xa8: {  	s5 =	sshll.u32 s28, $0x1;
	[dreg:$0x2] =	wrdreg s3  }
0xa9: {  	[dreg:$0x3] =	wrdreg s5  }
0xaa: {  	[dreg:$0x4] =	wrdreg $0xC0  }
0xab: {  	_ =	task [dreg:s7], $0x5FFFF  }
0xac: {  	[dreg:$0x1] =	wrdreg $0xFFFFFFFF  }
0xad: {  	[dreg:$0x0] =	wrdreg $0x60  }
0xae: {  	[dreg:$0x2] =	wrdreg s24  }
0xaf: {  	[dreg:$0x3] =	wrdreg s2  }
0xb0: {  	[dreg:$0x4] =	wrdreg $0x0  }
0xb1: {  	[dreg:$0x5] =	wrdreg $0x9  }
0xb2: {  	_ =	task.clear_ibuf [dreg:s7], $0x6FFFF;
	_ =	strace $0x90000046  }
0xb3: {  	s29 =	simm.s32 $0x9;
	_ =	strace $0x80000048  }
0xb4: {  	_ =	swait.ge [sflag:s29], $0x1  }
0xb5: {  	[sflag:s29] =	ssyncadd.s32 $0xFFFFFFFF  }
0xb6: {  	_ =	strace $0x90000048  }
0xb7: {  	_ =	sfence  }
0xb8: {  	s30 =	sld [smem:$0x0];
	_ =	sdelay $0x2  }
0xb9: {  	s31 =	sshll.u32 s1, $0xD;
	s1 =	sshrl.u32 s1, $0x2  }
0xba: {  	s3 =	sand.u32 $0x4000, s31;
	s1 =	sadd.s32 s1, s30  }
0xbb: {  	s0 =	sor.u32 s3, s0;
	s1 =	sshll.u32 s1, $0x11  }
0xbc: {  	s0 =	sor.u32 s1, s0  }
0xbd: {  	s0 =	sadd.s32 $0x8F2B, s0  }
0xbe: {  	[sflag:s0] =	ssyncadd.remote.s32 $0x1  }
0xbf: {  	_ =	sfence.sel $0xFFFF  }
0xc0: {  	[dreg:$0x0] =	wrdreg $0xFFFFFFFF;
	(pc) =	sbr.abs _section_cstart, $3  }
0xc1: {  	[dreg:$0x1] =	wrdreg $0xFFFFFFFF  }
0xc2: {  	_ =	task.clear_ibuf [dreg:s7], $0x2FFFF;
	_ =	strace $0x9FFFFFFF  }
0xc3: {  	(tm) =	ssettm $0x7FFFFFFF  }
tec
execute0_lowered:
.L_overlay_start_1:
0x0: {  	(tag) =	ssettag $0x1  }
0x1: {  	s5 =	rddreg [dreg:$0x0]  }
0x2: {  	s7 =	rddreg [dreg:$0x1]  }
0x3: {  	s0 =	srdreg.scid;
	s2 =	rddreg [dreg:$0x2];
	s3 =	simm.s32 $0x0  }
0x4: {  	s12 =	simm.s32 $0x80;
	s13 =	simm.s32 $0x2A80;
	s14 =	simm.s32 $0x2B80  }
0x5: {  	s15 =	simm.s32 $0x0;
	s4 =	sand.u32 $0x1, s0;
	s0 =	stileid.u32  }
0x6: {  	[smem:$0x7FF] =	sst s3;
	s1 =	sshll.u32 s4, $0x4;
	s9 =	smul.u32 $0x280, s0  }
0x7: {  	s8 =	ssub.s32 $0x2, s4;
	s11 =	smul.u32 $0x2800, s4;
	s29 =	sshll.u32 s0, $0x4  }
0x8: {  	s6 =	sor.u32 s0, s1;
	s1 =	rddreg [dreg:$0x3];
	_ =	strace $0x80000047  }
0x9: {  	s10 =	sshrl.u32 s8, $0x1;
	s4 =	sadd.s32 s29, s2;
	s6 =	smul.u32 $0x2800, s6  }
0xa: {  	s8 =	ssub.s32 s8, s10;
	s30 =	sadd.s32 s9, s11;
	s10 =	simm.s32 $0x1  }
0xb: {  	s11 =	simm.s32 $0x280;
	s31 =	sshrl.u32 s30, $0x3;
	s6 =	sshrl.u32 s6, $0x3  }
0xc: {  	s8 =	smax.u32 s8, $0x1;
	s7 =	sadd.s32 s7, s31;
	s5 =	sadd.s32 s5, s6  }
0xd: {  	v0 =	vimm.f32 $1.000000000e+00;
	v1 =	vimm.f32 $0.0e+00;
	s6 =	sadd.s32 s9, s2;
	s9 =	simm.s32 $0x2B00;
	s5 =	sadd.s32 $0xCE00, s5  }
.LBB2_1:
0xe: {  	[tilespmem:$0x2A80] =	vst v0  }
0xf: {  	[tilespmem:$0x2A90] =	vst v0  }
0x10: {  	[tilespmem:$0x2AA0] =	vst v0  }
0x11: {  	[tilespmem:$0x2AB0] =	vst v0  }
0x12: {  	[tilespmem:$0x2AC0] =	vst v0  }
0x13: {  	[tilespmem:$0x2AD0] =	vst v0  }
0x14: {  	[tilespmem:$0x2AE0] =	vst v0  }
0x15: {  	[tilespmem:$0x2AF0] =	vst v0  }
0x16: {  	[tilespmem:$0x2B00] =	vst v1;
	s16 =	sadd.s32 $0x0, s4  }
0x17: {  	[spmem:s16] =	stream.linear.scatter [tilespmem:s9], [sflag:$0x1], $0x10, $0x38;
	[tilespmem:$0x2E00] =	vst v63  }
0x18: {  	s16 =	simm.s32 $0x400;
	_ =	swait.ge [sflag:s10], $0x10  }
.LBB2_2:
0x19: {  	s17 =	sshra.s32 s16, $0x2;
	[sflag:s10] =	ssyncset.done $0x0;
	p0 =	sne.s32 s16, $0x9C00  }
.Ltmp0:
0x1a: {  	s17 =	sadd.s32 s17, s4;
	[sflag:s10] =	ssyncadd.s32 $0xFFFFFFF0;
	(pc) =	sbr.rel @p0 .LBB2_2-.Ltmp0, $3  }
0x1b: {  	[spmem:s17] =	stream.linear.scatter [tilespmem:s9], [sflag:$0x1], $0x10, $0x38;
	[tilespmem:$0x2E00] =	vst v63  }
0x1c: {  	s16 =	sadd.s32 $0x400, s16;
	_ =	sdelay $0x1  }
0x1d: {  	_ =	swait.ge [sflag:s10], $0x10  }
0x1e: {  	[sflag:s10] =	ssyncset.done $0x0  }
0x1f: {  	s16 =	simm.s32 $0x0;
	[sflag:s10] =	ssyncadd.s32 $0xFFFFFFF0  }
0x20: {  	[tilespmem:s11], [sflag:$0x1] =	stream.linear.gather [hbm4b:s5+s16], $0x2800, $0x38;
	[tilespmem:$0x2E00] =	vst v63  }
0x21: {  	_ =	swait.ge [sflag:s10], $0x2800  }
0x22: {  	[sflag:s10] =	ssyncset.done $0x0  }
0x23: {  	[sflag:s10] =	ssyncadd.s32 $0xFFFFD800  }
0x24: {  	s31 =	simm.s32 $0x280;
	[bflag:$0x0] =	sbarrier.arrive $0xFFFF  }
0x25: {  	[spmem:s2] =	stream.indirect.scatter.add.f32 [tilespmem:s13], [sflag:$0x1], $0x1, s31, s12, $0xb8;
	[tilespmem:$0x2E00] =	vst v63  }
0x26: {  	s16 =	simm.s32 $0x200;
	_ =	swait.ge [sflag:s10], $0x80  }
.LBB2_4:
0x27: {  	s17 =	sshra.s32 s16, $0x2;
	[sflag:s10] =	ssyncset.done $0x0;
	p0 =	sne.s32 s16, $0x9E00  }
.Ltmp1:
0x28: {  	s17 =	sadd.s32 $0x280, s17;
	[sflag:s10] =	ssyncadd.s32 $0xFFFFFF80;
	(pc) =	sbr.rel @p0 .LBB2_4-.Ltmp1, $3  }
0x29: {  	[spmem:s2] =	stream.indirect.scatter.add.f32 [tilespmem:s13], [sflag:$0x1], $0x1, s17, s12, $0xb8;
	[tilespmem:$0x2E00] =	vst v63  }
0x2a: {  	s16 =	sadd.s32 $0x200, s16;
	_ =	sdelay $0x1  }
0x2b: {  	_ =	swait.ge [sflag:s10], $0x80  }
0x2c: {  	[sflag:s10] =	ssyncset.done $0x0  }
0x2d: {  	[sflag:s10] =	ssyncadd.s32 $0xFFFFFF80  }
0x2e: {  	[bflag:$0x0] =	sbarrier.arrive $0xFFFF  }
0x2f: {  	[tilespmem:s14], [sflag:$0x1] =	stream.linear.gather [spmem:s6], $0x280, $0x38;
	[tilespmem:$0x2E00] =	vst v63  }
0x30: {  	s15 =	sadd.s32 $0x1, s15;
	_ =	swait.ge [sflag:s10], $0x280  }
0x31: {  	p0 =	sne.s32 s15, s8;
	[sflag:s10] =	ssyncset.done $0x0  }
.Ltmp2:
0x32: {  	[sflag:s10] =	ssyncadd.s32 $0xFFFFFD80;
	(pc) =	sbr.rel @p0 .LBB2_1-.Ltmp2, $4  }
0x33: {  	[hbm4b:s7+s3] =	stream.linear.scatter [tilespmem:s14], [sflag:$0x1], $0x280, $0x38;
	[tilespmem:$0x2E00] =	vst v63  }
0x34: {  	_ =	swait.ge [sflag:s10], $0x280  }
0x35: {  	[sflag:s10] =	ssyncset.done $0x0  }
0x36: {  	[sflag:s10] =	ssyncadd.s32 $0xFFFFFD80  }
0x37: {  	_ =	sfence.sel $0x180000  }
0x38: {  	[bflag:$0x0] =	sbarrier.arrive $0xFFFF  }
0x39: {  	p0 =	sne.s32 s0, $0x0;
	_ =	strace $0x90000047  }
0x3a: {  	s0 =	sadd.s32 @!p0 $0x100000, s1;
	[bflag:$0x2] =	sbarrier.arrive $0xFFFF  }
0x3b: {  	[sflag:s0] =	ssyncadd.tile.s32 @!p0 $0x1;
	_ =	shalt  }
.Lfunc_end2:
_tile_overlayer_lowered:
.L_overlay_start_2:
0x3c: {  	(tag) =	ssettag $0x2  }
0x3d: {  	s0 =	rddreg [dreg:$0x0];
	s2 =	stileid.u32  }
0x3e: {  	s1 =	rddreg [dreg:$0x1];
	p0 =	sne.s32 s2, $0x0  }
0x3f: {  	s3 =	rddreg [dreg:$0x2];
	[bflag:$0x3] =	sbarrier.arrive $0xFFFF;
	s2 =	simm.s32 @!p0 $0x1C01  }
0x40: {  	[timem:s3], [sflag:s2] =	dma.local @!p0 [hbm:s0], s1  }
0x41: {  	s0 =	simm.s32 @!p0 $0x1  }
0x42: {  	_ =	swait.ge @!p0 [sflag:s0], s1  }
0x43: {  	s1 =	ssub.s32 @!p0 $0x0, s1;
	[sflag:s0] =	ssyncset.done @!p0 $0x0  }
0x44: {  	[sflag:s0] =	ssyncadd.s32 @!p0 s1  }
0x45: {  	[bflag:$0x3] =	sbarrier.arrive $0xFFFF  }
0x46: {  	_ =	shalt  }

</sc_bundles>
